<compile_context>
chip_gen: v7x
topology: tpu7x:2x2x1
jax: 0.10.2.dev20260603
libtpu: 0.0.44.dev20260713+nightly
codegen_flags: <defaults>
</compile_context>

<pallas_src>
import functools

import jax
import jax.numpy as jnp
from jax import lax
from jax.experimental import pallas as pl
from jax.experimental.pallas import tpu as pltpu
from jax.experimental.pallas import tpu_sc as plsc

N = 10000
D = 128
E = 320000

NC = 2
NS = 16
NW = NC * NS
CH = 128
NBUF = 3
CPT = 81
EPT = CPT * CH
EPAD = NW * EPT
NROWS = 10112
RPT = NROWS // NS
RFULL = (RPT // CH) * CH
RREM = RPT - RFULL
NR_DEG = 10240
RPT_DEG = NR_DEG // NS
CPT_DEG = 80
EPAD_DEG = NW * CPT_DEG * CH

_f32 = jnp.float32


@functools.lru_cache(maxsize=None)
def _sc_mesh():
    return plsc.VectorSubcoreMesh(core_axis_name="c", subcore_axis_name="s",
                                  num_cores=NC, num_subcores=NS)



def _deg_body(dstr_hbm, out_hbm, acc_sh, dst_v, buf_v):
    cid = lax.axis_index("c")
    sid = lax.axis_index("s")
    wid = cid * NS + sid
    row0 = sid * RPT_DEG

    def fill(val):
        def body(r, carry):
            buf_v[r, :] = jnp.full((16,), val, _f32)
            return carry
        lax.fori_loop(0, CH, body, 0)

    fill(0.0)
    for k in range(RPT_DEG // CH):
        pltpu.sync_copy(buf_v, acc_sh.at[pl.ds(row0 + k * CH, CH)])
    fill(1.0)

    pltpu.sync_copy(dstr_hbm.at[wid], dst_v)
    plsc.subcore_barrier()

    def chunk(j, carry):
        pltpu.sync_copy(buf_v, acc_sh.at[dst_v.at[j]], add=True)
        return carry
    lax.fori_loop(0, CPT_DEG, chunk, 0)

    plsc.subcore_barrier()

    for k in range(RPT_DEG // CH):
        pltpu.sync_copy(acc_sh.at[pl.ds(row0 + k * CH, CH)], buf_v)
        pltpu.sync_copy(buf_v, out_hbm.at[cid, pl.ds(row0 + k * CH, CH)])


@functools.lru_cache(maxsize=None)
def _deg_call():
    return pl.kernel(
        _deg_body,
        out_type=jax.ShapeDtypeStruct((NC, NR_DEG, 16), _f32),
        mesh=_sc_mesh(),
        scratch_types=[
            pltpu.VMEM_SHARED((NR_DEG, 16), _f32),
            pltpu.VMEM((CPT_DEG, CH), jnp.int32),
            pltpu.VMEM((CH, 16), _f32),
        ],
    )


def _agg_body(hs_hbm, srcr_hbm, dstr_hbm, out_hbm, msg_hbm, acc_sh,
              *bufs_and_sems):
    rows = bufs_and_sems[:NBUF]
    idx = bufs_and_sems[NBUF:2 * NBUF]
    semg = bufs_and_sems[2 * NBUF:3 * NBUF]
    sems = bufs_and_sems[3 * NBUF:4 * NBUF]
    cid = lax.axis_index("c")
    sid = lax.axis_index("s")
    wid = cid * NS + sid
    row0 = sid * RPT
    ebase = wid * EPT

    pltpu.sync_copy(hs_hbm.at[pl.ds(row0, RPT)], acc_sh.at[pl.ds(row0, RPT)])
    plsc.subcore_barrier()

    def gather(b):
        return pltpu.make_async_copy(acc_sh.at[idx[b].at[0]], rows[b],
                                     semg[b])

    def msg_w(b, j):
        return pltpu.make_async_copy(rows[b],
                                     msg_hbm.at[pl.ds(ebase + j * CH, CH)],
                                     sems[b])

    for b in range(NBUF):
        pltpu.sync_copy(srcr_hbm.at[wid, b], idx[b])
        gather(b).start()

    def group_a(g, carry):
        for b in range(NBUF):
            j = g * NBUF + b
            gather(b).wait()
            msg_w(b, j).start()
        for b in range(NBUF):
            j = g * NBUF + b
            msg_w(b, j).wait()

            @pl.when(j + NBUF < CPT)
            def _():
                pltpu.sync_copy(srcr_hbm.at[wid, j + NBUF], idx[b])
                gather(b).start()
        return carry
    lax.fori_loop(0, CPT // NBUF, group_a, 0)

    plsc.subcore_barrier()

    def zfill(i, carry):
        r = i // 8
        c = (i % 8) * 16
        rows[0][r, pl.ds(c, 16)] = jnp.zeros((16,), _f32)
        return carry
    lax.fori_loop(0, CH * 8, zfill, 0)
    for k in range(RPT // CH):
        pltpu.sync_copy(rows[0], acc_sh.at[pl.ds(row0 + k * CH, CH)])
    if RREM:
        pltpu.sync_copy(rows[0].at[pl.ds(0, RREM)],
                        acc_sh.at[pl.ds(row0 + RFULL, RREM)])
    plsc.subcore_barrier()

    def msg_r(b, j):
        return pltpu.make_async_copy(msg_hbm.at[pl.ds(ebase + j * CH, CH)],
                                     rows[b], semg[b])

    def scat(b):
        return pltpu.make_async_copy(rows[b], acc_sh.at[idx[b].at[0]],
                                     sems[b])

    for b in range(NBUF):
        pltpu.sync_copy(dstr_hbm.at[wid, b], idx[b])
        msg_r(b, b).start()

    def group_b(g, carry):
        for b in range(NBUF):
            j = g * NBUF + b
            msg_r(b, j).wait()
            pltpu.async_copy(rows[b], acc_sh.at[idx[b].at[0]], sems[b],
                             add=True)
        for b in range(NBUF):
            j = g * NBUF + b
            scat(b).wait()

            @pl.when(j + NBUF < CPT)
            def _():
                pltpu.sync_copy(dstr_hbm.at[wid, j + NBUF], idx[b])
                msg_r(b, j + NBUF).start()
        return carry
    lax.fori_loop(0, CPT // NBUF, group_b, 0)

    plsc.subcore_barrier()

    for k in range(RPT // CH):
        pltpu.sync_copy(acc_sh.at[pl.ds(row0 + k * CH, CH)], rows[0])
        pltpu.sync_copy(rows[0], out_hbm.at[cid, pl.ds(row0 + k * CH, CH)])
    if RREM:
        pltpu.sync_copy(acc_sh.at[pl.ds(row0 + RFULL, RREM)],
                        rows[0].at[pl.ds(0, RREM)])
        pltpu.sync_copy(rows[0].at[pl.ds(0, RREM)],
                        out_hbm.at[cid, pl.ds(row0 + RFULL, RREM)])


@functools.lru_cache(maxsize=None)
def _agg_call():
    return pl.kernel(
        _agg_body,
        out_type=[jax.ShapeDtypeStruct((NC, NROWS, D), _f32),
                  jax.ShapeDtypeStruct((EPAD, D), _f32)],
        mesh=_sc_mesh(),
        scratch_types=(
            [pltpu.VMEM_SHARED((NROWS, D), _f32)]
            + [pltpu.VMEM((CH, D), _f32) for _ in range(NBUF)]
            + [pltpu.VMEM((1, CH), jnp.int32) for _ in range(NBUF)]
            + [pltpu.SemaphoreType.DMA for _ in range(2 * NBUF)]
        ),
    )



_B = 1000


def _pre_body(d_ref, x_ref, w_ref, dinv_ref, hs_ref):
    deg = d_ref[0, :, 0:1] + d_ref[1, :, 0:1] + 1.0
    dinv = lax.rsqrt(deg)
    dinv_ref[...] = jnp.broadcast_to(dinv, (_B, D))
    hs_ref[...] = jnp.dot(x_ref[...] * dinv, w_ref[...],
                          preferred_element_type=_f32)


_pre_call = pl.pallas_call(
    _pre_body,
    grid=(N // _B,),
    in_specs=[
        pl.BlockSpec((NC, _B, 16), lambda i: (0, i, 0)),
        pl.BlockSpec((_B, D), lambda i: (i, 0)),
        pl.BlockSpec((D, D), lambda i: (0, 0)),
    ],
    out_specs=[
        pl.BlockSpec((_B, D), lambda i: (i, 0)),
        pl.BlockSpec((_B, D), lambda i: (i, 0)),
    ],
    out_shape=[
        jax.ShapeDtypeStruct((N, D), _f32),
        jax.ShapeDtypeStruct((NROWS, D), _f32),
    ],
)


def _mid_body(acc_ref, hs_ref, dinv_ref, b_ref, w_ref, out_ref):
    t = (acc_ref[0] + acc_ref[1] + hs_ref[...]) * dinv_ref[...] + b_ref[...]
    t = jnp.maximum(t, 0.0)
    out_ref[...] = jnp.dot(t * dinv_ref[...], w_ref[...],
                           preferred_element_type=_f32)


_mid_call = pl.pallas_call(
    _mid_body,
    grid=(N // _B,),
    in_specs=[
        pl.BlockSpec((NC, _B, D), lambda i: (0, i, 0)),
        pl.BlockSpec((_B, D), lambda i: (i, 0)),
        pl.BlockSpec((_B, D), lambda i: (i, 0)),
        pl.BlockSpec((1, D), lambda i: (0, 0)),
        pl.BlockSpec((D, D), lambda i: (0, 0)),
    ],
    out_specs=pl.BlockSpec((_B, D), lambda i: (i, 0)),
    out_shape=jax.ShapeDtypeStruct((NROWS, D), _f32),
)


def _fin_body(acc_ref, hs_ref, dinv_ref, b_ref, out_ref):
    out_ref[...] = ((acc_ref[0] + acc_ref[1] + hs_ref[...])
                    * dinv_ref[...] + b_ref[...])


_fin_call = pl.pallas_call(
    _fin_body,
    grid=(N // _B,),
    in_specs=[
        pl.BlockSpec((NC, _B, D), lambda i: (0, i, 0)),
        pl.BlockSpec((_B, D), lambda i: (i, 0)),
        pl.BlockSpec((_B, D), lambda i: (i, 0)),
        pl.BlockSpec((1, D), lambda i: (0, 0)),
    ],
    out_specs=pl.BlockSpec((_B, D), lambda i: (i, 0)),
    out_shape=jax.ShapeDtypeStruct((N, D), _f32),
)



def kernel(x, edge_index, W1, b1, W2, b2, W3, b3):
    ei = edge_index.astype(jnp.int32)
    pad = EPAD - E
    src = jnp.concatenate([ei[0], jnp.zeros((pad,), jnp.int32)])
    dst = jnp.concatenate([ei[1], jnp.full((pad,), N, jnp.int32)])
    srcr = src.reshape(NW, CPT, 1, CH)
    dstr = dst.reshape(NW, CPT, 1, CH)

    dst_deg = jnp.concatenate(
        [ei[1], jnp.full((EPAD_DEG - E,), N, jnp.int32)])
    degs = _deg_call()(dst_deg.reshape(NW, CPT_DEG, CH))
    dinv, hs = _pre_call(degs[:, :N], x, W1)

    agg = _agg_call()
    acc, _ = agg(hs, srcr, dstr)
    hs = _mid_call(acc[:, :N], hs[:N], dinv, b1.reshape(1, D), W2)
    acc, _ = agg(hs, srcr, dstr)
    hs = _mid_call(acc[:, :N], hs[:N], dinv, b2.reshape(1, D), W3)
    acc, _ = agg(hs, srcr, dstr)
    return _fin_call(acc[:, :N], hs[:N], dinv, b3.reshape(1, D))

# --- scband reference (transcript-rebuilt; emitter-appended) ---
"""Pipeline reference for scband-gcn-50654844289592 (READ-ONLY COPY).

The authoritative reference and input builder live on the scoring server;
editing this copy changes nothing except your own understanding.
"""

import jax, jax.numpy as jnp
import numpy as np

N_NODES = 10000
N_EDGES = 320000
D_IN = 128
HIDDEN = 128


def setup_inputs(seed: int = 0) -> dict:
    key = jax.random.key(seed)
    ks = jax.random.split(key, 8)
    x = jax.random.normal(ks[0], (N_NODES, D_IN), dtype=jnp.float32)
    edge_index = jax.random.randint(ks[1], (2, N_EDGES), 0, N_NODES, dtype=jnp.int64)
    W1 = jax.random.normal(ks[2], (D_IN, HIDDEN), dtype=jnp.float32) * 0.05
    b1 = jnp.zeros((HIDDEN,), dtype=jnp.float32)
    W2 = jax.random.normal(ks[3], (HIDDEN, HIDDEN), dtype=jnp.float32) * 0.05
    b2 = jnp.zeros((HIDDEN,), dtype=jnp.float32)
    W3 = jax.random.normal(ks[4], (HIDDEN, HIDDEN), dtype=jnp.float32) * 0.05
    b3 = jnp.zeros((HIDDEN,), dtype=jnp.float32)
    return {"x": x, "edge_index": edge_index, "W1": W1, "b1": b1, "W2": W2, "b2": b2, "W3": W3, "b3": b3}


def _gcn_conv(x, src, dst, W, b, n_nodes):
    # x' = D^{-1/2} (A + I) D^{-1/2} X W + b  (PyG GCNConv semantics with self-loops)
    h = x @ W
    deg = jax.ops.segment_sum(jnp.ones_like(dst, dtype=h.dtype), dst, num_segments=n_nodes)
    dinv = jnp.where(deg > 0, jax.lax.rsqrt(deg), 0.0)
    norm = dinv[src] * dinv[dst]
    msg = h[src] * norm[:, None]
    out = jax.ops.segment_sum(msg, dst, num_segments=n_nodes)
    return out + b


def reference(x, edge_index, W1, b1, W2, b2, W3, b3):
    n = x.shape[0]
    loops = jnp.arange(n, dtype=edge_index.dtype)
    src = jnp.concatenate([edge_index[0], loops])
    dst = jnp.concatenate([edge_index[1], loops])
    h = _gcn_conv(x, src, dst, W1, b1, n)
    h = jax.nn.relu(h)  # dropout is identity in eval mode
    h = _gcn_conv(h, src, dst, W2, b2, n)
    h = jax.nn.relu(h)
    h = _gcn_conv(h, src, dst, W3, b3, n)
    return h

if __name__ == "__main__":
    import jax
    _d = setup_inputs()
    print(jax.jit(kernel)(*tuple(_d.values())))

</pallas_src>

<mosaic_0001>
#map = affine_map<(d0, d1) -> (0, 0)>
#map1 = affine_map<(d0, d1) -> (0, 0, 0, 0)>
#map2 = affine_map<(d0, d1) -> (0, 0, 0)>
module attributes {stable_mosaic.version = 14 : i64} {
  func.func @_agg_body(%arg0: i32, %arg1: i32, %arg2: memref<10112x128xf32, #tpu.memory_space<hbm>>, %arg3: memref<32x81x1x128xi32, #tpu.memory_space<hbm>>, %arg4: memref<32x81x1x128xi32, #tpu.memory_space<hbm>>, %arg5: memref<2x10112x128xf32, #tpu.memory_space<hbm>>, %arg6: memref<331776x128xf32, #tpu.memory_space<hbm>>, %arg7: memref<10112x128xf32, #tpu.memory_space<vmem_shared>>, %arg8: memref<128x128xf32, #tpu.memory_space<vmem>>, %arg9: memref<128x128xf32, #tpu.memory_space<vmem>>, %arg10: memref<128x128xf32, #tpu.memory_space<vmem>>, %arg11: memref<1x128xi32, #tpu.memory_space<vmem>>, %arg12: memref<1x128xi32, #tpu.memory_space<vmem>>, %arg13: memref<1x128xi32, #tpu.memory_space<vmem>>, %arg14: memref<!tpu.dma_semaphore, #tpu.memory_space<semaphore_mem>>, %arg15: memref<!tpu.dma_semaphore, #tpu.memory_space<semaphore_mem>>, %arg16: memref<!tpu.dma_semaphore, #tpu.memory_space<semaphore_mem>>, %arg17: memref<!tpu.dma_semaphore, #tpu.memory_space<semaphore_mem>>, %arg18: memref<!tpu.dma_semaphore, #tpu.memory_space<semaphore_mem>>, %arg19: memref<!tpu.dma_semaphore, #tpu.memory_space<semaphore_mem>>) attributes {dimension_semantics = [#tpu.dimension_semantics<core_parallel>, #tpu.dimension_semantics<subcore_parallel>], iteration_bounds = array<i64: 2, 16>, scalar_prefetch = 0 : i64, scratch_operands = 13 : i64, tpu.core_type = #tpu.core_type<sc_vector_subcore>, window_params = [{transform_indices = #map}, {transform_indices = #map1}, {transform_indices = #map1}, {transform_indices = #map2}, {transform_indices = #map}]} {
    %mul3A = arith.constant 16 : i32
    %mul3A_0 = arith.muli %arg0, %mul3A : i32
    %add3A = arith.addi %mul3A_0, %arg1 : i32
    %mul3A_1 = arith.constant 632 : i32
    %mul3A_2 = arith.muli %arg1, %mul3A_1 : i32
    %mul3A_3 = arith.constant 10368 : i32
    %mul3A_4 = arith.muli %add3A, %mul3A_3 : i32
    "tpu.region"() ({
      %run_scoped3A_98 = tpu.sem_alloc : memref<!tpu.dma_semaphore, #tpu.memory_space<semaphore_mem>>
      %dma_start3A_99 = arith.constant 0 : i32
      %dma_start3A_100 = tpu.memref_slice %arg7[%mul3A_2, %dma_start3A_99] : memref<10112x128xf32, #tpu.memory_space<vmem_shared>> -> memref<632x128xf32, #tpu.memory_space<vmem_shared>>
      %dma_start3A_101 = arith.constant 0 : i32
      %dma_start3A_102 = tpu.memref_slice %arg2[%mul3A_2, %dma_start3A_101] : memref<10112x128xf32, #tpu.memory_space<hbm>> -> memref<632x128xf32, #tpu.memory_space<hbm>>
      tpu.enqueue_dma source(%dma_start3A_102 : memref<632x128xf32, #tpu.memory_space<hbm>>) target(%dma_start3A_100 : memref<632x128xf32, #tpu.memory_space<vmem_shared>>) target_semaphore(%run_scoped3A_98 : memref<!tpu.dma_semaphore, #tpu.memory_space<semaphore_mem>>)
      %dma_wait3A = arith.constant 0 : i32
      %dma_wait3A_103 = tpu.memref_slice %arg7[%mul3A_2, %dma_wait3A] : memref<10112x128xf32, #tpu.memory_space<vmem_shared>> -> memref<632x128xf32, #tpu.memory_space<vmem_shared>>
      %dma_wait3A_104 = arith.constant 0 : i32
      %dma_wait3A_105 = tpu.memref_slice %arg2[%mul3A_2, %dma_wait3A_104] : memref<10112x128xf32, #tpu.memory_space<hbm>> -> memref<632x128xf32, #tpu.memory_space<hbm>>
      tpu.wait_dma2 semaphore(%run_scoped3A_98 : memref<!tpu.dma_semaphore, #tpu.memory_space<semaphore_mem>>) src(%dma_wait3A_105 : memref<632x128xf32, #tpu.memory_space<hbm>>) dst(%dma_wait3A_103 : memref<632x128xf32, #tpu.memory_space<vmem_shared>>)
      tpu.yield
    }) : () -> ()
    %barrier3A = arith.constant 0 : index
    tpu.barrier barrier_id(%barrier3A)
    %run_scoped3A = arith.constant 0 : i32
    "tpu.region"() ({
      %run_scoped3A_98 = tpu.sem_alloc : memref<!tpu.dma_semaphore, #tpu.memory_space<semaphore_mem>>
      %dma_start3A_99 = arith.constant 0 : i32
      %dma_start3A_100 = arith.constant 0 : i32
      %dma_start3A_101 = tpu.memref_slice %arg3[%add3A, %run_scoped3A, %dma_start3A_99, %dma_start3A_100] : memref<32x81x1x128xi32, #tpu.memory_space<hbm>> -> memref<1x1x1x128xi32, #tpu.memory_space<hbm>>
      %dma_start3A_102 = tpu.memref_squeeze %dma_start3A_101 : memref<1x1x1x128xi32, #tpu.memory_space<hbm>> -> memref<1x128xi32, #tpu.memory_space<hbm>>
      %dma_start3A_103 = arith.constant 0 : i32
      %dma_start3A_104 = arith.constant 0 : i32
      %dma_start3A_105 = tpu.memref_slice %arg3[%add3A, %run_scoped3A, %dma_start3A_103, %dma_start3A_104] : memref<32x81x1x128xi32, #tpu.memory_space<hbm>> -> memref<1x1x1x128xi32, #tpu.memory_space<hbm>>
      %dma_start3A_106 = tpu.memref_squeeze %dma_start3A_105 : memref<1x1x1x128xi32, #tpu.memory_space<hbm>> -> memref<1x128xi32, #tpu.memory_space<hbm>>
      tpu.enqueue_dma source(%dma_start3A_106 : memref<1x128xi32, #tpu.memory_space<hbm>>) target(%arg11 : memref<1x128xi32, #tpu.memory_space<vmem>>) target_semaphore(%run_scoped3A_98 : memref<!tpu.dma_semaphore, #tpu.memory_space<semaphore_mem>>)
      %dma_wait3A = arith.constant 0 : i32
      %dma_wait3A_107 = arith.constant 0 : i32
      %dma_wait3A_108 = tpu.memref_slice %arg3[%add3A, %run_scoped3A, %dma_wait3A, %dma_wait3A_107] : memref<32x81x1x128xi32, #tpu.memory_space<hbm>> -> memref<1x1x1x128xi32, #tpu.memory_space<hbm>>
      %dma_wait3A_109 = tpu.memref_squeeze %dma_wait3A_108 : memref<1x1x1x128xi32, #tpu.memory_space<hbm>> -> memref<1x128xi32, #tpu.memory_space<hbm>>
      %dma_wait3A_110 = arith.constant 0 : i32
      %dma_wait3A_111 = arith.constant 0 : i32
      %dma_wait3A_112 = tpu.memref_slice %arg3[%add3A, %run_scoped3A, %dma_wait3A_110, %dma_wait3A_111] : memref<32x81x1x128xi32, #tpu.memory_space<hbm>> -> memref<1x1x1x128xi32, #tpu.memory_space<hbm>>
      %dma_wait3A_113 = tpu.memref_squeeze %dma_wait3A_112 : memref<1x1x1x128xi32, #tpu.memory_space<hbm>> -> memref<1x128xi32, #tpu.memory_space<hbm>>
      tpu.wait_dma2 semaphore(%run_scoped3A_98 : memref<!tpu.dma_semaphore, #tpu.memory_space<semaphore_mem>>) src(%dma_wait3A_113 : memref<1x128xi32, #tpu.memory_space<hbm>>) dst(%arg11 : memref<1x128xi32, #tpu.memory_space<vmem>>)
      tpu.yield
    }) : () -> ()
    %dma_start3A = arith.constant 0 : i32
    %dma_start3A_5 = arith.constant 0 : i32
    %dma_start3A_6 = tpu.memref_slice %arg11[%dma_start3A, %dma_start3A_5] : memref<1x128xi32, #tpu.memory_space<vmem>> -> memref<1x128xi32, #tpu.memory_space<vmem>>
    %dma_start3A_7 = tpu.memref_squeeze %dma_start3A_6 : memref<1x128xi32, #tpu.memory_space<vmem>> -> memref<128xi32, #tpu.memory_space<vmem>>
    %dma_start3A_8 = arith.constant 0 : i32
    %dma_start3A_9 = arith.constant 0 : i32
    %dma_start3A_10 = tpu.memref_slice %arg7[%dma_start3A_8, %dma_start3A_9] : memref<10112x128xf32, #tpu.memory_space<vmem_shared>> -> memref<10112x128xf32, #tpu.memory_space<vmem_shared>>
    tpu.enqueue_indirect_dma source(%dma_start3A_10 : memref<10112x128xf32, #tpu.memory_space<vmem_shared>>) target(%arg8 : memref<128x128xf32, #tpu.memory_space<vmem>>) offsets(%dma_start3A_7 : memref<128xi32, #tpu.memory_space<vmem>>) semaphore(%arg14 : memref<!tpu.dma_semaphore, #tpu.memory_space<semaphore_mem>>)
    %run_scoped3A_11 = arith.constant 1 : i32
    "tpu.region"() ({
      %run_scoped3A_98 = tpu.sem_alloc : memref<!tpu.dma_semaphore, #tpu.memory_space<semaphore_mem>>
      %dma_start3A_99 = arith.constant 0 : i32
      %dma_start3A_100 = arith.constant 0 : i32
      %dma_start3A_101 = tpu.memref_slice %arg3[%add3A, %run_scoped3A_11, %dma_start3A_99, %dma_start3A_100] : memref<32x81x1x128xi32, #tpu.memory_space<hbm>> -> memref<1x1x1x128xi32, #tpu.memory_space<hbm>>
      %dma_start3A_102 = tpu.memref_squeeze %dma_start3A_101 : memref<1x1x1x128xi32, #tpu.memory_space<hbm>> -> memref<1x128xi32, #tpu.memory_space<hbm>>
      %dma_start3A_103 = arith.constant 0 : i32
      %dma_start3A_104 = arith.constant 0 : i32
      %dma_start3A_105 = tpu.memref_slice %arg3[%add3A, %run_scoped3A_11, %dma_start3A_103, %dma_start3A_104] : memref<32x81x1x128xi32, #tpu.memory_space<hbm>> -> memref<1x1x1x128xi32, #tpu.memory_space<hbm>>
      %dma_start3A_106 = tpu.memref_squeeze %dma_start3A_105 : memref<1x1x1x128xi32, #tpu.memory_space<hbm>> -> memref<1x128xi32, #tpu.memory_space<hbm>>
      tpu.enqueue_dma source(%dma_start3A_106 : memref<1x128xi32, #tpu.memory_space<hbm>>) target(%arg12 : memref<1x128xi32, #tpu.memory_space<vmem>>) target_semaphore(%run_scoped3A_98 : memref<!tpu.dma_semaphore, #tpu.memory_space<semaphore_mem>>)
      %dma_wait3A = arith.constant 0 : i32
      %dma_wait3A_107 = arith.constant 0 : i32
      %dma_wait3A_108 = tpu.memref_slice %arg3[%add3A, %run_scoped3A_11, %dma_wait3A, %dma_wait3A_107] : memref<32x81x1x128xi32, #tpu.memory_space<hbm>> -> memref<1x1x1x128xi32, #tpu.memory_space<hbm>>
      %dma_wait3A_109 = tpu.memref_squeeze %dma_wait3A_108 : memref<1x1x1x128xi32, #tpu.memory_space<hbm>> -> memref<1x128xi32, #tpu.memory_space<hbm>>
      %dma_wait3A_110 = arith.constant 0 : i32
      %dma_wait3A_111 = arith.constant 0 : i32
      %dma_wait3A_112 = tpu.memref_slice %arg3[%add3A, %run_scoped3A_11, %dma_wait3A_110, %dma_wait3A_111] : memref<32x81x1x128xi32, #tpu.memory_space<hbm>> -> memref<1x1x1x128xi32, #tpu.memory_space<hbm>>
      %dma_wait3A_113 = tpu.memref_squeeze %dma_wait3A_112 : memref<1x1x1x128xi32, #tpu.memory_space<hbm>> -> memref<1x128xi32, #tpu.memory_space<hbm>>
      tpu.wait_dma2 semaphore(%run_scoped3A_98 : memref<!tpu.dma_semaphore, #tpu.memory_space<semaphore_mem>>) src(%dma_wait3A_113 : memref<1x128xi32, #tpu.memory_space<hbm>>) dst(%arg12 : memref<1x128xi32, #tpu.memory_space<vmem>>)
      tpu.yield
    }) : () -> ()
    %dma_start3A_12 = arith.constant 0 : i32
    %dma_start3A_13 = arith.constant 0 : i32
    %dma_start3A_14 = tpu.memref_slice %arg12[%dma_start3A_12, %dma_start3A_13] : memref<1x128xi32, #tpu.memory_space<vmem>> -> memref<1x128xi32, #tpu.memory_space<vmem>>
    %dma_start3A_15 = tpu.memref_squeeze %dma_start3A_14 : memref<1x128xi32, #tpu.memory_space<vmem>> -> memref<128xi32, #tpu.memory_space<vmem>>
    %dma_start3A_16 = arith.constant 0 : i32
    %dma_start3A_17 = arith.constant 0 : i32
    %dma_start3A_18 = tpu.memref_slice %arg7[%dma_start3A_16, %dma_start3A_17] : memref<10112x128xf32, #tpu.memory_space<vmem_shared>> -> memref<10112x128xf32, #tpu.memory_space<vmem_shared>>
    tpu.enqueue_indirect_dma source(%dma_start3A_18 : memref<10112x128xf32, #tpu.memory_space<vmem_shared>>) target(%arg9 : memref<128x128xf32, #tpu.memory_space<vmem>>) offsets(%dma_start3A_15 : memref<128xi32, #tpu.memory_space<vmem>>) semaphore(%arg15 : memref<!tpu.dma_semaphore, #tpu.memory_space<semaphore_mem>>)
    %run_scoped3A_19 = arith.constant 2 : i32
    "tpu.region"() ({
      %run_scoped3A_98 = tpu.sem_alloc : memref<!tpu.dma_semaphore, #tpu.memory_space<semaphore_mem>>
      %dma_start3A_99 = arith.constant 0 : i32
      %dma_start3A_100 = arith.constant 0 : i32
      %dma_start3A_101 = tpu.memref_slice %arg3[%add3A, %run_scoped3A_19, %dma_start3A_99, %dma_start3A_100] : memref<32x81x1x128xi32, #tpu.memory_space<hbm>> -> memref<1x1x1x128xi32, #tpu.memory_space<hbm>>
      %dma_start3A_102 = tpu.memref_squeeze %dma_start3A_101 : memref<1x1x1x128xi32, #tpu.memory_space<hbm>> -> memref<1x128xi32, #tpu.memory_space<hbm>>
      %dma_start3A_103 = arith.constant 0 : i32
      %dma_start3A_104 = arith.constant 0 : i32
      %dma_start3A_105 = tpu.memref_slice %arg3[%add3A, %run_scoped3A_19, %dma_start3A_103, %dma_start3A_104] : memref<32x81x1x128xi32, #tpu.memory_space<hbm>> -> memref<1x1x1x128xi32, #tpu.memory_space<hbm>>
      %dma_start3A_106 = tpu.memref_squeeze %dma_start3A_105 : memref<1x1x1x128xi32, #tpu.memory_space<hbm>> -> memref<1x128xi32, #tpu.memory_space<hbm>>
      tpu.enqueue_dma source(%dma_start3A_106 : memref<1x128xi32, #tpu.memory_space<hbm>>) target(%arg13 : memref<1x128xi32, #tpu.memory_space<vmem>>) target_semaphore(%run_scoped3A_98 : memref<!tpu.dma_semaphore, #tpu.memory_space<semaphore_mem>>)
      %dma_wait3A = arith.constant 0 : i32
      %dma_wait3A_107 = arith.constant 0 : i32
      %dma_wait3A_108 = tpu.memref_slice %arg3[%add3A, %run_scoped3A_19, %dma_wait3A, %dma_wait3A_107] : memref<32x81x1x128xi32, #tpu.memory_space<hbm>> -> memref<1x1x1x128xi32, #tpu.memory_space<hbm>>
      %dma_wait3A_109 = tpu.memref_squeeze %dma_wait3A_108 : memref<1x1x1x128xi32, #tpu.memory_space<hbm>> -> memref<1x128xi32, #tpu.memory_space<hbm>>
      %dma_wait3A_110 = arith.constant 0 : i32
      %dma_wait3A_111 = arith.constant 0 : i32
      %dma_wait3A_112 = tpu.memref_slice %arg3[%add3A, %run_scoped3A_19, %dma_wait3A_110, %dma_wait3A_111] : memref<32x81x1x128xi32, #tpu.memory_space<hbm>> -> memref<1x1x1x128xi32, #tpu.memory_space<hbm>>
      %dma_wait3A_113 = tpu.memref_squeeze %dma_wait3A_112 : memref<1x1x1x128xi32, #tpu.memory_space<hbm>> -> memref<1x128xi32, #tpu.memory_space<hbm>>
      tpu.wait_dma2 semaphore(%run_scoped3A_98 : memref<!tpu.dma_semaphore, #tpu.memory_space<semaphore_mem>>) src(%dma_wait3A_113 : memref<1x128xi32, #tpu.memory_space<hbm>>) dst(%arg13 : memref<1x128xi32, #tpu.memory_space<vmem>>)
      tpu.yield
    }) : () -> ()
    %dma_start3A_20 = arith.constant 0 : i32
    %dma_start3A_21 = arith.constant 0 : i32
    %dma_start3A_22 = tpu.memref_slice %arg13[%dma_start3A_20, %dma_start3A_21] : memref<1x128xi32, #tpu.memory_space<vmem>> -> memref<1x128xi32, #tpu.memory_space<vmem>>
    %dma_start3A_23 = tpu.memref_squeeze %dma_start3A_22 : memref<1x128xi32, #tpu.memory_space<vmem>> -> memref<128xi32, #tpu.memory_space<vmem>>
    %dma_start3A_24 = arith.constant 0 : i32
    %dma_start3A_25 = arith.constant 0 : i32
    %dma_start3A_26 = tpu.memref_slice %arg7[%dma_start3A_24, %dma_start3A_25] : memref<10112x128xf32, #tpu.memory_space<vmem_shared>> -> memref<10112x128xf32, #tpu.memory_space<vmem_shared>>
    tpu.enqueue_indirect_dma source(%dma_start3A_26 : memref<10112x128xf32, #tpu.memory_space<vmem_shared>>) target(%arg10 : memref<128x128xf32, #tpu.memory_space<vmem>>) offsets(%dma_start3A_23 : memref<128xi32, #tpu.memory_space<vmem>>) semaphore(%arg16 : memref<!tpu.dma_semaphore, #tpu.memory_space<semaphore_mem>>)
    %scan3A = arith.constant 0 : i32
    %scan3A_27 = arith.constant 0 : i32
    %scan3A_28 = arith.constant 27 : i32
    %scan3A_29 = arith.addi %scan3A_27, %scan3A_28 : i32
    %scan3A_30 = arith.constant 1 : i32
    scf.for %scan3A_98 = %scan3A_27 to %scan3A_29 step %scan3A_30  : i32 {
      %mul3A_99 = arith.constant 3 : i32
      %mul3A_100 = arith.muli %scan3A_98, %mul3A_99 : i32
      %add3A_101 = arith.constant 0 : i32
      %add3A_102 = arith.addi %mul3A_100, %add3A_101 : i32
      %dma_wait3A = arith.constant 0 : i32
      %dma_wait3A_103 = arith.constant 0 : i32
      %dma_wait3A_104 = tpu.memref_slice %arg11[%dma_wait3A, %dma_wait3A_103] : memref<1x128xi32, #tpu.memory_space<vmem>> -> memref<1x128xi32, #tpu.memory_space<vmem>>
      %dma_wait3A_105 = tpu.memref_squeeze %dma_wait3A_104 : memref<1x128xi32, #tpu.memory_space<vmem>> -> memref<128xi32, #tpu.memory_space<vmem>>
      %dma_wait3A_106 = arith.constant 0 : i32
      %dma_wait3A_107 = arith.constant 0 : i32
      %dma_wait3A_108 = tpu.memref_slice %arg7[%dma_wait3A_106, %dma_wait3A_107] : memref<10112x128xf32, #tpu.memory_space<vmem_shared>> -> memref<10112x128xf32, #tpu.memory_space<vmem_shared>>
      tpu.wait_indirect_dma semaphore(%arg14 : memref<!tpu.dma_semaphore, #tpu.memory_space<semaphore_mem>>) src(%dma_wait3A_108 : memref<10112x128xf32, #tpu.memory_space<vmem_shared>>) dst(%arg8 : memref<128x128xf32, #tpu.memory_space<vmem>>)
      %mul3A_109 = arith.constant 128 : i32
      %mul3A_110 = arith.muli %add3A_102, %mul3A_109 : i32
      %add3A_111 = arith.addi %mul3A_4, %mul3A_110 : i32
      %dma_start3A_112 = arith.constant 0 : i32
      %dma_start3A_113 = tpu.memref_slice %arg6[%add3A_111, %dma_start3A_112] : memref<331776x128xf32, #tpu.memory_space<hbm>> -> memref<128x128xf32, #tpu.memory_space<hbm>>
      %dma_start3A_114 = arith.constant 0 : i32
      %dma_start3A_115 = tpu.memref_slice %arg6[%add3A_111, %dma_start3A_114] : memref<331776x128xf32, #tpu.memory_space<hbm>> -> memref<128x128xf32, #tpu.memory_space<hbm>>
      tpu.enqueue_dma source(%arg8 : memref<128x128xf32, #tpu.memory_space<vmem>>) target(%dma_start3A_115 : memref<128x128xf32, #tpu.memory_space<hbm>>) target_semaphore(%arg17 : memref<!tpu.dma_semaphore, #tpu.memory_space<semaphore_mem>>)
      %mul3A_116 = arith.constant 3 : i32
      %mul3A_117 = arith.muli %scan3A_98, %mul3A_116 : i32
      %add3A_118 = arith.constant 1 : i32
      %add3A_119 = arith.addi %mul3A_117, %add3A_118 : i32
      %dma_wait3A_120 = arith.constant 0 : i32
      %dma_wait3A_121 = arith.constant 0 : i32
      %dma_wait3A_122 = tpu.memref_slice %arg12[%dma_wait3A_120, %dma_wait3A_121] : memref<1x128xi32, #tpu.memory_space<vmem>> -> memref<1x128xi32, #tpu.memory_space<vmem>>
      %dma_wait3A_123 = tpu.memref_squeeze %dma_wait3A_122 : memref<1x128xi32, #tpu.memory_space<vmem>> -> memref<128xi32, #tpu.memory_space<vmem>>
      %dma_wait3A_124 = arith.constant 0 : i32
      %dma_wait3A_125 = arith.constant 0 : i32
      %dma_wait3A_126 = tpu.memref_slice %arg7[%dma_wait3A_124, %dma_wait3A_125] : memref<10112x128xf32, #tpu.memory_space<vmem_shared>> -> memref<10112x128xf32, #tpu.memory_space<vmem_shared>>
      tpu.wait_indirect_dma semaphore(%arg15 : memref<!tpu.dma_semaphore, #tpu.memory_space<semaphore_mem>>) src(%dma_wait3A_126 : memref<10112x128xf32, #tpu.memory_space<vmem_shared>>) dst(%arg9 : memref<128x128xf32, #tpu.memory_space<vmem>>)
      %mul3A_127 = arith.constant 128 : i32
      %mul3A_128 = arith.muli %add3A_119, %mul3A_127 : i32
      %add3A_129 = arith.addi %mul3A_4, %mul3A_128 : i32
      %dma_start3A_130 = arith.constant 0 : i32
      %dma_start3A_131 = tpu.memref_slice %arg6[%add3A_129, %dma_start3A_130] : memref<331776x128xf32, #tpu.memory_space<hbm>> -> memref<128x128xf32, #tpu.memory_space<hbm>>
      %dma_start3A_132 = arith.constant 0 : i32
      %dma_start3A_133 = tpu.memref_slice %arg6[%add3A_129, %dma_start3A_132] : memref<331776x128xf32, #tpu.memory_space<hbm>> -> memref<128x128xf32, #tpu.memory_space<hbm>>
      tpu.enqueue_dma source(%arg9 : memref<128x128xf32, #tpu.memory_space<vmem>>) target(%dma_start3A_133 : memref<128x128xf32, #tpu.memory_space<hbm>>) target_semaphore(%arg18 : memref<!tpu.dma_semaphore, #tpu.memory_space<semaphore_mem>>)
      %mul3A_134 = arith.constant 3 : i32
      %mul3A_135 = arith.muli %scan3A_98, %mul3A_134 : i32
      %add3A_136 = arith.constant 2 : i32
      %add3A_137 = arith.addi %mul3A_135, %add3A_136 : i32
      %dma_wait3A_138 = arith.constant 0 : i32
      %dma_wait3A_139 = arith.constant 0 : i32
      %dma_wait3A_140 = tpu.memref_slice %arg13[%dma_wait3A_138, %dma_wait3A_139] : memref<1x128xi32, #tpu.memory_space<vmem>> -> memref<1x128xi32, #tpu.memory_space<vmem>>
      %dma_wait3A_141 = tpu.memref_squeeze %dma_wait3A_140 : memref<1x128xi32, #tpu.memory_space<vmem>> -> memref<128xi32, #tpu.memory_space<vmem>>
      %dma_wait3A_142 = arith.constant 0 : i32
      %dma_wait3A_143 = arith.constant 0 : i32
      %dma_wait3A_144 = tpu.memref_slice %arg7[%dma_wait3A_142, %dma_wait3A_143] : memref<10112x128xf32, #tpu.memory_space<vmem_shared>> -> memref<10112x128xf32, #tpu.memory_space<vmem_shared>>
      tpu.wait_indirect_dma semaphore(%arg16 : memref<!tpu.dma_semaphore, #tpu.memory_space<semaphore_mem>>) src(%dma_wait3A_144 : memref<10112x128xf32, #tpu.memory_space<vmem_shared>>) dst(%arg10 : memref<128x128xf32, #tpu.memory_space<vmem>>)
      %mul3A_145 = arith.constant 128 : i32
      %mul3A_146 = arith.muli %add3A_137, %mul3A_145 : i32
      %add3A_147 = arith.addi %mul3A_4, %mul3A_146 : i32
      %dma_start3A_148 = arith.constant 0 : i32
      %dma_start3A_149 = tpu.memref_slice %arg6[%add3A_147, %dma_start3A_148] : memref<331776x128xf32, #tpu.memory_space<hbm>> -> memref<128x128xf32, #tpu.memory_space<hbm>>
      %dma_start3A_150 = arith.constant 0 : i32
      %dma_start3A_151 = tpu.memref_slice %arg6[%add3A_147, %dma_start3A_150] : memref<331776x128xf32, #tpu.memory_space<hbm>> -> memref<128x128xf32, #tpu.memory_space<hbm>>
      tpu.enqueue_dma source(%arg10 : memref<128x128xf32, #tpu.memory_space<vmem>>) target(%dma_start3A_151 : memref<128x128xf32, #tpu.memory_space<hbm>>) target_semaphore(%arg19 : memref<!tpu.dma_semaphore, #tpu.memory_space<semaphore_mem>>)
      %mul3A_152 = arith.constant 3 : i32
      %mul3A_153 = arith.muli %scan3A_98, %mul3A_152 : i32
      %add3A_154 = arith.constant 0 : i32
      %add3A_155 = arith.addi %mul3A_153, %add3A_154 : i32
      %mul3A_156 = arith.constant 128 : i32
      %mul3A_157 = arith.muli %add3A_155, %mul3A_156 : i32
      %add3A_158 = arith.addi %mul3A_4, %mul3A_157 : i32
      %dma_wait3A_159 = arith.constant 0 : i32
      %dma_wait3A_160 = tpu.memref_slice %arg6[%add3A_158, %dma_wait3A_159] : memref<331776x128xf32, #tpu.memory_space<hbm>> -> memref<128x128xf32, #tpu.memory_space<hbm>>
      %dma_wait3A_161 = arith.constant 0 : i32
      %dma_wait3A_162 = tpu.memref_slice %arg6[%add3A_158, %dma_wait3A_161] : memref<331776x128xf32, #tpu.memory_space<hbm>> -> memref<128x128xf32, #tpu.memory_space<hbm>>
      tpu.wait_dma2 semaphore(%arg17 : memref<!tpu.dma_semaphore, #tpu.memory_space<semaphore_mem>>) src(%arg8 : memref<128x128xf32, #tpu.memory_space<vmem>>) dst(%dma_wait3A_162 : memref<128x128xf32, #tpu.memory_space<hbm>>)
      %add3A_163 = arith.constant 3 : i32
      %add3A_164 = arith.addi %add3A_155, %add3A_163 : i32
      %lt3A = arith.constant 81 : i32
      %lt3A_165 = arith.cmpi slt, %add3A_164, %lt3A : i32
      %convert_element_type3A = arith.extui %lt3A_165 : i1 to i32
      %cond3A = arith.constant 0 : i32
      %cond3A_166 = arith.cmpi ne, %convert_element_type3A, %cond3A : i32
      scf.if %cond3A_166 {
        %add3A_203 = arith.constant 3 : i32
        %add3A_204 = arith.addi %add3A_155, %add3A_203 : i32
        "tpu.region"() ({
          %run_scoped3A_212 = tpu.sem_alloc : memref<!tpu.dma_semaphore, #tpu.memory_space<semaphore_mem>>
          %dma_start3A_213 = arith.constant 0 : i32
          %dma_start3A_214 = arith.constant 0 : i32
          %dma_start3A_215 = tpu.memref_slice %arg3[%add3A, %add3A_204, %dma_start3A_213, %dma_start3A_214] : memref<32x81x1x128xi32, #tpu.memory_space<hbm>> -> memref<1x1x1x128xi32, #tpu.memory_space<hbm>>
          %dma_start3A_216 = tpu.memref_squeeze %dma_start3A_215 : memref<1x1x1x128xi32, #tpu.memory_space<hbm>> -> memref<1x128xi32, #tpu.memory_space<hbm>>
          %dma_start3A_217 = arith.constant 0 : i32
          %dma_start3A_218 = arith.constant 0 : i32
          %dma_start3A_219 = tpu.memref_slice %arg3[%add3A, %add3A_204, %dma_start3A_217, %dma_start3A_218] : memref<32x81x1x128xi32, #tpu.memory_space<hbm>> -> memref<1x1x1x128xi32, #tpu.memory_space<hbm>>
          %dma_start3A_220 = tpu.memref_squeeze %dma_start3A_219 : memref<1x1x1x128xi32, #tpu.memory_space<hbm>> -> memref<1x128xi32, #tpu.memory_space<hbm>>
          tpu.enqueue_dma source(%dma_start3A_220 : memref<1x128xi32, #tpu.memory_space<hbm>>) target(%arg11 : memref<1x128xi32, #tpu.memory_space<vmem>>) target_semaphore(%run_scoped3A_212 : memref<!tpu.dma_semaphore, #tpu.memory_space<semaphore_mem>>)
          %dma_wait3A_221 = arith.constant 0 : i32
          %dma_wait3A_222 = arith.constant 0 : i32
          %dma_wait3A_223 = tpu.memref_slice %arg3[%add3A, %add3A_204, %dma_wait3A_221, %dma_wait3A_222] : memref<32x81x1x128xi32, #tpu.memory_space<hbm>> -> memref<1x1x1x128xi32, #tpu.memory_space<hbm>>
          %dma_wait3A_224 = tpu.memref_squeeze %dma_wait3A_223 : memref<1x1x1x128xi32, #tpu.memory_space<hbm>> -> memref<1x128xi32, #tpu.memory_space<hbm>>
          %dma_wait3A_225 = arith.constant 0 : i32
          %dma_wait3A_226 = arith.constant 0 : i32
          %dma_wait3A_227 = tpu.memref_slice %arg3[%add3A, %add3A_204, %dma_wait3A_225, %dma_wait3A_226] : memref<32x81x1x128xi32, #tpu.memory_space<hbm>> -> memref<1x1x1x128xi32, #tpu.memory_space<hbm>>
          %dma_wait3A_228 = tpu.memref_squeeze %dma_wait3A_227 : memref<1x1x1x128xi32, #tpu.memory_space<hbm>> -> memref<1x128xi32, #tpu.memory_space<hbm>>
          tpu.wait_dma2 semaphore(%run_scoped3A_212 : memref<!tpu.dma_semaphore, #tpu.memory_space<semaphore_mem>>) src(%dma_wait3A_228 : memref<1x128xi32, #tpu.memory_space<hbm>>) dst(%arg11 : memref<1x128xi32, #tpu.memory_space<vmem>>)
          tpu.yield
        }) : () -> ()
        %dma_start3A_205 = arith.constant 0 : i32
        %dma_start3A_206 = arith.constant 0 : i32
        %dma_start3A_207 = tpu.memref_slice %arg11[%dma_start3A_205, %dma_start3A_206] : memref<1x128xi32, #tpu.memory_space<vmem>> -> memref<1x128xi32, #tpu.memory_space<vmem>>
        %dma_start3A_208 = tpu.memref_squeeze %dma_start3A_207 : memref<1x128xi32, #tpu.memory_space<vmem>> -> memref<128xi32, #tpu.memory_space<vmem>>
        %dma_start3A_209 = arith.constant 0 : i32
        %dma_start3A_210 = arith.constant 0 : i32
        %dma_start3A_211 = tpu.memref_slice %arg7[%dma_start3A_209, %dma_start3A_210] : memref<10112x128xf32, #tpu.memory_space<vmem_shared>> -> memref<10112x128xf32, #tpu.memory_space<vmem_shared>>
        tpu.enqueue_indirect_dma source(%dma_start3A_211 : memref<10112x128xf32, #tpu.memory_space<vmem_shared>>) target(%arg8 : memref<128x128xf32, #tpu.memory_space<vmem>>) offsets(%dma_start3A_208 : memref<128xi32, #tpu.memory_space<vmem>>) semaphore(%arg14 : memref<!tpu.dma_semaphore, #tpu.memory_space<semaphore_mem>>)
      } else {
      }
      %mul3A_167 = arith.constant 3 : i32
      %mul3A_168 = arith.muli %scan3A_98, %mul3A_167 : i32
      %add3A_169 = arith.constant 1 : i32
      %add3A_170 = arith.addi %mul3A_168, %add3A_169 : i32
      %mul3A_171 = arith.constant 128 : i32
      %mul3A_172 = arith.muli %add3A_170, %mul3A_171 : i32
      %add3A_173 = arith.addi %mul3A_4, %mul3A_172 : i32
      %dma_wait3A_174 = arith.constant 0 : i32
      %dma_wait3A_175 = tpu.memref_slice %arg6[%add3A_173, %dma_wait3A_174] : memref<331776x128xf32, #tpu.memory_space<hbm>> -> memref<128x128xf32, #tpu.memory_space<hbm>>
      %dma_wait3A_176 = arith.constant 0 : i32
      %dma_wait3A_177 = tpu.memref_slice %arg6[%add3A_173, %dma_wait3A_176] : memref<331776x128xf32, #tpu.memory_space<hbm>> -> memref<128x128xf32, #tpu.memory_space<hbm>>
      tpu.wait_dma2 semaphore(%arg18 : memref<!tpu.dma_semaphore, #tpu.memory_space<semaphore_mem>>) src(%arg9 : memref<128x128xf32, #tpu.memory_space<vmem>>) dst(%dma_wait3A_177 : memref<128x128xf32, #tpu.memory_space<hbm>>)
      %add3A_178 = arith.constant 3 : i32
      %add3A_179 = arith.addi %add3A_170, %add3A_178 : i32
      %lt3A_180 = arith.constant 81 : i32
      %lt3A_181 = arith.cmpi slt, %add3A_179, %lt3A_180 : i32
      %convert_element_type3A_182 = arith.extui %lt3A_181 : i1 to i32
      %cond3A_183 = arith.constant 0 : i32
      %cond3A_184 = arith.cmpi ne, %convert_element_type3A_182, %cond3A_183 : i32
      scf.if %cond3A_184 {
        %add3A_203 = arith.constant 3 : i32
        %add3A_204 = arith.addi %add3A_170, %add3A_203 : i32
        "tpu.region"() ({
          %run_scoped3A_212 = tpu.sem_alloc : memref<!tpu.dma_semaphore, #tpu.memory_space<semaphore_mem>>
          %dma_start3A_213 = arith.constant 0 : i32
          %dma_start3A_214 = arith.constant 0 : i32
          %dma_start3A_215 = tpu.memref_slice %arg3[%add3A, %add3A_204, %dma_start3A_213, %dma_start3A_214] : memref<32x81x1x128xi32, #tpu.memory_space<hbm>> -> memref<1x1x1x128xi32, #tpu.memory_space<hbm>>
          %dma_start3A_216 = tpu.memref_squeeze %dma_start3A_215 : memref<1x1x1x128xi32, #tpu.memory_space<hbm>> -> memref<1x128xi32, #tpu.memory_space<hbm>>
          %dma_start3A_217 = arith.constant 0 : i32
          %dma_start3A_218 = arith.constant 0 : i32
          %dma_start3A_219 = tpu.memref_slice %arg3[%add3A, %add3A_204, %dma_start3A_217, %dma_start3A_218] : memref<32x81x1x128xi32, #tpu.memory_space<hbm>> -> memref<1x1x1x128xi32, #tpu.memory_space<hbm>>
          %dma_start3A_220 = tpu.memref_squeeze %dma_start3A_219 : memref<1x1x1x128xi32, #tpu.memory_space<hbm>> -> memref<1x128xi32, #tpu.memory_space<hbm>>
          tpu.enqueue_dma source(%dma_start3A_220 : memref<1x128xi32, #tpu.memory_space<hbm>>) target(%arg12 : memref<1x128xi32, #tpu.memory_space<vmem>>) target_semaphore(%run_scoped3A_212 : memref<!tpu.dma_semaphore, #tpu.memory_space<semaphore_mem>>)
          %dma_wait3A_221 = arith.constant 0 : i32
          %dma_wait3A_222 = arith.constant 0 : i32
          %dma_wait3A_223 = tpu.memref_slice %arg3[%add3A, %add3A_204, %dma_wait3A_221, %dma_wait3A_222] : memref<32x81x1x128xi32, #tpu.memory_space<hbm>> -> memref<1x1x1x128xi32, #tpu.memory_space<hbm>>
          %dma_wait3A_224 = tpu.memref_squeeze %dma_wait3A_223 : memref<1x1x1x128xi32, #tpu.memory_space<hbm>> -> memref<1x128xi32, #tpu.memory_space<hbm>>
          %dma_wait3A_225 = arith.constant 0 : i32
          %dma_wait3A_226 = arith.constant 0 : i32
          %dma_wait3A_227 = tpu.memref_slice %arg3[%add3A, %add3A_204, %dma_wait3A_225, %dma_wait3A_226] : memref<32x81x1x128xi32, #tpu.memory_space<hbm>> -> memref<1x1x1x128xi32, #tpu.memory_space<hbm>>
          %dma_wait3A_228 = tpu.memref_squeeze %dma_wait3A_227 : memref<1x1x1x128xi32, #tpu.memory_space<hbm>> -> memref<1x128xi32, #tpu.memory_space<hbm>>
          tpu.wait_dma2 semaphore(%run_scoped3A_212 : memref<!tpu.dma_semaphore, #tpu.memory_space<semaphore_mem>>) src(%dma_wait3A_228 : memref<1x128xi32, #tpu.memory_space<hbm>>) dst(%arg12 : memref<1x128xi32, #tpu.memory_space<vmem>>)
          tpu.yield
        }) : () -> ()
        %dma_start3A_205 = arith.constant 0 : i32
        %dma_start3A_206 = arith.constant 0 : i32
        %dma_start3A_207 = tpu.memref_slice %arg12[%dma_start3A_205, %dma_start3A_206] : memref<1x128xi32, #tpu.memory_space<vmem>> -> memref<1x128xi32, #tpu.memory_space<vmem>>
        %dma_start3A_208 = tpu.memref_squeeze %dma_start3A_207 : memref<1x128xi32, #tpu.memory_space<vmem>> -> memref<128xi32, #tpu.memory_space<vmem>>
        %dma_start3A_209 = arith.constant 0 : i32
        %dma_start3A_210 = arith.constant 0 : i32
        %dma_start3A_211 = tpu.memref_slice %arg7[%dma_start3A_209, %dma_start3A_210] : memref<10112x128xf32, #tpu.memory_space<vmem_shared>> -> memref<10112x128xf32, #tpu.memory_space<vmem_shared>>
        tpu.enqueue_indirect_dma source(%dma_start3A_211 : memref<10112x128xf32, #tpu.memory_space<vmem_shared>>) target(%arg9 : memref<128x128xf32, #tpu.memory_space<vmem>>) offsets(%dma_start3A_208 : memref<128xi32, #tpu.memory_space<vmem>>) semaphore(%arg15 : memref<!tpu.dma_semaphore, #tpu.memory_space<semaphore_mem>>)
      } else {
      }
      %mul3A_185 = arith.constant 3 : i32
      %mul3A_186 = arith.muli %scan3A_98, %mul3A_185 : i32
      %add3A_187 = arith.constant 2 : i32
      %add3A_188 = arith.addi %mul3A_186, %add3A_187 : i32
      %mul3A_189 = arith.constant 128 : i32
      %mul3A_190 = arith.muli %add3A_188, %mul3A_189 : i32
      %add3A_191 = arith.addi %mul3A_4, %mul3A_190 : i32
      %dma_wait3A_192 = arith.constant 0 : i32
      %dma_wait3A_193 = tpu.memref_slice %arg6[%add3A_191, %dma_wait3A_192] : memref<331776x128xf32, #tpu.memory_space<hbm>> -> memref<128x128xf32, #tpu.memory_space<hbm>>
      %dma_wait3A_194 = arith.constant 0 : i32
      %dma_wait3A_195 = tpu.memref_slice %arg6[%add3A_191, %dma_wait3A_194] : memref<331776x128xf32, #tpu.memory_space<hbm>> -> memref<128x128xf32, #tpu.memory_space<hbm>>
      tpu.wait_dma2 semaphore(%arg19 : memref<!tpu.dma_semaphore, #tpu.memory_space<semaphore_mem>>) src(%arg10 : memref<128x128xf32, #tpu.memory_space<vmem>>) dst(%dma_wait3A_195 : memref<128x128xf32, #tpu.memory_space<hbm>>)
      %add3A_196 = arith.constant 3 : i32
      %add3A_197 = arith.addi %add3A_188, %add3A_196 : i32
      %lt3A_198 = arith.constant 81 : i32
      %lt3A_199 = arith.cmpi slt, %add3A_197, %lt3A_198 : i32
      %convert_element_type3A_200 = arith.extui %lt3A_199 : i1 to i32
      %cond3A_201 = arith.constant 0 : i32
      %cond3A_202 = arith.cmpi ne, %convert_element_type3A_200, %cond3A_201 : i32
      scf.if %cond3A_202 {
        %add3A_203 = arith.constant 3 : i32
        %add3A_204 = arith.addi %add3A_188, %add3A_203 : i32
        "tpu.region"() ({
          %run_scoped3A_212 = tpu.sem_alloc : memref<!tpu.dma_semaphore, #tpu.memory_space<semaphore_mem>>
          %dma_start3A_213 = arith.constant 0 : i32
          %dma_start3A_214 = arith.constant 0 : i32
          %dma_start3A_215 = tpu.memref_slice %arg3[%add3A, %add3A_204, %dma_start3A_213, %dma_start3A_214] : memref<32x81x1x128xi32, #tpu.memory_space<hbm>> -> memref<1x1x1x128xi32, #tpu.memory_space<hbm>>
          %dma_start3A_216 = tpu.memref_squeeze %dma_start3A_215 : memref<1x1x1x128xi32, #tpu.memory_space<hbm>> -> memref<1x128xi32, #tpu.memory_space<hbm>>
          %dma_start3A_217 = arith.constant 0 : i32
          %dma_start3A_218 = arith.constant 0 : i32
          %dma_start3A_219 = tpu.memref_slice %arg3[%add3A, %add3A_204, %dma_start3A_217, %dma_start3A_218] : memref<32x81x1x128xi32, #tpu.memory_space<hbm>> -> memref<1x1x1x128xi32, #tpu.memory_space<hbm>>
          %dma_start3A_220 = tpu.memref_squeeze %dma_start3A_219 : memref<1x1x1x128xi32, #tpu.memory_space<hbm>> -> memref<1x128xi32, #tpu.memory_space<hbm>>
          tpu.enqueue_dma source(%dma_start3A_220 : memref<1x128xi32, #tpu.memory_space<hbm>>) target(%arg13 : memref<1x128xi32, #tpu.memory_space<vmem>>) target_semaphore(%run_scoped3A_212 : memref<!tpu.dma_semaphore, #tpu.memory_space<semaphore_mem>>)
          %dma_wait3A_221 = arith.constant 0 : i32
          %dma_wait3A_222 = arith.constant 0 : i32
          %dma_wait3A_223 = tpu.memref_slice %arg3[%add3A, %add3A_204, %dma_wait3A_221, %dma_wait3A_222] : memref<32x81x1x128xi32, #tpu.memory_space<hbm>> -> memref<1x1x1x128xi32, #tpu.memory_space<hbm>>
          %dma_wait3A_224 = tpu.memref_squeeze %dma_wait3A_223 : memref<1x1x1x128xi32, #tpu.memory_space<hbm>> -> memref<1x128xi32, #tpu.memory_space<hbm>>
          %dma_wait3A_225 = arith.constant 0 : i32
          %dma_wait3A_226 = arith.constant 0 : i32
          %dma_wait3A_227 = tpu.memref_slice %arg3[%add3A, %add3A_204, %dma_wait3A_225, %dma_wait3A_226] : memref<32x81x1x128xi32, #tpu.memory_space<hbm>> -> memref<1x1x1x128xi32, #tpu.memory_space<hbm>>
          %dma_wait3A_228 = tpu.memref_squeeze %dma_wait3A_227 : memref<1x1x1x128xi32, #tpu.memory_space<hbm>> -> memref<1x128xi32, #tpu.memory_space<hbm>>
          tpu.wait_dma2 semaphore(%run_scoped3A_212 : memref<!tpu.dma_semaphore, #tpu.memory_space<semaphore_mem>>) src(%dma_wait3A_228 : memref<1x128xi32, #tpu.memory_space<hbm>>) dst(%arg13 : memref<1x128xi32, #tpu.memory_space<vmem>>)
          tpu.yield
        }) : () -> ()
        %dma_start3A_205 = arith.constant 0 : i32
        %dma_start3A_206 = arith.constant 0 : i32
        %dma_start3A_207 = tpu.memref_slice %arg13[%dma_start3A_205, %dma_start3A_206] : memref<1x128xi32, #tpu.memory_space<vmem>> -> memref<1x128xi32, #tpu.memory_space<vmem>>
        %dma_start3A_208 = tpu.memref_squeeze %dma_start3A_207 : memref<1x128xi32, #tpu.memory_space<vmem>> -> memref<128xi32, #tpu.memory_space<vmem>>
        %dma_start3A_209 = arith.constant 0 : i32
        %dma_start3A_210 = arith.constant 0 : i32
        %dma_start3A_211 = tpu.memref_slice %arg7[%dma_start3A_209, %dma_start3A_210] : memref<10112x128xf32, #tpu.memory_space<vmem_shared>> -> memref<10112x128xf32, #tpu.memory_space<vmem_shared>>
        tpu.enqueue_indirect_dma source(%dma_start3A_211 : memref<10112x128xf32, #tpu.memory_space<vmem_shared>>) target(%arg10 : memref<128x128xf32, #tpu.memory_space<vmem>>) offsets(%dma_start3A_208 : memref<128xi32, #tpu.memory_space<vmem>>) semaphore(%arg16 : memref<!tpu.dma_semaphore, #tpu.memory_space<semaphore_mem>>)
      } else {
      }
    }
    %scan3A_31 = arith.constant 27 : i32
    %barrier3A_32 = arith.constant 0 : index
    tpu.barrier barrier_id(%barrier3A_32)
    %scan3A_33 = arith.constant 0 : i32
    %scan3A_34 = arith.constant 0 : i32
    %scan3A_35 = arith.constant 1024 : i32
    %scan3A_36 = arith.addi %scan3A_34, %scan3A_35 : i32
    %scan3A_37 = arith.constant 1 : i32
    scf.for %scan3A_98 = %scan3A_34 to %scan3A_36 step %scan3A_37  : i32 {
      %jit3A = arith.constant 8 : i32
      %div3A = arith.divsi %scan3A_98, %jit3A : i32
      %sign3A = arith.constant 0 : i32
      %sign3A_99 = arith.cmpi sgt, %scan3A_98, %sign3A : i32
      %sign3A_100 = arith.extui %sign3A_99 : i1 to i32
      %sign3A_101 = arith.constant 0 : i32
      %sign3A_102 = arith.cmpi slt, %scan3A_98, %sign3A_101 : i32
      %sign3A_103 = arith.extui %sign3A_102 : i1 to i32
      %sign3A_104 = arith.subi %sign3A_100, %sign3A_103 : i32
      %sign3A_105 = arith.constant 0 : i32
      %sign3A_106 = arith.cmpi sgt, %jit3A, %sign3A_105 : i32
      %sign3A_107 = arith.extui %sign3A_106 : i1 to i32
      %sign3A_108 = arith.constant 0 : i32
      %sign3A_109 = arith.cmpi slt, %jit3A, %sign3A_108 : i32
      %sign3A_110 = arith.extui %sign3A_109 : i1 to i32
      %sign3A_111 = arith.subi %sign3A_107, %sign3A_110 : i32
      %ne3A = arith.cmpi ne, %sign3A_104, %sign3A_111 : i32
      %rem3A = arith.remsi %scan3A_98, %jit3A : i32
      %ne3A_112 = arith.constant 0 : i32
      %ne3A_113 = arith.cmpi ne, %rem3A, %ne3A_112 : i32
      %and3A = arith.andi %ne3A, %ne3A_113 : i1
      %sub3A = arith.constant 1 : i32
      %sub3A_114 = arith.subi %div3A, %sub3A : i32
      %select_n3A = arith.select %and3A, %sub3A_114, %div3A : i32
      %jit3A_115 = arith.constant 8 : i32
      %eq3A = arith.constant 0 : i32
      %eq3A_116 = arith.cmpi eq, %jit3A_115, %eq3A : i32
      %jit3A_117 = arith.constant 1 : i32
      %select_n3A_118 = arith.select %eq3A_116, %jit3A_117, %jit3A_115 : i32
      %rem3A_119 = arith.remsi %scan3A_98, %select_n3A_118 : i32
      %ne3A_120 = arith.constant 0 : i32
      %ne3A_121 = arith.cmpi ne, %rem3A_119, %ne3A_120 : i32
      %lt3A = arith.constant 0 : i32
      %lt3A_122 = arith.cmpi slt, %rem3A_119, %lt3A : i32
      %lt3A_123 = arith.constant 0 : i32
      %lt3A_124 = arith.cmpi slt, %select_n3A_118, %lt3A_123 : i32
      %ne3A_125 = arith.xori %lt3A_122, %lt3A_124 : i1
      %and3A_126 = arith.andi %ne3A_125, %ne3A_121 : i1
      %add3A_127 = arith.addi %rem3A_119, %select_n3A_118 : i32
      %select_n3A_128 = arith.select %and3A_126, %add3A_127, %rem3A_119 : i32
      %mul3A_129 = arith.constant 16 : i32
      %mul3A_130 = arith.muli %select_n3A_128, %mul3A_129 : i32
      %broadcast_in_dim3A = arith.constant 0.000000e+00 : f32
      %broadcast_in_dim3A_131 = vector.broadcast %broadcast_in_dim3A : f32 to vector<16xf32>
      %swap3A = arith.index_cast %select_n3A : i32 to index
      %swap3A_132 = arith.index_cast %mul3A_130 : i32 to index
      %swap3A_133 = tpu.vector_load %arg8[%swap3A, %swap3A_132] {strides = array<i32>} : memref<128x128xf32, #tpu.memory_space<vmem>>, vector<1x16xf32>,
      %swap3A_134 = vector.shape_cast %swap3A_133 : vector<1x16xf32> to vector<16xf32>
      %swap3A_135 = vector.shape_cast %broadcast_in_dim3A_131 : vector<16xf32> to vector<1x16xf32>
      tpu.vector_store %arg8[%swap3A, %swap3A_132], %swap3A_135 {strides = array<i32>} : memref<128x128xf32, #tpu.memory_space<vmem>>, vector<1x16xf32>,
    }
    %scan3A_38 = arith.constant 1024 : i32
    %add3A_39 = arith.constant 0 : i32
    %add3A_40 = arith.addi %mul3A_2, %add3A_39 : i32
    "tpu.region"() ({
      %run_scoped3A_98 = tpu.sem_alloc : memref<!tpu.dma_semaphore, #tpu.memory_space<semaphore_mem>>
      %dma_start3A_99 = arith.constant 0 : i32
      %dma_start3A_100 = tpu.memref_slice %arg7[%add3A_40, %dma_start3A_99] : memref<10112x128xf32, #tpu.memory_space<vmem_shared>> -> memref<128x128xf32, #tpu.memory_space<vmem_shared>>
      %dma_start3A_101 = arith.constant 0 : i32
      %dma_start3A_102 = tpu.memref_slice %arg7[%add3A_40, %dma_start3A_101] : memref<10112x128xf32, #tpu.memory_space<vmem_shared>> -> memref<128x128xf32, #tpu.memory_space<vmem_shared>>
      tpu.enqueue_dma source(%arg8 : memref<128x128xf32, #tpu.memory_space<vmem>>) target(%dma_start3A_102 : memref<128x128xf32, #tpu.memory_space<vmem_shared>>) target_semaphore(%run_scoped3A_98 : memref<!tpu.dma_semaphore, #tpu.memory_space<semaphore_mem>>)
      %dma_wait3A = arith.constant 0 : i32
      %dma_wait3A_103 = tpu.memref_slice %arg7[%add3A_40, %dma_wait3A] : memref<10112x128xf32, #tpu.memory_space<vmem_shared>> -> memref<128x128xf32, #tpu.memory_space<vmem_shared>>
      %dma_wait3A_104 = arith.constant 0 : i32
      %dma_wait3A_105 = tpu.memref_slice %arg7[%add3A_40, %dma_wait3A_104] : memref<10112x128xf32, #tpu.memory_space<vmem_shared>> -> memref<128x128xf32, #tpu.memory_space<vmem_shared>>
      tpu.wait_dma2 semaphore(%run_scoped3A_98 : memref<!tpu.dma_semaphore, #tpu.memory_space<semaphore_mem>>) src(%arg8 : memref<128x128xf32, #tpu.memory_space<vmem>>) dst(%dma_wait3A_105 : memref<128x128xf32, #tpu.memory_space<vmem_shared>>)
      tpu.yield
    }) : () -> ()
    %add3A_41 = arith.constant 128 : i32
    %add3A_42 = arith.addi %mul3A_2, %add3A_41 : i32
    "tpu.region"() ({
      %run_scoped3A_98 = tpu.sem_alloc : memref<!tpu.dma_semaphore, #tpu.memory_space<semaphore_mem>>
      %dma_start3A_99 = arith.constant 0 : i32
      %dma_start3A_100 = tpu.memref_slice %arg7[%add3A_42, %dma_start3A_99] : memref<10112x128xf32, #tpu.memory_space<vmem_shared>> -> memref<128x128xf32, #tpu.memory_space<vmem_shared>>
      %dma_start3A_101 = arith.constant 0 : i32
      %dma_start3A_102 = tpu.memref_slice %arg7[%add3A_42, %dma_start3A_101] : memref<10112x128xf32, #tpu.memory_space<vmem_shared>> -> memref<128x128xf32, #tpu.memory_space<vmem_shared>>
      tpu.enqueue_dma source(%arg8 : memref<128x128xf32, #tpu.memory_space<vmem>>) target(%dma_start3A_102 : memref<128x128xf32, #tpu.memory_space<vmem_shared>>) target_semaphore(%run_scoped3A_98 : memref<!tpu.dma_semaphore, #tpu.memory_space<semaphore_mem>>)
      %dma_wait3A = arith.constant 0 : i32
      %dma_wait3A_103 = tpu.memref_slice %arg7[%add3A_42, %dma_wait3A] : memref<10112x128xf32, #tpu.memory_space<vmem_shared>> -> memref<128x128xf32, #tpu.memory_space<vmem_shared>>
      %dma_wait3A_104 = arith.constant 0 : i32
      %dma_wait3A_105 = tpu.memref_slice %arg7[%add3A_42, %dma_wait3A_104] : memref<10112x128xf32, #tpu.memory_space<vmem_shared>> -> memref<128x128xf32, #tpu.memory_space<vmem_shared>>
      tpu.wait_dma2 semaphore(%run_scoped3A_98 : memref<!tpu.dma_semaphore, #tpu.memory_space<semaphore_mem>>) src(%arg8 : memref<128x128xf32, #tpu.memory_space<vmem>>) dst(%dma_wait3A_105 : memref<128x128xf32, #tpu.memory_space<vmem_shared>>)
      tpu.yield
    }) : () -> ()
    %add3A_43 = arith.constant 256 : i32
    %add3A_44 = arith.addi %mul3A_2, %add3A_43 : i32
    "tpu.region"() ({
      %run_scoped3A_98 = tpu.sem_alloc : memref<!tpu.dma_semaphore, #tpu.memory_space<semaphore_mem>>
      %dma_start3A_99 = arith.constant 0 : i32
      %dma_start3A_100 = tpu.memref_slice %arg7[%add3A_44, %dma_start3A_99] : memref<10112x128xf32, #tpu.memory_space<vmem_shared>> -> memref<128x128xf32, #tpu.memory_space<vmem_shared>>
      %dma_start3A_101 = arith.constant 0 : i32
      %dma_start3A_102 = tpu.memref_slice %arg7[%add3A_44, %dma_start3A_101] : memref<10112x128xf32, #tpu.memory_space<vmem_shared>> -> memref<128x128xf32, #tpu.memory_space<vmem_shared>>
      tpu.enqueue_dma source(%arg8 : memref<128x128xf32, #tpu.memory_space<vmem>>) target(%dma_start3A_102 : memref<128x128xf32, #tpu.memory_space<vmem_shared>>) target_semaphore(%run_scoped3A_98 : memref<!tpu.dma_semaphore, #tpu.memory_space<semaphore_mem>>)
      %dma_wait3A = arith.constant 0 : i32
      %dma_wait3A_103 = tpu.memref_slice %arg7[%add3A_44, %dma_wait3A] : memref<10112x128xf32, #tpu.memory_space<vmem_shared>> -> memref<128x128xf32, #tpu.memory_space<vmem_shared>>
      %dma_wait3A_104 = arith.constant 0 : i32
      %dma_wait3A_105 = tpu.memref_slice %arg7[%add3A_44, %dma_wait3A_104] : memref<10112x128xf32, #tpu.memory_space<vmem_shared>> -> memref<128x128xf32, #tpu.memory_space<vmem_shared>>
      tpu.wait_dma2 semaphore(%run_scoped3A_98 : memref<!tpu.dma_semaphore, #tpu.memory_space<semaphore_mem>>) src(%arg8 : memref<128x128xf32, #tpu.memory_space<vmem>>) dst(%dma_wait3A_105 : memref<128x128xf32, #tpu.memory_space<vmem_shared>>)
      tpu.yield
    }) : () -> ()
    %add3A_45 = arith.constant 384 : i32
    %add3A_46 = arith.addi %mul3A_2, %add3A_45 : i32
    "tpu.region"() ({
      %run_scoped3A_98 = tpu.sem_alloc : memref<!tpu.dma_semaphore, #tpu.memory_space<semaphore_mem>>
      %dma_start3A_99 = arith.constant 0 : i32
      %dma_start3A_100 = tpu.memref_slice %arg7[%add3A_46, %dma_start3A_99] : memref<10112x128xf32, #tpu.memory_space<vmem_shared>> -> memref<128x128xf32, #tpu.memory_space<vmem_shared>>
      %dma_start3A_101 = arith.constant 0 : i32
      %dma_start3A_102 = tpu.memref_slice %arg7[%add3A_46, %dma_start3A_101] : memref<10112x128xf32, #tpu.memory_space<vmem_shared>> -> memref<128x128xf32, #tpu.memory_space<vmem_shared>>
      tpu.enqueue_dma source(%arg8 : memref<128x128xf32, #tpu.memory_space<vmem>>) target(%dma_start3A_102 : memref<128x128xf32, #tpu.memory_space<vmem_shared>>) target_semaphore(%run_scoped3A_98 : memref<!tpu.dma_semaphore, #tpu.memory_space<semaphore_mem>>)
      %dma_wait3A = arith.constant 0 : i32
      %dma_wait3A_103 = tpu.memref_slice %arg7[%add3A_46, %dma_wait3A] : memref<10112x128xf32, #tpu.memory_space<vmem_shared>> -> memref<128x128xf32, #tpu.memory_space<vmem_shared>>
      %dma_wait3A_104 = arith.constant 0 : i32
      %dma_wait3A_105 = tpu.memref_slice %arg7[%add3A_46, %dma_wait3A_104] : memref<10112x128xf32, #tpu.memory_space<vmem_shared>> -> memref<128x128xf32, #tpu.memory_space<vmem_shared>>
      tpu.wait_dma2 semaphore(%run_scoped3A_98 : memref<!tpu.dma_semaphore, #tpu.memory_space<semaphore_mem>>) src(%arg8 : memref<128x128xf32, #tpu.memory_space<vmem>>) dst(%dma_wait3A_105 : memref<128x128xf32, #tpu.memory_space<vmem_shared>>)
      tpu.yield
    }) : () -> ()
    %add3A_47 = arith.constant 512 : i32
    %add3A_48 = arith.addi %mul3A_2, %add3A_47 : i32
    "tpu.region"() ({
      %run_scoped3A_98 = tpu.sem_alloc : memref<!tpu.dma_semaphore, #tpu.memory_space<semaphore_mem>>
      %dma_start3A_99 = arith.constant 0 : i32
      %dma_start3A_100 = arith.constant 0 : i32
      %dma_start3A_101 = tpu.memref_slice %arg8[%dma_start3A_99, %dma_start3A_100] : memref<128x128xf32, #tpu.memory_space<vmem>> -> memref<120x128xf32, #tpu.memory_space<vmem>>
      %dma_start3A_102 = arith.constant 0 : i32
      %dma_start3A_103 = tpu.memref_slice %arg7[%add3A_48, %dma_start3A_102] : memref<10112x128xf32, #tpu.memory_space<vmem_shared>> -> memref<120x128xf32, #tpu.memory_space<vmem_shared>>
      %dma_start3A_104 = arith.constant 0 : i32
      %dma_start3A_105 = tpu.memref_slice %arg7[%add3A_48, %dma_start3A_104] : memref<10112x128xf32, #tpu.memory_space<vmem_shared>> -> memref<120x128xf32, #tpu.memory_space<vmem_shared>>
      %dma_start3A_106 = arith.constant 0 : i32
      %dma_start3A_107 = arith.constant 0 : i32
      %dma_start3A_108 = tpu.memref_slice %arg8[%dma_start3A_106, %dma_start3A_107] : memref<128x128xf32, #tpu.memory_space<vmem>> -> memref<120x128xf32, #tpu.memory_space<vmem>>
      tpu.enqueue_dma source(%dma_start3A_108 : memref<120x128xf32, #tpu.memory_space<vmem>>) target(%dma_start3A_105 : memref<120x128xf32, #tpu.memory_space<vmem_shared>>) target_semaphore(%run_scoped3A_98 : memref<!tpu.dma_semaphore, #tpu.memory_space<semaphore_mem>>)
      %dma_wait3A = arith.constant 0 : i32
      %dma_wait3A_109 = arith.constant 0 : i32
      %dma_wait3A_110 = tpu.memref_slice %arg8[%dma_wait3A, %dma_wait3A_109] : memref<128x128xf32, #tpu.memory_space<vmem>> -> memref<120x128xf32, #tpu.memory_space<vmem>>
      %dma_wait3A_111 = arith.constant 0 : i32
      %dma_wait3A_112 = tpu.memref_slice %arg7[%add3A_48, %dma_wait3A_111] : memref<10112x128xf32, #tpu.memory_space<vmem_shared>> -> memref<120x128xf32, #tpu.memory_space<vmem_shared>>
      %dma_wait3A_113 = arith.constant 0 : i32
      %dma_wait3A_114 = tpu.memref_slice %arg7[%add3A_48, %dma_wait3A_113] : memref<10112x128xf32, #tpu.memory_space<vmem_shared>> -> memref<120x128xf32, #tpu.memory_space<vmem_shared>>
      %dma_wait3A_115 = arith.constant 0 : i32
      %dma_wait3A_116 = arith.constant 0 : i32
      %dma_wait3A_117 = tpu.memref_slice %arg8[%dma_wait3A_115, %dma_wait3A_116] : memref<128x128xf32, #tpu.memory_space<vmem>> -> memref<120x128xf32, #tpu.memory_space<vmem>>
      tpu.wait_dma2 semaphore(%run_scoped3A_98 : memref<!tpu.dma_semaphore, #tpu.memory_space<semaphore_mem>>) src(%dma_wait3A_117 : memref<120x128xf32, #tpu.memory_space<vmem>>) dst(%dma_wait3A_114 : memref<120x128xf32, #tpu.memory_space<vmem_shared>>)
      tpu.yield
    }) : () -> ()
    %barrier3A_49 = arith.constant 0 : index
    tpu.barrier barrier_id(%barrier3A_49)
    %run_scoped3A_50 = arith.constant 0 : i32
    "tpu.region"() ({
      %run_scoped3A_98 = tpu.sem_alloc : memref<!tpu.dma_semaphore, #tpu.memory_space<semaphore_mem>>
      %dma_start3A_99 = arith.constant 0 : i32
      %dma_start3A_100 = arith.constant 0 : i32
      %dma_start3A_101 = tpu.memref_slice %arg4[%add3A, %run_scoped3A_50, %dma_start3A_99, %dma_start3A_100] : memref<32x81x1x128xi32, #tpu.memory_space<hbm>> -> memref<1x1x1x128xi32, #tpu.memory_space<hbm>>
      %dma_start3A_102 = tpu.memref_squeeze %dma_start3A_101 : memref<1x1x1x128xi32, #tpu.memory_space<hbm>> -> memref<1x128xi32, #tpu.memory_space<hbm>>
      %dma_start3A_103 = arith.constant 0 : i32
      %dma_start3A_104 = arith.constant 0 : i32
      %dma_start3A_105 = tpu.memref_slice %arg4[%add3A, %run_scoped3A_50, %dma_start3A_103, %dma_start3A_104] : memref<32x81x1x128xi32, #tpu.memory_space<hbm>> -> memref<1x1x1x128xi32, #tpu.memory_space<hbm>>
      %dma_start3A_106 = tpu.memref_squeeze %dma_start3A_105 : memref<1x1x1x128xi32, #tpu.memory_space<hbm>> -> memref<1x128xi32, #tpu.memory_space<hbm>>
      tpu.enqueue_dma source(%dma_start3A_106 : memref<1x128xi32, #tpu.memory_space<hbm>>) target(%arg11 : memref<1x128xi32, #tpu.memory_space<vmem>>) target_semaphore(%run_scoped3A_98 : memref<!tpu.dma_semaphore, #tpu.memory_space<semaphore_mem>>)
      %dma_wait3A = arith.constant 0 : i32
      %dma_wait3A_107 = arith.constant 0 : i32
      %dma_wait3A_108 = tpu.memref_slice %arg4[%add3A, %run_scoped3A_50, %dma_wait3A, %dma_wait3A_107] : memref<32x81x1x128xi32, #tpu.memory_space<hbm>> -> memref<1x1x1x128xi32, #tpu.memory_space<hbm>>
      %dma_wait3A_109 = tpu.memref_squeeze %dma_wait3A_108 : memref<1x1x1x128xi32, #tpu.memory_space<hbm>> -> memref<1x128xi32, #tpu.memory_space<hbm>>
      %dma_wait3A_110 = arith.constant 0 : i32
      %dma_wait3A_111 = arith.constant 0 : i32
      %dma_wait3A_112 = tpu.memref_slice %arg4[%add3A, %run_scoped3A_50, %dma_wait3A_110, %dma_wait3A_111] : memref<32x81x1x128xi32, #tpu.memory_space<hbm>> -> memref<1x1x1x128xi32, #tpu.memory_space<hbm>>
      %dma_wait3A_113 = tpu.memref_squeeze %dma_wait3A_112 : memref<1x1x1x128xi32, #tpu.memory_space<hbm>> -> memref<1x128xi32, #tpu.memory_space<hbm>>
      tpu.wait_dma2 semaphore(%run_scoped3A_98 : memref<!tpu.dma_semaphore, #tpu.memory_space<semaphore_mem>>) src(%dma_wait3A_113 : memref<1x128xi32, #tpu.memory_space<hbm>>) dst(%arg11 : memref<1x128xi32, #tpu.memory_space<vmem>>)
      tpu.yield
    }) : () -> ()
    %add3A_51 = arith.constant 0 : i32
    %add3A_52 = arith.addi %mul3A_4, %add3A_51 : i32
    %dma_start3A_53 = arith.constant 0 : i32
    %dma_start3A_54 = tpu.memref_slice %arg6[%add3A_52, %dma_start3A_53] : memref<331776x128xf32, #tpu.memory_space<hbm>> -> memref<128x128xf32, #tpu.memory_space<hbm>>
    %dma_start3A_55 = arith.constant 0 : i32
    %dma_start3A_56 = tpu.memref_slice %arg6[%add3A_52, %dma_start3A_55] : memref<331776x128xf32, #tpu.memory_space<hbm>> -> memref<128x128xf32, #tpu.memory_space<hbm>>
    tpu.enqueue_dma source(%dma_start3A_56 : memref<128x128xf32, #tpu.memory_space<hbm>>) target(%arg8 : memref<128x128xf32, #tpu.memory_space<vmem>>) target_semaphore(%arg14 : memref<!tpu.dma_semaphore, #tpu.memory_space<semaphore_mem>>)
    %run_scoped3A_57 = arith.constant 1 : i32
    "tpu.region"() ({
      %run_scoped3A_98 = tpu.sem_alloc : memref<!tpu.dma_semaphore, #tpu.memory_space<semaphore_mem>>
      %dma_start3A_99 = arith.constant 0 : i32
      %dma_start3A_100 = arith.constant 0 : i32
      %dma_start3A_101 = tpu.memref_slice %arg4[%add3A, %run_scoped3A_57, %dma_start3A_99, %dma_start3A_100] : memref<32x81x1x128xi32, #tpu.memory_space<hbm>> -> memref<1x1x1x128xi32, #tpu.memory_space<hbm>>
      %dma_start3A_102 = tpu.memref_squeeze %dma_start3A_101 : memref<1x1x1x128xi32, #tpu.memory_space<hbm>> -> memref<1x128xi32, #tpu.memory_space<hbm>>
      %dma_start3A_103 = arith.constant 0 : i32
      %dma_start3A_104 = arith.constant 0 : i32
      %dma_start3A_105 = tpu.memref_slice %arg4[%add3A, %run_scoped3A_57, %dma_start3A_103, %dma_start3A_104] : memref<32x81x1x128xi32, #tpu.memory_space<hbm>> -> memref<1x1x1x128xi32, #tpu.memory_space<hbm>>
      %dma_start3A_106 = tpu.memref_squeeze %dma_start3A_105 : memref<1x1x1x128xi32, #tpu.memory_space<hbm>> -> memref<1x128xi32, #tpu.memory_space<hbm>>
      tpu.enqueue_dma source(%dma_start3A_106 : memref<1x128xi32, #tpu.memory_space<hbm>>) target(%arg12 : memref<1x128xi32, #tpu.memory_space<vmem>>) target_semaphore(%run_scoped3A_98 : memref<!tpu.dma_semaphore, #tpu.memory_space<semaphore_mem>>)
      %dma_wait3A = arith.constant 0 : i32
      %dma_wait3A_107 = arith.constant 0 : i32
      %dma_wait3A_108 = tpu.memref_slice %arg4[%add3A, %run_scoped3A_57, %dma_wait3A, %dma_wait3A_107] : memref<32x81x1x128xi32, #tpu.memory_space<hbm>> -> memref<1x1x1x128xi32, #tpu.memory_space<hbm>>
      %dma_wait3A_109 = tpu.memref_squeeze %dma_wait3A_108 : memref<1x1x1x128xi32, #tpu.memory_space<hbm>> -> memref<1x128xi32, #tpu.memory_space<hbm>>
      %dma_wait3A_110 = arith.constant 0 : i32
      %dma_wait3A_111 = arith.constant 0 : i32
      %dma_wait3A_112 = tpu.memref_slice %arg4[%add3A, %run_scoped3A_57, %dma_wait3A_110, %dma_wait3A_111] : memref<32x81x1x128xi32, #tpu.memory_space<hbm>> -> memref<1x1x1x128xi32, #tpu.memory_space<hbm>>
      %dma_wait3A_113 = tpu.memref_squeeze %dma_wait3A_112 : memref<1x1x1x128xi32, #tpu.memory_space<hbm>> -> memref<1x128xi32, #tpu.memory_space<hbm>>
      tpu.wait_dma2 semaphore(%run_scoped3A_98 : memref<!tpu.dma_semaphore, #tpu.memory_space<semaphore_mem>>) src(%dma_wait3A_113 : memref<1x128xi32, #tpu.memory_space<hbm>>) dst(%arg12 : memref<1x128xi32, #tpu.memory_space<vmem>>)
      tpu.yield
    }) : () -> ()
    %add3A_58 = arith.constant 128 : i32
    %add3A_59 = arith.addi %mul3A_4, %add3A_58 : i32
    %dma_start3A_60 = arith.constant 0 : i32
    %dma_start3A_61 = tpu.memref_slice %arg6[%add3A_59, %dma_start3A_60] : memref<331776x128xf32, #tpu.memory_space<hbm>> -> memref<128x128xf32, #tpu.memory_space<hbm>>
    %dma_start3A_62 = arith.constant 0 : i32
    %dma_start3A_63 = tpu.memref_slice %arg6[%add3A_59, %dma_start3A_62] : memref<331776x128xf32, #tpu.memory_space<hbm>> -> memref<128x128xf32, #tpu.memory_space<hbm>>
    tpu.enqueue_dma source(%dma_start3A_63 : memref<128x128xf32, #tpu.memory_space<hbm>>) target(%arg9 : memref<128x128xf32, #tpu.memory_space<vmem>>) target_semaphore(%arg15 : memref<!tpu.dma_semaphore, #tpu.memory_space<semaphore_mem>>)
    %run_scoped3A_64 = arith.constant 2 : i32
    "tpu.region"() ({
      %run_scoped3A_98 = tpu.sem_alloc : memref<!tpu.dma_semaphore, #tpu.memory_space<semaphore_mem>>
      %dma_start3A_99 = arith.constant 0 : i32
      %dma_start3A_100 = arith.constant 0 : i32
      %dma_start3A_101 = tpu.memref_slice %arg4[%add3A, %run_scoped3A_64, %dma_start3A_99, %dma_start3A_100] : memref<32x81x1x128xi32, #tpu.memory_space<hbm>> -> memref<1x1x1x128xi32, #tpu.memory_space<hbm>>
      %dma_start3A_102 = tpu.memref_squeeze %dma_start3A_101 : memref<1x1x1x128xi32, #tpu.memory_space<hbm>> -> memref<1x128xi32, #tpu.memory_space<hbm>>
      %dma_start3A_103 = arith.constant 0 : i32
      %dma_start3A_104 = arith.constant 0 : i32
      %dma_start3A_105 = tpu.memref_slice %arg4[%add3A, %run_scoped3A_64, %dma_start3A_103, %dma_start3A_104] : memref<32x81x1x128xi32, #tpu.memory_space<hbm>> -> memref<1x1x1x128xi32, #tpu.memory_space<hbm>>
      %dma_start3A_106 = tpu.memref_squeeze %dma_start3A_105 : memref<1x1x1x128xi32, #tpu.memory_space<hbm>> -> memref<1x128xi32, #tpu.memory_space<hbm>>
      tpu.enqueue_dma source(%dma_start3A_106 : memref<1x128xi32, #tpu.memory_space<hbm>>) target(%arg13 : memref<1x128xi32, #tpu.memory_space<vmem>>) target_semaphore(%run_scoped3A_98 : memref<!tpu.dma_semaphore, #tpu.memory_space<semaphore_mem>>)
      %dma_wait3A = arith.constant 0 : i32
      %dma_wait3A_107 = arith.constant 0 : i32
      %dma_wait3A_108 = tpu.memref_slice %arg4[%add3A, %run_scoped3A_64, %dma_wait3A, %dma_wait3A_107] : memref<32x81x1x128xi32, #tpu.memory_space<hbm>> -> memref<1x1x1x128xi32, #tpu.memory_space<hbm>>
      %dma_wait3A_109 = tpu.memref_squeeze %dma_wait3A_108 : memref<1x1x1x128xi32, #tpu.memory_space<hbm>> -> memref<1x128xi32, #tpu.memory_space<hbm>>
      %dma_wait3A_110 = arith.constant 0 : i32
      %dma_wait3A_111 = arith.constant 0 : i32
      %dma_wait3A_112 = tpu.memref_slice %arg4[%add3A, %run_scoped3A_64, %dma_wait3A_110, %dma_wait3A_111] : memref<32x81x1x128xi32, #tpu.memory_space<hbm>> -> memref<1x1x1x128xi32, #tpu.memory_space<hbm>>
      %dma_wait3A_113 = tpu.memref_squeeze %dma_wait3A_112 : memref<1x1x1x128xi32, #tpu.memory_space<hbm>> -> memref<1x128xi32, #tpu.memory_space<hbm>>
      tpu.wait_dma2 semaphore(%run_scoped3A_98 : memref<!tpu.dma_semaphore, #tpu.memory_space<semaphore_mem>>) src(%dma_wait3A_113 : memref<1x128xi32, #tpu.memory_space<hbm>>) dst(%arg13 : memref<1x128xi32, #tpu.memory_space<vmem>>)
      tpu.yield
    }) : () -> ()
    %add3A_65 = arith.constant 256 : i32
    %add3A_66 = arith.addi %mul3A_4, %add3A_65 : i32
    %dma_start3A_67 = arith.constant 0 : i32
    %dma_start3A_68 = tpu.memref_slice %arg6[%add3A_66, %dma_start3A_67] : memref<331776x128xf32, #tpu.memory_space<hbm>> -> memref<128x128xf32, #tpu.memory_space<hbm>>
    %dma_start3A_69 = arith.constant 0 : i32
    %dma_start3A_70 = tpu.memref_slice %arg6[%add3A_66, %dma_start3A_69] : memref<331776x128xf32, #tpu.memory_space<hbm>> -> memref<128x128xf32, #tpu.memory_space<hbm>>
    tpu.enqueue_dma source(%dma_start3A_70 : memref<128x128xf32, #tpu.memory_space<hbm>>) target(%arg10 : memref<128x128xf32, #tpu.memory_space<vmem>>) target_semaphore(%arg16 : memref<!tpu.dma_semaphore, #tpu.memory_space<semaphore_mem>>)
    %scan3A_71 = arith.constant 0 : i32
    %scan3A_72 = arith.constant 0 : i32
    %scan3A_73 = arith.constant 27 : i32
    %scan3A_74 = arith.addi %scan3A_72, %scan3A_73 : i32
    %scan3A_75 = arith.constant 1 : i32
    scf.for %scan3A_98 = %scan3A_72 to %scan3A_74 step %scan3A_75  : i32 {
      %mul3A_99 = arith.constant 3 : i32
      %mul3A_100 = arith.muli %scan3A_98, %mul3A_99 : i32
      %add3A_101 = arith.constant 0 : i32
      %add3A_102 = arith.addi %mul3A_100, %add3A_101 : i32
      %mul3A_103 = arith.constant 128 : i32
      %mul3A_104 = arith.muli %add3A_102, %mul3A_103 : i32
      %add3A_105 = arith.addi %mul3A_4, %mul3A_104 : i32
      %dma_wait3A = arith.constant 0 : i32
      %dma_wait3A_106 = tpu.memref_slice %arg6[%add3A_105, %dma_wait3A] : memref<331776x128xf32, #tpu.memory_space<hbm>> -> memref<128x128xf32, #tpu.memory_space<hbm>>
      %dma_wait3A_107 = arith.constant 0 : i32
      %dma_wait3A_108 = tpu.memref_slice %arg6[%add3A_105, %dma_wait3A_107] : memref<331776x128xf32, #tpu.memory_space<hbm>> -> memref<128x128xf32, #tpu.memory_space<hbm>>
      tpu.wait_dma2 semaphore(%arg14 : memref<!tpu.dma_semaphore, #tpu.memory_space<semaphore_mem>>) src(%dma_wait3A_108 : memref<128x128xf32, #tpu.memory_space<hbm>>) dst(%arg8 : memref<128x128xf32, #tpu.memory_space<vmem>>)
      %dma_start3A_109 = arith.constant 0 : i32
      %dma_start3A_110 = arith.constant 0 : i32
      %dma_start3A_111 = tpu.memref_slice %arg11[%dma_start3A_109, %dma_start3A_110] : memref<1x128xi32, #tpu.memory_space<vmem>> -> memref<1x128xi32, #tpu.memory_space<vmem>>
      %dma_start3A_112 = tpu.memref_squeeze %dma_start3A_111 : memref<1x128xi32, #tpu.memory_space<vmem>> -> memref<128xi32, #tpu.memory_space<vmem>>
      %dma_start3A_113 = arith.constant 0 : i32
      %dma_start3A_114 = arith.constant 0 : i32
      %dma_start3A_115 = tpu.memref_slice %arg7[%dma_start3A_113, %dma_start3A_114] : memref<10112x128xf32, #tpu.memory_space<vmem_shared>> -> memref<10112x128xf32, #tpu.memory_space<vmem_shared>>
      tpu.enqueue_indirect_dma source(%arg8 : memref<128x128xf32, #tpu.memory_space<vmem>>) target(%dma_start3A_115 : memref<10112x128xf32, #tpu.memory_space<vmem_shared>>) offsets(%dma_start3A_112 : memref<128xi32, #tpu.memory_space<vmem>>) semaphore(%arg17 : memref<!tpu.dma_semaphore, #tpu.memory_space<semaphore_mem>>) {add = true}
      %mul3A_116 = arith.constant 3 : i32
      %mul3A_117 = arith.muli %scan3A_98, %mul3A_116 : i32
      %add3A_118 = arith.constant 1 : i32
      %add3A_119 = arith.addi %mul3A_117, %add3A_118 : i32
      %mul3A_120 = arith.constant 128 : i32
      %mul3A_121 = arith.muli %add3A_119, %mul3A_120 : i32
      %add3A_122 = arith.addi %mul3A_4, %mul3A_121 : i32
      %dma_wait3A_123 = arith.constant 0 : i32
      %dma_wait3A_124 = tpu.memref_slice %arg6[%add3A_122, %dma_wait3A_123] : memref<331776x128xf32, #tpu.memory_space<hbm>> -> memref<128x128xf32, #tpu.memory_space<hbm>>
      %dma_wait3A_125 = arith.constant 0 : i32
      %dma_wait3A_126 = tpu.memref_slice %arg6[%add3A_122, %dma_wait3A_125] : memref<331776x128xf32, #tpu.memory_space<hbm>> -> memref<128x128xf32, #tpu.memory_space<hbm>>
      tpu.wait_dma2 semaphore(%arg15 : memref<!tpu.dma_semaphore, #tpu.memory_space<semaphore_mem>>) src(%dma_wait3A_126 : memref<128x128xf32, #tpu.memory_space<hbm>>) dst(%arg9 : memref<128x128xf32, #tpu.memory_space<vmem>>)
      %dma_start3A_127 = arith.constant 0 : i32
      %dma_start3A_128 = arith.constant 0 : i32
      %dma_start3A_129 = tpu.memref_slice %arg12[%dma_start3A_127, %dma_start3A_128] : memref<1x128xi32, #tpu.memory_space<vmem>> -> memref<1x128xi32, #tpu.memory_space<vmem>>
      %dma_start3A_130 = tpu.memref_squeeze %dma_start3A_129 : memref<1x128xi32, #tpu.memory_space<vmem>> -> memref<128xi32, #tpu.memory_space<vmem>>
      %dma_start3A_131 = arith.constant 0 : i32
      %dma_start3A_132 = arith.constant 0 : i32
      %dma_start3A_133 = tpu.memref_slice %arg7[%dma_start3A_131, %dma_start3A_132] : memref<10112x128xf32, #tpu.memory_space<vmem_shared>> -> memref<10112x128xf32, #tpu.memory_space<vmem_shared>>
      tpu.enqueue_indirect_dma source(%arg9 : memref<128x128xf32, #tpu.memory_space<vmem>>) target(%dma_start3A_133 : memref<10112x128xf32, #tpu.memory_space<vmem_shared>>) offsets(%dma_start3A_130 : memref<128xi32, #tpu.memory_space<vmem>>) semaphore(%arg18 : memref<!tpu.dma_semaphore, #tpu.memory_space<semaphore_mem>>) {add = true}
      %mul3A_134 = arith.constant 3 : i32
      %mul3A_135 = arith.muli %scan3A_98, %mul3A_134 : i32
      %add3A_136 = arith.constant 2 : i32
      %add3A_137 = arith.addi %mul3A_135, %add3A_136 : i32
      %mul3A_138 = arith.constant 128 : i32
      %mul3A_139 = arith.muli %add3A_137, %mul3A_138 : i32
      %add3A_140 = arith.addi %mul3A_4, %mul3A_139 : i32
      %dma_wait3A_141 = arith.constant 0 : i32
      %dma_wait3A_142 = tpu.memref_slice %arg6[%add3A_140, %dma_wait3A_141] : memref<331776x128xf32, #tpu.memory_space<hbm>> -> memref<128x128xf32, #tpu.memory_space<hbm>>
      %dma_wait3A_143 = arith.constant 0 : i32
      %dma_wait3A_144 = tpu.memref_slice %arg6[%add3A_140, %dma_wait3A_143] : memref<331776x128xf32, #tpu.memory_space<hbm>> -> memref<128x128xf32, #tpu.memory_space<hbm>>
      tpu.wait_dma2 semaphore(%arg16 : memref<!tpu.dma_semaphore, #tpu.memory_space<semaphore_mem>>) src(%dma_wait3A_144 : memref<128x128xf32, #tpu.memory_space<hbm>>) dst(%arg10 : memref<128x128xf32, #tpu.memory_space<vmem>>)
      %dma_start3A_145 = arith.constant 0 : i32
      %dma_start3A_146 = arith.constant 0 : i32
      %dma_start3A_147 = tpu.memref_slice %arg13[%dma_start3A_145, %dma_start3A_146] : memref<1x128xi32, #tpu.memory_space<vmem>> -> memref<1x128xi32, #tpu.memory_space<vmem>>
      %dma_start3A_148 = tpu.memref_squeeze %dma_start3A_147 : memref<1x128xi32, #tpu.memory_space<vmem>> -> memref<128xi32, #tpu.memory_space<vmem>>
      %dma_start3A_149 = arith.constant 0 : i32
      %dma_start3A_150 = arith.constant 0 : i32
      %dma_start3A_151 = tpu.memref_slice %arg7[%dma_start3A_149, %dma_start3A_150] : memref<10112x128xf32, #tpu.memory_space<vmem_shared>> -> memref<10112x128xf32, #tpu.memory_space<vmem_shared>>
      tpu.enqueue_indirect_dma source(%arg10 : memref<128x128xf32, #tpu.memory_space<vmem>>) target(%dma_start3A_151 : memref<10112x128xf32, #tpu.memory_space<vmem_shared>>) offsets(%dma_start3A_148 : memref<128xi32, #tpu.memory_space<vmem>>) semaphore(%arg19 : memref<!tpu.dma_semaphore, #tpu.memory_space<semaphore_mem>>) {add = true}
      %mul3A_152 = arith.constant 3 : i32
      %mul3A_153 = arith.muli %scan3A_98, %mul3A_152 : i32
      %add3A_154 = arith.constant 0 : i32
      %add3A_155 = arith.addi %mul3A_153, %add3A_154 : i32
      %dma_wait3A_156 = arith.constant 0 : i32
      %dma_wait3A_157 = arith.constant 0 : i32
      %dma_wait3A_158 = tpu.memref_slice %arg11[%dma_wait3A_156, %dma_wait3A_157] : memref<1x128xi32, #tpu.memory_space<vmem>> -> memref<1x128xi32, #tpu.memory_space<vmem>>
      %dma_wait3A_159 = tpu.memref_squeeze %dma_wait3A_158 : memref<1x128xi32, #tpu.memory_space<vmem>> -> memref<128xi32, #tpu.memory_space<vmem>>
      %dma_wait3A_160 = arith.constant 0 : i32
      %dma_wait3A_161 = arith.constant 0 : i32
      %dma_wait3A_162 = tpu.memref_slice %arg7[%dma_wait3A_160, %dma_wait3A_161] : memref<10112x128xf32, #tpu.memory_space<vmem_shared>> -> memref<10112x128xf32, #tpu.memory_space<vmem_shared>>
      tpu.wait_indirect_dma semaphore(%arg17 : memref<!tpu.dma_semaphore, #tpu.memory_space<semaphore_mem>>) src(%arg8 : memref<128x128xf32, #tpu.memory_space<vmem>>) dst(%dma_wait3A_162 : memref<10112x128xf32, #tpu.memory_space<vmem_shared>>)
      %add3A_163 = arith.constant 3 : i32
      %add3A_164 = arith.addi %add3A_155, %add3A_163 : i32
      %lt3A = arith.constant 81 : i32
      %lt3A_165 = arith.cmpi slt, %add3A_164, %lt3A : i32
      %convert_element_type3A = arith.extui %lt3A_165 : i1 to i32
      %cond3A = arith.constant 0 : i32
      %cond3A_166 = arith.cmpi ne, %convert_element_type3A, %cond3A : i32
      scf.if %cond3A_166 {
        %add3A_203 = arith.constant 3 : i32
        %add3A_204 = arith.addi %add3A_155, %add3A_203 : i32
        "tpu.region"() ({
          %run_scoped3A_214 = tpu.sem_alloc : memref<!tpu.dma_semaphore, #tpu.memory_space<semaphore_mem>>
          %dma_start3A_215 = arith.constant 0 : i32
          %dma_start3A_216 = arith.constant 0 : i32
          %dma_start3A_217 = tpu.memref_slice %arg4[%add3A, %add3A_204, %dma_start3A_215, %dma_start3A_216] : memref<32x81x1x128xi32, #tpu.memory_space<hbm>> -> memref<1x1x1x128xi32, #tpu.memory_space<hbm>>
          %dma_start3A_218 = tpu.memref_squeeze %dma_start3A_217 : memref<1x1x1x128xi32, #tpu.memory_space<hbm>> -> memref<1x128xi32, #tpu.memory_space<hbm>>
          %dma_start3A_219 = arith.constant 0 : i32
          %dma_start3A_220 = arith.constant 0 : i32
          %dma_start3A_221 = tpu.memref_slice %arg4[%add3A, %add3A_204, %dma_start3A_219, %dma_start3A_220] : memref<32x81x1x128xi32, #tpu.memory_space<hbm>> -> memref<1x1x1x128xi32, #tpu.memory_space<hbm>>
          %dma_start3A_222 = tpu.memref_squeeze %dma_start3A_221 : memref<1x1x1x128xi32, #tpu.memory_space<hbm>> -> memref<1x128xi32, #tpu.memory_space<hbm>>
          tpu.enqueue_dma source(%dma_start3A_222 : memref<1x128xi32, #tpu.memory_space<hbm>>) target(%arg11 : memref<1x128xi32, #tpu.memory_space<vmem>>) target_semaphore(%run_scoped3A_214 : memref<!tpu.dma_semaphore, #tpu.memory_space<semaphore_mem>>)
          %dma_wait3A_223 = arith.constant 0 : i32
          %dma_wait3A_224 = arith.constant 0 : i32
          %dma_wait3A_225 = tpu.memref_slice %arg4[%add3A, %add3A_204, %dma_wait3A_223, %dma_wait3A_224] : memref<32x81x1x128xi32, #tpu.memory_space<hbm>> -> memref<1x1x1x128xi32, #tpu.memory_space<hbm>>
          %dma_wait3A_226 = tpu.memref_squeeze %dma_wait3A_225 : memref<1x1x1x128xi32, #tpu.memory_space<hbm>> -> memref<1x128xi32, #tpu.memory_space<hbm>>
          %dma_wait3A_227 = arith.constant 0 : i32
          %dma_wait3A_228 = arith.constant 0 : i32
          %dma_wait3A_229 = tpu.memref_slice %arg4[%add3A, %add3A_204, %dma_wait3A_227, %dma_wait3A_228] : memref<32x81x1x128xi32, #tpu.memory_space<hbm>> -> memref<1x1x1x128xi32, #tpu.memory_space<hbm>>
          %dma_wait3A_230 = tpu.memref_squeeze %dma_wait3A_229 : memref<1x1x1x128xi32, #tpu.memory_space<hbm>> -> memref<1x128xi32, #tpu.memory_space<hbm>>
          tpu.wait_dma2 semaphore(%run_scoped3A_214 : memref<!tpu.dma_semaphore, #tpu.memory_space<semaphore_mem>>) src(%dma_wait3A_230 : memref<1x128xi32, #tpu.memory_space<hbm>>) dst(%arg11 : memref<1x128xi32, #tpu.memory_space<vmem>>)
          tpu.yield
        }) : () -> ()
        %add3A_205 = arith.constant 3 : i32
        %add3A_206 = arith.addi %add3A_155, %add3A_205 : i32
        %mul3A_207 = arith.constant 128 : i32
        %mul3A_208 = arith.muli %add3A_206, %mul3A_207 : i32
        %add3A_209 = arith.addi %mul3A_4, %mul3A_208 : i32
        %dma_start3A_210 = arith.constant 0 : i32
        %dma_start3A_211 = tpu.memref_slice %arg6[%add3A_209, %dma_start3A_210] : memref<331776x128xf32, #tpu.memory_space<hbm>> -> memref<128x128xf32, #tpu.memory_space<hbm>>
        %dma_start3A_212 = arith.constant 0 : i32
        %dma_start3A_213 = tpu.memref_slice %arg6[%add3A_209, %dma_start3A_212] : memref<331776x128xf32, #tpu.memory_space<hbm>> -> memref<128x128xf32, #tpu.memory_space<hbm>>
        tpu.enqueue_dma source(%dma_start3A_213 : memref<128x128xf32, #tpu.memory_space<hbm>>) target(%arg8 : memref<128x128xf32, #tpu.memory_space<vmem>>) target_semaphore(%arg14 : memref<!tpu.dma_semaphore, #tpu.memory_space<semaphore_mem>>)
      } else {
      }
      %mul3A_167 = arith.constant 3 : i32
      %mul3A_168 = arith.muli %scan3A_98, %mul3A_167 : i32
      %add3A_169 = arith.constant 1 : i32
      %add3A_170 = arith.addi %mul3A_168, %add3A_169 : i32
      %dma_wait3A_171 = arith.constant 0 : i32
      %dma_wait3A_172 = arith.constant 0 : i32
      %dma_wait3A_173 = tpu.memref_slice %arg12[%dma_wait3A_171, %dma_wait3A_172] : memref<1x128xi32, #tpu.memory_space<vmem>> -> memref<1x128xi32, #tpu.memory_space<vmem>>
      %dma_wait3A_174 = tpu.memref_squeeze %dma_wait3A_173 : memref<1x128xi32, #tpu.memory_space<vmem>> -> memref<128xi32, #tpu.memory_space<vmem>>
      %dma_wait3A_175 = arith.constant 0 : i32
      %dma_wait3A_176 = arith.constant 0 : i32
      %dma_wait3A_177 = tpu.memref_slice %arg7[%dma_wait3A_175, %dma_wait3A_176] : memref<10112x128xf32, #tpu.memory_space<vmem_shared>> -> memref<10112x128xf32, #tpu.memory_space<vmem_shared>>
      tpu.wait_indirect_dma semaphore(%arg18 : memref<!tpu.dma_semaphore, #tpu.memory_space<semaphore_mem>>) src(%arg9 : memref<128x128xf32, #tpu.memory_space<vmem>>) dst(%dma_wait3A_177 : memref<10112x128xf32, #tpu.memory_space<vmem_shared>>)
      %add3A_178 = arith.constant 3 : i32
      %add3A_179 = arith.addi %add3A_170, %add3A_178 : i32
      %lt3A_180 = arith.constant 81 : i32
      %lt3A_181 = arith.cmpi slt, %add3A_179, %lt3A_180 : i32
      %convert_element_type3A_182 = arith.extui %lt3A_181 : i1 to i32
      %cond3A_183 = arith.constant 0 : i32
      %cond3A_184 = arith.cmpi ne, %convert_element_type3A_182, %cond3A_183 : i32
      scf.if %cond3A_184 {
        %add3A_203 = arith.constant 3 : i32
        %add3A_204 = arith.addi %add3A_170, %add3A_203 : i32
        "tpu.region"() ({
          %run_scoped3A_214 = tpu.sem_alloc : memref<!tpu.dma_semaphore, #tpu.memory_space<semaphore_mem>>
          %dma_start3A_215 = arith.constant 0 : i32
          %dma_start3A_216 = arith.constant 0 : i32
          %dma_start3A_217 = tpu.memref_slice %arg4[%add3A, %add3A_204, %dma_start3A_215, %dma_start3A_216] : memref<32x81x1x128xi32, #tpu.memory_space<hbm>> -> memref<1x1x1x128xi32, #tpu.memory_space<hbm>>
          %dma_start3A_218 = tpu.memref_squeeze %dma_start3A_217 : memref<1x1x1x128xi32, #tpu.memory_space<hbm>> -> memref<1x128xi32, #tpu.memory_space<hbm>>
          %dma_start3A_219 = arith.constant 0 : i32
          %dma_start3A_220 = arith.constant 0 : i32
          %dma_start3A_221 = tpu.memref_slice %arg4[%add3A, %add3A_204, %dma_start3A_219, %dma_start3A_220] : memref<32x81x1x128xi32, #tpu.memory_space<hbm>> -> memref<1x1x1x128xi32, #tpu.memory_space<hbm>>
          %dma_start3A_222 = tpu.memref_squeeze %dma_start3A_221 : memref<1x1x1x128xi32, #tpu.memory_space<hbm>> -> memref<1x128xi32, #tpu.memory_space<hbm>>
          tpu.enqueue_dma source(%dma_start3A_222 : memref<1x128xi32, #tpu.memory_space<hbm>>) target(%arg12 : memref<1x128xi32, #tpu.memory_space<vmem>>) target_semaphore(%run_scoped3A_214 : memref<!tpu.dma_semaphore, #tpu.memory_space<semaphore_mem>>)
          %dma_wait3A_223 = arith.constant 0 : i32
          %dma_wait3A_224 = arith.constant 0 : i32
          %dma_wait3A_225 = tpu.memref_slice %arg4[%add3A, %add3A_204, %dma_wait3A_223, %dma_wait3A_224] : memref<32x81x1x128xi32, #tpu.memory_space<hbm>> -> memref<1x1x1x128xi32, #tpu.memory_space<hbm>>
          %dma_wait3A_226 = tpu.memref_squeeze %dma_wait3A_225 : memref<1x1x1x128xi32, #tpu.memory_space<hbm>> -> memref<1x128xi32, #tpu.memory_space<hbm>>
          %dma_wait3A_227 = arith.constant 0 : i32
          %dma_wait3A_228 = arith.constant 0 : i32
          %dma_wait3A_229 = tpu.memref_slice %arg4[%add3A, %add3A_204, %dma_wait3A_227, %dma_wait3A_228] : memref<32x81x1x128xi32, #tpu.memory_space<hbm>> -> memref<1x1x1x128xi32, #tpu.memory_space<hbm>>
          %dma_wait3A_230 = tpu.memref_squeeze %dma_wait3A_229 : memref<1x1x1x128xi32, #tpu.memory_space<hbm>> -> memref<1x128xi32, #tpu.memory_space<hbm>>
          tpu.wait_dma2 semaphore(%run_scoped3A_214 : memref<!tpu.dma_semaphore, #tpu.memory_space<semaphore_mem>>) src(%dma_wait3A_230 : memref<1x128xi32, #tpu.memory_space<hbm>>) dst(%arg12 : memref<1x128xi32, #tpu.memory_space<vmem>>)
          tpu.yield
        }) : () -> ()
        %add3A_205 = arith.constant 3 : i32
        %add3A_206 = arith.addi %add3A_170, %add3A_205 : i32
        %mul3A_207 = arith.constant 128 : i32
        %mul3A_208 = arith.muli %add3A_206, %mul3A_207 : i32
        %add3A_209 = arith.addi %mul3A_4, %mul3A_208 : i32
        %dma_start3A_210 = arith.constant 0 : i32
        %dma_start3A_211 = tpu.memref_slice %arg6[%add3A_209, %dma_start3A_210] : memref<331776x128xf32, #tpu.memory_space<hbm>> -> memref<128x128xf32, #tpu.memory_space<hbm>>
        %dma_start3A_212 = arith.constant 0 : i32
        %dma_start3A_213 = tpu.memref_slice %arg6[%add3A_209, %dma_start3A_212] : memref<331776x128xf32, #tpu.memory_space<hbm>> -> memref<128x128xf32, #tpu.memory_space<hbm>>
        tpu.enqueue_dma source(%dma_start3A_213 : memref<128x128xf32, #tpu.memory_space<hbm>>) target(%arg9 : memref<128x128xf32, #tpu.memory_space<vmem>>) target_semaphore(%arg15 : memref<!tpu.dma_semaphore, #tpu.memory_space<semaphore_mem>>)
      } else {
      }
      %mul3A_185 = arith.constant 3 : i32
      %mul3A_186 = arith.muli %scan3A_98, %mul3A_185 : i32
      %add3A_187 = arith.constant 2 : i32
      %add3A_188 = arith.addi %mul3A_186, %add3A_187 : i32
      %dma_wait3A_189 = arith.constant 0 : i32
      %dma_wait3A_190 = arith.constant 0 : i32
      %dma_wait3A_191 = tpu.memref_slice %arg13[%dma_wait3A_189, %dma_wait3A_190] : memref<1x128xi32, #tpu.memory_space<vmem>> -> memref<1x128xi32, #tpu.memory_space<vmem>>
      %dma_wait3A_192 = tpu.memref_squeeze %dma_wait3A_191 : memref<1x128xi32, #tpu.memory_space<vmem>> -> memref<128xi32, #tpu.memory_space<vmem>>
      %dma_wait3A_193 = arith.constant 0 : i32
      %dma_wait3A_194 = arith.constant 0 : i32
      %dma_wait3A_195 = tpu.memref_slice %arg7[%dma_wait3A_193, %dma_wait3A_194] : memref<10112x128xf32, #tpu.memory_space<vmem_shared>> -> memref<10112x128xf32, #tpu.memory_space<vmem_shared>>
      tpu.wait_indirect_dma semaphore(%arg19 : memref<!tpu.dma_semaphore, #tpu.memory_space<semaphore_mem>>) src(%arg10 : memref<128x128xf32, #tpu.memory_space<vmem>>) dst(%dma_wait3A_195 : memref<10112x128xf32, #tpu.memory_space<vmem_shared>>)
      %add3A_196 = arith.constant 3 : i32
      %add3A_197 = arith.addi %add3A_188, %add3A_196 : i32
      %lt3A_198 = arith.constant 81 : i32
      %lt3A_199 = arith.cmpi slt, %add3A_197, %lt3A_198 : i32
      %convert_element_type3A_200 = arith.extui %lt3A_199 : i1 to i32
      %cond3A_201 = arith.constant 0 : i32
      %cond3A_202 = arith.cmpi ne, %convert_element_type3A_200, %cond3A_201 : i32
      scf.if %cond3A_202 {
        %add3A_203 = arith.constant 3 : i32
        %add3A_204 = arith.addi %add3A_188, %add3A_203 : i32
        "tpu.region"() ({
          %run_scoped3A_214 = tpu.sem_alloc : memref<!tpu.dma_semaphore, #tpu.memory_space<semaphore_mem>>
          %dma_start3A_215 = arith.constant 0 : i32
          %dma_start3A_216 = arith.constant 0 : i32
          %dma_start3A_217 = tpu.memref_slice %arg4[%add3A, %add3A_204, %dma_start3A_215, %dma_start3A_216] : memref<32x81x1x128xi32, #tpu.memory_space<hbm>> -> memref<1x1x1x128xi32, #tpu.memory_space<hbm>>
          %dma_start3A_218 = tpu.memref_squeeze %dma_start3A_217 : memref<1x1x1x128xi32, #tpu.memory_space<hbm>> -> memref<1x128xi32, #tpu.memory_space<hbm>>
          %dma_start3A_219 = arith.constant 0 : i32
          %dma_start3A_220 = arith.constant 0 : i32
          %dma_start3A_221 = tpu.memref_slice %arg4[%add3A, %add3A_204, %dma_start3A_219, %dma_start3A_220] : memref<32x81x1x128xi32, #tpu.memory_space<hbm>> -> memref<1x1x1x128xi32, #tpu.memory_space<hbm>>
          %dma_start3A_222 = tpu.memref_squeeze %dma_start3A_221 : memref<1x1x1x128xi32, #tpu.memory_space<hbm>> -> memref<1x128xi32, #tpu.memory_space<hbm>>
          tpu.enqueue_dma source(%dma_start3A_222 : memref<1x128xi32, #tpu.memory_space<hbm>>) target(%arg13 : memref<1x128xi32, #tpu.memory_space<vmem>>) target_semaphore(%run_scoped3A_214 : memref<!tpu.dma_semaphore, #tpu.memory_space<semaphore_mem>>)
          %dma_wait3A_223 = arith.constant 0 : i32
          %dma_wait3A_224 = arith.constant 0 : i32
          %dma_wait3A_225 = tpu.memref_slice %arg4[%add3A, %add3A_204, %dma_wait3A_223, %dma_wait3A_224] : memref<32x81x1x128xi32, #tpu.memory_space<hbm>> -> memref<1x1x1x128xi32, #tpu.memory_space<hbm>>
          %dma_wait3A_226 = tpu.memref_squeeze %dma_wait3A_225 : memref<1x1x1x128xi32, #tpu.memory_space<hbm>> -> memref<1x128xi32, #tpu.memory_space<hbm>>
          %dma_wait3A_227 = arith.constant 0 : i32
          %dma_wait3A_228 = arith.constant 0 : i32
          %dma_wait3A_229 = tpu.memref_slice %arg4[%add3A, %add3A_204, %dma_wait3A_227, %dma_wait3A_228] : memref<32x81x1x128xi32, #tpu.memory_space<hbm>> -> memref<1x1x1x128xi32, #tpu.memory_space<hbm>>
          %dma_wait3A_230 = tpu.memref_squeeze %dma_wait3A_229 : memref<1x1x1x128xi32, #tpu.memory_space<hbm>> -> memref<1x128xi32, #tpu.memory_space<hbm>>
          tpu.wait_dma2 semaphore(%run_scoped3A_214 : memref<!tpu.dma_semaphore, #tpu.memory_space<semaphore_mem>>) src(%dma_wait3A_230 : memref<1x128xi32, #tpu.memory_space<hbm>>) dst(%arg13 : memref<1x128xi32, #tpu.memory_space<vmem>>)
          tpu.yield
        }) : () -> ()
        %add3A_205 = arith.constant 3 : i32
        %add3A_206 = arith.addi %add3A_188, %add3A_205 : i32
        %mul3A_207 = arith.constant 128 : i32
        %mul3A_208 = arith.muli %add3A_206, %mul3A_207 : i32
        %add3A_209 = arith.addi %mul3A_4, %mul3A_208 : i32
        %dma_start3A_210 = arith.constant 0 : i32
        %dma_start3A_211 = tpu.memref_slice %arg6[%add3A_209, %dma_start3A_210] : memref<331776x128xf32, #tpu.memory_space<hbm>> -> memref<128x128xf32, #tpu.memory_space<hbm>>
        %dma_start3A_212 = arith.constant 0 : i32
        %dma_start3A_213 = tpu.memref_slice %arg6[%add3A_209, %dma_start3A_212] : memref<331776x128xf32, #tpu.memory_space<hbm>> -> memref<128x128xf32, #tpu.memory_space<hbm>>
        tpu.enqueue_dma source(%dma_start3A_213 : memref<128x128xf32, #tpu.memory_space<hbm>>) target(%arg10 : memref<128x128xf32, #tpu.memory_space<vmem>>) target_semaphore(%arg16 : memref<!tpu.dma_semaphore, #tpu.memory_space<semaphore_mem>>)
      } else {
      }
    }
    %scan3A_76 = arith.constant 27 : i32
    %barrier3A_77 = arith.constant 0 : index
    tpu.barrier barrier_id(%barrier3A_77)
    %add3A_78 = arith.constant 0 : i32
    %add3A_79 = arith.addi %mul3A_2, %add3A_78 : i32
    "tpu.region"() ({
      %run_scoped3A_98 = tpu.sem_alloc : memref<!tpu.dma_semaphore, #tpu.memory_space<semaphore_mem>>
      %dma_start3A_99 = arith.constant 0 : i32
      %dma_start3A_100 = tpu.memref_slice %arg7[%add3A_79, %dma_start3A_99] : memref<10112x128xf32, #tpu.memory_space<vmem_shared>> -> memref<128x128xf32, #tpu.memory_space<vmem_shared>>
      %dma_start3A_101 = arith.constant 0 : i32
      %dma_start3A_102 = tpu.memref_slice %arg7[%add3A_79, %dma_start3A_101] : memref<10112x128xf32, #tpu.memory_space<vmem_shared>> -> memref<128x128xf32, #tpu.memory_space<vmem_shared>>
      tpu.enqueue_dma source(%dma_start3A_102 : memref<128x128xf32, #tpu.memory_space<vmem_shared>>) target(%arg8 : memref<128x128xf32, #tpu.memory_space<vmem>>) target_semaphore(%run_scoped3A_98 : memref<!tpu.dma_semaphore, #tpu.memory_space<semaphore_mem>>)
      %dma_wait3A = arith.constant 0 : i32
      %dma_wait3A_103 = tpu.memref_slice %arg7[%add3A_79, %dma_wait3A] : memref<10112x128xf32, #tpu.memory_space<vmem_shared>> -> memref<128x128xf32, #tpu.memory_space<vmem_shared>>
      %dma_wait3A_104 = arith.constant 0 : i32
      %dma_wait3A_105 = tpu.memref_slice %arg7[%add3A_79, %dma_wait3A_104] : memref<10112x128xf32, #tpu.memory_space<vmem_shared>> -> memref<128x128xf32, #tpu.memory_space<vmem_shared>>
      tpu.wait_dma2 semaphore(%run_scoped3A_98 : memref<!tpu.dma_semaphore, #tpu.memory_space<semaphore_mem>>) src(%dma_wait3A_105 : memref<128x128xf32, #tpu.memory_space<vmem_shared>>) dst(%arg8 : memref<128x128xf32, #tpu.memory_space<vmem>>)
      tpu.yield
    }) : () -> ()
    %add3A_80 = arith.constant 0 : i32
    %add3A_81 = arith.addi %mul3A_2, %add3A_80 : i32
    "tpu.region"() ({
      %run_scoped3A_98 = tpu.sem_alloc : memref<!tpu.dma_semaphore, #tpu.memory_space<semaphore_mem>>
      %dma_start3A_99 = arith.constant 0 : i32
      %dma_start3A_100 = tpu.memref_slice %arg5[%arg0, %add3A_81, %dma_start3A_99] : memref<2x10112x128xf32, #tpu.memory_space<hbm>> -> memref<1x128x128xf32, #tpu.memory_space<hbm>>
      %dma_start3A_101 = tpu.memref_squeeze %dma_start3A_100 : memref<1x128x128xf32, #tpu.memory_space<hbm>> -> memref<128x128xf32, #tpu.memory_space<hbm>>
      %dma_start3A_102 = arith.constant 0 : i32
      %dma_start3A_103 = tpu.memref_slice %arg5[%arg0, %add3A_81, %dma_start3A_102] : memref<2x10112x128xf32, #tpu.memory_space<hbm>> -> memref<1x128x128xf32, #tpu.memory_space<hbm>>
      %dma_start3A_104 = tpu.memref_squeeze %dma_start3A_103 : memref<1x128x128xf32, #tpu.memory_space<hbm>> -> memref<128x128xf32, #tpu.memory_space<hbm>>
      tpu.enqueue_dma source(%arg8 : memref<128x128xf32, #tpu.memory_space<vmem>>) target(%dma_start3A_104 : memref<128x128xf32, #tpu.memory_space<hbm>>) target_semaphore(%run_scoped3A_98 : memref<!tpu.dma_semaphore, #tpu.memory_space<semaphore_mem>>)
      %dma_wait3A = arith.constant 0 : i32
      %dma_wait3A_105 = tpu.memref_slice %arg5[%arg0, %add3A_81, %dma_wait3A] : memref<2x10112x128xf32, #tpu.memory_space<hbm>> -> memref<1x128x128xf32, #tpu.memory_space<hbm>>
      %dma_wait3A_106 = tpu.memref_squeeze %dma_wait3A_105 : memref<1x128x128xf32, #tpu.memory_space<hbm>> -> memref<128x128xf32, #tpu.memory_space<hbm>>
      %dma_wait3A_107 = arith.constant 0 : i32
      %dma_wait3A_108 = tpu.memref_slice %arg5[%arg0, %add3A_81, %dma_wait3A_107] : memref<2x10112x128xf32, #tpu.memory_space<hbm>> -> memref<1x128x128xf32, #tpu.memory_space<hbm>>
      %dma_wait3A_109 = tpu.memref_squeeze %dma_wait3A_108 : memref<1x128x128xf32, #tpu.memory_space<hbm>> -> memref<128x128xf32, #tpu.memory_space<hbm>>
      tpu.wait_dma2 semaphore(%run_scoped3A_98 : memref<!tpu.dma_semaphore, #tpu.memory_space<semaphore_mem>>) src(%arg8 : memref<128x128xf32, #tpu.memory_space<vmem>>) dst(%dma_wait3A_109 : memref<128x128xf32, #tpu.memory_space<hbm>>)
      tpu.yield
    }) : () -> ()
    %add3A_82 = arith.constant 128 : i32
    %add3A_83 = arith.addi %mul3A_2, %add3A_82 : i32
    "tpu.region"() ({
      %run_scoped3A_98 = tpu.sem_alloc : memref<!tpu.dma_semaphore, #tpu.memory_space<semaphore_mem>>
      %dma_start3A_99 = arith.constant 0 : i32
      %dma_start3A_100 = tpu.memref_slice %arg7[%add3A_83, %dma_start3A_99] : memref<10112x128xf32, #tpu.memory_space<vmem_shared>> -> memref<128x128xf32, #tpu.memory_space<vmem_shared>>
      %dma_start3A_101 = arith.constant 0 : i32
      %dma_start3A_102 = tpu.memref_slice %arg7[%add3A_83, %dma_start3A_101] : memref<10112x128xf32, #tpu.memory_space<vmem_shared>> -> memref<128x128xf32, #tpu.memory_space<vmem_shared>>
      tpu.enqueue_dma source(%dma_start3A_102 : memref<128x128xf32, #tpu.memory_space<vmem_shared>>) target(%arg8 : memref<128x128xf32, #tpu.memory_space<vmem>>) target_semaphore(%run_scoped3A_98 : memref<!tpu.dma_semaphore, #tpu.memory_space<semaphore_mem>>)
      %dma_wait3A = arith.constant 0 : i32
      %dma_wait3A_103 = tpu.memref_slice %arg7[%add3A_83, %dma_wait3A] : memref<10112x128xf32, #tpu.memory_space<vmem_shared>> -> memref<128x128xf32, #tpu.memory_space<vmem_shared>>
      %dma_wait3A_104 = arith.constant 0 : i32
      %dma_wait3A_105 = tpu.memref_slice %arg7[%add3A_83, %dma_wait3A_104] : memref<10112x128xf32, #tpu.memory_space<vmem_shared>> -> memref<128x128xf32, #tpu.memory_space<vmem_shared>>
      tpu.wait_dma2 semaphore(%run_scoped3A_98 : memref<!tpu.dma_semaphore, #tpu.memory_space<semaphore_mem>>) src(%dma_wait3A_105 : memref<128x128xf32, #tpu.memory_space<vmem_shared>>) dst(%arg8 : memref<128x128xf32, #tpu.memory_space<vmem>>)
      tpu.yield
    }) : () -> ()
    %add3A_84 = arith.constant 128 : i32
    %add3A_85 = arith.addi %mul3A_2, %add3A_84 : i32
    "tpu.region"() ({
      %run_scoped3A_98 = tpu.sem_alloc : memref<!tpu.dma_semaphore, #tpu.memory_space<semaphore_mem>>
      %dma_start3A_99 = arith.constant 0 : i32
      %dma_start3A_100 = tpu.memref_slice %arg5[%arg0, %add3A_85, %dma_start3A_99] : memref<2x10112x128xf32, #tpu.memory_space<hbm>> -> memref<1x128x128xf32, #tpu.memory_space<hbm>>
      %dma_start3A_101 = tpu.memref_squeeze %dma_start3A_100 : memref<1x128x128xf32, #tpu.memory_space<hbm>> -> memref<128x128xf32, #tpu.memory_space<hbm>>
      %dma_start3A_102 = arith.constant 0 : i32
      %dma_start3A_103 = tpu.memref_slice %arg5[%arg0, %add3A_85, %dma_start3A_102] : memref<2x10112x128xf32, #tpu.memory_space<hbm>> -> memref<1x128x128xf32, #tpu.memory_space<hbm>>
      %dma_start3A_104 = tpu.memref_squeeze %dma_start3A_103 : memref<1x128x128xf32, #tpu.memory_space<hbm>> -> memref<128x128xf32, #tpu.memory_space<hbm>>
      tpu.enqueue_dma source(%arg8 : memref<128x128xf32, #tpu.memory_space<vmem>>) target(%dma_start3A_104 : memref<128x128xf32, #tpu.memory_space<hbm>>) target_semaphore(%run_scoped3A_98 : memref<!tpu.dma_semaphore, #tpu.memory_space<semaphore_mem>>)
      %dma_wait3A = arith.constant 0 : i32
      %dma_wait3A_105 = tpu.memref_slice %arg5[%arg0, %add3A_85, %dma_wait3A] : memref<2x10112x128xf32, #tpu.memory_space<hbm>> -> memref<1x128x128xf32, #tpu.memory_space<hbm>>
      %dma_wait3A_106 = tpu.memref_squeeze %dma_wait3A_105 : memref<1x128x128xf32, #tpu.memory_space<hbm>> -> memref<128x128xf32, #tpu.memory_space<hbm>>
      %dma_wait3A_107 = arith.constant 0 : i32
      %dma_wait3A_108 = tpu.memref_slice %arg5[%arg0, %add3A_85, %dma_wait3A_107] : memref<2x10112x128xf32, #tpu.memory_space<hbm>> -> memref<1x128x128xf32, #tpu.memory_space<hbm>>
      %dma_wait3A_109 = tpu.memref_squeeze %dma_wait3A_108 : memref<1x128x128xf32, #tpu.memory_space<hbm>> -> memref<128x128xf32, #tpu.memory_space<hbm>>
      tpu.wait_dma2 semaphore(%run_scoped3A_98 : memref<!tpu.dma_semaphore, #tpu.memory_space<semaphore_mem>>) src(%arg8 : memref<128x128xf32, #tpu.memory_space<vmem>>) dst(%dma_wait3A_109 : memref<128x128xf32, #tpu.memory_space<hbm>>)
      tpu.yield
    }) : () -> ()
    %add3A_86 = arith.constant 256 : i32
    %add3A_87 = arith.addi %mul3A_2, %add3A_86 : i32
    "tpu.region"() ({
      %run_scoped3A_98 = tpu.sem_alloc : memref<!tpu.dma_semaphore, #tpu.memory_space<semaphore_mem>>
      %dma_start3A_99 = arith.constant 0 : i32
      %dma_start3A_100 = tpu.memref_slice %arg7[%add3A_87, %dma_start3A_99] : memref<10112x128xf32, #tpu.memory_space<vmem_shared>> -> memref<128x128xf32, #tpu.memory_space<vmem_shared>>
      %dma_start3A_101 = arith.constant 0 : i32
      %dma_start3A_102 = tpu.memref_slice %arg7[%add3A_87, %dma_start3A_101] : memref<10112x128xf32, #tpu.memory_space<vmem_shared>> -> memref<128x128xf32, #tpu.memory_space<vmem_shared>>
      tpu.enqueue_dma source(%dma_start3A_102 : memref<128x128xf32, #tpu.memory_space<vmem_shared>>) target(%arg8 : memref<128x128xf32, #tpu.memory_space<vmem>>) target_semaphore(%run_scoped3A_98 : memref<!tpu.dma_semaphore, #tpu.memory_space<semaphore_mem>>)
      %dma_wait3A = arith.constant 0 : i32
      %dma_wait3A_103 = tpu.memref_slice %arg7[%add3A_87, %dma_wait3A] : memref<10112x128xf32, #tpu.memory_space<vmem_shared>> -> memref<128x128xf32, #tpu.memory_space<vmem_shared>>
      %dma_wait3A_104 = arith.constant 0 : i32
      %dma_wait3A_105 = tpu.memref_slice %arg7[%add3A_87, %dma_wait3A_104] : memref<10112x128xf32, #tpu.memory_space<vmem_shared>> -> memref<128x128xf32, #tpu.memory_space<vmem_shared>>
      tpu.wait_dma2 semaphore(%run_scoped3A_98 : memref<!tpu.dma_semaphore, #tpu.memory_space<semaphore_mem>>) src(%dma_wait3A_105 : memref<128x128xf32, #tpu.memory_space<vmem_shared>>) dst(%arg8 : memref<128x128xf32, #tpu.memory_space<vmem>>)
      tpu.yield
    }) : () -> ()
    %add3A_88 = arith.constant 256 : i32
    %add3A_89 = arith.addi %mul3A_2, %add3A_88 : i32
    "tpu.region"() ({
      %run_scoped3A_98 = tpu.sem_alloc : memref<!tpu.dma_semaphore, #tpu.memory_space<semaphore_mem>>
      %dma_start3A_99 = arith.constant 0 : i32
      %dma_start3A_100 = tpu.memref_slice %arg5[%arg0, %add3A_89, %dma_start3A_99] : memref<2x10112x128xf32, #tpu.memory_space<hbm>> -> memref<1x128x128xf32, #tpu.memory_space<hbm>>
      %dma_start3A_101 = tpu.memref_squeeze %dma_start3A_100 : memref<1x128x128xf32, #tpu.memory_space<hbm>> -> memref<128x128xf32, #tpu.memory_space<hbm>>
      %dma_start3A_102 = arith.constant 0 : i32
      %dma_start3A_103 = tpu.memref_slice %arg5[%arg0, %add3A_89, %dma_start3A_102] : memref<2x10112x128xf32, #tpu.memory_space<hbm>> -> memref<1x128x128xf32, #tpu.memory_space<hbm>>
      %dma_start3A_104 = tpu.memref_squeeze %dma_start3A_103 : memref<1x128x128xf32, #tpu.memory_space<hbm>> -> memref<128x128xf32, #tpu.memory_space<hbm>>
      tpu.enqueue_dma source(%arg8 : memref<128x128xf32, #tpu.memory_space<vmem>>) target(%dma_start3A_104 : memref<128x128xf32, #tpu.memory_space<hbm>>) target_semaphore(%run_scoped3A_98 : memref<!tpu.dma_semaphore, #tpu.memory_space<semaphore_mem>>)
      %dma_wait3A = arith.constant 0 : i32
      %dma_wait3A_105 = tpu.memref_slice %arg5[%arg0, %add3A_89, %dma_wait3A] : memref<2x10112x128xf32, #tpu.memory_space<hbm>> -> memref<1x128x128xf32, #tpu.memory_space<hbm>>
      %dma_wait3A_106 = tpu.memref_squeeze %dma_wait3A_105 : memref<1x128x128xf32, #tpu.memory_space<hbm>> -> memref<128x128xf32, #tpu.memory_space<hbm>>
      %dma_wait3A_107 = arith.constant 0 : i32
      %dma_wait3A_108 = tpu.memref_slice %arg5[%arg0, %add3A_89, %dma_wait3A_107] : memref<2x10112x128xf32, #tpu.memory_space<hbm>> -> memref<1x128x128xf32, #tpu.memory_space<hbm>>
      %dma_wait3A_109 = tpu.memref_squeeze %dma_wait3A_108 : memref<1x128x128xf32, #tpu.memory_space<hbm>> -> memref<128x128xf32, #tpu.memory_space<hbm>>
      tpu.wait_dma2 semaphore(%run_scoped3A_98 : memref<!tpu.dma_semaphore, #tpu.memory_space<semaphore_mem>>) src(%arg8 : memref<128x128xf32, #tpu.memory_space<vmem>>) dst(%dma_wait3A_109 : memref<128x128xf32, #tpu.memory_space<hbm>>)
      tpu.yield
    }) : () -> ()
    %add3A_90 = arith.constant 384 : i32
    %add3A_91 = arith.addi %mul3A_2, %add3A_90 : i32
    "tpu.region"() ({
      %run_scoped3A_98 = tpu.sem_alloc : memref<!tpu.dma_semaphore, #tpu.memory_space<semaphore_mem>>
      %dma_start3A_99 = arith.constant 0 : i32
      %dma_start3A_100 = tpu.memref_slice %arg7[%add3A_91, %dma_start3A_99] : memref<10112x128xf32, #tpu.memory_space<vmem_shared>> -> memref<128x128xf32, #tpu.memory_space<vmem_shared>>
      %dma_start3A_101 = arith.constant 0 : i32
      %dma_start3A_102 = tpu.memref_slice %arg7[%add3A_91, %dma_start3A_101] : memref<10112x128xf32, #tpu.memory_space<vmem_shared>> -> memref<128x128xf32, #tpu.memory_space<vmem_shared>>
      tpu.enqueue_dma source(%dma_start3A_102 : memref<128x128xf32, #tpu.memory_space<vmem_shared>>) target(%arg8 : memref<128x128xf32, #tpu.memory_space<vmem>>) target_semaphore(%run_scoped3A_98 : memref<!tpu.dma_semaphore, #tpu.memory_space<semaphore_mem>>)
      %dma_wait3A = arith.constant 0 : i32
      %dma_wait3A_103 = tpu.memref_slice %arg7[%add3A_91, %dma_wait3A] : memref<10112x128xf32, #tpu.memory_space<vmem_shared>> -> memref<128x128xf32, #tpu.memory_space<vmem_shared>>
      %dma_wait3A_104 = arith.constant 0 : i32
      %dma_wait3A_105 = tpu.memref_slice %arg7[%add3A_91, %dma_wait3A_104] : memref<10112x128xf32, #tpu.memory_space<vmem_shared>> -> memref<128x128xf32, #tpu.memory_space<vmem_shared>>
      tpu.wait_dma2 semaphore(%run_scoped3A_98 : memref<!tpu.dma_semaphore, #tpu.memory_space<semaphore_mem>>) src(%dma_wait3A_105 : memref<128x128xf32, #tpu.memory_space<vmem_shared>>) dst(%arg8 : memref<128x128xf32, #tpu.memory_space<vmem>>)
      tpu.yield
    }) : () -> ()
    %add3A_92 = arith.constant 384 : i32
    %add3A_93 = arith.addi %mul3A_2, %add3A_92 : i32
    "tpu.region"() ({
      %run_scoped3A_98 = tpu.sem_alloc : memref<!tpu.dma_semaphore, #tpu.memory_space<semaphore_mem>>
      %dma_start3A_99 = arith.constant 0 : i32
      %dma_start3A_100 = tpu.memref_slice %arg5[%arg0, %add3A_93, %dma_start3A_99] : memref<2x10112x128xf32, #tpu.memory_space<hbm>> -> memref<1x128x128xf32, #tpu.memory_space<hbm>>
      %dma_start3A_101 = tpu.memref_squeeze %dma_start3A_100 : memref<1x128x128xf32, #tpu.memory_space<hbm>> -> memref<128x128xf32, #tpu.memory_space<hbm>>
      %dma_start3A_102 = arith.constant 0 : i32
      %dma_start3A_103 = tpu.memref_slice %arg5[%arg0, %add3A_93, %dma_start3A_102] : memref<2x10112x128xf32, #tpu.memory_space<hbm>> -> memref<1x128x128xf32, #tpu.memory_space<hbm>>
      %dma_start3A_104 = tpu.memref_squeeze %dma_start3A_103 : memref<1x128x128xf32, #tpu.memory_space<hbm>> -> memref<128x128xf32, #tpu.memory_space<hbm>>
      tpu.enqueue_dma source(%arg8 : memref<128x128xf32, #tpu.memory_space<vmem>>) target(%dma_start3A_104 : memref<128x128xf32, #tpu.memory_space<hbm>>) target_semaphore(%run_scoped3A_98 : memref<!tpu.dma_semaphore, #tpu.memory_space<semaphore_mem>>)
      %dma_wait3A = arith.constant 0 : i32
      %dma_wait3A_105 = tpu.memref_slice %arg5[%arg0, %add3A_93, %dma_wait3A] : memref<2x10112x128xf32, #tpu.memory_space<hbm>> -> memref<1x128x128xf32, #tpu.memory_space<hbm>>
      %dma_wait3A_106 = tpu.memref_squeeze %dma_wait3A_105 : memref<1x128x128xf32, #tpu.memory_space<hbm>> -> memref<128x128xf32, #tpu.memory_space<hbm>>
      %dma_wait3A_107 = arith.constant 0 : i32
      %dma_wait3A_108 = tpu.memref_slice %arg5[%arg0, %add3A_93, %dma_wait3A_107] : memref<2x10112x128xf32, #tpu.memory_space<hbm>> -> memref<1x128x128xf32, #tpu.memory_space<hbm>>
      %dma_wait3A_109 = tpu.memref_squeeze %dma_wait3A_108 : memref<1x128x128xf32, #tpu.memory_space<hbm>> -> memref<128x128xf32, #tpu.memory_space<hbm>>
      tpu.wait_dma2 semaphore(%run_scoped3A_98 : memref<!tpu.dma_semaphore, #tpu.memory_space<semaphore_mem>>) src(%arg8 : memref<128x128xf32, #tpu.memory_space<vmem>>) dst(%dma_wait3A_109 : memref<128x128xf32, #tpu.memory_space<hbm>>)
      tpu.yield
    }) : () -> ()
    %add3A_94 = arith.constant 512 : i32
    %add3A_95 = arith.addi %mul3A_2, %add3A_94 : i32
    "tpu.region"() ({
      %run_scoped3A_98 = tpu.sem_alloc : memref<!tpu.dma_semaphore, #tpu.memory_space<semaphore_mem>>
      %dma_start3A_99 = arith.constant 0 : i32
      %dma_start3A_100 = arith.constant 0 : i32
      %dma_start3A_101 = tpu.memref_slice %arg8[%dma_start3A_99, %dma_start3A_100] : memref<128x128xf32, #tpu.memory_space<vmem>> -> memref<120x128xf32, #tpu.memory_space<vmem>>
      %dma_start3A_102 = arith.constant 0 : i32
      %dma_start3A_103 = tpu.memref_slice %arg7[%add3A_95, %dma_start3A_102] : memref<10112x128xf32, #tpu.memory_space<vmem_shared>> -> memref<120x128xf32, #tpu.memory_space<vmem_shared>>
      %dma_start3A_104 = arith.constant 0 : i32
      %dma_start3A_105 = arith.constant 0 : i32
      %dma_start3A_106 = tpu.memref_slice %arg8[%dma_start3A_104, %dma_start3A_105] : memref<128x128xf32, #tpu.memory_space<vmem>> -> memref<120x128xf32, #tpu.memory_space<vmem>>
      %dma_start3A_107 = arith.constant 0 : i32
      %dma_start3A_108 = tpu.memref_slice %arg7[%add3A_95, %dma_start3A_107] : memref<10112x128xf32, #tpu.memory_space<vmem_shared>> -> memref<120x128xf32, #tpu.memory_space<vmem_shared>>
      tpu.enqueue_dma source(%dma_start3A_108 : memref<120x128xf32, #tpu.memory_space<vmem_shared>>) target(%dma_start3A_106 : memref<120x128xf32, #tpu.memory_space<vmem>>) target_semaphore(%run_scoped3A_98 : memref<!tpu.dma_semaphore, #tpu.memory_space<semaphore_mem>>)
      %dma_wait3A = arith.constant 0 : i32
      %dma_wait3A_109 = arith.constant 0 : i32
      %dma_wait3A_110 = tpu.memref_slice %arg8[%dma_wait3A, %dma_wait3A_109] : memref<128x128xf32, #tpu.memory_space<vmem>> -> memref<120x128xf32, #tpu.memory_space<vmem>>
      %dma_wait3A_111 = arith.constant 0 : i32
      %dma_wait3A_112 = tpu.memref_slice %arg7[%add3A_95, %dma_wait3A_111] : memref<10112x128xf32, #tpu.memory_space<vmem_shared>> -> memref<120x128xf32, #tpu.memory_space<vmem_shared>>
      %dma_wait3A_113 = arith.constant 0 : i32
      %dma_wait3A_114 = arith.constant 0 : i32
      %dma_wait3A_115 = tpu.memref_slice %arg8[%dma_wait3A_113, %dma_wait3A_114] : memref<128x128xf32, #tpu.memory_space<vmem>> -> memref<120x128xf32, #tpu.memory_space<vmem>>
      %dma_wait3A_116 = arith.constant 0 : i32
      %dma_wait3A_117 = tpu.memref_slice %arg7[%add3A_95, %dma_wait3A_116] : memref<10112x128xf32, #tpu.memory_space<vmem_shared>> -> memref<120x128xf32, #tpu.memory_space<vmem_shared>>
      tpu.wait_dma2 semaphore(%run_scoped3A_98 : memref<!tpu.dma_semaphore, #tpu.memory_space<semaphore_mem>>) src(%dma_wait3A_117 : memref<120x128xf32, #tpu.memory_space<vmem_shared>>) dst(%dma_wait3A_115 : memref<120x128xf32, #tpu.memory_space<vmem>>)
      tpu.yield
    }) : () -> ()
    %add3A_96 = arith.constant 512 : i32
    %add3A_97 = arith.addi %mul3A_2, %add3A_96 : i32
    "tpu.region"() ({
      %run_scoped3A_98 = tpu.sem_alloc : memref<!tpu.dma_semaphore, #tpu.memory_space<semaphore_mem>>
      %dma_start3A_99 = arith.constant 0 : i32
      %dma_start3A_100 = arith.constant 0 : i32
      %dma_start3A_101 = tpu.memref_slice %arg8[%dma_start3A_99, %dma_start3A_100] : memref<128x128xf32, #tpu.memory_space<vmem>> -> memref<120x128xf32, #tpu.memory_space<vmem>>
      %dma_start3A_102 = arith.constant 0 : i32
      %dma_start3A_103 = tpu.memref_slice %arg5[%arg0, %add3A_97, %dma_start3A_102] : memref<2x10112x128xf32, #tpu.memory_space<hbm>> -> memref<1x120x128xf32, #tpu.memory_space<hbm>>
      %dma_start3A_104 = tpu.memref_squeeze %dma_start3A_103 : memref<1x120x128xf32, #tpu.memory_space<hbm>> -> memref<120x128xf32, #tpu.memory_space<hbm>>
      %dma_start3A_105 = arith.constant 0 : i32
      %dma_start3A_106 = tpu.memref_slice %arg5[%arg0, %add3A_97, %dma_start3A_105] : memref<2x10112x128xf32, #tpu.memory_space<hbm>> -> memref<1x120x128xf32, #tpu.memory_space<hbm>>
      %dma_start3A_107 = tpu.memref_squeeze %dma_start3A_106 : memref<1x120x128xf32, #tpu.memory_space<hbm>> -> memref<120x128xf32, #tpu.memory_space<hbm>>
      %dma_start3A_108 = arith.constant 0 : i32
      %dma_start3A_109 = arith.constant 0 : i32
      %dma_start3A_110 = tpu.memref_slice %arg8[%dma_start3A_108, %dma_start3A_109] : memref<128x128xf32, #tpu.memory_space<vmem>> -> memref<120x128xf32, #tpu.memory_space<vmem>>
      tpu.enqueue_dma source(%dma_start3A_110 : memref<120x128xf32, #tpu.memory_space<vmem>>) target(%dma_start3A_107 : memref<120x128xf32, #tpu.memory_space<hbm>>) target_semaphore(%run_scoped3A_98 : memref<!tpu.dma_semaphore, #tpu.memory_space<semaphore_mem>>)
      %dma_wait3A = arith.constant 0 : i32
      %dma_wait3A_111 = arith.constant 0 : i32
      %dma_wait3A_112 = tpu.memref_slice %arg8[%dma_wait3A, %dma_wait3A_111] : memref<128x128xf32, #tpu.memory_space<vmem>> -> memref<120x128xf32, #tpu.memory_space<vmem>>
      %dma_wait3A_113 = arith.constant 0 : i32
      %dma_wait3A_114 = tpu.memref_slice %arg5[%arg0, %add3A_97, %dma_wait3A_113] : memref<2x10112x128xf32, #tpu.memory_space<hbm>> -> memref<1x120x128xf32, #tpu.memory_space<hbm>>
      %dma_wait3A_115 = tpu.memref_squeeze %dma_wait3A_114 : memref<1x120x128xf32, #tpu.memory_space<hbm>> -> memref<120x128xf32, #tpu.memory_space<hbm>>
      %dma_wait3A_116 = arith.constant 0 : i32
      %dma_wait3A_117 = tpu.memref_slice %arg5[%arg0, %add3A_97, %dma_wait3A_116] : memref<2x10112x128xf32, #tpu.memory_space<hbm>> -> memref<1x120x128xf32, #tpu.memory_space<hbm>>
      %dma_wait3A_118 = tpu.memref_squeeze %dma_wait3A_117 : memref<1x120x128xf32, #tpu.memory_space<hbm>> -> memref<120x128xf32, #tpu.memory_space<hbm>>
      %dma_wait3A_119 = arith.constant 0 : i32
      %dma_wait3A_120 = arith.constant 0 : i32
      %dma_wait3A_121 = tpu.memref_slice %arg8[%dma_wait3A_119, %dma_wait3A_120] : memref<128x128xf32, #tpu.memory_space<vmem>> -> memref<120x128xf32, #tpu.memory_space<vmem>>
      tpu.wait_dma2 semaphore(%run_scoped3A_98 : memref<!tpu.dma_semaphore, #tpu.memory_space<semaphore_mem>>) src(%dma_wait3A_121 : memref<120x128xf32, #tpu.memory_space<vmem>>) dst(%dma_wait3A_118 : memref<120x128xf32, #tpu.memory_space<hbm>>)
      tpu.yield
    }) : () -> ()
    return
  }
}

#map = affine_map<(d0, d1) -> (0, 0)>
#map1 = affine_map<(d0, d1) -> (0, 0, 0, 0)>
#map2 = affine_map<(d0, d1) -> (0, 0, 0)>
module attributes {stable_mosaic.version = 14 : i64} {
  func.func @_agg_body(%arg0: i32, %arg1: i32, %arg2: memref<10112x128xf32, #tpu.memory_space<hbm>>, %arg3: memref<32x81x1x128xi32, #tpu.memory_space<hbm>>, %arg4: memref<32x81x1x128xi32, #tpu.memory_space<hbm>>, %arg5: memref<2x10112x128xf32, #tpu.memory_space<hbm>>, %arg6: memref<331776x128xf32, #tpu.memory_space<hbm>>, %arg7: memref<10112x128xf32, #tpu.memory_space<vmem_shared>>, %arg8: memref<128x128xf32, #tpu.memory_space<vmem>>, %arg9: memref<128x128xf32, #tpu.memory_space<vmem>>, %arg10: memref<128x128xf32, #tpu.memory_space<vmem>>, %arg11: memref<1x128xi32, #tpu.memory_space<vmem>>, %arg12: memref<1x128xi32, #tpu.memory_space<vmem>>, %arg13: memref<1x128xi32, #tpu.memory_space<vmem>>, %arg14: memref<!tpu.dma_semaphore, #tpu.memory_space<semaphore_mem>>, %arg15: memref<!tpu.dma_semaphore, #tpu.memory_space<semaphore_mem>>, %arg16: memref<!tpu.dma_semaphore, #tpu.memory_space<semaphore_mem>>, %arg17: memref<!tpu.dma_semaphore, #tpu.memory_space<semaphore_mem>>, %arg18: memref<!tpu.dma_semaphore, #tpu.memory_space<semaphore_mem>>, %arg19: memref<!tpu.dma_semaphore, #tpu.memory_space<semaphore_mem>>) attributes {dimension_semantics = [#tpu.dimension_semantics<core_parallel>, #tpu.dimension_semantics<subcore_parallel>], iteration_bounds = array<i64: 2, 16>, scalar_prefetch = 0 : i64, scratch_operands = 13 : i64, tpu.core_type = #tpu.core_type<sc_vector_subcore>, window_params = [{transform_indices = #map}, {transform_indices = #map1}, {transform_indices = #map1}, {transform_indices = #map2}, {transform_indices = #map}]} {
    %mul3A = arith.constant 16 : i32
    %mul3A_0 = arith.muli %arg0, %mul3A : i32
    %add3A = arith.addi %mul3A_0, %arg1 : i32
    %mul3A_1 = arith.constant 632 : i32
    %mul3A_2 = arith.muli %arg1, %mul3A_1 : i32
    %mul3A_3 = arith.constant 10368 : i32
    %mul3A_4 = arith.muli %add3A, %mul3A_3 : i32
    "tpu.region"() ({
      %run_scoped3A_98 = tpu.sem_alloc : memref<!tpu.dma_semaphore, #tpu.memory_space<semaphore_mem>>
      %dma_start3A_99 = arith.constant 0 : i32
      %dma_start3A_100 = tpu.memref_slice %arg7[%mul3A_2, %dma_start3A_99] : memref<10112x128xf32, #tpu.memory_space<vmem_shared>> -> memref<632x128xf32, #tpu.memory_space<vmem_shared>>
      %dma_start3A_101 = arith.constant 0 : i32
      %dma_start3A_102 = tpu.memref_slice %arg2[%mul3A_2, %dma_start3A_101] : memref<10112x128xf32, #tpu.memory_space<hbm>> -> memref<632x128xf32, #tpu.memory_space<hbm>>
      tpu.enqueue_dma source(%dma_start3A_102 : memref<632x128xf32, #tpu.memory_space<hbm>>) target(%dma_start3A_100 : memref<632x128xf32, #tpu.memory_space<vmem_shared>>) target_semaphore(%run_scoped3A_98 : memref<!tpu.dma_semaphore, #tpu.memory_space<semaphore_mem>>)
      %dma_wait3A = arith.constant 0 : i32
      %dma_wait3A_103 = tpu.memref_slice %arg7[%mul3A_2, %dma_wait3A] : memref<10112x128xf32, #tpu.memory_space<vmem_shared>> -> memref<632x128xf32, #tpu.memory_space<vmem_shared>>
      %dma_wait3A_104 = arith.constant 0 : i32
      %dma_wait3A_105 = tpu.memref_slice %arg2[%mul3A_2, %dma_wait3A_104] : memref<10112x128xf32, #tpu.memory_space<hbm>> -> memref<632x128xf32, #tpu.memory_space<hbm>>
      tpu.wait_dma2 semaphore(%run_scoped3A_98 : memref<!tpu.dma_semaphore, #tpu.memory_space<semaphore_mem>>) src(%dma_wait3A_105 : memref<632x128xf32, #tpu.memory_space<hbm>>) dst(%dma_wait3A_103 : memref<632x128xf32, #tpu.memory_space<vmem_shared>>)
      tpu.yield
    }) : () -> ()
    %barrier3A = arith.constant 0 : index
    tpu.barrier barrier_id(%barrier3A)
    %run_scoped3A = arith.constant 0 : i32
    "tpu.region"() ({
      %run_scoped3A_98 = tpu.sem_alloc : memref<!tpu.dma_semaphore, #tpu.memory_space<semaphore_mem>>
      %dma_start3A_99 = arith.constant 0 : i32
      %dma_start3A_100 = arith.constant 0 : i32
      %dma_start3A_101 = tpu.memref_slice %arg3[%add3A, %run_scoped3A, %dma_start3A_99, %dma_start3A_100] : memref<32x81x1x128xi32, #tpu.memory_space<hbm>> -> memref<1x1x1x128xi32, #tpu.memory_space<hbm>>
      %dma_start3A_102 = tpu.memref_squeeze %dma_start3A_101 : memref<1x1x1x128xi32, #tpu.memory_space<hbm>> -> memref<1x128xi32, #tpu.memory_space<hbm>>
      %dma_start3A_103 = arith.constant 0 : i32
      %dma_start3A_104 = arith.constant 0 : i32
      %dma_start3A_105 = tpu.memref_slice %arg3[%add3A, %run_scoped3A, %dma_start3A_103, %dma_start3A_104] : memref<32x81x1x128xi32, #tpu.memory_space<hbm>> -> memref<1x1x1x128xi32, #tpu.memory_space<hbm>>
      %dma_start3A_106 = tpu.memref_squeeze %dma_start3A_105 : memref<1x1x1x128xi32, #tpu.memory_space<hbm>> -> memref<1x128xi32, #tpu.memory_space<hbm>>
      tpu.enqueue_dma source(%dma_start3A_106 : memref<1x128xi32, #tpu.memory_space<hbm>>) target(%arg11 : memref<1x128xi32, #tpu.memory_space<vmem>>) target_semaphore(%run_scoped3A_98 : memref<!tpu.dma_semaphore, #tpu.memory_space<semaphore_mem>>)
      %dma_wait3A = arith.constant 0 : i32
      %dma_wait3A_107 = arith.constant 0 : i32
      %dma_wait3A_108 = tpu.memref_slice %arg3[%add3A, %run_scoped3A, %dma_wait3A, %dma_wait3A_107] : memref<32x81x1x128xi32, #tpu.memory_space<hbm>> -> memref<1x1x1x128xi32, #tpu.memory_space<hbm>>
      %dma_wait3A_109 = tpu.memref_squeeze %dma_wait3A_108 : memref<1x1x1x128xi32, #tpu.memory_space<hbm>> -> memref<1x128xi32, #tpu.memory_space<hbm>>
      %dma_wait3A_110 = arith.constant 0 : i32
      %dma_wait3A_111 = arith.constant 0 : i32
      %dma_wait3A_112 = tpu.memref_slice %arg3[%add3A, %run_scoped3A, %dma_wait3A_110, %dma_wait3A_111] : memref<32x81x1x128xi32, #tpu.memory_space<hbm>> -> memref<1x1x1x128xi32, #tpu.memory_space<hbm>>
      %dma_wait3A_113 = tpu.memref_squeeze %dma_wait3A_112 : memref<1x1x1x128xi32, #tpu.memory_space<hbm>> -> memref<1x128xi32, #tpu.memory_space<hbm>>
      tpu.wait_dma2 semaphore(%run_scoped3A_98 : memref<!tpu.dma_semaphore, #tpu.memory_space<semaphore_mem>>) src(%dma_wait3A_113 : memref<1x128xi32, #tpu.memory_space<hbm>>) dst(%arg11 : memref<1x128xi32, #tpu.memory_space<vmem>>)
      tpu.yield
    }) : () -> ()
    %dma_start3A = arith.constant 0 : i32
    %dma_start3A_5 = arith.constant 0 : i32
    %dma_start3A_6 = tpu.memref_slice %arg11[%dma_start3A, %dma_start3A_5] : memref<1x128xi32, #tpu.memory_space<vmem>> -> memref<1x128xi32, #tpu.memory_space<vmem>>
    %dma_start3A_7 = tpu.memref_squeeze %dma_start3A_6 : memref<1x128xi32, #tpu.memory_space<vmem>> -> memref<128xi32, #tpu.memory_space<vmem>>
    %dma_start3A_8 = arith.constant 0 : i32
    %dma_start3A_9 = arith.constant 0 : i32
    %dma_start3A_10 = tpu.memref_slice %arg7[%dma_start3A_8, %dma_start3A_9] : memref<10112x128xf32, #tpu.memory_space<vmem_shared>> -> memref<10112x128xf32, #tpu.memory_space<vmem_shared>>
    tpu.enqueue_indirect_dma source(%dma_start3A_10 : memref<10112x128xf32, #tpu.memory_space<vmem_shared>>) target(%arg8 : memref<128x128xf32, #tpu.memory_space<vmem>>) offsets(%dma_start3A_7 : memref<128xi32, #tpu.memory_space<vmem>>) semaphore(%arg14 : memref<!tpu.dma_semaphore, #tpu.memory_space<semaphore_mem>>)
    %run_scoped3A_11 = arith.constant 1 : i32
    "tpu.region"() ({
      %run_scoped3A_98 = tpu.sem_alloc : memref<!tpu.dma_semaphore, #tpu.memory_space<semaphore_mem>>
      %dma_start3A_99 = arith.constant 0 : i32
      %dma_start3A_100 = arith.constant 0 : i32
      %dma_start3A_101 = tpu.memref_slice %arg3[%add3A, %run_scoped3A_11, %dma_start3A_99, %dma_start3A_100] : memref<32x81x1x128xi32, #tpu.memory_space<hbm>> -> memref<1x1x1x128xi32, #tpu.memory_space<hbm>>
      %dma_start3A_102 = tpu.memref_squeeze %dma_start3A_101 : memref<1x1x1x128xi32, #tpu.memory_space<hbm>> -> memref<1x128xi32, #tpu.memory_space<hbm>>
      %dma_start3A_103 = arith.constant 0 : i32
      %dma_start3A_104 = arith.constant 0 : i32
      %dma_start3A_105 = tpu.memref_slice %arg3[%add3A, %run_scoped3A_11, %dma_start3A_103, %dma_start3A_104] : memref<32x81x1x128xi32, #tpu.memory_space<hbm>> -> memref<1x1x1x128xi32, #tpu.memory_space<hbm>>
      %dma_start3A_106 = tpu.memref_squeeze %dma_start3A_105 : memref<1x1x1x128xi32, #tpu.memory_space<hbm>> -> memref<1x128xi32, #tpu.memory_space<hbm>>
      tpu.enqueue_dma source(%dma_start3A_106 : memref<1x128xi32, #tpu.memory_space<hbm>>) target(%arg12 : memref<1x128xi32, #tpu.memory_space<vmem>>) target_semaphore(%run_scoped3A_98 : memref<!tpu.dma_semaphore, #tpu.memory_space<semaphore_mem>>)
      %dma_wait3A = arith.constant 0 : i32
      %dma_wait3A_107 = arith.constant 0 : i32
      %dma_wait3A_108 = tpu.memref_slice %arg3[%add3A, %run_scoped3A_11, %dma_wait3A, %dma_wait3A_107] : memref<32x81x1x128xi32, #tpu.memory_space<hbm>> -> memref<1x1x1x128xi32, #tpu.memory_space<hbm>>
      %dma_wait3A_109 = tpu.memref_squeeze %dma_wait3A_108 : memref<1x1x1x128xi32, #tpu.memory_space<hbm>> -> memref<1x128xi32, #tpu.memory_space<hbm>>
      %dma_wait3A_110 = arith.constant 0 : i32
      %dma_wait3A_111 = arith.constant 0 : i32
      %dma_wait3A_112 = tpu.memref_slice %arg3[%add3A, %run_scoped3A_11, %dma_wait3A_110, %dma_wait3A_111] : memref<32x81x1x128xi32, #tpu.memory_space<hbm>> -> memref<1x1x1x128xi32, #tpu.memory_space<hbm>>
      %dma_wait3A_113 = tpu.memref_squeeze %dma_wait3A_112 : memref<1x1x1x128xi32, #tpu.memory_space<hbm>> -> memref<1x128xi32, #tpu.memory_space<hbm>>
      tpu.wait_dma2 semaphore(%run_scoped3A_98 : memref<!tpu.dma_semaphore, #tpu.memory_space<semaphore_mem>>) src(%dma_wait3A_113 : memref<1x128xi32, #tpu.memory_space<hbm>>) dst(%arg12 : memref<1x128xi32, #tpu.memory_space<vmem>>)
      tpu.yield
    }) : () -> ()
    %dma_start3A_12 = arith.constant 0 : i32
    %dma_start3A_13 = arith.constant 0 : i32
    %dma_start3A_14 = tpu.memref_slice %arg12[%dma_start3A_12, %dma_start3A_13] : memref<1x128xi32, #tpu.memory_space<vmem>> -> memref<1x128xi32, #tpu.memory_space<vmem>>
    %dma_start3A_15 = tpu.memref_squeeze %dma_start3A_14 : memref<1x128xi32, #tpu.memory_space<vmem>> -> memref<128xi32, #tpu.memory_space<vmem>>
    %dma_start3A_16 = arith.constant 0 : i32
    %dma_start3A_17 = arith.constant 0 : i32
    %dma_start3A_18 = tpu.memref_slice %arg7[%dma_start3A_16, %dma_start3A_17] : memref<10112x128xf32, #tpu.memory_space<vmem_shared>> -> memref<10112x128xf32, #tpu.memory_space<vmem_shared>>
    tpu.enqueue_indirect_dma source(%dma_start3A_18 : memref<10112x128xf32, #tpu.memory_space<vmem_shared>>) target(%arg9 : memref<128x128xf32, #tpu.memory_space<vmem>>) offsets(%dma_start3A_15 : memref<128xi32, #tpu.memory_space<vmem>>) semaphore(%arg15 : memref<!tpu.dma_semaphore, #tpu.memory_space<semaphore_mem>>)
    %run_scoped3A_19 = arith.constant 2 : i32
    "tpu.region"() ({
      %run_scoped3A_98 = tpu.sem_alloc : memref<!tpu.dma_semaphore, #tpu.memory_space<semaphore_mem>>
      %dma_start3A_99 = arith.constant 0 : i32
      %dma_start3A_100 = arith.constant 0 : i32
      %dma_start3A_101 = tpu.memref_slice %arg3[%add3A, %run_scoped3A_19, %dma_start3A_99, %dma_start3A_100] : memref<32x81x1x128xi32, #tpu.memory_space<hbm>> -> memref<1x1x1x128xi32, #tpu.memory_space<hbm>>
      %dma_start3A_102 = tpu.memref_squeeze %dma_start3A_101 : memref<1x1x1x128xi32, #tpu.memory_space<hbm>> -> memref<1x128xi32, #tpu.memory_space<hbm>>
      %dma_start3A_103 = arith.constant 0 : i32
      %dma_start3A_104 = arith.constant 0 : i32
      %dma_start3A_105 = tpu.memref_slice %arg3[%add3A, %run_scoped3A_19, %dma_start3A_103, %dma_start3A_104] : memref<32x81x1x128xi32, #tpu.memory_space<hbm>> -> memref<1x1x1x128xi32, #tpu.memory_space<hbm>>
      %dma_start3A_106 = tpu.memref_squeeze %dma_start3A_105 : memref<1x1x1x128xi32, #tpu.memory_space<hbm>> -> memref<1x128xi32, #tpu.memory_space<hbm>>
      tpu.enqueue_dma source(%dma_start3A_106 : memref<1x128xi32, #tpu.memory_space<hbm>>) target(%arg13 : memref<1x128xi32, #tpu.memory_space<vmem>>) target_semaphore(%run_scoped3A_98 : memref<!tpu.dma_semaphore, #tpu.memory_space<semaphore_mem>>)
      %dma_wait3A = arith.constant 0 : i32
      %dma_wait3A_107 = arith.constant 0 : i32
      %dma_wait3A_108 = tpu.memref_slice %arg3[%add3A, %run_scoped3A_19, %dma_wait3A, %dma_wait3A_107] : memref<32x81x1x128xi32, #tpu.memory_space<hbm>> -> memref<1x1x1x128xi32, #tpu.memory_space<hbm>>
      %dma_wait3A_109 = tpu.memref_squeeze %dma_wait3A_108 : memref<1x1x1x128xi32, #tpu.memory_space<hbm>> -> memref<1x128xi32, #tpu.memory_space<hbm>>
      %dma_wait3A_110 = arith.constant 0 : i32
      %dma_wait3A_111 = arith.constant 0 : i32
      %dma_wait3A_112 = tpu.memref_slice %arg3[%add3A, %run_scoped3A_19, %dma_wait3A_110, %dma_wait3A_111] : memref<32x81x1x128xi32, #tpu.memory_space<hbm>> -> memref<1x1x1x128xi32, #tpu.memory_space<hbm>>
      %dma_wait3A_113 = tpu.memref_squeeze %dma_wait3A_112 : memref<1x1x1x128xi32, #tpu.memory_space<hbm>> -> memref<1x128xi32, #tpu.memory_space<hbm>>
      tpu.wait_dma2 semaphore(%run_scoped3A_98 : memref<!tpu.dma_semaphore, #tpu.memory_space<semaphore_mem>>) src(%dma_wait3A_113 : memref<1x128xi32, #tpu.memory_space<hbm>>) dst(%arg13 : memref<1x128xi32, #tpu.memory_space<vmem>>)
      tpu.yield
    }) : () -> ()
    %dma_start3A_20 = arith.constant 0 : i32
    %dma_start3A_21 = arith.constant 0 : i32
    %dma_start3A_22 = tpu.memref_slice %arg13[%dma_start3A_20, %dma_start3A_21] : memref<1x128xi32, #tpu.memory_space<vmem>> -> memref<1x128xi32, #tpu.memory_space<vmem>>
    %dma_start3A_23 = tpu.memref_squeeze %dma_start3A_22 : memref<1x128xi32, #tpu.memory_space<vmem>> -> memref<128xi32, #tpu.memory_space<vmem>>
    %dma_start3A_24 = arith.constant 0 : i32
    %dma_start3A_25 = arith.constant 0 : i32
    %dma_start3A_26 = tpu.memref_slice %arg7[%dma_start3A_24, %dma_start3A_25] : memref<10112x128xf32, #tpu.memory_space<vmem_shared>> -> memref<10112x128xf32, #tpu.memory_space<vmem_shared>>
    tpu.enqueue_indirect_dma source(%dma_start3A_26 : memref<10112x128xf32, #tpu.memory_space<vmem_shared>>) target(%arg10 : memref<128x128xf32, #tpu.memory_space<vmem>>) offsets(%dma_start3A_23 : memref<128xi32, #tpu.memory_space<vmem>>) semaphore(%arg16 : memref<!tpu.dma_semaphore, #tpu.memory_space<semaphore_mem>>)
    %scan3A = arith.constant 0 : i32
    %scan3A_27 = arith.constant 0 : i32
    %scan3A_28 = arith.constant 27 : i32
    %scan3A_29 = arith.addi %scan3A_27, %scan3A_28 : i32
    %scan3A_30 = arith.constant 1 : i32
    scf.for %scan3A_98 = %scan3A_27 to %scan3A_29 step %scan3A_30  : i32 {
      %mul3A_99 = arith.constant 3 : i32
      %mul3A_100 = arith.muli %scan3A_98, %mul3A_99 : i32
      %add3A_101 = arith.constant 0 : i32
      %add3A_102 = arith.addi %mul3A_100, %add3A_101 : i32
      %dma_wait3A = arith.constant 0 : i32
      %dma_wait3A_103 = arith.constant 0 : i32
      %dma_wait3A_104 = tpu.memref_slice %arg11[%dma_wait3A, %dma_wait3A_103] : memref<1x128xi32, #tpu.memory_space<vmem>> -> memref<1x128xi32, #tpu.memory_space<vmem>>
      %dma_wait3A_105 = tpu.memref_squeeze %dma_wait3A_104 : memref<1x128xi32, #tpu.memory_space<vmem>> -> memref<128xi32, #tpu.memory_space<vmem>>
      %dma_wait3A_106 = arith.constant 0 : i32
      %dma_wait3A_107 = arith.constant 0 : i32
      %dma_wait3A_108 = tpu.memref_slice %arg7[%dma_wait3A_106, %dma_wait3A_107] : memref<10112x128xf32, #tpu.memory_space<vmem_shared>> -> memref<10112x128xf32, #tpu.memory_space<vmem_shared>>
      tpu.wait_indirect_dma semaphore(%arg14 : memref<!tpu.dma_semaphore, #tpu.memory_space<semaphore_mem>>) src(%dma_wait3A_108 : memref<10112x128xf32, #tpu.memory_space<vmem_shared>>) dst(%arg8 : memref<128x128xf32, #tpu.memory_space<vmem>>)
      %mul3A_109 = arith.constant 128 : i32
      %mul3A_110 = arith.muli %add3A_102, %mul3A_109 : i32
      %add3A_111 = arith.addi %mul3A_4, %mul3A_110 : i32
      %dma_start3A_112 = arith.constant 0 : i32
      %dma_start3A_113 = tpu.memref_slice %arg6[%add3A_111, %dma_start3A_112] : memref<331776x128xf32, #tpu.memory_space<hbm>> -> memref<128x128xf32, #tpu.memory_space<hbm>>
      %dma_start3A_114 = arith.constant 0 : i32
      %dma_start3A_115 = tpu.memref_slice %arg6[%add3A_111, %dma_start3A_114] : memref<331776x128xf32, #tpu.memory_space<hbm>> -> memref<128x128xf32, #tpu.memory_space<hbm>>
      tpu.enqueue_dma source(%arg8 : memref<128x128xf32, #tpu.memory_space<vmem>>) target(%dma_start3A_115 : memref<128x128xf32, #tpu.memory_space<hbm>>) target_semaphore(%arg17 : memref<!tpu.dma_semaphore, #tpu.memory_space<semaphore_mem>>)
      %mul3A_116 = arith.constant 3 : i32
      %mul3A_117 = arith.muli %scan3A_98, %mul3A_116 : i32
      %add3A_118 = arith.constant 1 : i32
      %add3A_119 = arith.addi %mul3A_117, %add3A_118 : i32
      %dma_wait3A_120 = arith.constant 0 : i32
      %dma_wait3A_121 = arith.constant 0 : i32
      %dma_wait3A_122 = tpu.memref_slice %arg12[%dma_wait3A_120, %dma_wait3A_121] : memref<1x128xi32, #tpu.memory_space<vmem>> -> memref<1x128xi32, #tpu.memory_space<vmem>>
      %dma_wait3A_123 = tpu.memref_squeeze %dma_wait3A_122 : memref<1x128xi32, #tpu.memory_space<vmem>> -> memref<128xi32, #tpu.memory_space<vmem>>
      %dma_wait3A_124 = arith.constant 0 : i32
      %dma_wait3A_125 = arith.constant 0 : i32
      %dma_wait3A_126 = tpu.memref_slice %arg7[%dma_wait3A_124, %dma_wait3A_125] : memref<10112x128xf32, #tpu.memory_space<vmem_shared>> -> memref<10112x128xf32, #tpu.memory_space<vmem_shared>>
      tpu.wait_indirect_dma semaphore(%arg15 : memref<!tpu.dma_semaphore, #tpu.memory_space<semaphore_mem>>) src(%dma_wait3A_126 : memref<10112x128xf32, #tpu.memory_space<vmem_shared>>) dst(%arg9 : memref<128x128xf32, #tpu.memory_space<vmem>>)
      %mul3A_127 = arith.constant 128 : i32
      %mul3A_128 = arith.muli %add3A_119, %mul3A_127 : i32
      %add3A_129 = arith.addi %mul3A_4, %mul3A_128 : i32
      %dma_start3A_130 = arith.constant 0 : i32
      %dma_start3A_131 = tpu.memref_slice %arg6[%add3A_129, %dma_start3A_130] : memref<331776x128xf32, #tpu.memory_space<hbm>> -> memref<128x128xf32, #tpu.memory_space<hbm>>
      %dma_start3A_132 = arith.constant 0 : i32
      %dma_start3A_133 = tpu.memref_slice %arg6[%add3A_129, %dma_start3A_132] : memref<331776x128xf32, #tpu.memory_space<hbm>> -> memref<128x128xf32, #tpu.memory_space<hbm>>
      tpu.enqueue_dma source(%arg9 : memref<128x128xf32, #tpu.memory_space<vmem>>) target(%dma_start3A_133 : memref<128x128xf32, #tpu.memory_space<hbm>>) target_semaphore(%arg18 : memref<!tpu.dma_semaphore, #tpu.memory_space<semaphore_mem>>)
      %mul3A_134 = arith.constant 3 : i32
      %mul3A_135 = arith.muli %scan3A_98, %mul3A_134 : i32
      %add3A_136 = arith.constant 2 : i32
      %add3A_137 = arith.addi %mul3A_135, %add3A_136 : i32
      %dma_wait3A_138 = arith.constant 0 : i32
      %dma_wait3A_139 = arith.constant 0 : i32
      %dma_wait3A_140 = tpu.memref_slice %arg13[%dma_wait3A_138, %dma_wait3A_139] : memref<1x128xi32, #tpu.memory_space<vmem>> -> memref<1x128xi32, #tpu.memory_space<vmem>>
      %dma_wait3A_141 = tpu.memref_squeeze %dma_wait3A_140 : memref<1x128xi32, #tpu.memory_space<vmem>> -> memref<128xi32, #tpu.memory_space<vmem>>
      %dma_wait3A_142 = arith.constant 0 : i32
      %dma_wait3A_143 = arith.constant 0 : i32
      %dma_wait3A_144 = tpu.memref_slice %arg7[%dma_wait3A_142, %dma_wait3A_143] : memref<10112x128xf32, #tpu.memory_space<vmem_shared>> -> memref<10112x128xf32, #tpu.memory_space<vmem_shared>>
      tpu.wait_indirect_dma semaphore(%arg16 : memref<!tpu.dma_semaphore, #tpu.memory_space<semaphore_mem>>) src(%dma_wait3A_144 : memref<10112x128xf32, #tpu.memory_space<vmem_shared>>) dst(%arg10 : memref<128x128xf32, #tpu.memory_space<vmem>>)
      %mul3A_145 = arith.constant 128 : i32
      %mul3A_146 = arith.muli %add3A_137, %mul3A_145 : i32
      %add3A_147 = arith.addi %mul3A_4, %mul3A_146 : i32
      %dma_start3A_148 = arith.constant 0 : i32
      %dma_start3A_149 = tpu.memref_slice %arg6[%add3A_147, %dma_start3A_148] : memref<331776x128xf32, #tpu.memory_space<hbm>> -> memref<128x128xf32, #tpu.memory_space<hbm>>
      %dma_start3A_150 = arith.constant 0 : i32
      %dma_start3A_151 = tpu.memref_slice %arg6[%add3A_147, %dma_start3A_150] : memref<331776x128xf32, #tpu.memory_space<hbm>> -> memref<128x128xf32, #tpu.memory_space<hbm>>
      tpu.enqueue_dma source(%arg10 : memref<128x128xf32, #tpu.memory_space<vmem>>) target(%dma_start3A_151 : memref<128x128xf32, #tpu.memory_space<hbm>>) target_semaphore(%arg19 : memref<!tpu.dma_semaphore, #tpu.memory_space<semaphore_mem>>)
      %mul3A_152 = arith.constant 3 : i32
      %mul3A_153 = arith.muli %scan3A_98, %mul3A_152 : i32
      %add3A_154 = arith.constant 0 : i32
      %add3A_155 = arith.addi %mul3A_153, %add3A_154 : i32
      %mul3A_156 = arith.constant 128 : i32
      %mul3A_157 = arith.muli %add3A_155, %mul3A_156 : i32
      %add3A_158 = arith.addi %mul3A_4, %mul3A_157 : i32
      %dma_wait3A_159 = arith.constant 0 : i32
      %dma_wait3A_160 = tpu.memref_slice %arg6[%add3A_158, %dma_wait3A_159] : memref<331776x128xf32, #tpu.memory_space<hbm>> -> memref<128x128xf32, #tpu.memory_space<hbm>>
      %dma_wait3A_161 = arith.constant 0 : i32
      %dma_wait3A_162 = tpu.memref_slice %arg6[%add3A_158, %dma_wait3A_161] : memref<331776x128xf32, #tpu.memory_space<hbm>> -> memref<128x128xf32, #tpu.memory_space<hbm>>
      tpu.wait_dma2 semaphore(%arg17 : memref<!tpu.dma_semaphore, #tpu.memory_space<semaphore_mem>>) src(%arg8 : memref<128x128xf32, #tpu.memory_space<vmem>>) dst(%dma_wait3A_162 : memref<128x128xf32, #tpu.memory_space<hbm>>)
      %add3A_163 = arith.constant 3 : i32
      %add3A_164 = arith.addi %add3A_155, %add3A_163 : i32
      %lt3A = arith.constant 81 : i32
      %lt3A_165 = arith.cmpi slt, %add3A_164, %lt3A : i32
      %convert_element_type3A = arith.extui %lt3A_165 : i1 to i32
      %cond3A = arith.constant 0 : i32
      %cond3A_166 = arith.cmpi ne, %convert_element_type3A, %cond3A : i32
      scf.if %cond3A_166 {
        %add3A_203 = arith.constant 3 : i32
        %add3A_204 = arith.addi %add3A_155, %add3A_203 : i32
        "tpu.region"() ({
          %run_scoped3A_212 = tpu.sem_alloc : memref<!tpu.dma_semaphore, #tpu.memory_space<semaphore_mem>>
          %dma_start3A_213 = arith.constant 0 : i32
          %dma_start3A_214 = arith.constant 0 : i32
          %dma_start3A_215 = tpu.memref_slice %arg3[%add3A, %add3A_204, %dma_start3A_213, %dma_start3A_214] : memref<32x81x1x128xi32, #tpu.memory_space<hbm>> -> memref<1x1x1x128xi32, #tpu.memory_space<hbm>>
          %dma_start3A_216 = tpu.memref_squeeze %dma_start3A_215 : memref<1x1x1x128xi32, #tpu.memory_space<hbm>> -> memref<1x128xi32, #tpu.memory_space<hbm>>
          %dma_start3A_217 = arith.constant 0 : i32
          %dma_start3A_218 = arith.constant 0 : i32
          %dma_start3A_219 = tpu.memref_slice %arg3[%add3A, %add3A_204, %dma_start3A_217, %dma_start3A_218] : memref<32x81x1x128xi32, #tpu.memory_space<hbm>> -> memref<1x1x1x128xi32, #tpu.memory_space<hbm>>
          %dma_start3A_220 = tpu.memref_squeeze %dma_start3A_219 : memref<1x1x1x128xi32, #tpu.memory_space<hbm>> -> memref<1x128xi32, #tpu.memory_space<hbm>>
          tpu.enqueue_dma source(%dma_start3A_220 : memref<1x128xi32, #tpu.memory_space<hbm>>) target(%arg11 : memref<1x128xi32, #tpu.memory_space<vmem>>) target_semaphore(%run_scoped3A_212 : memref<!tpu.dma_semaphore, #tpu.memory_space<semaphore_mem>>)
          %dma_wait3A_221 = arith.constant 0 : i32
          %dma_wait3A_222 = arith.constant 0 : i32
          %dma_wait3A_223 = tpu.memref_slice %arg3[%add3A, %add3A_204, %dma_wait3A_221, %dma_wait3A_222] : memref<32x81x1x128xi32, #tpu.memory_space<hbm>> -> memref<1x1x1x128xi32, #tpu.memory_space<hbm>>
          %dma_wait3A_224 = tpu.memref_squeeze %dma_wait3A_223 : memref<1x1x1x128xi32, #tpu.memory_space<hbm>> -> memref<1x128xi32, #tpu.memory_space<hbm>>
          %dma_wait3A_225 = arith.constant 0 : i32
          %dma_wait3A_226 = arith.constant 0 : i32
          %dma_wait3A_227 = tpu.memref_slice %arg3[%add3A, %add3A_204, %dma_wait3A_225, %dma_wait3A_226] : memref<32x81x1x128xi32, #tpu.memory_space<hbm>> -> memref<1x1x1x128xi32, #tpu.memory_space<hbm>>
          %dma_wait3A_228 = tpu.memref_squeeze %dma_wait3A_227 : memref<1x1x1x128xi32, #tpu.memory_space<hbm>> -> memref<1x128xi32, #tpu.memory_space<hbm>>
          tpu.wait_dma2 semaphore(%run_scoped3A_212 : memref<!tpu.dma_semaphore, #tpu.memory_space<semaphore_mem>>) src(%dma_wait3A_228 : memref<1x128xi32, #tpu.memory_space<hbm>>) dst(%arg11 : memref<1x128xi32, #tpu.memory_space<vmem>>)
          tpu.yield
        }) : () -> ()
        %dma_start3A_205 = arith.constant 0 : i32
        %dma_start3A_206 = arith.constant 0 : i32
        %dma_start3A_207 = tpu.memref_slice %arg11[%dma_start3A_205, %dma_start3A_206] : memref<1x128xi32, #tpu.memory_space<vmem>> -> memref<1x128xi32, #tpu.memory_space<vmem>>
        %dma_start3A_208 = tpu.memref_squeeze %dma_start3A_207 : memref<1x128xi32, #tpu.memory_space<vmem>> -> memref<128xi32, #tpu.memory_space<vmem>>
        %dma_start3A_209 = arith.constant 0 : i32
        %dma_start3A_210 = arith.constant 0 : i32
        %dma_start3A_211 = tpu.memref_slice %arg7[%dma_start3A_209, %dma_start3A_210] : memref<10112x128xf32, #tpu.memory_space<vmem_shared>> -> memref<10112x128xf32, #tpu.memory_space<vmem_shared>>
        tpu.enqueue_indirect_dma source(%dma_start3A_211 : memref<10112x128xf32, #tpu.memory_space<vmem_shared>>) target(%arg8 : memref<128x128xf32, #tpu.memory_space<vmem>>) offsets(%dma_start3A_208 : memref<128xi32, #tpu.memory_space<vmem>>) semaphore(%arg14 : memref<!tpu.dma_semaphore, #tpu.memory_space<semaphore_mem>>)
      } else {
      }
      %mul3A_167 = arith.constant 3 : i32
      %mul3A_168 = arith.muli %scan3A_98, %mul3A_167 : i32
      %add3A_169 = arith.constant 1 : i32
      %add3A_170 = arith.addi %mul3A_168, %add3A_169 : i32
      %mul3A_171 = arith.constant 128 : i32
      %mul3A_172 = arith.muli %add3A_170, %mul3A_171 : i32
      %add3A_173 = arith.addi %mul3A_4, %mul3A_172 : i32
      %dma_wait3A_174 = arith.constant 0 : i32
      %dma_wait3A_175 = tpu.memref_slice %arg6[%add3A_173, %dma_wait3A_174] : memref<331776x128xf32, #tpu.memory_space<hbm>> -> memref<128x128xf32, #tpu.memory_space<hbm>>
      %dma_wait3A_176 = arith.constant 0 : i32
      %dma_wait3A_177 = tpu.memref_slice %arg6[%add3A_173, %dma_wait3A_176] : memref<331776x128xf32, #tpu.memory_space<hbm>> -> memref<128x128xf32, #tpu.memory_space<hbm>>
      tpu.wait_dma2 semaphore(%arg18 : memref<!tpu.dma_semaphore, #tpu.memory_space<semaphore_mem>>) src(%arg9 : memref<128x128xf32, #tpu.memory_space<vmem>>) dst(%dma_wait3A_177 : memref<128x128xf32, #tpu.memory_space<hbm>>)
      %add3A_178 = arith.constant 3 : i32
      %add3A_179 = arith.addi %add3A_170, %add3A_178 : i32
      %lt3A_180 = arith.constant 81 : i32
      %lt3A_181 = arith.cmpi slt, %add3A_179, %lt3A_180 : i32
      %convert_element_type3A_182 = arith.extui %lt3A_181 : i1 to i32
      %cond3A_183 = arith.constant 0 : i32
      %cond3A_184 = arith.cmpi ne, %convert_element_type3A_182, %cond3A_183 : i32
      scf.if %cond3A_184 {
        %add3A_203 = arith.constant 3 : i32
        %add3A_204 = arith.addi %add3A_170, %add3A_203 : i32
        "tpu.region"() ({
          %run_scoped3A_212 = tpu.sem_alloc : memref<!tpu.dma_semaphore, #tpu.memory_space<semaphore_mem>>
          %dma_start3A_213 = arith.constant 0 : i32
          %dma_start3A_214 = arith.constant 0 : i32
          %dma_start3A_215 = tpu.memref_slice %arg3[%add3A, %add3A_204, %dma_start3A_213, %dma_start3A_214] : memref<32x81x1x128xi32, #tpu.memory_space<hbm>> -> memref<1x1x1x128xi32, #tpu.memory_space<hbm>>
          %dma_start3A_216 = tpu.memref_squeeze %dma_start3A_215 : memref<1x1x1x128xi32, #tpu.memory_space<hbm>> -> memref<1x128xi32, #tpu.memory_space<hbm>>
          %dma_start3A_217 = arith.constant 0 : i32
          %dma_start3A_218 = arith.constant 0 : i32
          %dma_start3A_219 = tpu.memref_slice %arg3[%add3A, %add3A_204, %dma_start3A_217, %dma_start3A_218] : memref<32x81x1x128xi32, #tpu.memory_space<hbm>> -> memref<1x1x1x128xi32, #tpu.memory_space<hbm>>
          %dma_start3A_220 = tpu.memref_squeeze %dma_start3A_219 : memref<1x1x1x128xi32, #tpu.memory_space<hbm>> -> memref<1x128xi32, #tpu.memory_space<hbm>>
          tpu.enqueue_dma source(%dma_start3A_220 : memref<1x128xi32, #tpu.memory_space<hbm>>) target(%arg12 : memref<1x128xi32, #tpu.memory_space<vmem>>) target_semaphore(%run_scoped3A_212 : memref<!tpu.dma_semaphore, #tpu.memory_space<semaphore_mem>>)
          %dma_wait3A_221 = arith.constant 0 : i32
          %dma_wait3A_222 = arith.constant 0 : i32
          %dma_wait3A_223 = tpu.memref_slice %arg3[%add3A, %add3A_204, %dma_wait3A_221, %dma_wait3A_222] : memref<32x81x1x128xi32, #tpu.memory_space<hbm>> -> memref<1x1x1x128xi32, #tpu.memory_space<hbm>>
          %dma_wait3A_224 = tpu.memref_squeeze %dma_wait3A_223 : memref<1x1x1x128xi32, #tpu.memory_space<hbm>> -> memref<1x128xi32, #tpu.memory_space<hbm>>
          %dma_wait3A_225 = arith.constant 0 : i32
          %dma_wait3A_226 = arith.constant 0 : i32
          %dma_wait3A_227 = tpu.memref_slice %arg3[%add3A, %add3A_204, %dma_wait3A_225, %dma_wait3A_226] : memref<32x81x1x128xi32, #tpu.memory_space<hbm>> -> memref<1x1x1x128xi32, #tpu.memory_space<hbm>>
          %dma_wait3A_228 = tpu.memref_squeeze %dma_wait3A_227 : memref<1x1x1x128xi32, #tpu.memory_space<hbm>> -> memref<1x128xi32, #tpu.memory_space<hbm>>
          tpu.wait_dma2 semaphore(%run_scoped3A_212 : memref<!tpu.dma_semaphore, #tpu.memory_space<semaphore_mem>>) src(%dma_wait3A_228 : memref<1x128xi32, #tpu.memory_space<hbm>>) dst(%arg12 : memref<1x128xi32, #tpu.memory_space<vmem>>)
          tpu.yield
        }) : () -> ()
        %dma_start3A_205 = arith.constant 0 : i32
        %dma_start3A_206 = arith.constant 0 : i32
        %dma_start3A_207 = tpu.memref_slice %arg12[%dma_start3A_205, %dma_start3A_206] : memref<1x128xi32, #tpu.memory_space<vmem>> -> memref<1x128xi32, #tpu.memory_space<vmem>>
        %dma_start3A_208 = tpu.memref_squeeze %dma_start3A_207 : memref<1x128xi32, #tpu.memory_space<vmem>> -> memref<128xi32, #tpu.memory_space<vmem>>
        %dma_start3A_209 = arith.constant 0 : i32
        %dma_start3A_210 = arith.constant 0 : i32
        %dma_start3A_211 = tpu.memref_slice %arg7[%dma_start3A_209, %dma_start3A_210] : memref<10112x128xf32, #tpu.memory_space<vmem_shared>> -> memref<10112x128xf32, #tpu.memory_space<vmem_shared>>
        tpu.enqueue_indirect_dma source(%dma_start3A_211 : memref<10112x128xf32, #tpu.memory_space<vmem_shared>>) target(%arg9 : memref<128x128xf32, #tpu.memory_space<vmem>>) offsets(%dma_start3A_208 : memref<128xi32, #tpu.memory_space<vmem>>) semaphore(%arg15 : memref<!tpu.dma_semaphore, #tpu.memory_space<semaphore_mem>>)
      } else {
      }
      %mul3A_185 = arith.constant 3 : i32
      %mul3A_186 = arith.muli %scan3A_98, %mul3A_185 : i32
      %add3A_187 = arith.constant 2 : i32
      %add3A_188 = arith.addi %mul3A_186, %add3A_187 : i32
      %mul3A_189 = arith.constant 128 : i32
      %mul3A_190 = arith.muli %add3A_188, %mul3A_189 : i32
      %add3A_191 = arith.addi %mul3A_4, %mul3A_190 : i32
      %dma_wait3A_192 = arith.constant 0 : i32
      %dma_wait3A_193 = tpu.memref_slice %arg6[%add3A_191, %dma_wait3A_192] : memref<331776x128xf32, #tpu.memory_space<hbm>> -> memref<128x128xf32, #tpu.memory_space<hbm>>
      %dma_wait3A_194 = arith.constant 0 : i32
      %dma_wait3A_195 = tpu.memref_slice %arg6[%add3A_191, %dma_wait3A_194] : memref<331776x128xf32, #tpu.memory_space<hbm>> -> memref<128x128xf32, #tpu.memory_space<hbm>>
      tpu.wait_dma2 semaphore(%arg19 : memref<!tpu.dma_semaphore, #tpu.memory_space<semaphore_mem>>) src(%arg10 : memref<128x128xf32, #tpu.memory_space<vmem>>) dst(%dma_wait3A_195 : memref<128x128xf32, #tpu.memory_space<hbm>>)
      %add3A_196 = arith.constant 3 : i32
      %add3A_197 = arith.addi %add3A_188, %add3A_196 : i32
      %lt3A_198 = arith.constant 81 : i32
      %lt3A_199 = arith.cmpi slt, %add3A_197, %lt3A_198 : i32
      %convert_element_type3A_200 = arith.extui %lt3A_199 : i1 to i32
      %cond3A_201 = arith.constant 0 : i32
      %cond3A_202 = arith.cmpi ne, %convert_element_type3A_200, %cond3A_201 : i32
      scf.if %cond3A_202 {
        %add3A_203 = arith.constant 3 : i32
        %add3A_204 = arith.addi %add3A_188, %add3A_203 : i32
        "tpu.region"() ({
          %run_scoped3A_212 = tpu.sem_alloc : memref<!tpu.dma_semaphore, #tpu.memory_space<semaphore_mem>>
          %dma_start3A_213 = arith.constant 0 : i32
          %dma_start3A_214 = arith.constant 0 : i32
          %dma_start3A_215 = tpu.memref_slice %arg3[%add3A, %add3A_204, %dma_start3A_213, %dma_start3A_214] : memref<32x81x1x128xi32, #tpu.memory_space<hbm>> -> memref<1x1x1x128xi32, #tpu.memory_space<hbm>>
          %dma_start3A_216 = tpu.memref_squeeze %dma_start3A_215 : memref<1x1x1x128xi32, #tpu.memory_space<hbm>> -> memref<1x128xi32, #tpu.memory_space<hbm>>
          %dma_start3A_217 = arith.constant 0 : i32
          %dma_start3A_218 = arith.constant 0 : i32
          %dma_start3A_219 = tpu.memref_slice %arg3[%add3A, %add3A_204, %dma_start3A_217, %dma_start3A_218] : memref<32x81x1x128xi32, #tpu.memory_space<hbm>> -> memref<1x1x1x128xi32, #tpu.memory_space<hbm>>
          %dma_start3A_220 = tpu.memref_squeeze %dma_start3A_219 : memref<1x1x1x128xi32, #tpu.memory_space<hbm>> -> memref<1x128xi32, #tpu.memory_space<hbm>>
          tpu.enqueue_dma source(%dma_start3A_220 : memref<1x128xi32, #tpu.memory_space<hbm>>) target(%arg13 : memref<1x128xi32, #tpu.memory_space<vmem>>) target_semaphore(%run_scoped3A_212 : memref<!tpu.dma_semaphore, #tpu.memory_space<semaphore_mem>>)
          %dma_wait3A_221 = arith.constant 0 : i32
          %dma_wait3A_222 = arith.constant 0 : i32
          %dma_wait3A_223 = tpu.memref_slice %arg3[%add3A, %add3A_204, %dma_wait3A_221, %dma_wait3A_222] : memref<32x81x1x128xi32, #tpu.memory_space<hbm>> -> memref<1x1x1x128xi32, #tpu.memory_space<hbm>>
          %dma_wait3A_224 = tpu.memref_squeeze %dma_wait3A_223 : memref<1x1x1x128xi32, #tpu.memory_space<hbm>> -> memref<1x128xi32, #tpu.memory_space<hbm>>
          %dma_wait3A_225 = arith.constant 0 : i32
          %dma_wait3A_226 = arith.constant 0 : i32
          %dma_wait3A_227 = tpu.memref_slice %arg3[%add3A, %add3A_204, %dma_wait3A_225, %dma_wait3A_226] : memref<32x81x1x128xi32, #tpu.memory_space<hbm>> -> memref<1x1x1x128xi32, #tpu.memory_space<hbm>>
          %dma_wait3A_228 = tpu.memref_squeeze %dma_wait3A_227 : memref<1x1x1x128xi32, #tpu.memory_space<hbm>> -> memref<1x128xi32, #tpu.memory_space<hbm>>
          tpu.wait_dma2 semaphore(%run_scoped3A_212 : memref<!tpu.dma_semaphore, #tpu.memory_space<semaphore_mem>>) src(%dma_wait3A_228 : memref<1x128xi32, #tpu.memory_space<hbm>>) dst(%arg13 : memref<1x128xi32, #tpu.memory_space<vmem>>)
          tpu.yield
        }) : () -> ()
        %dma_start3A_205 = arith.constant 0 : i32
        %dma_start3A_206 = arith.constant 0 : i32
        %dma_start3A_207 = tpu.memref_slice %arg13[%dma_start3A_205, %dma_start3A_206] : memref<1x128xi32, #tpu.memory_space<vmem>> -> memref<1x128xi32, #tpu.memory_space<vmem>>
        %dma_start3A_208 = tpu.memref_squeeze %dma_start3A_207 : memref<1x128xi32, #tpu.memory_space<vmem>> -> memref<128xi32, #tpu.memory_space<vmem>>
        %dma_start3A_209 = arith.constant 0 : i32
        %dma_start3A_210 = arith.constant 0 : i32
        %dma_start3A_211 = tpu.memref_slice %arg7[%dma_start3A_209, %dma_start3A_210] : memref<10112x128xf32, #tpu.memory_space<vmem_shared>> -> memref<10112x128xf32, #tpu.memory_space<vmem_shared>>
        tpu.enqueue_indirect_dma source(%dma_start3A_211 : memref<10112x128xf32, #tpu.memory_space<vmem_shared>>) target(%arg10 : memref<128x128xf32, #tpu.memory_space<vmem>>) offsets(%dma_start3A_208 : memref<128xi32, #tpu.memory_space<vmem>>) semaphore(%arg16 : memref<!tpu.dma_semaphore, #tpu.memory_space<semaphore_mem>>)
      } else {
      }
    }
    %scan3A_31 = arith.constant 27 : i32
    %barrier3A_32 = arith.constant 0 : index
    tpu.barrier barrier_id(%barrier3A_32)
    %scan3A_33 = arith.constant 0 : i32
    %scan3A_34 = arith.constant 0 : i32
    %scan3A_35 = arith.constant 1024 : i32
    %scan3A_36 = arith.addi %scan3A_34, %scan3A_35 : i32
    %scan3A_37 = arith.constant 1 : i32
    scf.for %scan3A_98 = %scan3A_34 to %scan3A_36 step %scan3A_37  : i32 {
      %jit3A = arith.constant 8 : i32
      %div3A = arith.divsi %scan3A_98, %jit3A : i32
      %sign3A = arith.constant 0 : i32
      %sign3A_99 = arith.cmpi sgt, %scan3A_98, %sign3A : i32
      %sign3A_100 = arith.extui %sign3A_99 : i1 to i32
      %sign3A_101 = arith.constant 0 : i32
      %sign3A_102 = arith.cmpi slt, %scan3A_98, %sign3A_101 : i32
      %sign3A_103 = arith.extui %sign3A_102 : i1 to i32
      %sign3A_104 = arith.subi %sign3A_100, %sign3A_103 : i32
      %sign3A_105 = arith.constant 0 : i32
      %sign3A_106 = arith.cmpi sgt, %jit3A, %sign3A_105 : i32
      %sign3A_107 = arith.extui %sign3A_106 : i1 to i32
      %sign3A_108 = arith.constant 0 : i32
      %sign3A_109 = arith.cmpi slt, %jit3A, %sign3A_108 : i32
      %sign3A_110 = arith.extui %sign3A_109 : i1 to i32
      %sign3A_111 = arith.subi %sign3A_107, %sign3A_110 : i32
      %ne3A = arith.cmpi ne, %sign3A_104, %sign3A_111 : i32
      %rem3A = arith.remsi %scan3A_98, %jit3A : i32
      %ne3A_112 = arith.constant 0 : i32
      %ne3A_113 = arith.cmpi ne, %rem3A, %ne3A_112 : i32
      %and3A = arith.andi %ne3A, %ne3A_113 : i1
      %sub3A = arith.constant 1 : i32
      %sub3A_114 = arith.subi %div3A, %sub3A : i32
      %select_n3A = arith.select %and3A, %sub3A_114, %div3A : i32
      %jit3A_115 = arith.constant 8 : i32
      %eq3A = arith.constant 0 : i32
      %eq3A_116 = arith.cmpi eq, %jit3A_115, %eq3A : i32
      %jit3A_117 = arith.constant 1 : i32
      %select_n3A_118 = arith.select %eq3A_116, %jit3A_117, %jit3A_115 : i32
      %rem3A_119 = arith.remsi %scan3A_98, %select_n3A_118 : i32
      %ne3A_120 = arith.constant 0 : i32
      %ne3A_121 = arith.cmpi ne, %rem3A_119, %ne3A_120 : i32
      %lt3A = arith.constant 0 : i32
      %lt3A_122 = arith.cmpi slt, %rem3A_119, %lt3A : i32
      %lt3A_123 = arith.constant 0 : i32
      %lt3A_124 = arith.cmpi slt, %select_n3A_118, %lt3A_123 : i32
      %ne3A_125 = arith.xori %lt3A_122, %lt3A_124 : i1
      %and3A_126 = arith.andi %ne3A_125, %ne3A_121 : i1
      %add3A_127 = arith.addi %rem3A_119, %select_n3A_118 : i32
      %select_n3A_128 = arith.select %and3A_126, %add3A_127, %rem3A_119 : i32
      %mul3A_129 = arith.constant 16 : i32
      %mul3A_130 = arith.muli %select_n3A_128, %mul3A_129 : i32
      %broadcast_in_dim3A = arith.constant 0.000000e+00 : f32
      %broadcast_in_dim3A_131 = vector.broadcast %broadcast_in_dim3A : f32 to vector<16xf32>
      %swap3A = arith.index_cast %select_n3A : i32 to index
      %swap3A_132 = arith.index_cast %mul3A_130 : i32 to index
      %swap3A_133 = tpu.vector_load %arg8[%swap3A, %swap3A_132] {strides = array<i32>} : memref<128x128xf32, #tpu.memory_space<vmem>>, vector<1x16xf32>,
      %swap3A_134 = vector.shape_cast %swap3A_133 : vector<1x16xf32> to vector<16xf32>
      %swap3A_135 = vector.shape_cast %broadcast_in_dim3A_131 : vector<16xf32> to vector<1x16xf32>
      tpu.vector_store %arg8[%swap3A, %swap3A_132], %swap3A_135 {strides = array<i32>} : memref<128x128xf32, #tpu.memory_space<vmem>>, vector<1x16xf32>,
    }
    %scan3A_38 = arith.constant 1024 : i32
    %add3A_39 = arith.constant 0 : i32
    %add3A_40 = arith.addi %mul3A_2, %add3A_39 : i32
    "tpu.region"() ({
      %run_scoped3A_98 = tpu.sem_alloc : memref<!tpu.dma_semaphore, #tpu.memory_space<semaphore_mem>>
      %dma_start3A_99 = arith.constant 0 : i32
      %dma_start3A_100 = tpu.memref_slice %arg7[%add3A_40, %dma_start3A_99] : memref<10112x128xf32, #tpu.memory_space<vmem_shared>> -> memref<128x128xf32, #tpu.memory_space<vmem_shared>>
      %dma_start3A_101 = arith.constant 0 : i32
      %dma_start3A_102 = tpu.memref_slice %arg7[%add3A_40, %dma_start3A_101] : memref<10112x128xf32, #tpu.memory_space<vmem_shared>> -> memref<128x128xf32, #tpu.memory_space<vmem_shared>>
      tpu.enqueue_dma source(%arg8 : memref<128x128xf32, #tpu.memory_space<vmem>>) target(%dma_start3A_102 : memref<128x128xf32, #tpu.memory_space<vmem_shared>>) target_semaphore(%run_scoped3A_98 : memref<!tpu.dma_semaphore, #tpu.memory_space<semaphore_mem>>)
      %dma_wait3A = arith.constant 0 : i32
      %dma_wait3A_103 = tpu.memref_slice %arg7[%add3A_40, %dma_wait3A] : memref<10112x128xf32, #tpu.memory_space<vmem_shared>> -> memref<128x128xf32, #tpu.memory_space<vmem_shared>>
      %dma_wait3A_104 = arith.constant 0 : i32
      %dma_wait3A_105 = tpu.memref_slice %arg7[%add3A_40, %dma_wait3A_104] : memref<10112x128xf32, #tpu.memory_space<vmem_shared>> -> memref<128x128xf32, #tpu.memory_space<vmem_shared>>
      tpu.wait_dma2 semaphore(%run_scoped3A_98 : memref<!tpu.dma_semaphore, #tpu.memory_space<semaphore_mem>>) src(%arg8 : memref<128x128xf32, #tpu.memory_space<vmem>>) dst(%dma_wait3A_105 : memref<128x128xf32, #tpu.memory_space<vmem_shared>>)
      tpu.yield
    }) : () -> ()
    %add3A_41 = arith.constant 128 : i32
    %add3A_42 = arith.addi %mul3A_2, %add3A_41 : i32
    "tpu.region"() ({
      %run_scoped3A_98 = tpu.sem_alloc : memref<!tpu.dma_semaphore, #tpu.memory_space<semaphore_mem>>
      %dma_start3A_99 = arith.constant 0 : i32
      %dma_start3A_100 = tpu.memref_slice %arg7[%add3A_42, %dma_start3A_99] : memref<10112x128xf32, #tpu.memory_space<vmem_shared>> -> memref<128x128xf32, #tpu.memory_space<vmem_shared>>
      %dma_start3A_101 = arith.constant 0 : i32
      %dma_start3A_102 = tpu.memref_slice %arg7[%add3A_42, %dma_start3A_101] : memref<10112x128xf32, #tpu.memory_space<vmem_shared>> -> memref<128x128xf32, #tpu.memory_space<vmem_shared>>
      tpu.enqueue_dma source(%arg8 : memref<128x128xf32, #tpu.memory_space<vmem>>) target(%dma_start3A_102 : memref<128x128xf32, #tpu.memory_space<vmem_shared>>) target_semaphore(%run_scoped3A_98 : memref<!tpu.dma_semaphore, #tpu.memory_space<semaphore_mem>>)
      %dma_wait3A = arith.constant 0 : i32
      %dma_wait3A_103 = tpu.memref_slice %arg7[%add3A_42, %dma_wait3A] : memref<10112x128xf32, #tpu.memory_space<vmem_shared>> -> memref<128x128xf32, #tpu.memory_space<vmem_shared>>
      %dma_wait3A_104 = arith.constant 0 : i32
      %dma_wait3A_105 = tpu.memref_slice %arg7[%add3A_42, %dma_wait3A_104] : memref<10112x128xf32, #tpu.memory_space<vmem_shared>> -> memref<128x128xf32, #tpu.memory_space<vmem_shared>>
      tpu.wait_dma2 semaphore(%run_scoped3A_98 : memref<!tpu.dma_semaphore, #tpu.memory_space<semaphore_mem>>) src(%arg8 : memref<128x128xf32, #tpu.memory_space<vmem>>) dst(%dma_wait3A_105 : memref<128x128xf32, #tpu.memory_space<vmem_shared>>)
      tpu.yield
    }) : () -> ()
    %add3A_43 = arith.constant 256 : i32
    %add3A_44 = arith.addi %mul3A_2, %add3A_43 : i32
    "tpu.region"() ({
      %run_scoped3A_98 = tpu.sem_alloc : memref<!tpu.dma_semaphore, #tpu.memory_space<semaphore_mem>>
      %dma_start3A_99 = arith.constant 0 : i32
      %dma_start3A_100 = tpu.memref_slice %arg7[%add3A_44, %dma_start3A_99] : memref<10112x128xf32, #tpu.memory_space<vmem_shared>> -> memref<128x128xf32, #tpu.memory_space<vmem_shared>>
      %dma_start3A_101 = arith.constant 0 : i32
      %dma_start3A_102 = tpu.memref_slice %arg7[%add3A_44, %dma_start3A_101] : memref<10112x128xf32, #tpu.memory_space<vmem_shared>> -> memref<128x128xf32, #tpu.memory_space<vmem_shared>>
      tpu.enqueue_dma source(%arg8 : memref<128x128xf32, #tpu.memory_space<vmem>>) target(%dma_start3A_102 : memref<128x128xf32, #tpu.memory_space<vmem_shared>>) target_semaphore(%run_scoped3A_98 : memref<!tpu.dma_semaphore, #tpu.memory_space<semaphore_mem>>)
      %dma_wait3A = arith.constant 0 : i32
      %dma_wait3A_103 = tpu.memref_slice %arg7[%add3A_44, %dma_wait3A] : memref<10112x128xf32, #tpu.memory_space<vmem_shared>> -> memref<128x128xf32, #tpu.memory_space<vmem_shared>>
      %dma_wait3A_104 = arith.constant 0 : i32
      %dma_wait3A_105 = tpu.memref_slice %arg7[%add3A_44, %dma_wait3A_104] : memref<10112x128xf32, #tpu.memory_space<vmem_shared>> -> memref<128x128xf32, #tpu.memory_space<vmem_shared>>
      tpu.wait_dma2 semaphore(%run_scoped3A_98 : memref<!tpu.dma_semaphore, #tpu.memory_space<semaphore_mem>>) src(%arg8 : memref<128x128xf32, #tpu.memory_space<vmem>>) dst(%dma_wait3A_105 : memref<128x128xf32, #tpu.memory_space<vmem_shared>>)
      tpu.yield
    }) : () -> ()
    %add3A_45 = arith.constant 384 : i32
    %add3A_46 = arith.addi %mul3A_2, %add3A_45 : i32
    "tpu.region"() ({
      %run_scoped3A_98 = tpu.sem_alloc : memref<!tpu.dma_semaphore, #tpu.memory_space<semaphore_mem>>
      %dma_start3A_99 = arith.constant 0 : i32
      %dma_start3A_100 = tpu.memref_slice %arg7[%add3A_46, %dma_start3A_99] : memref<10112x128xf32, #tpu.memory_space<vmem_shared>> -> memref<128x128xf32, #tpu.memory_space<vmem_shared>>
      %dma_start3A_101 = arith.constant 0 : i32
      %dma_start3A_102 = tpu.memref_slice %arg7[%add3A_46, %dma_start3A_101] : memref<10112x128xf32, #tpu.memory_space<vmem_shared>> -> memref<128x128xf32, #tpu.memory_space<vmem_shared>>
      tpu.enqueue_dma source(%arg8 : memref<128x128xf32, #tpu.memory_space<vmem>>) target(%dma_start3A_102 : memref<128x128xf32, #tpu.memory_space<vmem_shared>>) target_semaphore(%run_scoped3A_98 : memref<!tpu.dma_semaphore, #tpu.memory_space<semaphore_mem>>)
      %dma_wait3A = arith.constant 0 : i32
      %dma_wait3A_103 = tpu.memref_slice %arg7[%add3A_46, %dma_wait3A] : memref<10112x128xf32, #tpu.memory_space<vmem_shared>> -> memref<128x128xf32, #tpu.memory_space<vmem_shared>>
      %dma_wait3A_104 = arith.constant 0 : i32
      %dma_wait3A_105 = tpu.memref_slice %arg7[%add3A_46, %dma_wait3A_104] : memref<10112x128xf32, #tpu.memory_space<vmem_shared>> -> memref<128x128xf32, #tpu.memory_space<vmem_shared>>
      tpu.wait_dma2 semaphore(%run_scoped3A_98 : memref<!tpu.dma_semaphore, #tpu.memory_space<semaphore_mem>>) src(%arg8 : memref<128x128xf32, #tpu.memory_space<vmem>>) dst(%dma_wait3A_105 : memref<128x128xf32, #tpu.memory_space<vmem_shared>>)
      tpu.yield
    }) : () -> ()
    %add3A_47 = arith.constant 512 : i32
    %add3A_48 = arith.addi %mul3A_2, %add3A_47 : i32
    "tpu.region"() ({
      %run_scoped3A_98 = tpu.sem_alloc : memref<!tpu.dma_semaphore, #tpu.memory_space<semaphore_mem>>
      %dma_start3A_99 = arith.constant 0 : i32
      %dma_start3A_100 = arith.constant 0 : i32
      %dma_start3A_101 = tpu.memref_slice %arg8[%dma_start3A_99, %dma_start3A_100] : memref<128x128xf32, #tpu.memory_space<vmem>> -> memref<120x128xf32, #tpu.memory_space<vmem>>
      %dma_start3A_102 = arith.constant 0 : i32
      %dma_start3A_103 = tpu.memref_slice %arg7[%add3A_48, %dma_start3A_102] : memref<10112x128xf32, #tpu.memory_space<vmem_shared>> -> memref<120x128xf32, #tpu.memory_space<vmem_shared>>
      %dma_start3A_104 = arith.constant 0 : i32
      %dma_start3A_105 = tpu.memref_slice %arg7[%add3A_48, %dma_start3A_104] : memref<10112x128xf32, #tpu.memory_space<vmem_shared>> -> memref<120x128xf32, #tpu.memory_space<vmem_shared>>
      %dma_start3A_106 = arith.constant 0 : i32
      %dma_start3A_107 = arith.constant 0 : i32
      %dma_start3A_108 = tpu.memref_slice %arg8[%dma_start3A_106, %dma_start3A_107] : memref<128x128xf32, #tpu.memory_space<vmem>> -> memref<120x128xf32, #tpu.memory_space<vmem>>
      tpu.enqueue_dma source(%dma_start3A_108 : memref<120x128xf32, #tpu.memory_space<vmem>>) target(%dma_start3A_105 : memref<120x128xf32, #tpu.memory_space<vmem_shared>>) target_semaphore(%run_scoped3A_98 : memref<!tpu.dma_semaphore, #tpu.memory_space<semaphore_mem>>)
      %dma_wait3A = arith.constant 0 : i32
      %dma_wait3A_109 = arith.constant 0 : i32
      %dma_wait3A_110 = tpu.memref_slice %arg8[%dma_wait3A, %dma_wait3A_109] : memref<128x128xf32, #tpu.memory_space<vmem>> -> memref<120x128xf32, #tpu.memory_space<vmem>>
      %dma_wait3A_111 = arith.constant 0 : i32
      %dma_wait3A_112 = tpu.memref_slice %arg7[%add3A_48, %dma_wait3A_111] : memref<10112x128xf32, #tpu.memory_space<vmem_shared>> -> memref<120x128xf32, #tpu.memory_space<vmem_shared>>
      %dma_wait3A_113 = arith.constant 0 : i32
      %dma_wait3A_114 = tpu.memref_slice %arg7[%add3A_48, %dma_wait3A_113] : memref<10112x128xf32, #tpu.memory_space<vmem_shared>> -> memref<120x128xf32, #tpu.memory_space<vmem_shared>>
      %dma_wait3A_115 = arith.constant 0 : i32
      %dma_wait3A_116 = arith.constant 0 : i32
      %dma_wait3A_117 = tpu.memref_slice %arg8[%dma_wait3A_115, %dma_wait3A_116] : memref<128x128xf32, #tpu.memory_space<vmem>> -> memref<120x128xf32, #tpu.memory_space<vmem>>
      tpu.wait_dma2 semaphore(%run_scoped3A_98 : memref<!tpu.dma_semaphore, #tpu.memory_space<semaphore_mem>>) src(%dma_wait3A_117 : memref<120x128xf32, #tpu.memory_space<vmem>>) dst(%dma_wait3A_114 : memref<120x128xf32, #tpu.memory_space<vmem_shared>>)
      tpu.yield
    }) : () -> ()
    %barrier3A_49 = arith.constant 0 : index
    tpu.barrier barrier_id(%barrier3A_49)
    %run_scoped3A_50 = arith.constant 0 : i32
    "tpu.region"() ({
      %run_scoped3A_98 = tpu.sem_alloc : memref<!tpu.dma_semaphore, #tpu.memory_space<semaphore_mem>>
      %dma_start3A_99 = arith.constant 0 : i32
      %dma_start3A_100 = arith.constant 0 : i32
      %dma_start3A_101 = tpu.memref_slice %arg4[%add3A, %run_scoped3A_50, %dma_start3A_99, %dma_start3A_100] : memref<32x81x1x128xi32, #tpu.memory_space<hbm>> -> memref<1x1x1x128xi32, #tpu.memory_space<hbm>>
      %dma_start3A_102 = tpu.memref_squeeze %dma_start3A_101 : memref<1x1x1x128xi32, #tpu.memory_space<hbm>> -> memref<1x128xi32, #tpu.memory_space<hbm>>
      %dma_start3A_103 = arith.constant 0 : i32
      %dma_start3A_104 = arith.constant 0 : i32
      %dma_start3A_105 = tpu.memref_slice %arg4[%add3A, %run_scoped3A_50, %dma_start3A_103, %dma_start3A_104] : memref<32x81x1x128xi32, #tpu.memory_space<hbm>> -> memref<1x1x1x128xi32, #tpu.memory_space<hbm>>
      %dma_start3A_106 = tpu.memref_squeeze %dma_start3A_105 : memref<1x1x1x128xi32, #tpu.memory_space<hbm>> -> memref<1x128xi32, #tpu.memory_space<hbm>>
      tpu.enqueue_dma source(%dma_start3A_106 : memref<1x128xi32, #tpu.memory_space<hbm>>) target(%arg11 : memref<1x128xi32, #tpu.memory_space<vmem>>) target_semaphore(%run_scoped3A_98 : memref<!tpu.dma_semaphore, #tpu.memory_space<semaphore_mem>>)
      %dma_wait3A = arith.constant 0 : i32
      %dma_wait3A_107 = arith.constant 0 : i32
      %dma_wait3A_108 = tpu.memref_slice %arg4[%add3A, %run_scoped3A_50, %dma_wait3A, %dma_wait3A_107] : memref<32x81x1x128xi32, #tpu.memory_space<hbm>> -> memref<1x1x1x128xi32, #tpu.memory_space<hbm>>
      %dma_wait3A_109 = tpu.memref_squeeze %dma_wait3A_108 : memref<1x1x1x128xi32, #tpu.memory_space<hbm>> -> memref<1x128xi32, #tpu.memory_space<hbm>>
      %dma_wait3A_110 = arith.constant 0 : i32
      %dma_wait3A_111 = arith.constant 0 : i32
      %dma_wait3A_112 = tpu.memref_slice %arg4[%add3A, %run_scoped3A_50, %dma_wait3A_110, %dma_wait3A_111] : memref<32x81x1x128xi32, #tpu.memory_space<hbm>> -> memref<1x1x1x128xi32, #tpu.memory_space<hbm>>
      %dma_wait3A_113 = tpu.memref_squeeze %dma_wait3A_112 : memref<1x1x1x128xi32, #tpu.memory_space<hbm>> -> memref<1x128xi32, #tpu.memory_space<hbm>>
      tpu.wait_dma2 semaphore(%run_scoped3A_98 : memref<!tpu.dma_semaphore, #tpu.memory_space<semaphore_mem>>) src(%dma_wait3A_113 : memref<1x128xi32, #tpu.memory_space<hbm>>) dst(%arg11 : memref<1x128xi32, #tpu.memory_space<vmem>>)
      tpu.yield
    }) : () -> ()
    %add3A_51 = arith.constant 0 : i32
    %add3A_52 = arith.addi %mul3A_4, %add3A_51 : i32
    %dma_start3A_53 = arith.constant 0 : i32
    %dma_start3A_54 = tpu.memref_slice %arg6[%add3A_52, %dma_start3A_53] : memref<331776x128xf32, #tpu.memory_space<hbm>> -> memref<128x128xf32, #tpu.memory_space<hbm>>
    %dma_start3A_55 = arith.constant 0 : i32
    %dma_start3A_56 = tpu.memref_slice %arg6[%add3A_52, %dma_start3A_55] : memref<331776x128xf32, #tpu.memory_space<hbm>> -> memref<128x128xf32, #tpu.memory_space<hbm>>
    tpu.enqueue_dma source(%dma_start3A_56 : memref<128x128xf32, #tpu.memory_space<hbm>>) target(%arg8 : memref<128x128xf32, #tpu.memory_space<vmem>>) target_semaphore(%arg14 : memref<!tpu.dma_semaphore, #tpu.memory_space<semaphore_mem>>)
    %run_scoped3A_57 = arith.constant 1 : i32
    "tpu.region"() ({
      %run_scoped3A_98 = tpu.sem_alloc : memref<!tpu.dma_semaphore, #tpu.memory_space<semaphore_mem>>
      %dma_start3A_99 = arith.constant 0 : i32
      %dma_start3A_100 = arith.constant 0 : i32
      %dma_start3A_101 = tpu.memref_slice %arg4[%add3A, %run_scoped3A_57, %dma_start3A_99, %dma_start3A_100] : memref<32x81x1x128xi32, #tpu.memory_space<hbm>> -> memref<1x1x1x128xi32, #tpu.memory_space<hbm>>
      %dma_start3A_102 = tpu.memref_squeeze %dma_start3A_101 : memref<1x1x1x128xi32, #tpu.memory_space<hbm>> -> memref<1x128xi32, #tpu.memory_space<hbm>>
      %dma_start3A_103 = arith.constant 0 : i32
      %dma_start3A_104 = arith.constant 0 : i32
      %dma_start3A_105 = tpu.memref_slice %arg4[%add3A, %run_scoped3A_57, %dma_start3A_103, %dma_start3A_104] : memref<32x81x1x128xi32, #tpu.memory_space<hbm>> -> memref<1x1x1x128xi32, #tpu.memory_space<hbm>>
      %dma_start3A_106 = tpu.memref_squeeze %dma_start3A_105 : memref<1x1x1x128xi32, #tpu.memory_space<hbm>> -> memref<1x128xi32, #tpu.memory_space<hbm>>
      tpu.enqueue_dma source(%dma_start3A_106 : memref<1x128xi32, #tpu.memory_space<hbm>>) target(%arg12 : memref<1x128xi32, #tpu.memory_space<vmem>>) target_semaphore(%run_scoped3A_98 : memref<!tpu.dma_semaphore, #tpu.memory_space<semaphore_mem>>)
      %dma_wait3A = arith.constant 0 : i32
      %dma_wait3A_107 = arith.constant 0 : i32
      %dma_wait3A_108 = tpu.memref_slice %arg4[%add3A, %run_scoped3A_57, %dma_wait3A, %dma_wait3A_107] : memref<32x81x1x128xi32, #tpu.memory_space<hbm>> -> memref<1x1x1x128xi32, #tpu.memory_space<hbm>>
      %dma_wait3A_109 = tpu.memref_squeeze %dma_wait3A_108 : memref<1x1x1x128xi32, #tpu.memory_space<hbm>> -> memref<1x128xi32, #tpu.memory_space<hbm>>
      %dma_wait3A_110 = arith.constant 0 : i32
      %dma_wait3A_111 = arith.constant 0 : i32
      %dma_wait3A_112 = tpu.memref_slice %arg4[%add3A, %run_scoped3A_57, %dma_wait3A_110, %dma_wait3A_111] : memref<32x81x1x128xi32, #tpu.memory_space<hbm>> -> memref<1x1x1x128xi32, #tpu.memory_space<hbm>>
      %dma_wait3A_113 = tpu.memref_squeeze %dma_wait3A_112 : memref<1x1x1x128xi32, #tpu.memory_space<hbm>> -> memref<1x128xi32, #tpu.memory_space<hbm>>
      tpu.wait_dma2 semaphore(%run_scoped3A_98 : memref<!tpu.dma_semaphore, #tpu.memory_space<semaphore_mem>>) src(%dma_wait3A_113 : memref<1x128xi32, #tpu.memory_space<hbm>>) dst(%arg12 : memref<1x128xi32, #tpu.memory_space<vmem>>)
      tpu.yield
    }) : () -> ()
    %add3A_58 = arith.constant 128 : i32
    %add3A_59 = arith.addi %mul3A_4, %add3A_58 : i32
    %dma_start3A_60 = arith.constant 0 : i32
    %dma_start3A_61 = tpu.memref_slice %arg6[%add3A_59, %dma_start3A_60] : memref<331776x128xf32, #tpu.memory_space<hbm>> -> memref<128x128xf32, #tpu.memory_space<hbm>>
    %dma_start3A_62 = arith.constant 0 : i32
    %dma_start3A_63 = tpu.memref_slice %arg6[%add3A_59, %dma_start3A_62] : memref<331776x128xf32, #tpu.memory_space<hbm>> -> memref<128x128xf32, #tpu.memory_space<hbm>>
    tpu.enqueue_dma source(%dma_start3A_63 : memref<128x128xf32, #tpu.memory_space<hbm>>) target(%arg9 : memref<128x128xf32, #tpu.memory_space<vmem>>) target_semaphore(%arg15 : memref<!tpu.dma_semaphore, #tpu.memory_space<semaphore_mem>>)
    %run_scoped3A_64 = arith.constant 2 : i32
    "tpu.region"() ({
      %run_scoped3A_98 = tpu.sem_alloc : memref<!tpu.dma_semaphore, #tpu.memory_space<semaphore_mem>>
      %dma_start3A_99 = arith.constant 0 : i32
      %dma_start3A_100 = arith.constant 0 : i32
      %dma_start3A_101 = tpu.memref_slice %arg4[%add3A, %run_scoped3A_64, %dma_start3A_99, %dma_start3A_100] : memref<32x81x1x128xi32, #tpu.memory_space<hbm>> -> memref<1x1x1x128xi32, #tpu.memory_space<hbm>>
      %dma_start3A_102 = tpu.memref_squeeze %dma_start3A_101 : memref<1x1x1x128xi32, #tpu.memory_space<hbm>> -> memref<1x128xi32, #tpu.memory_space<hbm>>
      %dma_start3A_103 = arith.constant 0 : i32
      %dma_start3A_104 = arith.constant 0 : i32
      %dma_start3A_105 = tpu.memref_slice %arg4[%add3A, %run_scoped3A_64, %dma_start3A_103, %dma_start3A_104] : memref<32x81x1x128xi32, #tpu.memory_space<hbm>> -> memref<1x1x1x128xi32, #tpu.memory_space<hbm>>
      %dma_start3A_106 = tpu.memref_squeeze %dma_start3A_105 : memref<1x1x1x128xi32, #tpu.memory_space<hbm>> -> memref<1x128xi32, #tpu.memory_space<hbm>>
      tpu.enqueue_dma source(%dma_start3A_106 : memref<1x128xi32, #tpu.memory_space<hbm>>) target(%arg13 : memref<1x128xi32, #tpu.memory_space<vmem>>) target_semaphore(%run_scoped3A_98 : memref<!tpu.dma_semaphore, #tpu.memory_space<semaphore_mem>>)
      %dma_wait3A = arith.constant 0 : i32
      %dma_wait3A_107 = arith.constant 0 : i32
      %dma_wait3A_108 = tpu.memref_slice %arg4[%add3A, %run_scoped3A_64, %dma_wait3A, %dma_wait3A_107] : memref<32x81x1x128xi32, #tpu.memory_space<hbm>> -> memref<1x1x1x128xi32, #tpu.memory_space<hbm>>
      %dma_wait3A_109 = tpu.memref_squeeze %dma_wait3A_108 : memref<1x1x1x128xi32, #tpu.memory_space<hbm>> -> memref<1x128xi32, #tpu.memory_space<hbm>>
      %dma_wait3A_110 = arith.constant 0 : i32
      %dma_wait3A_111 = arith.constant 0 : i32
      %dma_wait3A_112 = tpu.memref_slice %arg4[%add3A, %run_scoped3A_64, %dma_wait3A_110, %dma_wait3A_111] : memref<32x81x1x128xi32, #tpu.memory_space<hbm>> -> memref<1x1x1x128xi32, #tpu.memory_space<hbm>>
      %dma_wait3A_113 = tpu.memref_squeeze %dma_wait3A_112 : memref<1x1x1x128xi32, #tpu.memory_space<hbm>> -> memref<1x128xi32, #tpu.memory_space<hbm>>
      tpu.wait_dma2 semaphore(%run_scoped3A_98 : memref<!tpu.dma_semaphore, #tpu.memory_space<semaphore_mem>>) src(%dma_wait3A_113 : memref<1x128xi32, #tpu.memory_space<hbm>>) dst(%arg13 : memref<1x128xi32, #tpu.memory_space<vmem>>)
      tpu.yield
    }) : () -> ()
    %add3A_65 = arith.constant 256 : i32
    %add3A_66 = arith.addi %mul3A_4, %add3A_65 : i32
    %dma_start3A_67 = arith.constant 0 : i32
    %dma_start3A_68 = tpu.memref_slice %arg6[%add3A_66, %dma_start3A_67] : memref<331776x128xf32, #tpu.memory_space<hbm>> -> memref<128x128xf32, #tpu.memory_space<hbm>>
    %dma_start3A_69 = arith.constant 0 : i32
    %dma_start3A_70 = tpu.memref_slice %arg6[%add3A_66, %dma_start3A_69] : memref<331776x128xf32, #tpu.memory_space<hbm>> -> memref<128x128xf32, #tpu.memory_space<hbm>>
    tpu.enqueue_dma source(%dma_start3A_70 : memref<128x128xf32, #tpu.memory_space<hbm>>) target(%arg10 : memref<128x128xf32, #tpu.memory_space<vmem>>) target_semaphore(%arg16 : memref<!tpu.dma_semaphore, #tpu.memory_space<semaphore_mem>>)
    %scan3A_71 = arith.constant 0 : i32
    %scan3A_72 = arith.constant 0 : i32
    %scan3A_73 = arith.constant 27 : i32
    %scan3A_74 = arith.addi %scan3A_72, %scan3A_73 : i32
    %scan3A_75 = arith.constant 1 : i32
    scf.for %scan3A_98 = %scan3A_72 to %scan3A_74 step %scan3A_75  : i32 {
      %mul3A_99 = arith.constant 3 : i32
      %mul3A_100 = arith.muli %scan3A_98, %mul3A_99 : i32
      %add3A_101 = arith.constant 0 : i32
      %add3A_102 = arith.addi %mul3A_100, %add3A_101 : i32
      %mul3A_103 = arith.constant 128 : i32
      %mul3A_104 = arith.muli %add3A_102, %mul3A_103 : i32
      %add3A_105 = arith.addi %mul3A_4, %mul3A_104 : i32
      %dma_wait3A = arith.constant 0 : i32
      %dma_wait3A_106 = tpu.memref_slice %arg6[%add3A_105, %dma_wait3A] : memref<331776x128xf32, #tpu.memory_space<hbm>> -> memref<128x128xf32, #tpu.memory_space<hbm>>
      %dma_wait3A_107 = arith.constant 0 : i32
      %dma_wait3A_108 = tpu.memref_slice %arg6[%add3A_105, %dma_wait3A_107] : memref<331776x128xf32, #tpu.memory_space<hbm>> -> memref<128x128xf32, #tpu.memory_space<hbm>>
      tpu.wait_dma2 semaphore(%arg14 : memref<!tpu.dma_semaphore, #tpu.memory_space<semaphore_mem>>) src(%dma_wait3A_108 : memref<128x128xf32, #tpu.memory_space<hbm>>) dst(%arg8 : memref<128x128xf32, #tpu.memory_space<vmem>>)
      %dma_start3A_109 = arith.constant 0 : i32
      %dma_start3A_110 = arith.constant 0 : i32
      %dma_start3A_111 = tpu.memref_slice %arg11[%dma_start3A_109, %dma_start3A_110] : memref<1x128xi32, #tpu.memory_space<vmem>> -> memref<1x128xi32, #tpu.memory_space<vmem>>
      %dma_start3A_112 = tpu.memref_squeeze %dma_start3A_111 : memref<1x128xi32, #tpu.memory_space<vmem>> -> memref<128xi32, #tpu.memory_space<vmem>>
      %dma_start3A_113 = arith.constant 0 : i32
      %dma_start3A_114 = arith.constant 0 : i32
      %dma_start3A_115 = tpu.memref_slice %arg7[%dma_start3A_113, %dma_start3A_114] : memref<10112x128xf32, #tpu.memory_space<vmem_shared>> -> memref<10112x128xf32, #tpu.memory_space<vmem_shared>>
      tpu.enqueue_indirect_dma source(%arg8 : memref<128x128xf32, #tpu.memory_space<vmem>>) target(%dma_start3A_115 : memref<10112x128xf32, #tpu.memory_space<vmem_shared>>) offsets(%dma_start3A_112 : memref<128xi32, #tpu.memory_space<vmem>>) semaphore(%arg17 : memref<!tpu.dma_semaphore, #tpu.memory_space<semaphore_mem>>) {add = true}
      %mul3A_116 = arith.constant 3 : i32
      %mul3A_117 = arith.muli %scan3A_98, %mul3A_116 : i32
      %add3A_118 = arith.constant 1 : i32
      %add3A_119 = arith.addi %mul3A_117, %add3A_118 : i32
      %mul3A_120 = arith.constant 128 : i32
      %mul3A_121 = arith.muli %add3A_119, %mul3A_120 : i32
      %add3A_122 = arith.addi %mul3A_4, %mul3A_121 : i32
      %dma_wait3A_123 = arith.constant 0 : i32
      %dma_wait3A_124 = tpu.memref_slice %arg6[%add3A_122, %dma_wait3A_123] : memref<331776x128xf32, #tpu.memory_space<hbm>> -> memref<128x128xf32, #tpu.memory_space<hbm>>
      %dma_wait3A_125 = arith.constant 0 : i32
      %dma_wait3A_126 = tpu.memref_slice %arg6[%add3A_122, %dma_wait3A_125] : memref<331776x128xf32, #tpu.memory_space<hbm>> -> memref<128x128xf32, #tpu.memory_space<hbm>>
      tpu.wait_dma2 semaphore(%arg15 : memref<!tpu.dma_semaphore, #tpu.memory_space<semaphore_mem>>) src(%dma_wait3A_126 : memref<128x128xf32, #tpu.memory_space<hbm>>) dst(%arg9 : memref<128x128xf32, #tpu.memory_space<vmem>>)
      %dma_start3A_127 = arith.constant 0 : i32
      %dma_start3A_128 = arith.constant 0 : i32
      %dma_start3A_129 = tpu.memref_slice %arg12[%dma_start3A_127, %dma_start3A_128] : memref<1x128xi32, #tpu.memory_space<vmem>> -> memref<1x128xi32, #tpu.memory_space<vmem>>
      %dma_start3A_130 = tpu.memref_squeeze %dma_start3A_129 : memref<1x128xi32, #tpu.memory_space<vmem>> -> memref<128xi32, #tpu.memory_space<vmem>>
      %dma_start3A_131 = arith.constant 0 : i32
      %dma_start3A_132 = arith.constant 0 : i32
      %dma_start3A_133 = tpu.memref_slice %arg7[%dma_start3A_131, %dma_start3A_132] : memref<10112x128xf32, #tpu.memory_space<vmem_shared>> -> memref<10112x128xf32, #tpu.memory_space<vmem_shared>>
      tpu.enqueue_indirect_dma source(%arg9 : memref<128x128xf32, #tpu.memory_space<vmem>>) target(%dma_start3A_133 : memref<10112x128xf32, #tpu.memory_space<vmem_shared>>) offsets(%dma_start3A_130 : memref<128xi32, #tpu.memory_space<vmem>>) semaphore(%arg18 : memref<!tpu.dma_semaphore, #tpu.memory_space<semaphore_mem>>) {add = true}
      %mul3A_134 = arith.constant 3 : i32
      %mul3A_135 = arith.muli %scan3A_98, %mul3A_134 : i32
      %add3A_136 = arith.constant 2 : i32
      %add3A_137 = arith.addi %mul3A_135, %add3A_136 : i32
      %mul3A_138 = arith.constant 128 : i32
      %mul3A_139 = arith.muli %add3A_137, %mul3A_138 : i32
      %add3A_140 = arith.addi %mul3A_4, %mul3A_139 : i32
      %dma_wait3A_141 = arith.constant 0 : i32
      %dma_wait3A_142 = tpu.memref_slice %arg6[%add3A_140, %dma_wait3A_141] : memref<331776x128xf32, #tpu.memory_space<hbm>> -> memref<128x128xf32, #tpu.memory_space<hbm>>
      %dma_wait3A_143 = arith.constant 0 : i32
      %dma_wait3A_144 = tpu.memref_slice %arg6[%add3A_140, %dma_wait3A_143] : memref<331776x128xf32, #tpu.memory_space<hbm>> -> memref<128x128xf32, #tpu.memory_space<hbm>>
      tpu.wait_dma2 semaphore(%arg16 : memref<!tpu.dma_semaphore, #tpu.memory_space<semaphore_mem>>) src(%dma_wait3A_144 : memref<128x128xf32, #tpu.memory_space<hbm>>) dst(%arg10 : memref<128x128xf32, #tpu.memory_space<vmem>>)
      %dma_start3A_145 = arith.constant 0 : i32
      %dma_start3A_146 = arith.constant 0 : i32
      %dma_start3A_147 = tpu.memref_slice %arg13[%dma_start3A_145, %dma_start3A_146] : memref<1x128xi32, #tpu.memory_space<vmem>> -> memref<1x128xi32, #tpu.memory_space<vmem>>
      %dma_start3A_148 = tpu.memref_squeeze %dma_start3A_147 : memref<1x128xi32, #tpu.memory_space<vmem>> -> memref<128xi32, #tpu.memory_space<vmem>>
      %dma_start3A_149 = arith.constant 0 : i32
      %dma_start3A_150 = arith.constant 0 : i32
      %dma_start3A_151 = tpu.memref_slice %arg7[%dma_start3A_149, %dma_start3A_150] : memref<10112x128xf32, #tpu.memory_space<vmem_shared>> -> memref<10112x128xf32, #tpu.memory_space<vmem_shared>>
      tpu.enqueue_indirect_dma source(%arg10 : memref<128x128xf32, #tpu.memory_space<vmem>>) target(%dma_start3A_151 : memref<10112x128xf32, #tpu.memory_space<vmem_shared>>) offsets(%dma_start3A_148 : memref<128xi32, #tpu.memory_space<vmem>>) semaphore(%arg19 : memref<!tpu.dma_semaphore, #tpu.memory_space<semaphore_mem>>) {add = true}
      %mul3A_152 = arith.constant 3 : i32
      %mul3A_153 = arith.muli %scan3A_98, %mul3A_152 : i32
      %add3A_154 = arith.constant 0 : i32
      %add3A_155 = arith.addi %mul3A_153, %add3A_154 : i32
      %dma_wait3A_156 = arith.constant 0 : i32
      %dma_wait3A_157 = arith.constant 0 : i32
      %dma_wait3A_158 = tpu.memref_slice %arg11[%dma_wait3A_156, %dma_wait3A_157] : memref<1x128xi32, #tpu.memory_space<vmem>> -> memref<1x128xi32, #tpu.memory_space<vmem>>
      %dma_wait3A_159 = tpu.memref_squeeze %dma_wait3A_158 : memref<1x128xi32, #tpu.memory_space<vmem>> -> memref<128xi32, #tpu.memory_space<vmem>>
      %dma_wait3A_160 = arith.constant 0 : i32
      %dma_wait3A_161 = arith.constant 0 : i32
      %dma_wait3A_162 = tpu.memref_slice %arg7[%dma_wait3A_160, %dma_wait3A_161] : memref<10112x128xf32, #tpu.memory_space<vmem_shared>> -> memref<10112x128xf32, #tpu.memory_space<vmem_shared>>
      tpu.wait_indirect_dma semaphore(%arg17 : memref<!tpu.dma_semaphore, #tpu.memory_space<semaphore_mem>>) src(%arg8 : memref<128x128xf32, #tpu.memory_space<vmem>>) dst(%dma_wait3A_162 : memref<10112x128xf32, #tpu.memory_space<vmem_shared>>)
      %add3A_163 = arith.constant 3 : i32
      %add3A_164 = arith.addi %add3A_155, %add3A_163 : i32
      %lt3A = arith.constant 81 : i32
      %lt3A_165 = arith.cmpi slt, %add3A_164, %lt3A : i32
      %convert_element_type3A = arith.extui %lt3A_165 : i1 to i32
      %cond3A = arith.constant 0 : i32
      %cond3A_166 = arith.cmpi ne, %convert_element_type3A, %cond3A : i32
      scf.if %cond3A_166 {
        %add3A_203 = arith.constant 3 : i32
        %add3A_204 = arith.addi %add3A_155, %add3A_203 : i32
        "tpu.region"() ({
          %run_scoped3A_214 = tpu.sem_alloc : memref<!tpu.dma_semaphore, #tpu.memory_space<semaphore_mem>>
          %dma_start3A_215 = arith.constant 0 : i32
          %dma_start3A_216 = arith.constant 0 : i32
          %dma_start3A_217 = tpu.memref_slice %arg4[%add3A, %add3A_204, %dma_start3A_215, %dma_start3A_216] : memref<32x81x1x128xi32, #tpu.memory_space<hbm>> -> memref<1x1x1x128xi32, #tpu.memory_space<hbm>>
          %dma_start3A_218 = tpu.memref_squeeze %dma_start3A_217 : memref<1x1x1x128xi32, #tpu.memory_space<hbm>> -> memref<1x128xi32, #tpu.memory_space<hbm>>
          %dma_start3A_219 = arith.constant 0 : i32
          %dma_start3A_220 = arith.constant 0 : i32
          %dma_start3A_221 = tpu.memref_slice %arg4[%add3A, %add3A_204, %dma_start3A_219, %dma_start3A_220] : memref<32x81x1x128xi32, #tpu.memory_space<hbm>> -> memref<1x1x1x128xi32, #tpu.memory_space<hbm>>
          %dma_start3A_222 = tpu.memref_squeeze %dma_start3A_221 : memref<1x1x1x128xi32, #tpu.memory_space<hbm>> -> memref<1x128xi32, #tpu.memory_space<hbm>>
          tpu.enqueue_dma source(%dma_start3A_222 : memref<1x128xi32, #tpu.memory_space<hbm>>) target(%arg11 : memref<1x128xi32, #tpu.memory_space<vmem>>) target_semaphore(%run_scoped3A_214 : memref<!tpu.dma_semaphore, #tpu.memory_space<semaphore_mem>>)
          %dma_wait3A_223 = arith.constant 0 : i32
          %dma_wait3A_224 = arith.constant 0 : i32
          %dma_wait3A_225 = tpu.memref_slice %arg4[%add3A, %add3A_204, %dma_wait3A_223, %dma_wait3A_224] : memref<32x81x1x128xi32, #tpu.memory_space<hbm>> -> memref<1x1x1x128xi32, #tpu.memory_space<hbm>>
          %dma_wait3A_226 = tpu.memref_squeeze %dma_wait3A_225 : memref<1x1x1x128xi32, #tpu.memory_space<hbm>> -> memref<1x128xi32, #tpu.memory_space<hbm>>
          %dma_wait3A_227 = arith.constant 0 : i32
          %dma_wait3A_228 = arith.constant 0 : i32
          %dma_wait3A_229 = tpu.memref_slice %arg4[%add3A, %add3A_204, %dma_wait3A_227, %dma_wait3A_228] : memref<32x81x1x128xi32, #tpu.memory_space<hbm>> -> memref<1x1x1x128xi32, #tpu.memory_space<hbm>>
          %dma_wait3A_230 = tpu.memref_squeeze %dma_wait3A_229 : memref<1x1x1x128xi32, #tpu.memory_space<hbm>> -> memref<1x128xi32, #tpu.memory_space<hbm>>
          tpu.wait_dma2 semaphore(%run_scoped3A_214 : memref<!tpu.dma_semaphore, #tpu.memory_space<semaphore_mem>>) src(%dma_wait3A_230 : memref<1x128xi32, #tpu.memory_space<hbm>>) dst(%arg11 : memref<1x128xi32, #tpu.memory_space<vmem>>)
          tpu.yield
        }) : () -> ()
        %add3A_205 = arith.constant 3 : i32
        %add3A_206 = arith.addi %add3A_155, %add3A_205 : i32
        %mul3A_207 = arith.constant 128 : i32
        %mul3A_208 = arith.muli %add3A_206, %mul3A_207 : i32
        %add3A_209 = arith.addi %mul3A_4, %mul3A_208 : i32
        %dma_start3A_210 = arith.constant 0 : i32
        %dma_start3A_211 = tpu.memref_slice %arg6[%add3A_209, %dma_start3A_210] : memref<331776x128xf32, #tpu.memory_space<hbm>> -> memref<128x128xf32, #tpu.memory_space<hbm>>
        %dma_start3A_212 = arith.constant 0 : i32
        %dma_start3A_213 = tpu.memref_slice %arg6[%add3A_209, %dma_start3A_212] : memref<331776x128xf32, #tpu.memory_space<hbm>> -> memref<128x128xf32, #tpu.memory_space<hbm>>
        tpu.enqueue_dma source(%dma_start3A_213 : memref<128x128xf32, #tpu.memory_space<hbm>>) target(%arg8 : memref<128x128xf32, #tpu.memory_space<vmem>>) target_semaphore(%arg14 : memref<!tpu.dma_semaphore, #tpu.memory_space<semaphore_mem>>)
      } else {
      }
      %mul3A_167 = arith.constant 3 : i32
      %mul3A_168 = arith.muli %scan3A_98, %mul3A_167 : i32
      %add3A_169 = arith.constant 1 : i32
      %add3A_170 = arith.addi %mul3A_168, %add3A_169 : i32
      %dma_wait3A_171 = arith.constant 0 : i32
      %dma_wait3A_172 = arith.constant 0 : i32
      %dma_wait3A_173 = tpu.memref_slice %arg12[%dma_wait3A_171, %dma_wait3A_172] : memref<1x128xi32, #tpu.memory_space<vmem>> -> memref<1x128xi32, #tpu.memory_space<vmem>>
      %dma_wait3A_174 = tpu.memref_squeeze %dma_wait3A_173 : memref<1x128xi32, #tpu.memory_space<vmem>> -> memref<128xi32, #tpu.memory_space<vmem>>
      %dma_wait3A_175 = arith.constant 0 : i32
      %dma_wait3A_176 = arith.constant 0 : i32
      %dma_wait3A_177 = tpu.memref_slice %arg7[%dma_wait3A_175, %dma_wait3A_176] : memref<10112x128xf32, #tpu.memory_space<vmem_shared>> -> memref<10112x128xf32, #tpu.memory_space<vmem_shared>>
      tpu.wait_indirect_dma semaphore(%arg18 : memref<!tpu.dma_semaphore, #tpu.memory_space<semaphore_mem>>) src(%arg9 : memref<128x128xf32, #tpu.memory_space<vmem>>) dst(%dma_wait3A_177 : memref<10112x128xf32, #tpu.memory_space<vmem_shared>>)
      %add3A_178 = arith.constant 3 : i32
      %add3A_179 = arith.addi %add3A_170, %add3A_178 : i32
      %lt3A_180 = arith.constant 81 : i32
      %lt3A_181 = arith.cmpi slt, %add3A_179, %lt3A_180 : i32
      %convert_element_type3A_182 = arith.extui %lt3A_181 : i1 to i32
      %cond3A_183 = arith.constant 0 : i32
      %cond3A_184 = arith.cmpi ne, %convert_element_type3A_182, %cond3A_183 : i32
      scf.if %cond3A_184 {
        %add3A_203 = arith.constant 3 : i32
        %add3A_204 = arith.addi %add3A_170, %add3A_203 : i32
        "tpu.region"() ({
          %run_scoped3A_214 = tpu.sem_alloc : memref<!tpu.dma_semaphore, #tpu.memory_space<semaphore_mem>>
          %dma_start3A_215 = arith.constant 0 : i32
          %dma_start3A_216 = arith.constant 0 : i32
          %dma_start3A_217 = tpu.memref_slice %arg4[%add3A, %add3A_204, %dma_start3A_215, %dma_start3A_216] : memref<32x81x1x128xi32, #tpu.memory_space<hbm>> -> memref<1x1x1x128xi32, #tpu.memory_space<hbm>>
          %dma_start3A_218 = tpu.memref_squeeze %dma_start3A_217 : memref<1x1x1x128xi32, #tpu.memory_space<hbm>> -> memref<1x128xi32, #tpu.memory_space<hbm>>
          %dma_start3A_219 = arith.constant 0 : i32
          %dma_start3A_220 = arith.constant 0 : i32
          %dma_start3A_221 = tpu.memref_slice %arg4[%add3A, %add3A_204, %dma_start3A_219, %dma_start3A_220] : memref<32x81x1x128xi32, #tpu.memory_space<hbm>> -> memref<1x1x1x128xi32, #tpu.memory_space<hbm>>
          %dma_start3A_222 = tpu.memref_squeeze %dma_start3A_221 : memref<1x1x1x128xi32, #tpu.memory_space<hbm>> -> memref<1x128xi32, #tpu.memory_space<hbm>>
          tpu.enqueue_dma source(%dma_start3A_222 : memref<1x128xi32, #tpu.memory_space<hbm>>) target(%arg12 : memref<1x128xi32, #tpu.memory_space<vmem>>) target_semaphore(%run_scoped3A_214 : memref<!tpu.dma_semaphore, #tpu.memory_space<semaphore_mem>>)
          %dma_wait3A_223 = arith.constant 0 : i32
          %dma_wait3A_224 = arith.constant 0 : i32
          %dma_wait3A_225 = tpu.memref_slice %arg4[%add3A, %add3A_204, %dma_wait3A_223, %dma_wait3A_224] : memref<32x81x1x128xi32, #tpu.memory_space<hbm>> -> memref<1x1x1x128xi32, #tpu.memory_space<hbm>>
          %dma_wait3A_226 = tpu.memref_squeeze %dma_wait3A_225 : memref<1x1x1x128xi32, #tpu.memory_space<hbm>> -> memref<1x128xi32, #tpu.memory_space<hbm>>
          %dma_wait3A_227 = arith.constant 0 : i32
          %dma_wait3A_228 = arith.constant 0 : i32
          %dma_wait3A_229 = tpu.memref_slice %arg4[%add3A, %add3A_204, %dma_wait3A_227, %dma_wait3A_228] : memref<32x81x1x128xi32, #tpu.memory_space<hbm>> -> memref<1x1x1x128xi32, #tpu.memory_space<hbm>>
          %dma_wait3A_230 = tpu.memref_squeeze %dma_wait3A_229 : memref<1x1x1x128xi32, #tpu.memory_space<hbm>> -> memref<1x128xi32, #tpu.memory_space<hbm>>
          tpu.wait_dma2 semaphore(%run_scoped3A_214 : memref<!tpu.dma_semaphore, #tpu.memory_space<semaphore_mem>>) src(%dma_wait3A_230 : memref<1x128xi32, #tpu.memory_space<hbm>>) dst(%arg12 : memref<1x128xi32, #tpu.memory_space<vmem>>)
          tpu.yield
        }) : () -> ()
        %add3A_205 = arith.constant 3 : i32
        %add3A_206 = arith.addi %add3A_170, %add3A_205 : i32
        %mul3A_207 = arith.constant 128 : i32
        %mul3A_208 = arith.muli %add3A_206, %mul3A_207 : i32
        %add3A_209 = arith.addi %mul3A_4, %mul3A_208 : i32
        %dma_start3A_210 = arith.constant 0 : i32
        %dma_start3A_211 = tpu.memref_slice %arg6[%add3A_209, %dma_start3A_210] : memref<331776x128xf32, #tpu.memory_space<hbm>> -> memref<128x128xf32, #tpu.memory_space<hbm>>
        %dma_start3A_212 = arith.constant 0 : i32
        %dma_start3A_213 = tpu.memref_slice %arg6[%add3A_209, %dma_start3A_212] : memref<331776x128xf32, #tpu.memory_space<hbm>> -> memref<128x128xf32, #tpu.memory_space<hbm>>
        tpu.enqueue_dma source(%dma_start3A_213 : memref<128x128xf32, #tpu.memory_space<hbm>>) target(%arg9 : memref<128x128xf32, #tpu.memory_space<vmem>>) target_semaphore(%arg15 : memref<!tpu.dma_semaphore, #tpu.memory_space<semaphore_mem>>)
      } else {
      }
      %mul3A_185 = arith.constant 3 : i32
      %mul3A_186 = arith.muli %scan3A_98, %mul3A_185 : i32
      %add3A_187 = arith.constant 2 : i32
      %add3A_188 = arith.addi %mul3A_186, %add3A_187 : i32
      %dma_wait3A_189 = arith.constant 0 : i32
      %dma_wait3A_190 = arith.constant 0 : i32
      %dma_wait3A_191 = tpu.memref_slice %arg13[%dma_wait3A_189, %dma_wait3A_190] : memref<1x128xi32, #tpu.memory_space<vmem>> -> memref<1x128xi32, #tpu.memory_space<vmem>>
      %dma_wait3A_192 = tpu.memref_squeeze %dma_wait3A_191 : memref<1x128xi32, #tpu.memory_space<vmem>> -> memref<128xi32, #tpu.memory_space<vmem>>
      %dma_wait3A_193 = arith.constant 0 : i32
      %dma_wait3A_194 = arith.constant 0 : i32
      %dma_wait3A_195 = tpu.memref_slice %arg7[%dma_wait3A_193, %dma_wait3A_194] : memref<10112x128xf32, #tpu.memory_space<vmem_shared>> -> memref<10112x128xf32, #tpu.memory_space<vmem_shared>>
      tpu.wait_indirect_dma semaphore(%arg19 : memref<!tpu.dma_semaphore, #tpu.memory_space<semaphore_mem>>) src(%arg10 : memref<128x128xf32, #tpu.memory_space<vmem>>) dst(%dma_wait3A_195 : memref<10112x128xf32, #tpu.memory_space<vmem_shared>>)
      %add3A_196 = arith.constant 3 : i32
      %add3A_197 = arith.addi %add3A_188, %add3A_196 : i32
      %lt3A_198 = arith.constant 81 : i32
      %lt3A_199 = arith.cmpi slt, %add3A_197, %lt3A_198 : i32
      %convert_element_type3A_200 = arith.extui %lt3A_199 : i1 to i32
      %cond3A_201 = arith.constant 0 : i32
      %cond3A_202 = arith.cmpi ne, %convert_element_type3A_200, %cond3A_201 : i32
      scf.if %cond3A_202 {
        %add3A_203 = arith.constant 3 : i32
        %add3A_204 = arith.addi %add3A_188, %add3A_203 : i32
        "tpu.region"() ({
          %run_scoped3A_214 = tpu.sem_alloc : memref<!tpu.dma_semaphore, #tpu.memory_space<semaphore_mem>>
          %dma_start3A_215 = arith.constant 0 : i32
          %dma_start3A_216 = arith.constant 0 : i32
          %dma_start3A_217 = tpu.memref_slice %arg4[%add3A, %add3A_204, %dma_start3A_215, %dma_start3A_216] : memref<32x81x1x128xi32, #tpu.memory_space<hbm>> -> memref<1x1x1x128xi32, #tpu.memory_space<hbm>>
          %dma_start3A_218 = tpu.memref_squeeze %dma_start3A_217 : memref<1x1x1x128xi32, #tpu.memory_space<hbm>> -> memref<1x128xi32, #tpu.memory_space<hbm>>
          %dma_start3A_219 = arith.constant 0 : i32
          %dma_start3A_220 = arith.constant 0 : i32
          %dma_start3A_221 = tpu.memref_slice %arg4[%add3A, %add3A_204, %dma_start3A_219, %dma_start3A_220] : memref<32x81x1x128xi32, #tpu.memory_space<hbm>> -> memref<1x1x1x128xi32, #tpu.memory_space<hbm>>
          %dma_start3A_222 = tpu.memref_squeeze %dma_start3A_221 : memref<1x1x1x128xi32, #tpu.memory_space<hbm>> -> memref<1x128xi32, #tpu.memory_space<hbm>>
          tpu.enqueue_dma source(%dma_start3A_222 : memref<1x128xi32, #tpu.memory_space<hbm>>) target(%arg13 : memref<1x128xi32, #tpu.memory_space<vmem>>) target_semaphore(%run_scoped3A_214 : memref<!tpu.dma_semaphore, #tpu.memory_space<semaphore_mem>>)
          %dma_wait3A_223 = arith.constant 0 : i32
          %dma_wait3A_224 = arith.constant 0 : i32
          %dma_wait3A_225 = tpu.memref_slice %arg4[%add3A, %add3A_204, %dma_wait3A_223, %dma_wait3A_224] : memref<32x81x1x128xi32, #tpu.memory_space<hbm>> -> memref<1x1x1x128xi32, #tpu.memory_space<hbm>>
          %dma_wait3A_226 = tpu.memref_squeeze %dma_wait3A_225 : memref<1x1x1x128xi32, #tpu.memory_space<hbm>> -> memref<1x128xi32, #tpu.memory_space<hbm>>
          %dma_wait3A_227 = arith.constant 0 : i32
          %dma_wait3A_228 = arith.constant 0 : i32
          %dma_wait3A_229 = tpu.memref_slice %arg4[%add3A, %add3A_204, %dma_wait3A_227, %dma_wait3A_228] : memref<32x81x1x128xi32, #tpu.memory_space<hbm>> -> memref<1x1x1x128xi32, #tpu.memory_space<hbm>>
          %dma_wait3A_230 = tpu.memref_squeeze %dma_wait3A_229 : memref<1x1x1x128xi32, #tpu.memory_space<hbm>> -> memref<1x128xi32, #tpu.memory_space<hbm>>
          tpu.wait_dma2 semaphore(%run_scoped3A_214 : memref<!tpu.dma_semaphore, #tpu.memory_space<semaphore_mem>>) src(%dma_wait3A_230 : memref<1x128xi32, #tpu.memory_space<hbm>>) dst(%arg13 : memref<1x128xi32, #tpu.memory_space<vmem>>)
          tpu.yield
        }) : () -> ()
        %add3A_205 = arith.constant 3 : i32
        %add3A_206 = arith.addi %add3A_188, %add3A_205 : i32
        %mul3A_207 = arith.constant 128 : i32
        %mul3A_208 = arith.muli %add3A_206, %mul3A_207 : i32
        %add3A_209 = arith.addi %mul3A_4, %mul3A_208 : i32
        %dma_start3A_210 = arith.constant 0 : i32
        %dma_start3A_211 = tpu.memref_slice %arg6[%add3A_209, %dma_start3A_210] : memref<331776x128xf32, #tpu.memory_space<hbm>> -> memref<128x128xf32, #tpu.memory_space<hbm>>
        %dma_start3A_212 = arith.constant 0 : i32
        %dma_start3A_213 = tpu.memref_slice %arg6[%add3A_209, %dma_start3A_212] : memref<331776x128xf32, #tpu.memory_space<hbm>> -> memref<128x128xf32, #tpu.memory_space<hbm>>
        tpu.enqueue_dma source(%dma_start3A_213 : memref<128x128xf32, #tpu.memory_space<hbm>>) target(%arg10 : memref<128x128xf32, #tpu.memory_space<vmem>>) target_semaphore(%arg16 : memref<!tpu.dma_semaphore, #tpu.memory_space<semaphore_mem>>)
      } else {
      }
    }
    %scan3A_76 = arith.constant 27 : i32
    %barrier3A_77 = arith.constant 0 : index
    tpu.barrier barrier_id(%barrier3A_77)
    %add3A_78 = arith.constant 0 : i32
    %add3A_79 = arith.addi %mul3A_2, %add3A_78 : i32
    "tpu.region"() ({
      %run_scoped3A_98 = tpu.sem_alloc : memref<!tpu.dma_semaphore, #tpu.memory_space<semaphore_mem>>
      %dma_start3A_99 = arith.constant 0 : i32
      %dma_start3A_100 = tpu.memref_slice %arg7[%add3A_79, %dma_start3A_99] : memref<10112x128xf32, #tpu.memory_space<vmem_shared>> -> memref<128x128xf32, #tpu.memory_space<vmem_shared>>
      %dma_start3A_101 = arith.constant 0 : i32
      %dma_start3A_102 = tpu.memref_slice %arg7[%add3A_79, %dma_start3A_101] : memref<10112x128xf32, #tpu.memory_space<vmem_shared>> -> memref<128x128xf32, #tpu.memory_space<vmem_shared>>
      tpu.enqueue_dma source(%dma_start3A_102 : memref<128x128xf32, #tpu.memory_space<vmem_shared>>) target(%arg8 : memref<128x128xf32, #tpu.memory_space<vmem>>) target_semaphore(%run_scoped3A_98 : memref<!tpu.dma_semaphore, #tpu.memory_space<semaphore_mem>>)
      %dma_wait3A = arith.constant 0 : i32
      %dma_wait3A_103 = tpu.memref_slice %arg7[%add3A_79, %dma_wait3A] : memref<10112x128xf32, #tpu.memory_space<vmem_shared>> -> memref<128x128xf32, #tpu.memory_space<vmem_shared>>
      %dma_wait3A_104 = arith.constant 0 : i32
      %dma_wait3A_105 = tpu.memref_slice %arg7[%add3A_79, %dma_wait3A_104] : memref<10112x128xf32, #tpu.memory_space<vmem_shared>> -> memref<128x128xf32, #tpu.memory_space<vmem_shared>>
      tpu.wait_dma2 semaphore(%run_scoped3A_98 : memref<!tpu.dma_semaphore, #tpu.memory_space<semaphore_mem>>) src(%dma_wait3A_105 : memref<128x128xf32, #tpu.memory_space<vmem_shared>>) dst(%arg8 : memref<128x128xf32, #tpu.memory_space<vmem>>)
      tpu.yield
    }) : () -> ()
    %add3A_80 = arith.constant 0 : i32
    %add3A_81 = arith.addi %mul3A_2, %add3A_80 : i32
    "tpu.region"() ({
      %run_scoped3A_98 = tpu.sem_alloc : memref<!tpu.dma_semaphore, #tpu.memory_space<semaphore_mem>>
      %dma_start3A_99 = arith.constant 0 : i32
      %dma_start3A_100 = tpu.memref_slice %arg5[%arg0, %add3A_81, %dma_start3A_99] : memref<2x10112x128xf32, #tpu.memory_space<hbm>> -> memref<1x128x128xf32, #tpu.memory_space<hbm>>
      %dma_start3A_101 = tpu.memref_squeeze %dma_start3A_100 : memref<1x128x128xf32, #tpu.memory_space<hbm>> -> memref<128x128xf32, #tpu.memory_space<hbm>>
      %dma_start3A_102 = arith.constant 0 : i32
      %dma_start3A_103 = tpu.memref_slice %arg5[%arg0, %add3A_81, %dma_start3A_102] : memref<2x10112x128xf32, #tpu.memory_space<hbm>> -> memref<1x128x128xf32, #tpu.memory_space<hbm>>
      %dma_start3A_104 = tpu.memref_squeeze %dma_start3A_103 : memref<1x128x128xf32, #tpu.memory_space<hbm>> -> memref<128x128xf32, #tpu.memory_space<hbm>>
      tpu.enqueue_dma source(%arg8 : memref<128x128xf32, #tpu.memory_space<vmem>>) target(%dma_start3A_104 : memref<128x128xf32, #tpu.memory_space<hbm>>) target_semaphore(%run_scoped3A_98 : memref<!tpu.dma_semaphore, #tpu.memory_space<semaphore_mem>>)
      %dma_wait3A = arith.constant 0 : i32
      %dma_wait3A_105 = tpu.memref_slice %arg5[%arg0, %add3A_81, %dma_wait3A] : memref<2x10112x128xf32, #tpu.memory_space<hbm>> -> memref<1x128x128xf32, #tpu.memory_space<hbm>>
      %dma_wait3A_106 = tpu.memref_squeeze %dma_wait3A_105 : memref<1x128x128xf32, #tpu.memory_space<hbm>> -> memref<128x128xf32, #tpu.memory_space<hbm>>
      %dma_wait3A_107 = arith.constant 0 : i32
      %dma_wait3A_108 = tpu.memref_slice %arg5[%arg0, %add3A_81, %dma_wait3A_107] : memref<2x10112x128xf32, #tpu.memory_space<hbm>> -> memref<1x128x128xf32, #tpu.memory_space<hbm>>
      %dma_wait3A_109 = tpu.memref_squeeze %dma_wait3A_108 : memref<1x128x128xf32, #tpu.memory_space<hbm>> -> memref<128x128xf32, #tpu.memory_space<hbm>>
      tpu.wait_dma2 semaphore(%run_scoped3A_98 : memref<!tpu.dma_semaphore, #tpu.memory_space<semaphore_mem>>) src(%arg8 : memref<128x128xf32, #tpu.memory_space<vmem>>) dst(%dma_wait3A_109 : memref<128x128xf32, #tpu.memory_space<hbm>>)
      tpu.yield
    }) : () -> ()
    %add3A_82 = arith.constant 128 : i32
    %add3A_83 = arith.addi %mul3A_2, %add3A_82 : i32
    "tpu.region"() ({
      %run_scoped3A_98 = tpu.sem_alloc : memref<!tpu.dma_semaphore, #tpu.memory_space<semaphore_mem>>
      %dma_start3A_99 = arith.constant 0 : i32
      %dma_start3A_100 = tpu.memref_slice %arg7[%add3A_83, %dma_start3A_99] : memref<10112x128xf32, #tpu.memory_space<vmem_shared>> -> memref<128x128xf32, #tpu.memory_space<vmem_shared>>
      %dma_start3A_101 = arith.constant 0 : i32
      %dma_start3A_102 = tpu.memref_slice %arg7[%add3A_83, %dma_start3A_101] : memref<10112x128xf32, #tpu.memory_space<vmem_shared>> -> memref<128x128xf32, #tpu.memory_space<vmem_shared>>
      tpu.enqueue_dma source(%dma_start3A_102 : memref<128x128xf32, #tpu.memory_space<vmem_shared>>) target(%arg8 : memref<128x128xf32, #tpu.memory_space<vmem>>) target_semaphore(%run_scoped3A_98 : memref<!tpu.dma_semaphore, #tpu.memory_space<semaphore_mem>>)
      %dma_wait3A = arith.constant 0 : i32
      %dma_wait3A_103 = tpu.memref_slice %arg7[%add3A_83, %dma_wait3A] : memref<10112x128xf32, #tpu.memory_space<vmem_shared>> -> memref<128x128xf32, #tpu.memory_space<vmem_shared>>
      %dma_wait3A_104 = arith.constant 0 : i32
      %dma_wait3A_105 = tpu.memref_slice %arg7[%add3A_83, %dma_wait3A_104] : memref<10112x128xf32, #tpu.memory_space<vmem_shared>> -> memref<128x128xf32, #tpu.memory_space<vmem_shared>>
      tpu.wait_dma2 semaphore(%run_scoped3A_98 : memref<!tpu.dma_semaphore, #tpu.memory_space<semaphore_mem>>) src(%dma_wait3A_105 : memref<128x128xf32, #tpu.memory_space<vmem_shared>>) dst(%arg8 : memref<128x128xf32, #tpu.memory_space<vmem>>)
      tpu.yield
    }) : () -> ()
    %add3A_84 = arith.constant 128 : i32
    %add3A_85 = arith.addi %mul3A_2, %add3A_84 : i32
    "tpu.region"() ({
      %run_scoped3A_98 = tpu.sem_alloc : memref<!tpu.dma_semaphore, #tpu.memory_space<semaphore_mem>>
      %dma_start3A_99 = arith.constant 0 : i32
      %dma_start3A_100 = tpu.memref_slice %arg5[%arg0, %add3A_85, %dma_start3A_99] : memref<2x10112x128xf32, #tpu.memory_space<hbm>> -> memref<1x128x128xf32, #tpu.memory_space<hbm>>
      %dma_start3A_101 = tpu.memref_squeeze %dma_start3A_100 : memref<1x128x128xf32, #tpu.memory_space<hbm>> -> memref<128x128xf32, #tpu.memory_space<hbm>>
      %dma_start3A_102 = arith.constant 0 : i32
      %dma_start3A_103 = tpu.memref_slice %arg5[%arg0, %add3A_85, %dma_start3A_102] : memref<2x10112x128xf32, #tpu.memory_space<hbm>> -> memref<1x128x128xf32, #tpu.memory_space<hbm>>
      %dma_start3A_104 = tpu.memref_squeeze %dma_start3A_103 : memref<1x128x128xf32, #tpu.memory_space<hbm>> -> memref<128x128xf32, #tpu.memory_space<hbm>>
      tpu.enqueue_dma source(%arg8 : memref<128x128xf32, #tpu.memory_space<vmem>>) target(%dma_start3A_104 : memref<128x128xf32, #tpu.memory_space<hbm>>) target_semaphore(%run_scoped3A_98 : memref<!tpu.dma_semaphore, #tpu.memory_space<semaphore_mem>>)
      %dma_wait3A = arith.constant 0 : i32
      %dma_wait3A_105 = tpu.memref_slice %arg5[%arg0, %add3A_85, %dma_wait3A] : memref<2x10112x128xf32, #tpu.memory_space<hbm>> -> memref<1x128x128xf32, #tpu.memory_space<hbm>>
      %dma_wait3A_106 = tpu.memref_squeeze %dma_wait3A_105 : memref<1x128x128xf32, #tpu.memory_space<hbm>> -> memref<128x128xf32, #tpu.memory_space<hbm>>
      %dma_wait3A_107 = arith.constant 0 : i32
      %dma_wait3A_108 = tpu.memref_slice %arg5[%arg0, %add3A_85, %dma_wait3A_107] : memref<2x10112x128xf32, #tpu.memory_space<hbm>> -> memref<1x128x128xf32, #tpu.memory_space<hbm>>
      %dma_wait3A_109 = tpu.memref_squeeze %dma_wait3A_108 : memref<1x128x128xf32, #tpu.memory_space<hbm>> -> memref<128x128xf32, #tpu.memory_space<hbm>>
      tpu.wait_dma2 semaphore(%run_scoped3A_98 : memref<!tpu.dma_semaphore, #tpu.memory_space<semaphore_mem>>) src(%arg8 : memref<128x128xf32, #tpu.memory_space<vmem>>) dst(%dma_wait3A_109 : memref<128x128xf32, #tpu.memory_space<hbm>>)
      tpu.yield
    }) : () -> ()
    %add3A_86 = arith.constant 256 : i32
    %add3A_87 = arith.addi %mul3A_2, %add3A_86 : i32
    "tpu.region"() ({
      %run_scoped3A_98 = tpu.sem_alloc : memref<!tpu.dma_semaphore, #tpu.memory_space<semaphore_mem>>
      %dma_start3A_99 = arith.constant 0 : i32
      %dma_start3A_100 = tpu.memref_slice %arg7[%add3A_87, %dma_start3A_99] : memref<10112x128xf32, #tpu.memory_space<vmem_shared>> -> memref<128x128xf32, #tpu.memory_space<vmem_shared>>
      %dma_start3A_101 = arith.constant 0 : i32
      %dma_start3A_102 = tpu.memref_slice %arg7[%add3A_87, %dma_start3A_101] : memref<10112x128xf32, #tpu.memory_space<vmem_shared>> -> memref<128x128xf32, #tpu.memory_space<vmem_shared>>
      tpu.enqueue_dma source(%dma_start3A_102 : memref<128x128xf32, #tpu.memory_space<vmem_shared>>) target(%arg8 : memref<128x128xf32, #tpu.memory_space<vmem>>) target_semaphore(%run_scoped3A_98 : memref<!tpu.dma_semaphore, #tpu.memory_space<semaphore_mem>>)
      %dma_wait3A = arith.constant 0 : i32
      %dma_wait3A_103 = tpu.memref_slice %arg7[%add3A_87, %dma_wait3A] : memref<10112x128xf32, #tpu.memory_space<vmem_shared>> -> memref<128x128xf32, #tpu.memory_space<vmem_shared>>
      %dma_wait3A_104 = arith.constant 0 : i32
      %dma_wait3A_105 = tpu.memref_slice %arg7[%add3A_87, %dma_wait3A_104] : memref<10112x128xf32, #tpu.memory_space<vmem_shared>> -> memref<128x128xf32, #tpu.memory_space<vmem_shared>>
      tpu.wait_dma2 semaphore(%run_scoped3A_98 : memref<!tpu.dma_semaphore, #tpu.memory_space<semaphore_mem>>) src(%dma_wait3A_105 : memref<128x128xf32, #tpu.memory_space<vmem_shared>>) dst(%arg8 : memref<128x128xf32, #tpu.memory_space<vmem>>)
      tpu.yield
    }) : () -> ()
    %add3A_88 = arith.constant 256 : i32
    %add3A_89 = arith.addi %mul3A_2, %add3A_88 : i32
    "tpu.region"() ({
      %run_scoped3A_98 = tpu.sem_alloc : memref<!tpu.dma_semaphore, #tpu.memory_space<semaphore_mem>>
      %dma_start3A_99 = arith.constant 0 : i32
      %dma_start3A_100 = tpu.memref_slice %arg5[%arg0, %add3A_89, %dma_start3A_99] : memref<2x10112x128xf32, #tpu.memory_space<hbm>> -> memref<1x128x128xf32, #tpu.memory_space<hbm>>
      %dma_start3A_101 = tpu.memref_squeeze %dma_start3A_100 : memref<1x128x128xf32, #tpu.memory_space<hbm>> -> memref<128x128xf32, #tpu.memory_space<hbm>>
      %dma_start3A_102 = arith.constant 0 : i32
      %dma_start3A_103 = tpu.memref_slice %arg5[%arg0, %add3A_89, %dma_start3A_102] : memref<2x10112x128xf32, #tpu.memory_space<hbm>> -> memref<1x128x128xf32, #tpu.memory_space<hbm>>
      %dma_start3A_104 = tpu.memref_squeeze %dma_start3A_103 : memref<1x128x128xf32, #tpu.memory_space<hbm>> -> memref<128x128xf32, #tpu.memory_space<hbm>>
      tpu.enqueue_dma source(%arg8 : memref<128x128xf32, #tpu.memory_space<vmem>>) target(%dma_start3A_104 : memref<128x128xf32, #tpu.memory_space<hbm>>) target_semaphore(%run_scoped3A_98 : memref<!tpu.dma_semaphore, #tpu.memory_space<semaphore_mem>>)
      %dma_wait3A = arith.constant 0 : i32
      %dma_wait3A_105 = tpu.memref_slice %arg5[%arg0, %add3A_89, %dma_wait3A] : memref<2x10112x128xf32, #tpu.memory_space<hbm>> -> memref<1x128x128xf32, #tpu.memory_space<hbm>>
      %dma_wait3A_106 = tpu.memref_squeeze %dma_wait3A_105 : memref<1x128x128xf32, #tpu.memory_space<hbm>> -> memref<128x128xf32, #tpu.memory_space<hbm>>
      %dma_wait3A_107 = arith.constant 0 : i32
      %dma_wait3A_108 = tpu.memref_slice %arg5[%arg0, %add3A_89, %dma_wait3A_107] : memref<2x10112x128xf32, #tpu.memory_space<hbm>> -> memref<1x128x128xf32, #tpu.memory_space<hbm>>
      %dma_wait3A_109 = tpu.memref_squeeze %dma_wait3A_108 : memref<1x128x128xf32, #tpu.memory_space<hbm>> -> memref<128x128xf32, #tpu.memory_space<hbm>>
      tpu.wait_dma2 semaphore(%run_scoped3A_98 : memref<!tpu.dma_semaphore, #tpu.memory_space<semaphore_mem>>) src(%arg8 : memref<128x128xf32, #tpu.memory_space<vmem>>) dst(%dma_wait3A_109 : memref<128x128xf32, #tpu.memory_space<hbm>>)
      tpu.yield
    }) : () -> ()
    %add3A_90 = arith.constant 384 : i32
    %add3A_91 = arith.addi %mul3A_2, %add3A_90 : i32
    "tpu.region"() ({
      %run_scoped3A_98 = tpu.sem_alloc : memref<!tpu.dma_semaphore, #tpu.memory_space<semaphore_mem>>
      %dma_start3A_99 = arith.constant 0 : i32
      %dma_start3A_100 = tpu.memref_slice %arg7[%add3A_91, %dma_start3A_99] : memref<10112x128xf32, #tpu.memory_space<vmem_shared>> -> memref<128x128xf32, #tpu.memory_space<vmem_shared>>
      %dma_start3A_101 = arith.constant 0 : i32
      %dma_start3A_102 = tpu.memref_slice %arg7[%add3A_91, %dma_start3A_101] : memref<10112x128xf32, #tpu.memory_space<vmem_shared>> -> memref<128x128xf32, #tpu.memory_space<vmem_shared>>
      tpu.enqueue_dma source(%dma_start3A_102 : memref<128x128xf32, #tpu.memory_space<vmem_shared>>) target(%arg8 : memref<128x128xf32, #tpu.memory_space<vmem>>) target_semaphore(%run_scoped3A_98 : memref<!tpu.dma_semaphore, #tpu.memory_space<semaphore_mem>>)
      %dma_wait3A = arith.constant 0 : i32
      %dma_wait3A_103 = tpu.memref_slice %arg7[%add3A_91, %dma_wait3A] : memref<10112x128xf32, #tpu.memory_space<vmem_shared>> -> memref<128x128xf32, #tpu.memory_space<vmem_shared>>
      %dma_wait3A_104 = arith.constant 0 : i32
      %dma_wait3A_105 = tpu.memref_slice %arg7[%add3A_91, %dma_wait3A_104] : memref<10112x128xf32, #tpu.memory_space<vmem_shared>> -> memref<128x128xf32, #tpu.memory_space<vmem_shared>>
      tpu.wait_dma2 semaphore(%run_scoped3A_98 : memref<!tpu.dma_semaphore, #tpu.memory_space<semaphore_mem>>) src(%dma_wait3A_105 : memref<128x128xf32, #tpu.memory_space<vmem_shared>>) dst(%arg8 : memref<128x128xf32, #tpu.memory_space<vmem>>)
      tpu.yield
    }) : () -> ()
    %add3A_92 = arith.constant 384 : i32
    %add3A_93 = arith.addi %mul3A_2, %add3A_92 : i32
    "tpu.region"() ({
      %run_scoped3A_98 = tpu.sem_alloc : memref<!tpu.dma_semaphore, #tpu.memory_space<semaphore_mem>>
      %dma_start3A_99 = arith.constant 0 : i32
      %dma_start3A_100 = tpu.memref_slice %arg5[%arg0, %add3A_93, %dma_start3A_99] : memref<2x10112x128xf32, #tpu.memory_space<hbm>> -> memref<1x128x128xf32, #tpu.memory_space<hbm>>
      %dma_start3A_101 = tpu.memref_squeeze %dma_start3A_100 : memref<1x128x128xf32, #tpu.memory_space<hbm>> -> memref<128x128xf32, #tpu.memory_space<hbm>>
      %dma_start3A_102 = arith.constant 0 : i32
      %dma_start3A_103 = tpu.memref_slice %arg5[%arg0, %add3A_93, %dma_start3A_102] : memref<2x10112x128xf32, #tpu.memory_space<hbm>> -> memref<1x128x128xf32, #tpu.memory_space<hbm>>
      %dma_start3A_104 = tpu.memref_squeeze %dma_start3A_103 : memref<1x128x128xf32, #tpu.memory_space<hbm>> -> memref<128x128xf32, #tpu.memory_space<hbm>>
      tpu.enqueue_dma source(%arg8 : memref<128x128xf32, #tpu.memory_space<vmem>>) target(%dma_start3A_104 : memref<128x128xf32, #tpu.memory_space<hbm>>) target_semaphore(%run_scoped3A_98 : memref<!tpu.dma_semaphore, #tpu.memory_space<semaphore_mem>>)
      %dma_wait3A = arith.constant 0 : i32
      %dma_wait3A_105 = tpu.memref_slice %arg5[%arg0, %add3A_93, %dma_wait3A] : memref<2x10112x128xf32, #tpu.memory_space<hbm>> -> memref<1x128x128xf32, #tpu.memory_space<hbm>>
      %dma_wait3A_106 = tpu.memref_squeeze %dma_wait3A_105 : memref<1x128x128xf32, #tpu.memory_space<hbm>> -> memref<128x128xf32, #tpu.memory_space<hbm>>
      %dma_wait3A_107 = arith.constant 0 : i32
      %dma_wait3A_108 = tpu.memref_slice %arg5[%arg0, %add3A_93, %dma_wait3A_107] : memref<2x10112x128xf32, #tpu.memory_space<hbm>> -> memref<1x128x128xf32, #tpu.memory_space<hbm>>
      %dma_wait3A_109 = tpu.memref_squeeze %dma_wait3A_108 : memref<1x128x128xf32, #tpu.memory_space<hbm>> -> memref<128x128xf32, #tpu.memory_space<hbm>>
      tpu.wait_dma2 semaphore(%run_scoped3A_98 : memref<!tpu.dma_semaphore, #tpu.memory_space<semaphore_mem>>) src(%arg8 : memref<128x128xf32, #tpu.memory_space<vmem>>) dst(%dma_wait3A_109 : memref<128x128xf32, #tpu.memory_space<hbm>>)
      tpu.yield
    }) : () -> ()
    %add3A_94 = arith.constant 512 : i32
    %add3A_95 = arith.addi %mul3A_2, %add3A_94 : i32
    "tpu.region"() ({
      %run_scoped3A_98 = tpu.sem_alloc : memref<!tpu.dma_semaphore, #tpu.memory_space<semaphore_mem>>
      %dma_start3A_99 = arith.constant 0 : i32
      %dma_start3A_100 = arith.constant 0 : i32
      %dma_start3A_101 = tpu.memref_slice %arg8[%dma_start3A_99, %dma_start3A_100] : memref<128x128xf32, #tpu.memory_space<vmem>> -> memref<120x128xf32, #tpu.memory_space<vmem>>
      %dma_start3A_102 = arith.constant 0 : i32
      %dma_start3A_103 = tpu.memref_slice %arg7[%add3A_95, %dma_start3A_102] : memref<10112x128xf32, #tpu.memory_space<vmem_shared>> -> memref<120x128xf32, #tpu.memory_space<vmem_shared>>
      %dma_start3A_104 = arith.constant 0 : i32
      %dma_start3A_105 = arith.constant 0 : i32
      %dma_start3A_106 = tpu.memref_slice %arg8[%dma_start3A_104, %dma_start3A_105] : memref<128x128xf32, #tpu.memory_space<vmem>> -> memref<120x128xf32, #tpu.memory_space<vmem>>
      %dma_start3A_107 = arith.constant 0 : i32
      %dma_start3A_108 = tpu.memref_slice %arg7[%add3A_95, %dma_start3A_107] : memref<10112x128xf32, #tpu.memory_space<vmem_shared>> -> memref<120x128xf32, #tpu.memory_space<vmem_shared>>
      tpu.enqueue_dma source(%dma_start3A_108 : memref<120x128xf32, #tpu.memory_space<vmem_shared>>) target(%dma_start3A_106 : memref<120x128xf32, #tpu.memory_space<vmem>>) target_semaphore(%run_scoped3A_98 : memref<!tpu.dma_semaphore, #tpu.memory_space<semaphore_mem>>)
      %dma_wait3A = arith.constant 0 : i32
      %dma_wait3A_109 = arith.constant 0 : i32
      %dma_wait3A_110 = tpu.memref_slice %arg8[%dma_wait3A, %dma_wait3A_109] : memref<128x128xf32, #tpu.memory_space<vmem>> -> memref<120x128xf32, #tpu.memory_space<vmem>>
      %dma_wait3A_111 = arith.constant 0 : i32
      %dma_wait3A_112 = tpu.memref_slice %arg7[%add3A_95, %dma_wait3A_111] : memref<10112x128xf32, #tpu.memory_space<vmem_shared>> -> memref<120x128xf32, #tpu.memory_space<vmem_shared>>
      %dma_wait3A_113 = arith.constant 0 : i32
      %dma_wait3A_114 = arith.constant 0 : i32
      %dma_wait3A_115 = tpu.memref_slice %arg8[%dma_wait3A_113, %dma_wait3A_114] : memref<128x128xf32, #tpu.memory_space<vmem>> -> memref<120x128xf32, #tpu.memory_space<vmem>>
      %dma_wait3A_116 = arith.constant 0 : i32
      %dma_wait3A_117 = tpu.memref_slice %arg7[%add3A_95, %dma_wait3A_116] : memref<10112x128xf32, #tpu.memory_space<vmem_shared>> -> memref<120x128xf32, #tpu.memory_space<vmem_shared>>
      tpu.wait_dma2 semaphore(%run_scoped3A_98 : memref<!tpu.dma_semaphore, #tpu.memory_space<semaphore_mem>>) src(%dma_wait3A_117 : memref<120x128xf32, #tpu.memory_space<vmem_shared>>) dst(%dma_wait3A_115 : memref<120x128xf32, #tpu.memory_space<vmem>>)
      tpu.yield
    }) : () -> ()
    %add3A_96 = arith.constant 512 : i32
    %add3A_97 = arith.addi %mul3A_2, %add3A_96 : i32
    "tpu.region"() ({
      %run_scoped3A_98 = tpu.sem_alloc : memref<!tpu.dma_semaphore, #tpu.memory_space<semaphore_mem>>
      %dma_start3A_99 = arith.constant 0 : i32
      %dma_start3A_100 = arith.constant 0 : i32
      %dma_start3A_101 = tpu.memref_slice %arg8[%dma_start3A_99, %dma_start3A_100] : memref<128x128xf32, #tpu.memory_space<vmem>> -> memref<120x128xf32, #tpu.memory_space<vmem>>
      %dma_start3A_102 = arith.constant 0 : i32
      %dma_start3A_103 = tpu.memref_slice %arg5[%arg0, %add3A_97, %dma_start3A_102] : memref<2x10112x128xf32, #tpu.memory_space<hbm>> -> memref<1x120x128xf32, #tpu.memory_space<hbm>>
      %dma_start3A_104 = tpu.memref_squeeze %dma_start3A_103 : memref<1x120x128xf32, #tpu.memory_space<hbm>> -> memref<120x128xf32, #tpu.memory_space<hbm>>
      %dma_start3A_105 = arith.constant 0 : i32
      %dma_start3A_106 = tpu.memref_slice %arg5[%arg0, %add3A_97, %dma_start3A_105] : memref<2x10112x128xf32, #tpu.memory_space<hbm>> -> memref<1x120x128xf32, #tpu.memory_space<hbm>>
      %dma_start3A_107 = tpu.memref_squeeze %dma_start3A_106 : memref<1x120x128xf32, #tpu.memory_space<hbm>> -> memref<120x128xf32, #tpu.memory_space<hbm>>
      %dma_start3A_108 = arith.constant 0 : i32
      %dma_start3A_109 = arith.constant 0 : i32
      %dma_start3A_110 = tpu.memref_slice %arg8[%dma_start3A_108, %dma_start3A_109] : memref<128x128xf32, #tpu.memory_space<vmem>> -> memref<120x128xf32, #tpu.memory_space<vmem>>
      tpu.enqueue_dma source(%dma_start3A_110 : memref<120x128xf32, #tpu.memory_space<vmem>>) target(%dma_start3A_107 : memref<120x128xf32, #tpu.memory_space<hbm>>) target_semaphore(%run_scoped3A_98 : memref<!tpu.dma_semaphore, #tpu.memory_space<semaphore_mem>>)
      %dma_wait3A = arith.constant 0 : i32
      %dma_wait3A_111 = arith.constant 0 : i32
      %dma_wait3A_112 = tpu.memref_slice %arg8[%dma_wait3A, %dma_wait3A_111] : memref<128x128xf32, #tpu.memory_space<vmem>> -> memref<120x128xf32, #tpu.memory_space<vmem>>
      %dma_wait3A_113 = arith.constant 0 : i32
      %dma_wait3A_114 = tpu.memref_slice %arg5[%arg0, %add3A_97, %dma_wait3A_113] : memref<2x10112x128xf32, #tpu.memory_space<hbm>> -> memref<1x120x128xf32, #tpu.memory_space<hbm>>
      %dma_wait3A_115 = tpu.memref_squeeze %dma_wait3A_114 : memref<1x120x128xf32, #tpu.memory_space<hbm>> -> memref<120x128xf32, #tpu.memory_space<hbm>>
      %dma_wait3A_116 = arith.constant 0 : i32
      %dma_wait3A_117 = tpu.memref_slice %arg5[%arg0, %add3A_97, %dma_wait3A_116] : memref<2x10112x128xf32, #tpu.memory_space<hbm>> -> memref<1x120x128xf32, #tpu.memory_space<hbm>>
      %dma_wait3A_118 = tpu.memref_squeeze %dma_wait3A_117 : memref<1x120x128xf32, #tpu.memory_space<hbm>> -> memref<120x128xf32, #tpu.memory_space<hbm>>
      %dma_wait3A_119 = arith.constant 0 : i32
      %dma_wait3A_120 = arith.constant 0 : i32
      %dma_wait3A_121 = tpu.memref_slice %arg8[%dma_wait3A_119, %dma_wait3A_120] : memref<128x128xf32, #tpu.memory_space<vmem>> -> memref<120x128xf32, #tpu.memory_space<vmem>>
      tpu.wait_dma2 semaphore(%run_scoped3A_98 : memref<!tpu.dma_semaphore, #tpu.memory_space<semaphore_mem>>) src(%dma_wait3A_121 : memref<120x128xf32, #tpu.memory_space<vmem>>) dst(%dma_wait3A_118 : memref<120x128xf32, #tpu.memory_space<hbm>>)
      tpu.yield
    }) : () -> ()
    return
  }
}

#map = affine_map<(d0, d1) -> (0, 0, 0)>
module attributes {stable_mosaic.version = 14 : i64} {
  func.func @_deg_body(%arg0: i32, %arg1: i32, %arg2: memref<32x80x128xi32, #tpu.memory_space<hbm>>, %arg3: memref<2x10240x16xf32, #tpu.memory_space<hbm>>, %arg4: memref<10240x16xf32, #tpu.memory_space<vmem_shared>>, %arg5: memref<80x128xi32, #tpu.memory_space<vmem>>, %arg6: memref<128x16xf32, #tpu.memory_space<vmem>>) attributes {dimension_semantics = [#tpu.dimension_semantics<core_parallel>, #tpu.dimension_semantics<subcore_parallel>], iteration_bounds = array<i64: 2, 16>, scalar_prefetch = 0 : i64, scratch_operands = 3 : i64, tpu.core_type = #tpu.core_type<sc_vector_subcore>, window_params = [{transform_indices = #map}, {transform_indices = #map}]} {
    %mul3A = arith.constant 16 : i32
    %mul3A_0 = arith.muli %arg0, %mul3A : i32
    %add3A = arith.addi %mul3A_0, %arg1 : i32
    %mul3A_1 = arith.constant 640 : i32
    %mul3A_2 = arith.muli %arg1, %mul3A_1 : i32
    %scan3A = arith.constant 0 : i32
    %scan3A_3 = arith.constant 0 : i32
    %scan3A_4 = arith.constant 128 : i32
    %scan3A_5 = arith.addi %scan3A_3, %scan3A_4 : i32
    %scan3A_6 = arith.constant 1 : i32
    scf.for %scan3A_51 = %scan3A_3 to %scan3A_5 step %scan3A_6  : i32 {
      %broadcast_in_dim3A = arith.constant 0.000000e+00 : f32
      %broadcast_in_dim3A_52 = vector.broadcast %broadcast_in_dim3A : f32 to vector<16xf32>
      %swap3A = arith.index_cast %scan3A_51 : i32 to index
      %swap3A_53 = arith.constant 0 : index
      %swap3A_54 = tpu.vector_load %arg6[%swap3A, %swap3A_53] {strides = array<i32>} : memref<128x16xf32, #tpu.memory_space<vmem>>, vector<1x16xf32>,
      %swap3A_55 = vector.shape_cast %swap3A_54 : vector<1x16xf32> to vector<16xf32>
      %swap3A_56 = vector.shape_cast %broadcast_in_dim3A_52 : vector<16xf32> to vector<1x16xf32>
      tpu.vector_store %arg6[%swap3A, %swap3A_53], %swap3A_56 {strides = array<i32>} : memref<128x16xf32, #tpu.memory_space<vmem>>, vector<1x16xf32>,
    }
    %scan3A_7 = arith.constant 128 : i32
    %add3A_8 = arith.constant 0 : i32
    %add3A_9 = arith.addi %mul3A_2, %add3A_8 : i32
    "tpu.region"() ({
      %run_scoped3A = tpu.sem_alloc : memref<!tpu.dma_semaphore, #tpu.memory_space<semaphore_mem>>
      %dma_start3A = arith.constant 0 : i32
      %dma_start3A_51 = tpu.memref_slice %arg4[%add3A_9, %dma_start3A] : memref<10240x16xf32, #tpu.memory_space<vmem_shared>> -> memref<128x16xf32, #tpu.memory_space<vmem_shared>>
      %dma_start3A_52 = arith.constant 0 : i32
      %dma_start3A_53 = tpu.memref_slice %arg4[%add3A_9, %dma_start3A_52] : memref<10240x16xf32, #tpu.memory_space<vmem_shared>> -> memref<128x16xf32, #tpu.memory_space<vmem_shared>>
      tpu.enqueue_dma source(%arg6 : memref<128x16xf32, #tpu.memory_space<vmem>>) target(%dma_start3A_53 : memref<128x16xf32, #tpu.memory_space<vmem_shared>>) target_semaphore(%run_scoped3A : memref<!tpu.dma_semaphore, #tpu.memory_space<semaphore_mem>>)
      %dma_wait3A = arith.constant 0 : i32
      %dma_wait3A_54 = tpu.memref_slice %arg4[%add3A_9, %dma_wait3A] : memref<10240x16xf32, #tpu.memory_space<vmem_shared>> -> memref<128x16xf32, #tpu.memory_space<vmem_shared>>
      %dma_wait3A_55 = arith.constant 0 : i32
      %dma_wait3A_56 = tpu.memref_slice %arg4[%add3A_9, %dma_wait3A_55] : memref<10240x16xf32, #tpu.memory_space<vmem_shared>> -> memref<128x16xf32, #tpu.memory_space<vmem_shared>>
      tpu.wait_dma2 semaphore(%run_scoped3A : memref<!tpu.dma_semaphore, #tpu.memory_space<semaphore_mem>>) src(%arg6 : memref<128x16xf32, #tpu.memory_space<vmem>>) dst(%dma_wait3A_56 : memref<128x16xf32, #tpu.memory_space<vmem_shared>>)
      tpu.yield
    }) : () -> ()
    %add3A_10 = arith.constant 128 : i32
    %add3A_11 = arith.addi %mul3A_2, %add3A_10 : i32
    "tpu.region"() ({
      %run_scoped3A = tpu.sem_alloc : memref<!tpu.dma_semaphore, #tpu.memory_space<semaphore_mem>>
      %dma_start3A = arith.constant 0 : i32
      %dma_start3A_51 = tpu.memref_slice %arg4[%add3A_11, %dma_start3A] : memref<10240x16xf32, #tpu.memory_space<vmem_shared>> -> memref<128x16xf32, #tpu.memory_space<vmem_shared>>
      %dma_start3A_52 = arith.constant 0 : i32
      %dma_start3A_53 = tpu.memref_slice %arg4[%add3A_11, %dma_start3A_52] : memref<10240x16xf32, #tpu.memory_space<vmem_shared>> -> memref<128x16xf32, #tpu.memory_space<vmem_shared>>
      tpu.enqueue_dma source(%arg6 : memref<128x16xf32, #tpu.memory_space<vmem>>) target(%dma_start3A_53 : memref<128x16xf32, #tpu.memory_space<vmem_shared>>) target_semaphore(%run_scoped3A : memref<!tpu.dma_semaphore, #tpu.memory_space<semaphore_mem>>)
      %dma_wait3A = arith.constant 0 : i32
      %dma_wait3A_54 = tpu.memref_slice %arg4[%add3A_11, %dma_wait3A] : memref<10240x16xf32, #tpu.memory_space<vmem_shared>> -> memref<128x16xf32, #tpu.memory_space<vmem_shared>>
      %dma_wait3A_55 = arith.constant 0 : i32
      %dma_wait3A_56 = tpu.memref_slice %arg4[%add3A_11, %dma_wait3A_55] : memref<10240x16xf32, #tpu.memory_space<vmem_shared>> -> memref<128x16xf32, #tpu.memory_space<vmem_shared>>
      tpu.wait_dma2 semaphore(%run_scoped3A : memref<!tpu.dma_semaphore, #tpu.memory_space<semaphore_mem>>) src(%arg6 : memref<128x16xf32, #tpu.memory_space<vmem>>) dst(%dma_wait3A_56 : memref<128x16xf32, #tpu.memory_space<vmem_shared>>)
      tpu.yield
    }) : () -> ()
    %add3A_12 = arith.constant 256 : i32
    %add3A_13 = arith.addi %mul3A_2, %add3A_12 : i32
    "tpu.region"() ({
      %run_scoped3A = tpu.sem_alloc : memref<!tpu.dma_semaphore, #tpu.memory_space<semaphore_mem>>
      %dma_start3A = arith.constant 0 : i32
      %dma_start3A_51 = tpu.memref_slice %arg4[%add3A_13, %dma_start3A] : memref<10240x16xf32, #tpu.memory_space<vmem_shared>> -> memref<128x16xf32, #tpu.memory_space<vmem_shared>>
      %dma_start3A_52 = arith.constant 0 : i32
      %dma_start3A_53 = tpu.memref_slice %arg4[%add3A_13, %dma_start3A_52] : memref<10240x16xf32, #tpu.memory_space<vmem_shared>> -> memref<128x16xf32, #tpu.memory_space<vmem_shared>>
      tpu.enqueue_dma source(%arg6 : memref<128x16xf32, #tpu.memory_space<vmem>>) target(%dma_start3A_53 : memref<128x16xf32, #tpu.memory_space<vmem_shared>>) target_semaphore(%run_scoped3A : memref<!tpu.dma_semaphore, #tpu.memory_space<semaphore_mem>>)
      %dma_wait3A = arith.constant 0 : i32
      %dma_wait3A_54 = tpu.memref_slice %arg4[%add3A_13, %dma_wait3A] : memref<10240x16xf32, #tpu.memory_space<vmem_shared>> -> memref<128x16xf32, #tpu.memory_space<vmem_shared>>
      %dma_wait3A_55 = arith.constant 0 : i32
      %dma_wait3A_56 = tpu.memref_slice %arg4[%add3A_13, %dma_wait3A_55] : memref<10240x16xf32, #tpu.memory_space<vmem_shared>> -> memref<128x16xf32, #tpu.memory_space<vmem_shared>>
      tpu.wait_dma2 semaphore(%run_scoped3A : memref<!tpu.dma_semaphore, #tpu.memory_space<semaphore_mem>>) src(%arg6 : memref<128x16xf32, #tpu.memory_space<vmem>>) dst(%dma_wait3A_56 : memref<128x16xf32, #tpu.memory_space<vmem_shared>>)
      tpu.yield
    }) : () -> ()
    %add3A_14 = arith.constant 384 : i32
    %add3A_15 = arith.addi %mul3A_2, %add3A_14 : i32
    "tpu.region"() ({
      %run_scoped3A = tpu.sem_alloc : memref<!tpu.dma_semaphore, #tpu.memory_space<semaphore_mem>>
      %dma_start3A = arith.constant 0 : i32
      %dma_start3A_51 = tpu.memref_slice %arg4[%add3A_15, %dma_start3A] : memref<10240x16xf32, #tpu.memory_space<vmem_shared>> -> memref<128x16xf32, #tpu.memory_space<vmem_shared>>
      %dma_start3A_52 = arith.constant 0 : i32
      %dma_start3A_53 = tpu.memref_slice %arg4[%add3A_15, %dma_start3A_52] : memref<10240x16xf32, #tpu.memory_space<vmem_shared>> -> memref<128x16xf32, #tpu.memory_space<vmem_shared>>
      tpu.enqueue_dma source(%arg6 : memref<128x16xf32, #tpu.memory_space<vmem>>) target(%dma_start3A_53 : memref<128x16xf32, #tpu.memory_space<vmem_shared>>) target_semaphore(%run_scoped3A : memref<!tpu.dma_semaphore, #tpu.memory_space<semaphore_mem>>)
      %dma_wait3A = arith.constant 0 : i32
      %dma_wait3A_54 = tpu.memref_slice %arg4[%add3A_15, %dma_wait3A] : memref<10240x16xf32, #tpu.memory_space<vmem_shared>> -> memref<128x16xf32, #tpu.memory_space<vmem_shared>>
      %dma_wait3A_55 = arith.constant 0 : i32
      %dma_wait3A_56 = tpu.memref_slice %arg4[%add3A_15, %dma_wait3A_55] : memref<10240x16xf32, #tpu.memory_space<vmem_shared>> -> memref<128x16xf32, #tpu.memory_space<vmem_shared>>
      tpu.wait_dma2 semaphore(%run_scoped3A : memref<!tpu.dma_semaphore, #tpu.memory_space<semaphore_mem>>) src(%arg6 : memref<128x16xf32, #tpu.memory_space<vmem>>) dst(%dma_wait3A_56 : memref<128x16xf32, #tpu.memory_space<vmem_shared>>)
      tpu.yield
    }) : () -> ()
    %add3A_16 = arith.constant 512 : i32
    %add3A_17 = arith.addi %mul3A_2, %add3A_16 : i32
    "tpu.region"() ({
      %run_scoped3A = tpu.sem_alloc : memref<!tpu.dma_semaphore, #tpu.memory_space<semaphore_mem>>
      %dma_start3A = arith.constant 0 : i32
      %dma_start3A_51 = tpu.memref_slice %arg4[%add3A_17, %dma_start3A] : memref<10240x16xf32, #tpu.memory_space<vmem_shared>> -> memref<128x16xf32, #tpu.memory_space<vmem_shared>>
      %dma_start3A_52 = arith.constant 0 : i32
      %dma_start3A_53 = tpu.memref_slice %arg4[%add3A_17, %dma_start3A_52] : memref<10240x16xf32, #tpu.memory_space<vmem_shared>> -> memref<128x16xf32, #tpu.memory_space<vmem_shared>>
      tpu.enqueue_dma source(%arg6 : memref<128x16xf32, #tpu.memory_space<vmem>>) target(%dma_start3A_53 : memref<128x16xf32, #tpu.memory_space<vmem_shared>>) target_semaphore(%run_scoped3A : memref<!tpu.dma_semaphore, #tpu.memory_space<semaphore_mem>>)
      %dma_wait3A = arith.constant 0 : i32
      %dma_wait3A_54 = tpu.memref_slice %arg4[%add3A_17, %dma_wait3A] : memref<10240x16xf32, #tpu.memory_space<vmem_shared>> -> memref<128x16xf32, #tpu.memory_space<vmem_shared>>
      %dma_wait3A_55 = arith.constant 0 : i32
      %dma_wait3A_56 = tpu.memref_slice %arg4[%add3A_17, %dma_wait3A_55] : memref<10240x16xf32, #tpu.memory_space<vmem_shared>> -> memref<128x16xf32, #tpu.memory_space<vmem_shared>>
      tpu.wait_dma2 semaphore(%run_scoped3A : memref<!tpu.dma_semaphore, #tpu.memory_space<semaphore_mem>>) src(%arg6 : memref<128x16xf32, #tpu.memory_space<vmem>>) dst(%dma_wait3A_56 : memref<128x16xf32, #tpu.memory_space<vmem_shared>>)
      tpu.yield
    }) : () -> ()
    %scan3A_18 = arith.constant 0 : i32
    %scan3A_19 = arith.constant 0 : i32
    %scan3A_20 = arith.constant 128 : i32
    %scan3A_21 = arith.addi %scan3A_19, %scan3A_20 : i32
    %scan3A_22 = arith.constant 1 : i32
    scf.for %scan3A_51 = %scan3A_19 to %scan3A_21 step %scan3A_22  : i32 {
      %broadcast_in_dim3A = arith.constant 1.000000e+00 : f32
      %broadcast_in_dim3A_52 = vector.broadcast %broadcast_in_dim3A : f32 to vector<16xf32>
      %swap3A = arith.index_cast %scan3A_51 : i32 to index
      %swap3A_53 = arith.constant 0 : index
      %swap3A_54 = tpu.vector_load %arg6[%swap3A, %swap3A_53] {strides = array<i32>} : memref<128x16xf32, #tpu.memory_space<vmem>>, vector<1x16xf32>,
      %swap3A_55 = vector.shape_cast %swap3A_54 : vector<1x16xf32> to vector<16xf32>
      %swap3A_56 = vector.shape_cast %broadcast_in_dim3A_52 : vector<16xf32> to vector<1x16xf32>
      tpu.vector_store %arg6[%swap3A, %swap3A_53], %swap3A_56 {strides = array<i32>} : memref<128x16xf32, #tpu.memory_space<vmem>>, vector<1x16xf32>,
    }
    %scan3A_23 = arith.constant 128 : i32
    "tpu.region"() ({
      %run_scoped3A = tpu.sem_alloc : memref<!tpu.dma_semaphore, #tpu.memory_space<semaphore_mem>>
      %dma_start3A = arith.constant 0 : i32
      %dma_start3A_51 = arith.constant 0 : i32
      %dma_start3A_52 = tpu.memref_slice %arg2[%add3A, %dma_start3A, %dma_start3A_51] : memref<32x80x128xi32, #tpu.memory_space<hbm>> -> memref<1x80x128xi32, #tpu.memory_space<hbm>>
      %dma_start3A_53 = tpu.memref_squeeze %dma_start3A_52 : memref<1x80x128xi32, #tpu.memory_space<hbm>> -> memref<80x128xi32, #tpu.memory_space<hbm>>
      %dma_start3A_54 = arith.constant 0 : i32
      %dma_start3A_55 = arith.constant 0 : i32
      %dma_start3A_56 = tpu.memref_slice %arg2[%add3A, %dma_start3A_54, %dma_start3A_55] : memref<32x80x128xi32, #tpu.memory_space<hbm>> -> memref<1x80x128xi32, #tpu.memory_space<hbm>>
      %dma_start3A_57 = tpu.memref_squeeze %dma_start3A_56 : memref<1x80x128xi32, #tpu.memory_space<hbm>> -> memref<80x128xi32, #tpu.memory_space<hbm>>
      tpu.enqueue_dma source(%dma_start3A_57 : memref<80x128xi32, #tpu.memory_space<hbm>>) target(%arg5 : memref<80x128xi32, #tpu.memory_space<vmem>>) target_semaphore(%run_scoped3A : memref<!tpu.dma_semaphore, #tpu.memory_space<semaphore_mem>>)
      %dma_wait3A = arith.constant 0 : i32
      %dma_wait3A_58 = arith.constant 0 : i32
      %dma_wait3A_59 = tpu.memref_slice %arg2[%add3A, %dma_wait3A, %dma_wait3A_58] : memref<32x80x128xi32, #tpu.memory_space<hbm>> -> memref<1x80x128xi32, #tpu.memory_space<hbm>>
      %dma_wait3A_60 = tpu.memref_squeeze %dma_wait3A_59 : memref<1x80x128xi32, #tpu.memory_space<hbm>> -> memref<80x128xi32, #tpu.memory_space<hbm>>
      %dma_wait3A_61 = arith.constant 0 : i32
      %dma_wait3A_62 = arith.constant 0 : i32
      %dma_wait3A_63 = tpu.memref_slice %arg2[%add3A, %dma_wait3A_61, %dma_wait3A_62] : memref<32x80x128xi32, #tpu.memory_space<hbm>> -> memref<1x80x128xi32, #tpu.memory_space<hbm>>
      %dma_wait3A_64 = tpu.memref_squeeze %dma_wait3A_63 : memref<1x80x128xi32, #tpu.memory_space<hbm>> -> memref<80x128xi32, #tpu.memory_space<hbm>>
      tpu.wait_dma2 semaphore(%run_scoped3A : memref<!tpu.dma_semaphore, #tpu.memory_space<semaphore_mem>>) src(%dma_wait3A_64 : memref<80x128xi32, #tpu.memory_space<hbm>>) dst(%arg5 : memref<80x128xi32, #tpu.memory_space<vmem>>)
      tpu.yield
    }) : () -> ()
    %barrier3A = arith.constant 0 : index
    tpu.barrier barrier_id(%barrier3A)
    %scan3A_24 = arith.constant 0 : i32
    %scan3A_25 = arith.constant 0 : i32
    %scan3A_26 = arith.constant 80 : i32
    %scan3A_27 = arith.addi %scan3A_25, %scan3A_26 : i32
    %scan3A_28 = arith.constant 1 : i32
    scf.for %scan3A_51 = %scan3A_25 to %scan3A_27 step %scan3A_28  : i32 {
      "tpu.region"() ({
        %run_scoped3A = tpu.sem_alloc : memref<!tpu.dma_semaphore, #tpu.memory_space<semaphore_mem>>
        %dma_start3A = arith.constant 0 : i32
        %dma_start3A_52 = tpu.memref_slice %arg5[%scan3A_51, %dma_start3A] : memref<80x128xi32, #tpu.memory_space<vmem>> -> memref<1x128xi32, #tpu.memory_space<vmem>>
        %dma_start3A_53 = tpu.memref_squeeze %dma_start3A_52 : memref<1x128xi32, #tpu.memory_space<vmem>> -> memref<128xi32, #tpu.memory_space<vmem>>
        %dma_start3A_54 = arith.constant 0 : i32
        %dma_start3A_55 = arith.constant 0 : i32
        %dma_start3A_56 = tpu.memref_slice %arg4[%dma_start3A_54, %dma_start3A_55] : memref<10240x16xf32, #tpu.memory_space<vmem_shared>> -> memref<10240x16xf32, #tpu.memory_space<vmem_shared>>
        tpu.enqueue_indirect_dma source(%arg6 : memref<128x16xf32, #tpu.memory_space<vmem>>) target(%dma_start3A_56 : memref<10240x16xf32, #tpu.memory_space<vmem_shared>>) offsets(%dma_start3A_53 : memref<128xi32, #tpu.memory_space<vmem>>) semaphore(%run_scoped3A : memref<!tpu.dma_semaphore, #tpu.memory_space<semaphore_mem>>) {add = true}
        %dma_wait3A = arith.constant 0 : i32
        %dma_wait3A_57 = tpu.memref_slice %arg5[%scan3A_51, %dma_wait3A] : memref<80x128xi32, #tpu.memory_space<vmem>> -> memref<1x128xi32, #tpu.memory_space<vmem>>
        %dma_wait3A_58 = tpu.memref_squeeze %dma_wait3A_57 : memref<1x128xi32, #tpu.memory_space<vmem>> -> memref<128xi32, #tpu.memory_space<vmem>>
        %dma_wait3A_59 = arith.constant 0 : i32
        %dma_wait3A_60 = arith.constant 0 : i32
        %dma_wait3A_61 = tpu.memref_slice %arg4[%dma_wait3A_59, %dma_wait3A_60] : memref<10240x16xf32, #tpu.memory_space<vmem_shared>> -> memref<10240x16xf32, #tpu.memory_space<vmem_shared>>
        tpu.wait_indirect_dma semaphore(%run_scoped3A : memref<!tpu.dma_semaphore, #tpu.memory_space<semaphore_mem>>) src(%arg6 : memref<128x16xf32, #tpu.memory_space<vmem>>) dst(%dma_wait3A_61 : memref<10240x16xf32, #tpu.memory_space<vmem_shared>>)
        tpu.yield
      }) : () -> ()
    }
    %scan3A_29 = arith.constant 80 : i32
    %barrier3A_30 = arith.constant 0 : index
    tpu.barrier barrier_id(%barrier3A_30)
    %add3A_31 = arith.constant 0 : i32
    %add3A_32 = arith.addi %mul3A_2, %add3A_31 : i32
    "tpu.region"() ({
      %run_scoped3A = tpu.sem_alloc : memref<!tpu.dma_semaphore, #tpu.memory_space<semaphore_mem>>
      %dma_start3A = arith.constant 0 : i32
      %dma_start3A_51 = tpu.memref_slice %arg4[%add3A_32, %dma_start3A] : memref<10240x16xf32, #tpu.memory_space<vmem_shared>> -> memref<128x16xf32, #tpu.memory_space<vmem_shared>>
      %dma_start3A_52 = arith.constant 0 : i32
      %dma_start3A_53 = tpu.memref_slice %arg4[%add3A_32, %dma_start3A_52] : memref<10240x16xf32, #tpu.memory_space<vmem_shared>> -> memref<128x16xf32, #tpu.memory_space<vmem_shared>>
      tpu.enqueue_dma source(%dma_start3A_53 : memref<128x16xf32, #tpu.memory_space<vmem_shared>>) target(%arg6 : memref<128x16xf32, #tpu.memory_space<vmem>>) target_semaphore(%run_scoped3A : memref<!tpu.dma_semaphore, #tpu.memory_space<semaphore_mem>>)
      %dma_wait3A = arith.constant 0 : i32
      %dma_wait3A_54 = tpu.memref_slice %arg4[%add3A_32, %dma_wait3A] : memref<10240x16xf32, #tpu.memory_space<vmem_shared>> -> memref<128x16xf32, #tpu.memory_space<vmem_shared>>
      %dma_wait3A_55 = arith.constant 0 : i32
      %dma_wait3A_56 = tpu.memref_slice %arg4[%add3A_32, %dma_wait3A_55] : memref<10240x16xf32, #tpu.memory_space<vmem_shared>> -> memref<128x16xf32, #tpu.memory_space<vmem_shared>>
      tpu.wait_dma2 semaphore(%run_scoped3A : memref<!tpu.dma_semaphore, #tpu.memory_space<semaphore_mem>>) src(%dma_wait3A_56 : memref<128x16xf32, #tpu.memory_space<vmem_shared>>) dst(%arg6 : memref<128x16xf32, #tpu.memory_space<vmem>>)
      tpu.yield
    }) : () -> ()
    %add3A_33 = arith.constant 0 : i32
    %add3A_34 = arith.addi %mul3A_2, %add3A_33 : i32
    "tpu.region"() ({
      %run_scoped3A = tpu.sem_alloc : memref<!tpu.dma_semaphore, #tpu.memory_space<semaphore_mem>>
      %dma_start3A = arith.constant 0 : i32
      %dma_start3A_51 = tpu.memref_slice %arg3[%arg0, %add3A_34, %dma_start3A] : memref<2x10240x16xf32, #tpu.memory_space<hbm>> -> memref<1x128x16xf32, #tpu.memory_space<hbm>>
      %dma_start3A_52 = tpu.memref_squeeze %dma_start3A_51 : memref<1x128x16xf32, #tpu.memory_space<hbm>> -> memref<128x16xf32, #tpu.memory_space<hbm>>
      %dma_start3A_53 = arith.constant 0 : i32
      %dma_start3A_54 = tpu.memref_slice %arg3[%arg0, %add3A_34, %dma_start3A_53] : memref<2x10240x16xf32, #tpu.memory_space<hbm>> -> memref<1x128x16xf32, #tpu.memory_space<hbm>>
      %dma_start3A_55 = tpu.memref_squeeze %dma_start3A_54 : memref<1x128x16xf32, #tpu.memory_space<hbm>> -> memref<128x16xf32, #tpu.memory_space<hbm>>
      tpu.enqueue_dma source(%arg6 : memref<128x16xf32, #tpu.memory_space<vmem>>) target(%dma_start3A_55 : memref<128x16xf32, #tpu.memory_space<hbm>>) target_semaphore(%run_scoped3A : memref<!tpu.dma_semaphore, #tpu.memory_space<semaphore_mem>>)
      %dma_wait3A = arith.constant 0 : i32
      %dma_wait3A_56 = tpu.memref_slice %arg3[%arg0, %add3A_34, %dma_wait3A] : memref<2x10240x16xf32, #tpu.memory_space<hbm>> -> memref<1x128x16xf32, #tpu.memory_space<hbm>>
      %dma_wait3A_57 = tpu.memref_squeeze %dma_wait3A_56 : memref<1x128x16xf32, #tpu.memory_space<hbm>> -> memref<128x16xf32, #tpu.memory_space<hbm>>
      %dma_wait3A_58 = arith.constant 0 : i32
      %dma_wait3A_59 = tpu.memref_slice %arg3[%arg0, %add3A_34, %dma_wait3A_58] : memref<2x10240x16xf32, #tpu.memory_space<hbm>> -> memref<1x128x16xf32, #tpu.memory_space<hbm>>
      %dma_wait3A_60 = tpu.memref_squeeze %dma_wait3A_59 : memref<1x128x16xf32, #tpu.memory_space<hbm>> -> memref<128x16xf32, #tpu.memory_space<hbm>>
      tpu.wait_dma2 semaphore(%run_scoped3A : memref<!tpu.dma_semaphore, #tpu.memory_space<semaphore_mem>>) src(%arg6 : memref<128x16xf32, #tpu.memory_space<vmem>>) dst(%dma_wait3A_60 : memref<128x16xf32, #tpu.memory_space<hbm>>)
      tpu.yield
    }) : () -> ()
    %add3A_35 = arith.constant 128 : i32
    %add3A_36 = arith.addi %mul3A_2, %add3A_35 : i32
    "tpu.region"() ({
      %run_scoped3A = tpu.sem_alloc : memref<!tpu.dma_semaphore, #tpu.memory_space<semaphore_mem>>
      %dma_start3A = arith.constant 0 : i32
      %dma_start3A_51 = tpu.memref_slice %arg4[%add3A_36, %dma_start3A] : memref<10240x16xf32, #tpu.memory_space<vmem_shared>> -> memref<128x16xf32, #tpu.memory_space<vmem_shared>>
      %dma_start3A_52 = arith.constant 0 : i32
      %dma_start3A_53 = tpu.memref_slice %arg4[%add3A_36, %dma_start3A_52] : memref<10240x16xf32, #tpu.memory_space<vmem_shared>> -> memref<128x16xf32, #tpu.memory_space<vmem_shared>>
      tpu.enqueue_dma source(%dma_start3A_53 : memref<128x16xf32, #tpu.memory_space<vmem_shared>>) target(%arg6 : memref<128x16xf32, #tpu.memory_space<vmem>>) target_semaphore(%run_scoped3A : memref<!tpu.dma_semaphore, #tpu.memory_space<semaphore_mem>>)
      %dma_wait3A = arith.constant 0 : i32
      %dma_wait3A_54 = tpu.memref_slice %arg4[%add3A_36, %dma_wait3A] : memref<10240x16xf32, #tpu.memory_space<vmem_shared>> -> memref<128x16xf32, #tpu.memory_space<vmem_shared>>
      %dma_wait3A_55 = arith.constant 0 : i32
      %dma_wait3A_56 = tpu.memref_slice %arg4[%add3A_36, %dma_wait3A_55] : memref<10240x16xf32, #tpu.memory_space<vmem_shared>> -> memref<128x16xf32, #tpu.memory_space<vmem_shared>>
      tpu.wait_dma2 semaphore(%run_scoped3A : memref<!tpu.dma_semaphore, #tpu.memory_space<semaphore_mem>>) src(%dma_wait3A_56 : memref<128x16xf32, #tpu.memory_space<vmem_shared>>) dst(%arg6 : memref<128x16xf32, #tpu.memory_space<vmem>>)
      tpu.yield
    }) : () -> ()
    %add3A_37 = arith.constant 128 : i32
    %add3A_38 = arith.addi %mul3A_2, %add3A_37 : i32
    "tpu.region"() ({
      %run_scoped3A = tpu.sem_alloc : memref<!tpu.dma_semaphore, #tpu.memory_space<semaphore_mem>>
      %dma_start3A = arith.constant 0 : i32
      %dma_start3A_51 = tpu.memref_slice %arg3[%arg0, %add3A_38, %dma_start3A] : memref<2x10240x16xf32, #tpu.memory_space<hbm>> -> memref<1x128x16xf32, #tpu.memory_space<hbm>>
      %dma_start3A_52 = tpu.memref_squeeze %dma_start3A_51 : memref<1x128x16xf32, #tpu.memory_space<hbm>> -> memref<128x16xf32, #tpu.memory_space<hbm>>
      %dma_start3A_53 = arith.constant 0 : i32
      %dma_start3A_54 = tpu.memref_slice %arg3[%arg0, %add3A_38, %dma_start3A_53] : memref<2x10240x16xf32, #tpu.memory_space<hbm>> -> memref<1x128x16xf32, #tpu.memory_space<hbm>>
      %dma_start3A_55 = tpu.memref_squeeze %dma_start3A_54 : memref<1x128x16xf32, #tpu.memory_space<hbm>> -> memref<128x16xf32, #tpu.memory_space<hbm>>
      tpu.enqueue_dma source(%arg6 : memref<128x16xf32, #tpu.memory_space<vmem>>) target(%dma_start3A_55 : memref<128x16xf32, #tpu.memory_space<hbm>>) target_semaphore(%run_scoped3A : memref<!tpu.dma_semaphore, #tpu.memory_space<semaphore_mem>>)
      %dma_wait3A = arith.constant 0 : i32
      %dma_wait3A_56 = tpu.memref_slice %arg3[%arg0, %add3A_38, %dma_wait3A] : memref<2x10240x16xf32, #tpu.memory_space<hbm>> -> memref<1x128x16xf32, #tpu.memory_space<hbm>>
      %dma_wait3A_57 = tpu.memref_squeeze %dma_wait3A_56 : memref<1x128x16xf32, #tpu.memory_space<hbm>> -> memref<128x16xf32, #tpu.memory_space<hbm>>
      %dma_wait3A_58 = arith.constant 0 : i32
      %dma_wait3A_59 = tpu.memref_slice %arg3[%arg0, %add3A_38, %dma_wait3A_58] : memref<2x10240x16xf32, #tpu.memory_space<hbm>> -> memref<1x128x16xf32, #tpu.memory_space<hbm>>
      %dma_wait3A_60 = tpu.memref_squeeze %dma_wait3A_59 : memref<1x128x16xf32, #tpu.memory_space<hbm>> -> memref<128x16xf32, #tpu.memory_space<hbm>>
      tpu.wait_dma2 semaphore(%run_scoped3A : memref<!tpu.dma_semaphore, #tpu.memory_space<semaphore_mem>>) src(%arg6 : memref<128x16xf32, #tpu.memory_space<vmem>>) dst(%dma_wait3A_60 : memref<128x16xf32, #tpu.memory_space<hbm>>)
      tpu.yield
    }) : () -> ()
    %add3A_39 = arith.constant 256 : i32
    %add3A_40 = arith.addi %mul3A_2, %add3A_39 : i32
    "tpu.region"() ({
      %run_scoped3A = tpu.sem_alloc : memref<!tpu.dma_semaphore, #tpu.memory_space<semaphore_mem>>
      %dma_start3A = arith.constant 0 : i32
      %dma_start3A_51 = tpu.memref_slice %arg4[%add3A_40, %dma_start3A] : memref<10240x16xf32, #tpu.memory_space<vmem_shared>> -> memref<128x16xf32, #tpu.memory_space<vmem_shared>>
      %dma_start3A_52 = arith.constant 0 : i32
      %dma_start3A_53 = tpu.memref_slice %arg4[%add3A_40, %dma_start3A_52] : memref<10240x16xf32, #tpu.memory_space<vmem_shared>> -> memref<128x16xf32, #tpu.memory_space<vmem_shared>>
      tpu.enqueue_dma source(%dma_start3A_53 : memref<128x16xf32, #tpu.memory_space<vmem_shared>>) target(%arg6 : memref<128x16xf32, #tpu.memory_space<vmem>>) target_semaphore(%run_scoped3A : memref<!tpu.dma_semaphore, #tpu.memory_space<semaphore_mem>>)
      %dma_wait3A = arith.constant 0 : i32
      %dma_wait3A_54 = tpu.memref_slice %arg4[%add3A_40, %dma_wait3A] : memref<10240x16xf32, #tpu.memory_space<vmem_shared>> -> memref<128x16xf32, #tpu.memory_space<vmem_shared>>
      %dma_wait3A_55 = arith.constant 0 : i32
      %dma_wait3A_56 = tpu.memref_slice %arg4[%add3A_40, %dma_wait3A_55] : memref<10240x16xf32, #tpu.memory_space<vmem_shared>> -> memref<128x16xf32, #tpu.memory_space<vmem_shared>>
      tpu.wait_dma2 semaphore(%run_scoped3A : memref<!tpu.dma_semaphore, #tpu.memory_space<semaphore_mem>>) src(%dma_wait3A_56 : memref<128x16xf32, #tpu.memory_space<vmem_shared>>) dst(%arg6 : memref<128x16xf32, #tpu.memory_space<vmem>>)
      tpu.yield
    }) : () -> ()
    %add3A_41 = arith.constant 256 : i32
    %add3A_42 = arith.addi %mul3A_2, %add3A_41 : i32
    "tpu.region"() ({
      %run_scoped3A = tpu.sem_alloc : memref<!tpu.dma_semaphore, #tpu.memory_space<semaphore_mem>>
      %dma_start3A = arith.constant 0 : i32
      %dma_start3A_51 = tpu.memref_slice %arg3[%arg0, %add3A_42, %dma_start3A] : memref<2x10240x16xf32, #tpu.memory_space<hbm>> -> memref<1x128x16xf32, #tpu.memory_space<hbm>>
      %dma_start3A_52 = tpu.memref_squeeze %dma_start3A_51 : memref<1x128x16xf32, #tpu.memory_space<hbm>> -> memref<128x16xf32, #tpu.memory_space<hbm>>
      %dma_start3A_53 = arith.constant 0 : i32
      %dma_start3A_54 = tpu.memref_slice %arg3[%arg0, %add3A_42, %dma_start3A_53] : memref<2x10240x16xf32, #tpu.memory_space<hbm>> -> memref<1x128x16xf32, #tpu.memory_space<hbm>>
      %dma_start3A_55 = tpu.memref_squeeze %dma_start3A_54 : memref<1x128x16xf32, #tpu.memory_space<hbm>> -> memref<128x16xf32, #tpu.memory_space<hbm>>
      tpu.enqueue_dma source(%arg6 : memref<128x16xf32, #tpu.memory_space<vmem>>) target(%dma_start3A_55 : memref<128x16xf32, #tpu.memory_space<hbm>>) target_semaphore(%run_scoped3A : memref<!tpu.dma_semaphore, #tpu.memory_space<semaphore_mem>>)
      %dma_wait3A = arith.constant 0 : i32
      %dma_wait3A_56 = tpu.memref_slice %arg3[%arg0, %add3A_42, %dma_wait3A] : memref<2x10240x16xf32, #tpu.memory_space<hbm>> -> memref<1x128x16xf32, #tpu.memory_space<hbm>>
      %dma_wait3A_57 = tpu.memref_squeeze %dma_wait3A_56 : memref<1x128x16xf32, #tpu.memory_space<hbm>> -> memref<128x16xf32, #tpu.memory_space<hbm>>
      %dma_wait3A_58 = arith.constant 0 : i32
      %dma_wait3A_59 = tpu.memref_slice %arg3[%arg0, %add3A_42, %dma_wait3A_58] : memref<2x10240x16xf32, #tpu.memory_space<hbm>> -> memref<1x128x16xf32, #tpu.memory_space<hbm>>
      %dma_wait3A_60 = tpu.memref_squeeze %dma_wait3A_59 : memref<1x128x16xf32, #tpu.memory_space<hbm>> -> memref<128x16xf32, #tpu.memory_space<hbm>>
      tpu.wait_dma2 semaphore(%run_scoped3A : memref<!tpu.dma_semaphore, #tpu.memory_space<semaphore_mem>>) src(%arg6 : memref<128x16xf32, #tpu.memory_space<vmem>>) dst(%dma_wait3A_60 : memref<128x16xf32, #tpu.memory_space<hbm>>)
      tpu.yield
    }) : () -> ()
    %add3A_43 = arith.constant 384 : i32
    %add3A_44 = arith.addi %mul3A_2, %add3A_43 : i32
    "tpu.region"() ({
      %run_scoped3A = tpu.sem_alloc : memref<!tpu.dma_semaphore, #tpu.memory_space<semaphore_mem>>
      %dma_start3A = arith.constant 0 : i32
      %dma_start3A_51 = tpu.memref_slice %arg4[%add3A_44, %dma_start3A] : memref<10240x16xf32, #tpu.memory_space<vmem_shared>> -> memref<128x16xf32, #tpu.memory_space<vmem_shared>>
      %dma_start3A_52 = arith.constant 0 : i32
      %dma_start3A_53 = tpu.memref_slice %arg4[%add3A_44, %dma_start3A_52] : memref<10240x16xf32, #tpu.memory_space<vmem_shared>> -> memref<128x16xf32, #tpu.memory_space<vmem_shared>>
      tpu.enqueue_dma source(%dma_start3A_53 : memref<128x16xf32, #tpu.memory_space<vmem_shared>>) target(%arg6 : memref<128x16xf32, #tpu.memory_space<vmem>>) target_semaphore(%run_scoped3A : memref<!tpu.dma_semaphore, #tpu.memory_space<semaphore_mem>>)
      %dma_wait3A = arith.constant 0 : i32
      %dma_wait3A_54 = tpu.memref_slice %arg4[%add3A_44, %dma_wait3A] : memref<10240x16xf32, #tpu.memory_space<vmem_shared>> -> memref<128x16xf32, #tpu.memory_space<vmem_shared>>
      %dma_wait3A_55 = arith.constant 0 : i32
      %dma_wait3A_56 = tpu.memref_slice %arg4[%add3A_44, %dma_wait3A_55] : memref<10240x16xf32, #tpu.memory_space<vmem_shared>> -> memref<128x16xf32, #tpu.memory_space<vmem_shared>>
      tpu.wait_dma2 semaphore(%run_scoped3A : memref<!tpu.dma_semaphore, #tpu.memory_space<semaphore_mem>>) src(%dma_wait3A_56 : memref<128x16xf32, #tpu.memory_space<vmem_shared>>) dst(%arg6 : memref<128x16xf32, #tpu.memory_space<vmem>>)
      tpu.yield
    }) : () -> ()
    %add3A_45 = arith.constant 384 : i32
    %add3A_46 = arith.addi %mul3A_2, %add3A_45 : i32
    "tpu.region"() ({
      %run_scoped3A = tpu.sem_alloc : memref<!tpu.dma_semaphore, #tpu.memory_space<semaphore_mem>>
      %dma_start3A = arith.constant 0 : i32
      %dma_start3A_51 = tpu.memref_slice %arg3[%arg0, %add3A_46, %dma_start3A] : memref<2x10240x16xf32, #tpu.memory_space<hbm>> -> memref<1x128x16xf32, #tpu.memory_space<hbm>>
      %dma_start3A_52 = tpu.memref_squeeze %dma_start3A_51 : memref<1x128x16xf32, #tpu.memory_space<hbm>> -> memref<128x16xf32, #tpu.memory_space<hbm>>
      %dma_start3A_53 = arith.constant 0 : i32
      %dma_start3A_54 = tpu.memref_slice %arg3[%arg0, %add3A_46, %dma_start3A_53] : memref<2x10240x16xf32, #tpu.memory_space<hbm>> -> memref<1x128x16xf32, #tpu.memory_space<hbm>>
      %dma_start3A_55 = tpu.memref_squeeze %dma_start3A_54 : memref<1x128x16xf32, #tpu.memory_space<hbm>> -> memref<128x16xf32, #tpu.memory_space<hbm>>
      tpu.enqueue_dma source(%arg6 : memref<128x16xf32, #tpu.memory_space<vmem>>) target(%dma_start3A_55 : memref<128x16xf32, #tpu.memory_space<hbm>>) target_semaphore(%run_scoped3A : memref<!tpu.dma_semaphore, #tpu.memory_space<semaphore_mem>>)
      %dma_wait3A = arith.constant 0 : i32
      %dma_wait3A_56 = tpu.memref_slice %arg3[%arg0, %add3A_46, %dma_wait3A] : memref<2x10240x16xf32, #tpu.memory_space<hbm>> -> memref<1x128x16xf32, #tpu.memory_space<hbm>>
      %dma_wait3A_57 = tpu.memref_squeeze %dma_wait3A_56 : memref<1x128x16xf32, #tpu.memory_space<hbm>> -> memref<128x16xf32, #tpu.memory_space<hbm>>
      %dma_wait3A_58 = arith.constant 0 : i32
      %dma_wait3A_59 = tpu.memref_slice %arg3[%arg0, %add3A_46, %dma_wait3A_58] : memref<2x10240x16xf32, #tpu.memory_space<hbm>> -> memref<1x128x16xf32, #tpu.memory_space<hbm>>
      %dma_wait3A_60 = tpu.memref_squeeze %dma_wait3A_59 : memref<1x128x16xf32, #tpu.memory_space<hbm>> -> memref<128x16xf32, #tpu.memory_space<hbm>>
      tpu.wait_dma2 semaphore(%run_scoped3A : memref<!tpu.dma_semaphore, #tpu.memory_space<semaphore_mem>>) src(%arg6 : memref<128x16xf32, #tpu.memory_space<vmem>>) dst(%dma_wait3A_60 : memref<128x16xf32, #tpu.memory_space<hbm>>)
      tpu.yield
    }) : () -> ()
    %add3A_47 = arith.constant 512 : i32
    %add3A_48 = arith.addi %mul3A_2, %add3A_47 : i32
    "tpu.region"() ({
      %run_scoped3A = tpu.sem_alloc : memref<!tpu.dma_semaphore, #tpu.memory_space<semaphore_mem>>
      %dma_start3A = arith.constant 0 : i32
      %dma_start3A_51 = tpu.memref_slice %arg4[%add3A_48, %dma_start3A] : memref<10240x16xf32, #tpu.memory_space<vmem_shared>> -> memref<128x16xf32, #tpu.memory_space<vmem_shared>>
      %dma_start3A_52 = arith.constant 0 : i32
      %dma_start3A_53 = tpu.memref_slice %arg4[%add3A_48, %dma_start3A_52] : memref<10240x16xf32, #tpu.memory_space<vmem_shared>> -> memref<128x16xf32, #tpu.memory_space<vmem_shared>>
      tpu.enqueue_dma source(%dma_start3A_53 : memref<128x16xf32, #tpu.memory_space<vmem_shared>>) target(%arg6 : memref<128x16xf32, #tpu.memory_space<vmem>>) target_semaphore(%run_scoped3A : memref<!tpu.dma_semaphore, #tpu.memory_space<semaphore_mem>>)
      %dma_wait3A = arith.constant 0 : i32
      %dma_wait3A_54 = tpu.memref_slice %arg4[%add3A_48, %dma_wait3A] : memref<10240x16xf32, #tpu.memory_space<vmem_shared>> -> memref<128x16xf32, #tpu.memory_space<vmem_shared>>
      %dma_wait3A_55 = arith.constant 0 : i32
      %dma_wait3A_56 = tpu.memref_slice %arg4[%add3A_48, %dma_wait3A_55] : memref<10240x16xf32, #tpu.memory_space<vmem_shared>> -> memref<128x16xf32, #tpu.memory_space<vmem_shared>>
      tpu.wait_dma2 semaphore(%run_scoped3A : memref<!tpu.dma_semaphore, #tpu.memory_space<semaphore_mem>>) src(%dma_wait3A_56 : memref<128x16xf32, #tpu.memory_space<vmem_shared>>) dst(%arg6 : memref<128x16xf32, #tpu.memory_space<vmem>>)
      tpu.yield
    }) : () -> ()
    %add3A_49 = arith.constant 512 : i32
    %add3A_50 = arith.addi %mul3A_2, %add3A_49 : i32
    "tpu.region"() ({
      %run_scoped3A = tpu.sem_alloc : memref<!tpu.dma_semaphore, #tpu.memory_space<semaphore_mem>>
      %dma_start3A = arith.constant 0 : i32
      %dma_start3A_51 = tpu.memref_slice %arg3[%arg0, %add3A_50, %dma_start3A] : memref<2x10240x16xf32, #tpu.memory_space<hbm>> -> memref<1x128x16xf32, #tpu.memory_space<hbm>>
      %dma_start3A_52 = tpu.memref_squeeze %dma_start3A_51 : memref<1x128x16xf32, #tpu.memory_space<hbm>> -> memref<128x16xf32, #tpu.memory_space<hbm>>
      %dma_start3A_53 = arith.constant 0 : i32
      %dma_start3A_54 = tpu.memref_slice %arg3[%arg0, %add3A_50, %dma_start3A_53] : memref<2x10240x16xf32, #tpu.memory_space<hbm>> -> memref<1x128x16xf32, #tpu.memory_space<hbm>>
      %dma_start3A_55 = tpu.memref_squeeze %dma_start3A_54 : memref<1x128x16xf32, #tpu.memory_space<hbm>> -> memref<128x16xf32, #tpu.memory_space<hbm>>
      tpu.enqueue_dma source(%arg6 : memref<128x16xf32, #tpu.memory_space<vmem>>) target(%dma_start3A_55 : memref<128x16xf32, #tpu.memory_space<hbm>>) target_semaphore(%run_scoped3A : memref<!tpu.dma_semaphore, #tpu.memory_space<semaphore_mem>>)
      %dma_wait3A = arith.constant 0 : i32
      %dma_wait3A_56 = tpu.memref_slice %arg3[%arg0, %add3A_50, %dma_wait3A] : memref<2x10240x16xf32, #tpu.memory_space<hbm>> -> memref<1x128x16xf32, #tpu.memory_space<hbm>>
      %dma_wait3A_57 = tpu.memref_squeeze %dma_wait3A_56 : memref<1x128x16xf32, #tpu.memory_space<hbm>> -> memref<128x16xf32, #tpu.memory_space<hbm>>
      %dma_wait3A_58 = arith.constant 0 : i32
      %dma_wait3A_59 = tpu.memref_slice %arg3[%arg0, %add3A_50, %dma_wait3A_58] : memref<2x10240x16xf32, #tpu.memory_space<hbm>> -> memref<1x128x16xf32, #tpu.memory_space<hbm>>
      %dma_wait3A_60 = tpu.memref_squeeze %dma_wait3A_59 : memref<1x128x16xf32, #tpu.memory_space<hbm>> -> memref<128x16xf32, #tpu.memory_space<hbm>>
      tpu.wait_dma2 semaphore(%run_scoped3A : memref<!tpu.dma_semaphore, #tpu.memory_space<semaphore_mem>>) src(%arg6 : memref<128x16xf32, #tpu.memory_space<vmem>>) dst(%dma_wait3A_60 : memref<128x16xf32, #tpu.memory_space<hbm>>)
      tpu.yield
    }) : () -> ()
    return
  }
}

#map = affine_map<(d0, d1) -> (0, 0)>
#map1 = affine_map<(d0, d1) -> (0, 0, 0, 0)>
#map2 = affine_map<(d0, d1) -> (0, 0, 0)>
module attributes {stable_mosaic.version = 14 : i64} {
  func.func @_agg_body(%arg0: i32, %arg1: i32, %arg2: memref<10112x128xf32, #tpu.memory_space<hbm>>, %arg3: memref<32x81x1x128xi32, #tpu.memory_space<hbm>>, %arg4: memref<32x81x1x128xi32, #tpu.memory_space<hbm>>, %arg5: memref<2x10112x128xf32, #tpu.memory_space<hbm>>, %arg6: memref<331776x128xf32, #tpu.memory_space<hbm>>, %arg7: memref<10112x128xf32, #tpu.memory_space<vmem_shared>>, %arg8: memref<128x128xf32, #tpu.memory_space<vmem>>, %arg9: memref<128x128xf32, #tpu.memory_space<vmem>>, %arg10: memref<128x128xf32, #tpu.memory_space<vmem>>, %arg11: memref<1x128xi32, #tpu.memory_space<vmem>>, %arg12: memref<1x128xi32, #tpu.memory_space<vmem>>, %arg13: memref<1x128xi32, #tpu.memory_space<vmem>>, %arg14: memref<!tpu.dma_semaphore, #tpu.memory_space<semaphore_mem>>, %arg15: memref<!tpu.dma_semaphore, #tpu.memory_space<semaphore_mem>>, %arg16: memref<!tpu.dma_semaphore, #tpu.memory_space<semaphore_mem>>, %arg17: memref<!tpu.dma_semaphore, #tpu.memory_space<semaphore_mem>>, %arg18: memref<!tpu.dma_semaphore, #tpu.memory_space<semaphore_mem>>, %arg19: memref<!tpu.dma_semaphore, #tpu.memory_space<semaphore_mem>>) attributes {dimension_semantics = [#tpu.dimension_semantics<core_parallel>, #tpu.dimension_semantics<subcore_parallel>], iteration_bounds = array<i64: 2, 16>, scalar_prefetch = 0 : i64, scratch_operands = 13 : i64, tpu.core_type = #tpu.core_type<sc_vector_subcore>, window_params = [{transform_indices = #map}, {transform_indices = #map1}, {transform_indices = #map1}, {transform_indices = #map2}, {transform_indices = #map}]} {
    %mul3A = arith.constant 16 : i32
    %mul3A_0 = arith.muli %arg0, %mul3A : i32
    %add3A = arith.addi %mul3A_0, %arg1 : i32
    %mul3A_1 = arith.constant 632 : i32
    %mul3A_2 = arith.muli %arg1, %mul3A_1 : i32
    %mul3A_3 = arith.constant 10368 : i32
    %mul3A_4 = arith.muli %add3A, %mul3A_3 : i32
    "tpu.region"() ({
      %run_scoped3A_98 = tpu.sem_alloc : memref<!tpu.dma_semaphore, #tpu.memory_space<semaphore_mem>>
      %dma_start3A_99 = arith.constant 0 : i32
      %dma_start3A_100 = tpu.memref_slice %arg7[%mul3A_2, %dma_start3A_99] : memref<10112x128xf32, #tpu.memory_space<vmem_shared>> -> memref<632x128xf32, #tpu.memory_space<vmem_shared>>
      %dma_start3A_101 = arith.constant 0 : i32
      %dma_start3A_102 = tpu.memref_slice %arg2[%mul3A_2, %dma_start3A_101] : memref<10112x128xf32, #tpu.memory_space<hbm>> -> memref<632x128xf32, #tpu.memory_space<hbm>>
      tpu.enqueue_dma source(%dma_start3A_102 : memref<632x128xf32, #tpu.memory_space<hbm>>) target(%dma_start3A_100 : memref<632x128xf32, #tpu.memory_space<vmem_shared>>) target_semaphore(%run_scoped3A_98 : memref<!tpu.dma_semaphore, #tpu.memory_space<semaphore_mem>>)
      %dma_wait3A = arith.constant 0 : i32
      %dma_wait3A_103 = tpu.memref_slice %arg7[%mul3A_2, %dma_wait3A] : memref<10112x128xf32, #tpu.memory_space<vmem_shared>> -> memref<632x128xf32, #tpu.memory_space<vmem_shared>>
      %dma_wait3A_104 = arith.constant 0 : i32
      %dma_wait3A_105 = tpu.memref_slice %arg2[%mul3A_2, %dma_wait3A_104] : memref<10112x128xf32, #tpu.memory_space<hbm>> -> memref<632x128xf32, #tpu.memory_space<hbm>>
      tpu.wait_dma2 semaphore(%run_scoped3A_98 : memref<!tpu.dma_semaphore, #tpu.memory_space<semaphore_mem>>) src(%dma_wait3A_105 : memref<632x128xf32, #tpu.memory_space<hbm>>) dst(%dma_wait3A_103 : memref<632x128xf32, #tpu.memory_space<vmem_shared>>)
      tpu.yield
    }) : () -> ()
    %barrier3A = arith.constant 0 : index
    tpu.barrier barrier_id(%barrier3A)
    %run_scoped3A = arith.constant 0 : i32
    "tpu.region"() ({
      %run_scoped3A_98 = tpu.sem_alloc : memref<!tpu.dma_semaphore, #tpu.memory_space<semaphore_mem>>
      %dma_start3A_99 = arith.constant 0 : i32
      %dma_start3A_100 = arith.constant 0 : i32
      %dma_start3A_101 = tpu.memref_slice %arg3[%add3A, %run_scoped3A, %dma_start3A_99, %dma_start3A_100] : memref<32x81x1x128xi32, #tpu.memory_space<hbm>> -> memref<1x1x1x128xi32, #tpu.memory_space<hbm>>
      %dma_start3A_102 = tpu.memref_squeeze %dma_start3A_101 : memref<1x1x1x128xi32, #tpu.memory_space<hbm>> -> memref<1x128xi32, #tpu.memory_space<hbm>>
      %dma_start3A_103 = arith.constant 0 : i32
      %dma_start3A_104 = arith.constant 0 : i32
      %dma_start3A_105 = tpu.memref_slice %arg3[%add3A, %run_scoped3A, %dma_start3A_103, %dma_start3A_104] : memref<32x81x1x128xi32, #tpu.memory_space<hbm>> -> memref<1x1x1x128xi32, #tpu.memory_space<hbm>>
      %dma_start3A_106 = tpu.memref_squeeze %dma_start3A_105 : memref<1x1x1x128xi32, #tpu.memory_space<hbm>> -> memref<1x128xi32, #tpu.memory_space<hbm>>
      tpu.enqueue_dma source(%dma_start3A_106 : memref<1x128xi32, #tpu.memory_space<hbm>>) target(%arg11 : memref<1x128xi32, #tpu.memory_space<vmem>>) target_semaphore(%run_scoped3A_98 : memref<!tpu.dma_semaphore, #tpu.memory_space<semaphore_mem>>)
      %dma_wait3A = arith.constant 0 : i32
      %dma_wait3A_107 = arith.constant 0 : i32
      %dma_wait3A_108 = tpu.memref_slice %arg3[%add3A, %run_scoped3A, %dma_wait3A, %dma_wait3A_107] : memref<32x81x1x128xi32, #tpu.memory_space<hbm>> -> memref<1x1x1x128xi32, #tpu.memory_space<hbm>>
      %dma_wait3A_109 = tpu.memref_squeeze %dma_wait3A_108 : memref<1x1x1x128xi32, #tpu.memory_space<hbm>> -> memref<1x128xi32, #tpu.memory_space<hbm>>
      %dma_wait3A_110 = arith.constant 0 : i32
      %dma_wait3A_111 = arith.constant 0 : i32
      %dma_wait3A_112 = tpu.memref_slice %arg3[%add3A, %run_scoped3A, %dma_wait3A_110, %dma_wait3A_111] : memref<32x81x1x128xi32, #tpu.memory_space<hbm>> -> memref<1x1x1x128xi32, #tpu.memory_space<hbm>>
      %dma_wait3A_113 = tpu.memref_squeeze %dma_wait3A_112 : memref<1x1x1x128xi32, #tpu.memory_space<hbm>> -> memref<1x128xi32, #tpu.memory_space<hbm>>
      tpu.wait_dma2 semaphore(%run_scoped3A_98 : memref<!tpu.dma_semaphore, #tpu.memory_space<semaphore_mem>>) src(%dma_wait3A_113 : memref<1x128xi32, #tpu.memory_space<hbm>>) dst(%arg11 : memref<1x128xi32, #tpu.memory_space<vmem>>)
      tpu.yield
    }) : () -> ()
    %dma_start3A = arith.constant 0 : i32
    %dma_start3A_5 = arith.constant 0 : i32
    %dma_start3A_6 = tpu.memref_slice %arg11[%dma_start3A, %dma_start3A_5] : memref<1x128xi32, #tpu.memory_space<vmem>> -> memref<1x128xi32, #tpu.memory_space<vmem>>
    %dma_start3A_7 = tpu.memref_squeeze %dma_start3A_6 : memref<1x128xi32, #tpu.memory_space<vmem>> -> memref<128xi32, #tpu.memory_space<vmem>>
    %dma_start3A_8 = arith.constant 0 : i32
    %dma_start3A_9 = arith.constant 0 : i32
    %dma_start3A_10 = tpu.memref_slice %arg7[%dma_start3A_8, %dma_start3A_9] : memref<10112x128xf32, #tpu.memory_space<vmem_shared>> -> memref<10112x128xf32, #tpu.memory_space<vmem_shared>>
    tpu.enqueue_indirect_dma source(%dma_start3A_10 : memref<10112x128xf32, #tpu.memory_space<vmem_shared>>) target(%arg8 : memref<128x128xf32, #tpu.memory_space<vmem>>) offsets(%dma_start3A_7 : memref<128xi32, #tpu.memory_space<vmem>>) semaphore(%arg14 : memref<!tpu.dma_semaphore, #tpu.memory_space<semaphore_mem>>)
    %run_scoped3A_11 = arith.constant 1 : i32
    "tpu.region"() ({
      %run_scoped3A_98 = tpu.sem_alloc : memref<!tpu.dma_semaphore, #tpu.memory_space<semaphore_mem>>
      %dma_start3A_99 = arith.constant 0 : i32
      %dma_start3A_100 = arith.constant 0 : i32
      %dma_start3A_101 = tpu.memref_slice %arg3[%add3A, %run_scoped3A_11, %dma_start3A_99, %dma_start3A_100] : memref<32x81x1x128xi32, #tpu.memory_space<hbm>> -> memref<1x1x1x128xi32, #tpu.memory_space<hbm>>
      %dma_start3A_102 = tpu.memref_squeeze %dma_start3A_101 : memref<1x1x1x128xi32, #tpu.memory_space<hbm>> -> memref<1x128xi32, #tpu.memory_space<hbm>>
      %dma_start3A_103 = arith.constant 0 : i32
      %dma_start3A_104 = arith.constant 0 : i32
      %dma_start3A_105 = tpu.memref_slice %arg3[%add3A, %run_scoped3A_11, %dma_start3A_103, %dma_start3A_104] : memref<32x81x1x128xi32, #tpu.memory_space<hbm>> -> memref<1x1x1x128xi32, #tpu.memory_space<hbm>>
      %dma_start3A_106 = tpu.memref_squeeze %dma_start3A_105 : memref<1x1x1x128xi32, #tpu.memory_space<hbm>> -> memref<1x128xi32, #tpu.memory_space<hbm>>
      tpu.enqueue_dma source(%dma_start3A_106 : memref<1x128xi32, #tpu.memory_space<hbm>>) target(%arg12 : memref<1x128xi32, #tpu.memory_space<vmem>>) target_semaphore(%run_scoped3A_98 : memref<!tpu.dma_semaphore, #tpu.memory_space<semaphore_mem>>)
      %dma_wait3A = arith.constant 0 : i32
      %dma_wait3A_107 = arith.constant 0 : i32
      %dma_wait3A_108 = tpu.memref_slice %arg3[%add3A, %run_scoped3A_11, %dma_wait3A, %dma_wait3A_107] : memref<32x81x1x128xi32, #tpu.memory_space<hbm>> -> memref<1x1x1x128xi32, #tpu.memory_space<hbm>>
      %dma_wait3A_109 = tpu.memref_squeeze %dma_wait3A_108 : memref<1x1x1x128xi32, #tpu.memory_space<hbm>> -> memref<1x128xi32, #tpu.memory_space<hbm>>
      %dma_wait3A_110 = arith.constant 0 : i32
      %dma_wait3A_111 = arith.constant 0 : i32
      %dma_wait3A_112 = tpu.memref_slice %arg3[%add3A, %run_scoped3A_11, %dma_wait3A_110, %dma_wait3A_111] : memref<32x81x1x128xi32, #tpu.memory_space<hbm>> -> memref<1x1x1x128xi32, #tpu.memory_space<hbm>>
      %dma_wait3A_113 = tpu.memref_squeeze %dma_wait3A_112 : memref<1x1x1x128xi32, #tpu.memory_space<hbm>> -> memref<1x128xi32, #tpu.memory_space<hbm>>
      tpu.wait_dma2 semaphore(%run_scoped3A_98 : memref<!tpu.dma_semaphore, #tpu.memory_space<semaphore_mem>>) src(%dma_wait3A_113 : memref<1x128xi32, #tpu.memory_space<hbm>>) dst(%arg12 : memref<1x128xi32, #tpu.memory_space<vmem>>)
      tpu.yield
    }) : () -> ()
    %dma_start3A_12 = arith.constant 0 : i32
    %dma_start3A_13 = arith.constant 0 : i32
    %dma_start3A_14 = tpu.memref_slice %arg12[%dma_start3A_12, %dma_start3A_13] : memref<1x128xi32, #tpu.memory_space<vmem>> -> memref<1x128xi32, #tpu.memory_space<vmem>>
    %dma_start3A_15 = tpu.memref_squeeze %dma_start3A_14 : memref<1x128xi32, #tpu.memory_space<vmem>> -> memref<128xi32, #tpu.memory_space<vmem>>
    %dma_start3A_16 = arith.constant 0 : i32
    %dma_start3A_17 = arith.constant 0 : i32
    %dma_start3A_18 = tpu.memref_slice %arg7[%dma_start3A_16, %dma_start3A_17] : memref<10112x128xf32, #tpu.memory_space<vmem_shared>> -> memref<10112x128xf32, #tpu.memory_space<vmem_shared>>
    tpu.enqueue_indirect_dma source(%dma_start3A_18 : memref<10112x128xf32, #tpu.memory_space<vmem_shared>>) target(%arg9 : memref<128x128xf32, #tpu.memory_space<vmem>>) offsets(%dma_start3A_15 : memref<128xi32, #tpu.memory_space<vmem>>) semaphore(%arg15 : memref<!tpu.dma_semaphore, #tpu.memory_space<semaphore_mem>>)
    %run_scoped3A_19 = arith.constant 2 : i32
    "tpu.region"() ({
      %run_scoped3A_98 = tpu.sem_alloc : memref<!tpu.dma_semaphore, #tpu.memory_space<semaphore_mem>>
      %dma_start3A_99 = arith.constant 0 : i32
      %dma_start3A_100 = arith.constant 0 : i32
      %dma_start3A_101 = tpu.memref_slice %arg3[%add3A, %run_scoped3A_19, %dma_start3A_99, %dma_start3A_100] : memref<32x81x1x128xi32, #tpu.memory_space<hbm>> -> memref<1x1x1x128xi32, #tpu.memory_space<hbm>>
      %dma_start3A_102 = tpu.memref_squeeze %dma_start3A_101 : memref<1x1x1x128xi32, #tpu.memory_space<hbm>> -> memref<1x128xi32, #tpu.memory_space<hbm>>
      %dma_start3A_103 = arith.constant 0 : i32
      %dma_start3A_104 = arith.constant 0 : i32
      %dma_start3A_105 = tpu.memref_slice %arg3[%add3A, %run_scoped3A_19, %dma_start3A_103, %dma_start3A_104] : memref<32x81x1x128xi32, #tpu.memory_space<hbm>> -> memref<1x1x1x128xi32, #tpu.memory_space<hbm>>
      %dma_start3A_106 = tpu.memref_squeeze %dma_start3A_105 : memref<1x1x1x128xi32, #tpu.memory_space<hbm>> -> memref<1x128xi32, #tpu.memory_space<hbm>>
      tpu.enqueue_dma source(%dma_start3A_106 : memref<1x128xi32, #tpu.memory_space<hbm>>) target(%arg13 : memref<1x128xi32, #tpu.memory_space<vmem>>) target_semaphore(%run_scoped3A_98 : memref<!tpu.dma_semaphore, #tpu.memory_space<semaphore_mem>>)
      %dma_wait3A = arith.constant 0 : i32
      %dma_wait3A_107 = arith.constant 0 : i32
      %dma_wait3A_108 = tpu.memref_slice %arg3[%add3A, %run_scoped3A_19, %dma_wait3A, %dma_wait3A_107] : memref<32x81x1x128xi32, #tpu.memory_space<hbm>> -> memref<1x1x1x128xi32, #tpu.memory_space<hbm>>
      %dma_wait3A_109 = tpu.memref_squeeze %dma_wait3A_108 : memref<1x1x1x128xi32, #tpu.memory_space<hbm>> -> memref<1x128xi32, #tpu.memory_space<hbm>>
      %dma_wait3A_110 = arith.constant 0 : i32
      %dma_wait3A_111 = arith.constant 0 : i32
      %dma_wait3A_112 = tpu.memref_slice %arg3[%add3A, %run_scoped3A_19, %dma_wait3A_110, %dma_wait3A_111] : memref<32x81x1x128xi32, #tpu.memory_space<hbm>> -> memref<1x1x1x128xi32, #tpu.memory_space<hbm>>
      %dma_wait3A_113 = tpu.memref_squeeze %dma_wait3A_112 : memref<1x1x1x128xi32, #tpu.memory_space<hbm>> -> memref<1x128xi32, #tpu.memory_space<hbm>>
      tpu.wait_dma2 semaphore(%run_scoped3A_98 : memref<!tpu.dma_semaphore, #tpu.memory_space<semaphore_mem>>) src(%dma_wait3A_113 : memref<1x128xi32, #tpu.memory_space<hbm>>) dst(%arg13 : memref<1x128xi32, #tpu.memory_space<vmem>>)
      tpu.yield
    }) : () -> ()
    %dma_start3A_20 = arith.constant 0 : i32
    %dma_start3A_21 = arith.constant 0 : i32
    %dma_start3A_22 = tpu.memref_slice %arg13[%dma_start3A_20, %dma_start3A_21] : memref<1x128xi32, #tpu.memory_space<vmem>> -> memref<1x128xi32, #tpu.memory_space<vmem>>
    %dma_start3A_23 = tpu.memref_squeeze %dma_start3A_22 : memref<1x128xi32, #tpu.memory_space<vmem>> -> memref<128xi32, #tpu.memory_space<vmem>>
    %dma_start3A_24 = arith.constant 0 : i32
    %dma_start3A_25 = arith.constant 0 : i32
    %dma_start3A_26 = tpu.memref_slice %arg7[%dma_start3A_24, %dma_start3A_25] : memref<10112x128xf32, #tpu.memory_space<vmem_shared>> -> memref<10112x128xf32, #tpu.memory_space<vmem_shared>>
    tpu.enqueue_indirect_dma source(%dma_start3A_26 : memref<10112x128xf32, #tpu.memory_space<vmem_shared>>) target(%arg10 : memref<128x128xf32, #tpu.memory_space<vmem>>) offsets(%dma_start3A_23 : memref<128xi32, #tpu.memory_space<vmem>>) semaphore(%arg16 : memref<!tpu.dma_semaphore, #tpu.memory_space<semaphore_mem>>)
    %scan3A = arith.constant 0 : i32
    %scan3A_27 = arith.constant 0 : i32
    %scan3A_28 = arith.constant 27 : i32
    %scan3A_29 = arith.addi %scan3A_27, %scan3A_28 : i32
    %scan3A_30 = arith.constant 1 : i32
    scf.for %scan3A_98 = %scan3A_27 to %scan3A_29 step %scan3A_30  : i32 {
      %mul3A_99 = arith.constant 3 : i32
      %mul3A_100 = arith.muli %scan3A_98, %mul3A_99 : i32
      %add3A_101 = arith.constant 0 : i32
      %add3A_102 = arith.addi %mul3A_100, %add3A_101 : i32
      %dma_wait3A = arith.constant 0 : i32
      %dma_wait3A_103 = arith.constant 0 : i32
      %dma_wait3A_104 = tpu.memref_slice %arg11[%dma_wait3A, %dma_wait3A_103] : memref<1x128xi32, #tpu.memory_space<vmem>> -> memref<1x128xi32, #tpu.memory_space<vmem>>
      %dma_wait3A_105 = tpu.memref_squeeze %dma_wait3A_104 : memref<1x128xi32, #tpu.memory_space<vmem>> -> memref<128xi32, #tpu.memory_space<vmem>>
      %dma_wait3A_106 = arith.constant 0 : i32
      %dma_wait3A_107 = arith.constant 0 : i32
      %dma_wait3A_108 = tpu.memref_slice %arg7[%dma_wait3A_106, %dma_wait3A_107] : memref<10112x128xf32, #tpu.memory_space<vmem_shared>> -> memref<10112x128xf32, #tpu.memory_space<vmem_shared>>
      tpu.wait_indirect_dma semaphore(%arg14 : memref<!tpu.dma_semaphore, #tpu.memory_space<semaphore_mem>>) src(%dma_wait3A_108 : memref<10112x128xf32, #tpu.memory_space<vmem_shared>>) dst(%arg8 : memref<128x128xf32, #tpu.memory_space<vmem>>)
      %mul3A_109 = arith.constant 128 : i32
      %mul3A_110 = arith.muli %add3A_102, %mul3A_109 : i32
      %add3A_111 = arith.addi %mul3A_4, %mul3A_110 : i32
      %dma_start3A_112 = arith.constant 0 : i32
      %dma_start3A_113 = tpu.memref_slice %arg6[%add3A_111, %dma_start3A_112] : memref<331776x128xf32, #tpu.memory_space<hbm>> -> memref<128x128xf32, #tpu.memory_space<hbm>>
      %dma_start3A_114 = arith.constant 0 : i32
      %dma_start3A_115 = tpu.memref_slice %arg6[%add3A_111, %dma_start3A_114] : memref<331776x128xf32, #tpu.memory_space<hbm>> -> memref<128x128xf32, #tpu.memory_space<hbm>>
      tpu.enqueue_dma source(%arg8 : memref<128x128xf32, #tpu.memory_space<vmem>>) target(%dma_start3A_115 : memref<128x128xf32, #tpu.memory_space<hbm>>) target_semaphore(%arg17 : memref<!tpu.dma_semaphore, #tpu.memory_space<semaphore_mem>>)
      %mul3A_116 = arith.constant 3 : i32
      %mul3A_117 = arith.muli %scan3A_98, %mul3A_116 : i32
      %add3A_118 = arith.constant 1 : i32
      %add3A_119 = arith.addi %mul3A_117, %add3A_118 : i32
      %dma_wait3A_120 = arith.constant 0 : i32
      %dma_wait3A_121 = arith.constant 0 : i32
      %dma_wait3A_122 = tpu.memref_slice %arg12[%dma_wait3A_120, %dma_wait3A_121] : memref<1x128xi32, #tpu.memory_space<vmem>> -> memref<1x128xi32, #tpu.memory_space<vmem>>
      %dma_wait3A_123 = tpu.memref_squeeze %dma_wait3A_122 : memref<1x128xi32, #tpu.memory_space<vmem>> -> memref<128xi32, #tpu.memory_space<vmem>>
      %dma_wait3A_124 = arith.constant 0 : i32
      %dma_wait3A_125 = arith.constant 0 : i32
      %dma_wait3A_126 = tpu.memref_slice %arg7[%dma_wait3A_124, %dma_wait3A_125] : memref<10112x128xf32, #tpu.memory_space<vmem_shared>> -> memref<10112x128xf32, #tpu.memory_space<vmem_shared>>
      tpu.wait_indirect_dma semaphore(%arg15 : memref<!tpu.dma_semaphore, #tpu.memory_space<semaphore_mem>>) src(%dma_wait3A_126 : memref<10112x128xf32, #tpu.memory_space<vmem_shared>>) dst(%arg9 : memref<128x128xf32, #tpu.memory_space<vmem>>)
      %mul3A_127 = arith.constant 128 : i32
      %mul3A_128 = arith.muli %add3A_119, %mul3A_127 : i32
      %add3A_129 = arith.addi %mul3A_4, %mul3A_128 : i32
      %dma_start3A_130 = arith.constant 0 : i32
      %dma_start3A_131 = tpu.memref_slice %arg6[%add3A_129, %dma_start3A_130] : memref<331776x128xf32, #tpu.memory_space<hbm>> -> memref<128x128xf32, #tpu.memory_space<hbm>>
      %dma_start3A_132 = arith.constant 0 : i32
      %dma_start3A_133 = tpu.memref_slice %arg6[%add3A_129, %dma_start3A_132] : memref<331776x128xf32, #tpu.memory_space<hbm>> -> memref<128x128xf32, #tpu.memory_space<hbm>>
      tpu.enqueue_dma source(%arg9 : memref<128x128xf32, #tpu.memory_space<vmem>>) target(%dma_start3A_133 : memref<128x128xf32, #tpu.memory_space<hbm>>) target_semaphore(%arg18 : memref<!tpu.dma_semaphore, #tpu.memory_space<semaphore_mem>>)
      %mul3A_134 = arith.constant 3 : i32
      %mul3A_135 = arith.muli %scan3A_98, %mul3A_134 : i32
      %add3A_136 = arith.constant 2 : i32
      %add3A_137 = arith.addi %mul3A_135, %add3A_136 : i32
      %dma_wait3A_138 = arith.constant 0 : i32
      %dma_wait3A_139 = arith.constant 0 : i32
      %dma_wait3A_140 = tpu.memref_slice %arg13[%dma_wait3A_138, %dma_wait3A_139] : memref<1x128xi32, #tpu.memory_space<vmem>> -> memref<1x128xi32, #tpu.memory_space<vmem>>
      %dma_wait3A_141 = tpu.memref_squeeze %dma_wait3A_140 : memref<1x128xi32, #tpu.memory_space<vmem>> -> memref<128xi32, #tpu.memory_space<vmem>>
      %dma_wait3A_142 = arith.constant 0 : i32
      %dma_wait3A_143 = arith.constant 0 : i32
      %dma_wait3A_144 = tpu.memref_slice %arg7[%dma_wait3A_142, %dma_wait3A_143] : memref<10112x128xf32, #tpu.memory_space<vmem_shared>> -> memref<10112x128xf32, #tpu.memory_space<vmem_shared>>
      tpu.wait_indirect_dma semaphore(%arg16 : memref<!tpu.dma_semaphore, #tpu.memory_space<semaphore_mem>>) src(%dma_wait3A_144 : memref<10112x128xf32, #tpu.memory_space<vmem_shared>>) dst(%arg10 : memref<128x128xf32, #tpu.memory_space<vmem>>)
      %mul3A_145 = arith.constant 128 : i32
      %mul3A_146 = arith.muli %add3A_137, %mul3A_145 : i32
      %add3A_147 = arith.addi %mul3A_4, %mul3A_146 : i32
      %dma_start3A_148 = arith.constant 0 : i32
      %dma_start3A_149 = tpu.memref_slice %arg6[%add3A_147, %dma_start3A_148] : memref<331776x128xf32, #tpu.memory_space<hbm>> -> memref<128x128xf32, #tpu.memory_space<hbm>>
      %dma_start3A_150 = arith.constant 0 : i32
      %dma_start3A_151 = tpu.memref_slice %arg6[%add3A_147, %dma_start3A_150] : memref<331776x128xf32, #tpu.memory_space<hbm>> -> memref<128x128xf32, #tpu.memory_space<hbm>>
      tpu.enqueue_dma source(%arg10 : memref<128x128xf32, #tpu.memory_space<vmem>>) target(%dma_start3A_151 : memref<128x128xf32, #tpu.memory_space<hbm>>) target_semaphore(%arg19 : memref<!tpu.dma_semaphore, #tpu.memory_space<semaphore_mem>>)
      %mul3A_152 = arith.constant 3 : i32
      %mul3A_153 = arith.muli %scan3A_98, %mul3A_152 : i32
      %add3A_154 = arith.constant 0 : i32
      %add3A_155 = arith.addi %mul3A_153, %add3A_154 : i32
      %mul3A_156 = arith.constant 128 : i32
      %mul3A_157 = arith.muli %add3A_155, %mul3A_156 : i32
      %add3A_158 = arith.addi %mul3A_4, %mul3A_157 : i32
      %dma_wait3A_159 = arith.constant 0 : i32
      %dma_wait3A_160 = tpu.memref_slice %arg6[%add3A_158, %dma_wait3A_159] : memref<331776x128xf32, #tpu.memory_space<hbm>> -> memref<128x128xf32, #tpu.memory_space<hbm>>
      %dma_wait3A_161 = arith.constant 0 : i32
      %dma_wait3A_162 = tpu.memref_slice %arg6[%add3A_158, %dma_wait3A_161] : memref<331776x128xf32, #tpu.memory_space<hbm>> -> memref<128x128xf32, #tpu.memory_space<hbm>>
      tpu.wait_dma2 semaphore(%arg17 : memref<!tpu.dma_semaphore, #tpu.memory_space<semaphore_mem>>) src(%arg8 : memref<128x128xf32, #tpu.memory_space<vmem>>) dst(%dma_wait3A_162 : memref<128x128xf32, #tpu.memory_space<hbm>>)
      %add3A_163 = arith.constant 3 : i32
      %add3A_164 = arith.addi %add3A_155, %add3A_163 : i32
      %lt3A = arith.constant 81 : i32
      %lt3A_165 = arith.cmpi slt, %add3A_164, %lt3A : i32
      %convert_element_type3A = arith.extui %lt3A_165 : i1 to i32
      %cond3A = arith.constant 0 : i32
      %cond3A_166 = arith.cmpi ne, %convert_element_type3A, %cond3A : i32
      scf.if %cond3A_166 {
        %add3A_203 = arith.constant 3 : i32
        %add3A_204 = arith.addi %add3A_155, %add3A_203 : i32
        "tpu.region"() ({
          %run_scoped3A_212 = tpu.sem_alloc : memref<!tpu.dma_semaphore, #tpu.memory_space<semaphore_mem>>
          %dma_start3A_213 = arith.constant 0 : i32
          %dma_start3A_214 = arith.constant 0 : i32
          %dma_start3A_215 = tpu.memref_slice %arg3[%add3A, %add3A_204, %dma_start3A_213, %dma_start3A_214] : memref<32x81x1x128xi32, #tpu.memory_space<hbm>> -> memref<1x1x1x128xi32, #tpu.memory_space<hbm>>
          %dma_start3A_216 = tpu.memref_squeeze %dma_start3A_215 : memref<1x1x1x128xi32, #tpu.memory_space<hbm>> -> memref<1x128xi32, #tpu.memory_space<hbm>>
          %dma_start3A_217 = arith.constant 0 : i32
          %dma_start3A_218 = arith.constant 0 : i32
          %dma_start3A_219 = tpu.memref_slice %arg3[%add3A, %add3A_204, %dma_start3A_217, %dma_start3A_218] : memref<32x81x1x128xi32, #tpu.memory_space<hbm>> -> memref<1x1x1x128xi32, #tpu.memory_space<hbm>>
          %dma_start3A_220 = tpu.memref_squeeze %dma_start3A_219 : memref<1x1x1x128xi32, #tpu.memory_space<hbm>> -> memref<1x128xi32, #tpu.memory_space<hbm>>
          tpu.enqueue_dma source(%dma_start3A_220 : memref<1x128xi32, #tpu.memory_space<hbm>>) target(%arg11 : memref<1x128xi32, #tpu.memory_space<vmem>>) target_semaphore(%run_scoped3A_212 : memref<!tpu.dma_semaphore, #tpu.memory_space<semaphore_mem>>)
          %dma_wait3A_221 = arith.constant 0 : i32
          %dma_wait3A_222 = arith.constant 0 : i32
          %dma_wait3A_223 = tpu.memref_slice %arg3[%add3A, %add3A_204, %dma_wait3A_221, %dma_wait3A_222] : memref<32x81x1x128xi32, #tpu.memory_space<hbm>> -> memref<1x1x1x128xi32, #tpu.memory_space<hbm>>
          %dma_wait3A_224 = tpu.memref_squeeze %dma_wait3A_223 : memref<1x1x1x128xi32, #tpu.memory_space<hbm>> -> memref<1x128xi32, #tpu.memory_space<hbm>>
          %dma_wait3A_225 = arith.constant 0 : i32
          %dma_wait3A_226 = arith.constant 0 : i32
          %dma_wait3A_227 = tpu.memref_slice %arg3[%add3A, %add3A_204, %dma_wait3A_225, %dma_wait3A_226] : memref<32x81x1x128xi32, #tpu.memory_space<hbm>> -> memref<1x1x1x128xi32, #tpu.memory_space<hbm>>
          %dma_wait3A_228 = tpu.memref_squeeze %dma_wait3A_227 : memref<1x1x1x128xi32, #tpu.memory_space<hbm>> -> memref<1x128xi32, #tpu.memory_space<hbm>>
          tpu.wait_dma2 semaphore(%run_scoped3A_212 : memref<!tpu.dma_semaphore, #tpu.memory_space<semaphore_mem>>) src(%dma_wait3A_228 : memref<1x128xi32, #tpu.memory_space<hbm>>) dst(%arg11 : memref<1x128xi32, #tpu.memory_space<vmem>>)
          tpu.yield
        }) : () -> ()
        %dma_start3A_205 = arith.constant 0 : i32
        %dma_start3A_206 = arith.constant 0 : i32
        %dma_start3A_207 = tpu.memref_slice %arg11[%dma_start3A_205, %dma_start3A_206] : memref<1x128xi32, #tpu.memory_space<vmem>> -> memref<1x128xi32, #tpu.memory_space<vmem>>
        %dma_start3A_208 = tpu.memref_squeeze %dma_start3A_207 : memref<1x128xi32, #tpu.memory_space<vmem>> -> memref<128xi32, #tpu.memory_space<vmem>>
        %dma_start3A_209 = arith.constant 0 : i32
        %dma_start3A_210 = arith.constant 0 : i32
        %dma_start3A_211 = tpu.memref_slice %arg7[%dma_start3A_209, %dma_start3A_210] : memref<10112x128xf32, #tpu.memory_space<vmem_shared>> -> memref<10112x128xf32, #tpu.memory_space<vmem_shared>>
        tpu.enqueue_indirect_dma source(%dma_start3A_211 : memref<10112x128xf32, #tpu.memory_space<vmem_shared>>) target(%arg8 : memref<128x128xf32, #tpu.memory_space<vmem>>) offsets(%dma_start3A_208 : memref<128xi32, #tpu.memory_space<vmem>>) semaphore(%arg14 : memref<!tpu.dma_semaphore, #tpu.memory_space<semaphore_mem>>)
      } else {
      }
      %mul3A_167 = arith.constant 3 : i32
      %mul3A_168 = arith.muli %scan3A_98, %mul3A_167 : i32
      %add3A_169 = arith.constant 1 : i32
      %add3A_170 = arith.addi %mul3A_168, %add3A_169 : i32
      %mul3A_171 = arith.constant 128 : i32
      %mul3A_172 = arith.muli %add3A_170, %mul3A_171 : i32
      %add3A_173 = arith.addi %mul3A_4, %mul3A_172 : i32
      %dma_wait3A_174 = arith.constant 0 : i32
      %dma_wait3A_175 = tpu.memref_slice %arg6[%add3A_173, %dma_wait3A_174] : memref<331776x128xf32, #tpu.memory_space<hbm>> -> memref<128x128xf32, #tpu.memory_space<hbm>>
      %dma_wait3A_176 = arith.constant 0 : i32
      %dma_wait3A_177 = tpu.memref_slice %arg6[%add3A_173, %dma_wait3A_176] : memref<331776x128xf32, #tpu.memory_space<hbm>> -> memref<128x128xf32, #tpu.memory_space<hbm>>
      tpu.wait_dma2 semaphore(%arg18 : memref<!tpu.dma_semaphore, #tpu.memory_space<semaphore_mem>>) src(%arg9 : memref<128x128xf32, #tpu.memory_space<vmem>>) dst(%dma_wait3A_177 : memref<128x128xf32, #tpu.memory_space<hbm>>)
      %add3A_178 = arith.constant 3 : i32
      %add3A_179 = arith.addi %add3A_170, %add3A_178 : i32
      %lt3A_180 = arith.constant 81 : i32
      %lt3A_181 = arith.cmpi slt, %add3A_179, %lt3A_180 : i32
      %convert_element_type3A_182 = arith.extui %lt3A_181 : i1 to i32
      %cond3A_183 = arith.constant 0 : i32
      %cond3A_184 = arith.cmpi ne, %convert_element_type3A_182, %cond3A_183 : i32
      scf.if %cond3A_184 {
        %add3A_203 = arith.constant 3 : i32
        %add3A_204 = arith.addi %add3A_170, %add3A_203 : i32
        "tpu.region"() ({
          %run_scoped3A_212 = tpu.sem_alloc : memref<!tpu.dma_semaphore, #tpu.memory_space<semaphore_mem>>
          %dma_start3A_213 = arith.constant 0 : i32
          %dma_start3A_214 = arith.constant 0 : i32
          %dma_start3A_215 = tpu.memref_slice %arg3[%add3A, %add3A_204, %dma_start3A_213, %dma_start3A_214] : memref<32x81x1x128xi32, #tpu.memory_space<hbm>> -> memref<1x1x1x128xi32, #tpu.memory_space<hbm>>
          %dma_start3A_216 = tpu.memref_squeeze %dma_start3A_215 : memref<1x1x1x128xi32, #tpu.memory_space<hbm>> -> memref<1x128xi32, #tpu.memory_space<hbm>>
          %dma_start3A_217 = arith.constant 0 : i32
          %dma_start3A_218 = arith.constant 0 : i32
          %dma_start3A_219 = tpu.memref_slice %arg3[%add3A, %add3A_204, %dma_start3A_217, %dma_start3A_218] : memref<32x81x1x128xi32, #tpu.memory_space<hbm>> -> memref<1x1x1x128xi32, #tpu.memory_space<hbm>>
          %dma_start3A_220 = tpu.memref_squeeze %dma_start3A_219 : memref<1x1x1x128xi32, #tpu.memory_space<hbm>> -> memref<1x128xi32, #tpu.memory_space<hbm>>
          tpu.enqueue_dma source(%dma_start3A_220 : memref<1x128xi32, #tpu.memory_space<hbm>>) target(%arg12 : memref<1x128xi32, #tpu.memory_space<vmem>>) target_semaphore(%run_scoped3A_212 : memref<!tpu.dma_semaphore, #tpu.memory_space<semaphore_mem>>)
          %dma_wait3A_221 = arith.constant 0 : i32
          %dma_wait3A_222 = arith.constant 0 : i32
          %dma_wait3A_223 = tpu.memref_slice %arg3[%add3A, %add3A_204, %dma_wait3A_221, %dma_wait3A_222] : memref<32x81x1x128xi32, #tpu.memory_space<hbm>> -> memref<1x1x1x128xi32, #tpu.memory_space<hbm>>
          %dma_wait3A_224 = tpu.memref_squeeze %dma_wait3A_223 : memref<1x1x1x128xi32, #tpu.memory_space<hbm>> -> memref<1x128xi32, #tpu.memory_space<hbm>>
          %dma_wait3A_225 = arith.constant 0 : i32
          %dma_wait3A_226 = arith.constant 0 : i32
          %dma_wait3A_227 = tpu.memref_slice %arg3[%add3A, %add3A_204, %dma_wait3A_225, %dma_wait3A_226] : memref<32x81x1x128xi32, #tpu.memory_space<hbm>> -> memref<1x1x1x128xi32, #tpu.memory_space<hbm>>
          %dma_wait3A_228 = tpu.memref_squeeze %dma_wait3A_227 : memref<1x1x1x128xi32, #tpu.memory_space<hbm>> -> memref<1x128xi32, #tpu.memory_space<hbm>>
          tpu.wait_dma2 semaphore(%run_scoped3A_212 : memref<!tpu.dma_semaphore, #tpu.memory_space<semaphore_mem>>) src(%dma_wait3A_228 : memref<1x128xi32, #tpu.memory_space<hbm>>) dst(%arg12 : memref<1x128xi32, #tpu.memory_space<vmem>>)
          tpu.yield
        }) : () -> ()
        %dma_start3A_205 = arith.constant 0 : i32
        %dma_start3A_206 = arith.constant 0 : i32
        %dma_start3A_207 = tpu.memref_slice %arg12[%dma_start3A_205, %dma_start3A_206] : memref<1x128xi32, #tpu.memory_space<vmem>> -> memref<1x128xi32, #tpu.memory_space<vmem>>
        %dma_start3A_208 = tpu.memref_squeeze %dma_start3A_207 : memref<1x128xi32, #tpu.memory_space<vmem>> -> memref<128xi32, #tpu.memory_space<vmem>>
        %dma_start3A_209 = arith.constant 0 : i32
        %dma_start3A_210 = arith.constant 0 : i32
        %dma_start3A_211 = tpu.memref_slice %arg7[%dma_start3A_209, %dma_start3A_210] : memref<10112x128xf32, #tpu.memory_space<vmem_shared>> -> memref<10112x128xf32, #tpu.memory_space<vmem_shared>>
        tpu.enqueue_indirect_dma source(%dma_start3A_211 : memref<10112x128xf32, #tpu.memory_space<vmem_shared>>) target(%arg9 : memref<128x128xf32, #tpu.memory_space<vmem>>) offsets(%dma_start3A_208 : memref<128xi32, #tpu.memory_space<vmem>>) semaphore(%arg15 : memref<!tpu.dma_semaphore, #tpu.memory_space<semaphore_mem>>)
      } else {
      }
      %mul3A_185 = arith.constant 3 : i32
      %mul3A_186 = arith.muli %scan3A_98, %mul3A_185 : i32
      %add3A_187 = arith.constant 2 : i32
      %add3A_188 = arith.addi %mul3A_186, %add3A_187 : i32
      %mul3A_189 = arith.constant 128 : i32
      %mul3A_190 = arith.muli %add3A_188, %mul3A_189 : i32
      %add3A_191 = arith.addi %mul3A_4, %mul3A_190 : i32
      %dma_wait3A_192 = arith.constant 0 : i32
      %dma_wait3A_193 = tpu.memref_slice %arg6[%add3A_191, %dma_wait3A_192] : memref<331776x128xf32, #tpu.memory_space<hbm>> -> memref<128x128xf32, #tpu.memory_space<hbm>>
      %dma_wait3A_194 = arith.constant 0 : i32
      %dma_wait3A_195 = tpu.memref_slice %arg6[%add3A_191, %dma_wait3A_194] : memref<331776x128xf32, #tpu.memory_space<hbm>> -> memref<128x128xf32, #tpu.memory_space<hbm>>
      tpu.wait_dma2 semaphore(%arg19 : memref<!tpu.dma_semaphore, #tpu.memory_space<semaphore_mem>>) src(%arg10 : memref<128x128xf32, #tpu.memory_space<vmem>>) dst(%dma_wait3A_195 : memref<128x128xf32, #tpu.memory_space<hbm>>)
      %add3A_196 = arith.constant 3 : i32
      %add3A_197 = arith.addi %add3A_188, %add3A_196 : i32
      %lt3A_198 = arith.constant 81 : i32
      %lt3A_199 = arith.cmpi slt, %add3A_197, %lt3A_198 : i32
      %convert_element_type3A_200 = arith.extui %lt3A_199 : i1 to i32
      %cond3A_201 = arith.constant 0 : i32
      %cond3A_202 = arith.cmpi ne, %convert_element_type3A_200, %cond3A_201 : i32
      scf.if %cond3A_202 {
        %add3A_203 = arith.constant 3 : i32
        %add3A_204 = arith.addi %add3A_188, %add3A_203 : i32
        "tpu.region"() ({
          %run_scoped3A_212 = tpu.sem_alloc : memref<!tpu.dma_semaphore, #tpu.memory_space<semaphore_mem>>
          %dma_start3A_213 = arith.constant 0 : i32
          %dma_start3A_214 = arith.constant 0 : i32
          %dma_start3A_215 = tpu.memref_slice %arg3[%add3A, %add3A_204, %dma_start3A_213, %dma_start3A_214] : memref<32x81x1x128xi32, #tpu.memory_space<hbm>> -> memref<1x1x1x128xi32, #tpu.memory_space<hbm>>
          %dma_start3A_216 = tpu.memref_squeeze %dma_start3A_215 : memref<1x1x1x128xi32, #tpu.memory_space<hbm>> -> memref<1x128xi32, #tpu.memory_space<hbm>>
          %dma_start3A_217 = arith.constant 0 : i32
          %dma_start3A_218 = arith.constant 0 : i32
          %dma_start3A_219 = tpu.memref_slice %arg3[%add3A, %add3A_204, %dma_start3A_217, %dma_start3A_218] : memref<32x81x1x128xi32, #tpu.memory_space<hbm>> -> memref<1x1x1x128xi32, #tpu.memory_space<hbm>>
          %dma_start3A_220 = tpu.memref_squeeze %dma_start3A_219 : memref<1x1x1x128xi32, #tpu.memory_space<hbm>> -> memref<1x128xi32, #tpu.memory_space<hbm>>
          tpu.enqueue_dma source(%dma_start3A_220 : memref<1x128xi32, #tpu.memory_space<hbm>>) target(%arg13 : memref<1x128xi32, #tpu.memory_space<vmem>>) target_semaphore(%run_scoped3A_212 : memref<!tpu.dma_semaphore, #tpu.memory_space<semaphore_mem>>)
          %dma_wait3A_221 = arith.constant 0 : i32
          %dma_wait3A_222 = arith.constant 0 : i32
          %dma_wait3A_223 = tpu.memref_slice %arg3[%add3A, %add3A_204, %dma_wait3A_221, %dma_wait3A_222] : memref<32x81x1x128xi32, #tpu.memory_space<hbm>> -> memref<1x1x1x128xi32, #tpu.memory_space<hbm>>
          %dma_wait3A_224 = tpu.memref_squeeze %dma_wait3A_223 : memref<1x1x1x128xi32, #tpu.memory_space<hbm>> -> memref<1x128xi32, #tpu.memory_space<hbm>>
          %dma_wait3A_225 = arith.constant 0 : i32
          %dma_wait3A_226 = arith.constant 0 : i32
          %dma_wait3A_227 = tpu.memref_slice %arg3[%add3A, %add3A_204, %dma_wait3A_225, %dma_wait3A_226] : memref<32x81x1x128xi32, #tpu.memory_space<hbm>> -> memref<1x1x1x128xi32, #tpu.memory_space<hbm>>
          %dma_wait3A_228 = tpu.memref_squeeze %dma_wait3A_227 : memref<1x1x1x128xi32, #tpu.memory_space<hbm>> -> memref<1x128xi32, #tpu.memory_space<hbm>>
          tpu.wait_dma2 semaphore(%run_scoped3A_212 : memref<!tpu.dma_semaphore, #tpu.memory_space<semaphore_mem>>) src(%dma_wait3A_228 : memref<1x128xi32, #tpu.memory_space<hbm>>) dst(%arg13 : memref<1x128xi32, #tpu.memory_space<vmem>>)
          tpu.yield
        }) : () -> ()
        %dma_start3A_205 = arith.constant 0 : i32
        %dma_start3A_206 = arith.constant 0 : i32
        %dma_start3A_207 = tpu.memref_slice %arg13[%dma_start3A_205, %dma_start3A_206] : memref<1x128xi32, #tpu.memory_space<vmem>> -> memref<1x128xi32, #tpu.memory_space<vmem>>
        %dma_start3A_208 = tpu.memref_squeeze %dma_start3A_207 : memref<1x128xi32, #tpu.memory_space<vmem>> -> memref<128xi32, #tpu.memory_space<vmem>>
        %dma_start3A_209 = arith.constant 0 : i32
        %dma_start3A_210 = arith.constant 0 : i32
        %dma_start3A_211 = tpu.memref_slice %arg7[%dma_start3A_209, %dma_start3A_210] : memref<10112x128xf32, #tpu.memory_space<vmem_shared>> -> memref<10112x128xf32, #tpu.memory_space<vmem_shared>>
        tpu.enqueue_indirect_dma source(%dma_start3A_211 : memref<10112x128xf32, #tpu.memory_space<vmem_shared>>) target(%arg10 : memref<128x128xf32, #tpu.memory_space<vmem>>) offsets(%dma_start3A_208 : memref<128xi32, #tpu.memory_space<vmem>>) semaphore(%arg16 : memref<!tpu.dma_semaphore, #tpu.memory_space<semaphore_mem>>)
      } else {
      }
    }
    %scan3A_31 = arith.constant 27 : i32
    %barrier3A_32 = arith.constant 0 : index
    tpu.barrier barrier_id(%barrier3A_32)
    %scan3A_33 = arith.constant 0 : i32
    %scan3A_34 = arith.constant 0 : i32
    %scan3A_35 = arith.constant 1024 : i32
    %scan3A_36 = arith.addi %scan3A_34, %scan3A_35 : i32
    %scan3A_37 = arith.constant 1 : i32
    scf.for %scan3A_98 = %scan3A_34 to %scan3A_36 step %scan3A_37  : i32 {
      %jit3A = arith.constant 8 : i32
      %div3A = arith.divsi %scan3A_98, %jit3A : i32
      %sign3A = arith.constant 0 : i32
      %sign3A_99 = arith.cmpi sgt, %scan3A_98, %sign3A : i32
      %sign3A_100 = arith.extui %sign3A_99 : i1 to i32
      %sign3A_101 = arith.constant 0 : i32
      %sign3A_102 = arith.cmpi slt, %scan3A_98, %sign3A_101 : i32
      %sign3A_103 = arith.extui %sign3A_102 : i1 to i32
      %sign3A_104 = arith.subi %sign3A_100, %sign3A_103 : i32
      %sign3A_105 = arith.constant 0 : i32
      %sign3A_106 = arith.cmpi sgt, %jit3A, %sign3A_105 : i32
      %sign3A_107 = arith.extui %sign3A_106 : i1 to i32
      %sign3A_108 = arith.constant 0 : i32
      %sign3A_109 = arith.cmpi slt, %jit3A, %sign3A_108 : i32
      %sign3A_110 = arith.extui %sign3A_109 : i1 to i32
      %sign3A_111 = arith.subi %sign3A_107, %sign3A_110 : i32
      %ne3A = arith.cmpi ne, %sign3A_104, %sign3A_111 : i32
      %rem3A = arith.remsi %scan3A_98, %jit3A : i32
      %ne3A_112 = arith.constant 0 : i32
      %ne3A_113 = arith.cmpi ne, %rem3A, %ne3A_112 : i32
      %and3A = arith.andi %ne3A, %ne3A_113 : i1
      %sub3A = arith.constant 1 : i32
      %sub3A_114 = arith.subi %div3A, %sub3A : i32
      %select_n3A = arith.select %and3A, %sub3A_114, %div3A : i32
      %jit3A_115 = arith.constant 8 : i32
      %eq3A = arith.constant 0 : i32
      %eq3A_116 = arith.cmpi eq, %jit3A_115, %eq3A : i32
      %jit3A_117 = arith.constant 1 : i32
      %select_n3A_118 = arith.select %eq3A_116, %jit3A_117, %jit3A_115 : i32
      %rem3A_119 = arith.remsi %scan3A_98, %select_n3A_118 : i32
      %ne3A_120 = arith.constant 0 : i32
      %ne3A_121 = arith.cmpi ne, %rem3A_119, %ne3A_120 : i32
      %lt3A = arith.constant 0 : i32
      %lt3A_122 = arith.cmpi slt, %rem3A_119, %lt3A : i32
      %lt3A_123 = arith.constant 0 : i32
      %lt3A_124 = arith.cmpi slt, %select_n3A_118, %lt3A_123 : i32
      %ne3A_125 = arith.xori %lt3A_122, %lt3A_124 : i1
      %and3A_126 = arith.andi %ne3A_125, %ne3A_121 : i1
      %add3A_127 = arith.addi %rem3A_119, %select_n3A_118 : i32
      %select_n3A_128 = arith.select %and3A_126, %add3A_127, %rem3A_119 : i32
      %mul3A_129 = arith.constant 16 : i32
      %mul3A_130 = arith.muli %select_n3A_128, %mul3A_129 : i32
      %broadcast_in_dim3A = arith.constant 0.000000e+00 : f32
      %broadcast_in_dim3A_131 = vector.broadcast %broadcast_in_dim3A : f32 to vector<16xf32>
      %swap3A = arith.index_cast %select_n3A : i32 to index
      %swap3A_132 = arith.index_cast %mul3A_130 : i32 to index
      %swap3A_133 = tpu.vector_load %arg8[%swap3A, %swap3A_132] {strides = array<i32>} : memref<128x128xf32, #tpu.memory_space<vmem>>, vector<1x16xf32>,
      %swap3A_134 = vector.shape_cast %swap3A_133 : vector<1x16xf32> to vector<16xf32>
      %swap3A_135 = vector.shape_cast %broadcast_in_dim3A_131 : vector<16xf32> to vector<1x16xf32>
      tpu.vector_store %arg8[%swap3A, %swap3A_132], %swap3A_135 {strides = array<i32>} : memref<128x128xf32, #tpu.memory_space<vmem>>, vector<1x16xf32>,
    }
    %scan3A_38 = arith.constant 1024 : i32
    %add3A_39 = arith.constant 0 : i32
    %add3A_40 = arith.addi %mul3A_2, %add3A_39 : i32
    "tpu.region"() ({
      %run_scoped3A_98 = tpu.sem_alloc : memref<!tpu.dma_semaphore, #tpu.memory_space<semaphore_mem>>
      %dma_start3A_99 = arith.constant 0 : i32
      %dma_start3A_100 = tpu.memref_slice %arg7[%add3A_40, %dma_start3A_99] : memref<10112x128xf32, #tpu.memory_space<vmem_shared>> -> memref<128x128xf32, #tpu.memory_space<vmem_shared>>
      %dma_start3A_101 = arith.constant 0 : i32
      %dma_start3A_102 = tpu.memref_slice %arg7[%add3A_40, %dma_start3A_101] : memref<10112x128xf32, #tpu.memory_space<vmem_shared>> -> memref<128x128xf32, #tpu.memory_space<vmem_shared>>
      tpu.enqueue_dma source(%arg8 : memref<128x128xf32, #tpu.memory_space<vmem>>) target(%dma_start3A_102 : memref<128x128xf32, #tpu.memory_space<vmem_shared>>) target_semaphore(%run_scoped3A_98 : memref<!tpu.dma_semaphore, #tpu.memory_space<semaphore_mem>>)
      %dma_wait3A = arith.constant 0 : i32
      %dma_wait3A_103 = tpu.memref_slice %arg7[%add3A_40, %dma_wait3A] : memref<10112x128xf32, #tpu.memory_space<vmem_shared>> -> memref<128x128xf32, #tpu.memory_space<vmem_shared>>
      %dma_wait3A_104 = arith.constant 0 : i32
      %dma_wait3A_105 = tpu.memref_slice %arg7[%add3A_40, %dma_wait3A_104] : memref<10112x128xf32, #tpu.memory_space<vmem_shared>> -> memref<128x128xf32, #tpu.memory_space<vmem_shared>>
      tpu.wait_dma2 semaphore(%run_scoped3A_98 : memref<!tpu.dma_semaphore, #tpu.memory_space<semaphore_mem>>) src(%arg8 : memref<128x128xf32, #tpu.memory_space<vmem>>) dst(%dma_wait3A_105 : memref<128x128xf32, #tpu.memory_space<vmem_shared>>)
      tpu.yield
    }) : () -> ()
    %add3A_41 = arith.constant 128 : i32
    %add3A_42 = arith.addi %mul3A_2, %add3A_41 : i32
    "tpu.region"() ({
      %run_scoped3A_98 = tpu.sem_alloc : memref<!tpu.dma_semaphore, #tpu.memory_space<semaphore_mem>>
      %dma_start3A_99 = arith.constant 0 : i32
      %dma_start3A_100 = tpu.memref_slice %arg7[%add3A_42, %dma_start3A_99] : memref<10112x128xf32, #tpu.memory_space<vmem_shared>> -> memref<128x128xf32, #tpu.memory_space<vmem_shared>>
      %dma_start3A_101 = arith.constant 0 : i32
      %dma_start3A_102 = tpu.memref_slice %arg7[%add3A_42, %dma_start3A_101] : memref<10112x128xf32, #tpu.memory_space<vmem_shared>> -> memref<128x128xf32, #tpu.memory_space<vmem_shared>>
      tpu.enqueue_dma source(%arg8 : memref<128x128xf32, #tpu.memory_space<vmem>>) target(%dma_start3A_102 : memref<128x128xf32, #tpu.memory_space<vmem_shared>>) target_semaphore(%run_scoped3A_98 : memref<!tpu.dma_semaphore, #tpu.memory_space<semaphore_mem>>)
      %dma_wait3A = arith.constant 0 : i32
      %dma_wait3A_103 = tpu.memref_slice %arg7[%add3A_42, %dma_wait3A] : memref<10112x128xf32, #tpu.memory_space<vmem_shared>> -> memref<128x128xf32, #tpu.memory_space<vmem_shared>>
      %dma_wait3A_104 = arith.constant 0 : i32
      %dma_wait3A_105 = tpu.memref_slice %arg7[%add3A_42, %dma_wait3A_104] : memref<10112x128xf32, #tpu.memory_space<vmem_shared>> -> memref<128x128xf32, #tpu.memory_space<vmem_shared>>
      tpu.wait_dma2 semaphore(%run_scoped3A_98 : memref<!tpu.dma_semaphore, #tpu.memory_space<semaphore_mem>>) src(%arg8 : memref<128x128xf32, #tpu.memory_space<vmem>>) dst(%dma_wait3A_105 : memref<128x128xf32, #tpu.memory_space<vmem_shared>>)
      tpu.yield
    }) : () -> ()
    %add3A_43 = arith.constant 256 : i32
    %add3A_44 = arith.addi %mul3A_2, %add3A_43 : i32
    "tpu.region"() ({
      %run_scoped3A_98 = tpu.sem_alloc : memref<!tpu.dma_semaphore, #tpu.memory_space<semaphore_mem>>
      %dma_start3A_99 = arith.constant 0 : i32
      %dma_start3A_100 = tpu.memref_slice %arg7[%add3A_44, %dma_start3A_99] : memref<10112x128xf32, #tpu.memory_space<vmem_shared>> -> memref<128x128xf32, #tpu.memory_space<vmem_shared>>
      %dma_start3A_101 = arith.constant 0 : i32
      %dma_start3A_102 = tpu.memref_slice %arg7[%add3A_44, %dma_start3A_101] : memref<10112x128xf32, #tpu.memory_space<vmem_shared>> -> memref<128x128xf32, #tpu.memory_space<vmem_shared>>
      tpu.enqueue_dma source(%arg8 : memref<128x128xf32, #tpu.memory_space<vmem>>) target(%dma_start3A_102 : memref<128x128xf32, #tpu.memory_space<vmem_shared>>) target_semaphore(%run_scoped3A_98 : memref<!tpu.dma_semaphore, #tpu.memory_space<semaphore_mem>>)
      %dma_wait3A = arith.constant 0 : i32
      %dma_wait3A_103 = tpu.memref_slice %arg7[%add3A_44, %dma_wait3A] : memref<10112x128xf32, #tpu.memory_space<vmem_shared>> -> memref<128x128xf32, #tpu.memory_space<vmem_shared>>
      %dma_wait3A_104 = arith.constant 0 : i32
      %dma_wait3A_105 = tpu.memref_slice %arg7[%add3A_44, %dma_wait3A_104] : memref<10112x128xf32, #tpu.memory_space<vmem_shared>> -> memref<128x128xf32, #tpu.memory_space<vmem_shared>>
      tpu.wait_dma2 semaphore(%run_scoped3A_98 : memref<!tpu.dma_semaphore, #tpu.memory_space<semaphore_mem>>) src(%arg8 : memref<128x128xf32, #tpu.memory_space<vmem>>) dst(%dma_wait3A_105 : memref<128x128xf32, #tpu.memory_space<vmem_shared>>)
      tpu.yield
    }) : () -> ()
    %add3A_45 = arith.constant 384 : i32
    %add3A_46 = arith.addi %mul3A_2, %add3A_45 : i32
    "tpu.region"() ({
      %run_scoped3A_98 = tpu.sem_alloc : memref<!tpu.dma_semaphore, #tpu.memory_space<semaphore_mem>>
      %dma_start3A_99 = arith.constant 0 : i32
      %dma_start3A_100 = tpu.memref_slice %arg7[%add3A_46, %dma_start3A_99] : memref<10112x128xf32, #tpu.memory_space<vmem_shared>> -> memref<128x128xf32, #tpu.memory_space<vmem_shared>>
      %dma_start3A_101 = arith.constant 0 : i32
      %dma_start3A_102 = tpu.memref_slice %arg7[%add3A_46, %dma_start3A_101] : memref<10112x128xf32, #tpu.memory_space<vmem_shared>> -> memref<128x128xf32, #tpu.memory_space<vmem_shared>>
      tpu.enqueue_dma source(%arg8 : memref<128x128xf32, #tpu.memory_space<vmem>>) target(%dma_start3A_102 : memref<128x128xf32, #tpu.memory_space<vmem_shared>>) target_semaphore(%run_scoped3A_98 : memref<!tpu.dma_semaphore, #tpu.memory_space<semaphore_mem>>)
      %dma_wait3A = arith.constant 0 : i32
      %dma_wait3A_103 = tpu.memref_slice %arg7[%add3A_46, %dma_wait3A] : memref<10112x128xf32, #tpu.memory_space<vmem_shared>> -> memref<128x128xf32, #tpu.memory_space<vmem_shared>>
      %dma_wait3A_104 = arith.constant 0 : i32
      %dma_wait3A_105 = tpu.memref_slice %arg7[%add3A_46, %dma_wait3A_104] : memref<10112x128xf32, #tpu.memory_space<vmem_shared>> -> memref<128x128xf32, #tpu.memory_space<vmem_shared>>
      tpu.wait_dma2 semaphore(%run_scoped3A_98 : memref<!tpu.dma_semaphore, #tpu.memory_space<semaphore_mem>>) src(%arg8 : memref<128x128xf32, #tpu.memory_space<vmem>>) dst(%dma_wait3A_105 : memref<128x128xf32, #tpu.memory_space<vmem_shared>>)
      tpu.yield
    }) : () -> ()
    %add3A_47 = arith.constant 512 : i32
    %add3A_48 = arith.addi %mul3A_2, %add3A_47 : i32
    "tpu.region"() ({
      %run_scoped3A_98 = tpu.sem_alloc : memref<!tpu.dma_semaphore, #tpu.memory_space<semaphore_mem>>
      %dma_start3A_99 = arith.constant 0 : i32
      %dma_start3A_100 = arith.constant 0 : i32
      %dma_start3A_101 = tpu.memref_slice %arg8[%dma_start3A_99, %dma_start3A_100] : memref<128x128xf32, #tpu.memory_space<vmem>> -> memref<120x128xf32, #tpu.memory_space<vmem>>
      %dma_start3A_102 = arith.constant 0 : i32
      %dma_start3A_103 = tpu.memref_slice %arg7[%add3A_48, %dma_start3A_102] : memref<10112x128xf32, #tpu.memory_space<vmem_shared>> -> memref<120x128xf32, #tpu.memory_space<vmem_shared>>
      %dma_start3A_104 = arith.constant 0 : i32
      %dma_start3A_105 = tpu.memref_slice %arg7[%add3A_48, %dma_start3A_104] : memref<10112x128xf32, #tpu.memory_space<vmem_shared>> -> memref<120x128xf32, #tpu.memory_space<vmem_shared>>
      %dma_start3A_106 = arith.constant 0 : i32
      %dma_start3A_107 = arith.constant 0 : i32
      %dma_start3A_108 = tpu.memref_slice %arg8[%dma_start3A_106, %dma_start3A_107] : memref<128x128xf32, #tpu.memory_space<vmem>> -> memref<120x128xf32, #tpu.memory_space<vmem>>
      tpu.enqueue_dma source(%dma_start3A_108 : memref<120x128xf32, #tpu.memory_space<vmem>>) target(%dma_start3A_105 : memref<120x128xf32, #tpu.memory_space<vmem_shared>>) target_semaphore(%run_scoped3A_98 : memref<!tpu.dma_semaphore, #tpu.memory_space<semaphore_mem>>)
      %dma_wait3A = arith.constant 0 : i32
      %dma_wait3A_109 = arith.constant 0 : i32
      %dma_wait3A_110 = tpu.memref_slice %arg8[%dma_wait3A, %dma_wait3A_109] : memref<128x128xf32, #tpu.memory_space<vmem>> -> memref<120x128xf32, #tpu.memory_space<vmem>>
      %dma_wait3A_111 = arith.constant 0 : i32
      %dma_wait3A_112 = tpu.memref_slice %arg7[%add3A_48, %dma_wait3A_111] : memref<10112x128xf32, #tpu.memory_space<vmem_shared>> -> memref<120x128xf32, #tpu.memory_space<vmem_shared>>
      %dma_wait3A_113 = arith.constant 0 : i32
      %dma_wait3A_114 = tpu.memref_slice %arg7[%add3A_48, %dma_wait3A_113] : memref<10112x128xf32, #tpu.memory_space<vmem_shared>> -> memref<120x128xf32, #tpu.memory_space<vmem_shared>>
      %dma_wait3A_115 = arith.constant 0 : i32
      %dma_wait3A_116 = arith.constant 0 : i32
      %dma_wait3A_117 = tpu.memref_slice %arg8[%dma_wait3A_115, %dma_wait3A_116] : memref<128x128xf32, #tpu.memory_space<vmem>> -> memref<120x128xf32, #tpu.memory_space<vmem>>
      tpu.wait_dma2 semaphore(%run_scoped3A_98 : memref<!tpu.dma_semaphore, #tpu.memory_space<semaphore_mem>>) src(%dma_wait3A_117 : memref<120x128xf32, #tpu.memory_space<vmem>>) dst(%dma_wait3A_114 : memref<120x128xf32, #tpu.memory_space<vmem_shared>>)
      tpu.yield
    }) : () -> ()
    %barrier3A_49 = arith.constant 0 : index
    tpu.barrier barrier_id(%barrier3A_49)
    %run_scoped3A_50 = arith.constant 0 : i32
    "tpu.region"() ({
      %run_scoped3A_98 = tpu.sem_alloc : memref<!tpu.dma_semaphore, #tpu.memory_space<semaphore_mem>>
      %dma_start3A_99 = arith.constant 0 : i32
      %dma_start3A_100 = arith.constant 0 : i32
      %dma_start3A_101 = tpu.memref_slice %arg4[%add3A, %run_scoped3A_50, %dma_start3A_99, %dma_start3A_100] : memref<32x81x1x128xi32, #tpu.memory_space<hbm>> -> memref<1x1x1x128xi32, #tpu.memory_space<hbm>>
      %dma_start3A_102 = tpu.memref_squeeze %dma_start3A_101 : memref<1x1x1x128xi32, #tpu.memory_space<hbm>> -> memref<1x128xi32, #tpu.memory_space<hbm>>
      %dma_start3A_103 = arith.constant 0 : i32
      %dma_start3A_104 = arith.constant 0 : i32
      %dma_start3A_105 = tpu.memref_slice %arg4[%add3A, %run_scoped3A_50, %dma_start3A_103, %dma_start3A_104] : memref<32x81x1x128xi32, #tpu.memory_space<hbm>> -> memref<1x1x1x128xi32, #tpu.memory_space<hbm>>
      %dma_start3A_106 = tpu.memref_squeeze %dma_start3A_105 : memref<1x1x1x128xi32, #tpu.memory_space<hbm>> -> memref<1x128xi32, #tpu.memory_space<hbm>>
      tpu.enqueue_dma source(%dma_start3A_106 : memref<1x128xi32, #tpu.memory_space<hbm>>) target(%arg11 : memref<1x128xi32, #tpu.memory_space<vmem>>) target_semaphore(%run_scoped3A_98 : memref<!tpu.dma_semaphore, #tpu.memory_space<semaphore_mem>>)
      %dma_wait3A = arith.constant 0 : i32
      %dma_wait3A_107 = arith.constant 0 : i32
      %dma_wait3A_108 = tpu.memref_slice %arg4[%add3A, %run_scoped3A_50, %dma_wait3A, %dma_wait3A_107] : memref<32x81x1x128xi32, #tpu.memory_space<hbm>> -> memref<1x1x1x128xi32, #tpu.memory_space<hbm>>
      %dma_wait3A_109 = tpu.memref_squeeze %dma_wait3A_108 : memref<1x1x1x128xi32, #tpu.memory_space<hbm>> -> memref<1x128xi32, #tpu.memory_space<hbm>>
      %dma_wait3A_110 = arith.constant 0 : i32
      %dma_wait3A_111 = arith.constant 0 : i32
      %dma_wait3A_112 = tpu.memref_slice %arg4[%add3A, %run_scoped3A_50, %dma_wait3A_110, %dma_wait3A_111] : memref<32x81x1x128xi32, #tpu.memory_space<hbm>> -> memref<1x1x1x128xi32, #tpu.memory_space<hbm>>
      %dma_wait3A_113 = tpu.memref_squeeze %dma_wait3A_112 : memref<1x1x1x128xi32, #tpu.memory_space<hbm>> -> memref<1x128xi32, #tpu.memory_space<hbm>>
      tpu.wait_dma2 semaphore(%run_scoped3A_98 : memref<!tpu.dma_semaphore, #tpu.memory_space<semaphore_mem>>) src(%dma_wait3A_113 : memref<1x128xi32, #tpu.memory_space<hbm>>) dst(%arg11 : memref<1x128xi32, #tpu.memory_space<vmem>>)
      tpu.yield
    }) : () -> ()
    %add3A_51 = arith.constant 0 : i32
    %add3A_52 = arith.addi %mul3A_4, %add3A_51 : i32
    %dma_start3A_53 = arith.constant 0 : i32
    %dma_start3A_54 = tpu.memref_slice %arg6[%add3A_52, %dma_start3A_53] : memref<331776x128xf32, #tpu.memory_space<hbm>> -> memref<128x128xf32, #tpu.memory_space<hbm>>
    %dma_start3A_55 = arith.constant 0 : i32
    %dma_start3A_56 = tpu.memref_slice %arg6[%add3A_52, %dma_start3A_55] : memref<331776x128xf32, #tpu.memory_space<hbm>> -> memref<128x128xf32, #tpu.memory_space<hbm>>
    tpu.enqueue_dma source(%dma_start3A_56 : memref<128x128xf32, #tpu.memory_space<hbm>>) target(%arg8 : memref<128x128xf32, #tpu.memory_space<vmem>>) target_semaphore(%arg14 : memref<!tpu.dma_semaphore, #tpu.memory_space<semaphore_mem>>)
    %run_scoped3A_57 = arith.constant 1 : i32
    "tpu.region"() ({
      %run_scoped3A_98 = tpu.sem_alloc : memref<!tpu.dma_semaphore, #tpu.memory_space<semaphore_mem>>
      %dma_start3A_99 = arith.constant 0 : i32
      %dma_start3A_100 = arith.constant 0 : i32
      %dma_start3A_101 = tpu.memref_slice %arg4[%add3A, %run_scoped3A_57, %dma_start3A_99, %dma_start3A_100] : memref<32x81x1x128xi32, #tpu.memory_space<hbm>> -> memref<1x1x1x128xi32, #tpu.memory_space<hbm>>
      %dma_start3A_102 = tpu.memref_squeeze %dma_start3A_101 : memref<1x1x1x128xi32, #tpu.memory_space<hbm>> -> memref<1x128xi32, #tpu.memory_space<hbm>>
      %dma_start3A_103 = arith.constant 0 : i32
      %dma_start3A_104 = arith.constant 0 : i32
      %dma_start3A_105 = tpu.memref_slice %arg4[%add3A, %run_scoped3A_57, %dma_start3A_103, %dma_start3A_104] : memref<32x81x1x128xi32, #tpu.memory_space<hbm>> -> memref<1x1x1x128xi32, #tpu.memory_space<hbm>>
      %dma_start3A_106 = tpu.memref_squeeze %dma_start3A_105 : memref<1x1x1x128xi32, #tpu.memory_space<hbm>> -> memref<1x128xi32, #tpu.memory_space<hbm>>
      tpu.enqueue_dma source(%dma_start3A_106 : memref<1x128xi32, #tpu.memory_space<hbm>>) target(%arg12 : memref<1x128xi32, #tpu.memory_space<vmem>>) target_semaphore(%run_scoped3A_98 : memref<!tpu.dma_semaphore, #tpu.memory_space<semaphore_mem>>)
      %dma_wait3A = arith.constant 0 : i32
      %dma_wait3A_107 = arith.constant 0 : i32
      %dma_wait3A_108 = tpu.memref_slice %arg4[%add3A, %run_scoped3A_57, %dma_wait3A, %dma_wait3A_107] : memref<32x81x1x128xi32, #tpu.memory_space<hbm>> -> memref<1x1x1x128xi32, #tpu.memory_space<hbm>>
      %dma_wait3A_109 = tpu.memref_squeeze %dma_wait3A_108 : memref<1x1x1x128xi32, #tpu.memory_space<hbm>> -> memref<1x128xi32, #tpu.memory_space<hbm>>
      %dma_wait3A_110 = arith.constant 0 : i32
      %dma_wait3A_111 = arith.constant 0 : i32
      %dma_wait3A_112 = tpu.memref_slice %arg4[%add3A, %run_scoped3A_57, %dma_wait3A_110, %dma_wait3A_111] : memref<32x81x1x128xi32, #tpu.memory_space<hbm>> -> memref<1x1x1x128xi32, #tpu.memory_space<hbm>>
      %dma_wait3A_113 = tpu.memref_squeeze %dma_wait3A_112 : memref<1x1x1x128xi32, #tpu.memory_space<hbm>> -> memref<1x128xi32, #tpu.memory_space<hbm>>
      tpu.wait_dma2 semaphore(%run_scoped3A_98 : memref<!tpu.dma_semaphore, #tpu.memory_space<semaphore_mem>>) src(%dma_wait3A_113 : memref<1x128xi32, #tpu.memory_space<hbm>>) dst(%arg12 : memref<1x128xi32, #tpu.memory_space<vmem>>)
      tpu.yield
    }) : () -> ()
    %add3A_58 = arith.constant 128 : i32
    %add3A_59 = arith.addi %mul3A_4, %add3A_58 : i32
    %dma_start3A_60 = arith.constant 0 : i32
    %dma_start3A_61 = tpu.memref_slice %arg6[%add3A_59, %dma_start3A_60] : memref<331776x128xf32, #tpu.memory_space<hbm>> -> memref<128x128xf32, #tpu.memory_space<hbm>>
    %dma_start3A_62 = arith.constant 0 : i32
    %dma_start3A_63 = tpu.memref_slice %arg6[%add3A_59, %dma_start3A_62] : memref<331776x128xf32, #tpu.memory_space<hbm>> -> memref<128x128xf32, #tpu.memory_space<hbm>>
    tpu.enqueue_dma source(%dma_start3A_63 : memref<128x128xf32, #tpu.memory_space<hbm>>) target(%arg9 : memref<128x128xf32, #tpu.memory_space<vmem>>) target_semaphore(%arg15 : memref<!tpu.dma_semaphore, #tpu.memory_space<semaphore_mem>>)
    %run_scoped3A_64 = arith.constant 2 : i32
    "tpu.region"() ({
      %run_scoped3A_98 = tpu.sem_alloc : memref<!tpu.dma_semaphore, #tpu.memory_space<semaphore_mem>>
      %dma_start3A_99 = arith.constant 0 : i32
      %dma_start3A_100 = arith.constant 0 : i32
      %dma_start3A_101 = tpu.memref_slice %arg4[%add3A, %run_scoped3A_64, %dma_start3A_99, %dma_start3A_100] : memref<32x81x1x128xi32, #tpu.memory_space<hbm>> -> memref<1x1x1x128xi32, #tpu.memory_space<hbm>>
      %dma_start3A_102 = tpu.memref_squeeze %dma_start3A_101 : memref<1x1x1x128xi32, #tpu.memory_space<hbm>> -> memref<1x128xi32, #tpu.memory_space<hbm>>
      %dma_start3A_103 = arith.constant 0 : i32
      %dma_start3A_104 = arith.constant 0 : i32
      %dma_start3A_105 = tpu.memref_slice %arg4[%add3A, %run_scoped3A_64, %dma_start3A_103, %dma_start3A_104] : memref<32x81x1x128xi32, #tpu.memory_space<hbm>> -> memref<1x1x1x128xi32, #tpu.memory_space<hbm>>
      %dma_start3A_106 = tpu.memref_squeeze %dma_start3A_105 : memref<1x1x1x128xi32, #tpu.memory_space<hbm>> -> memref<1x128xi32, #tpu.memory_space<hbm>>
      tpu.enqueue_dma source(%dma_start3A_106 : memref<1x128xi32, #tpu.memory_space<hbm>>) target(%arg13 : memref<1x128xi32, #tpu.memory_space<vmem>>) target_semaphore(%run_scoped3A_98 : memref<!tpu.dma_semaphore, #tpu.memory_space<semaphore_mem>>)
      %dma_wait3A = arith.constant 0 : i32
      %dma_wait3A_107 = arith.constant 0 : i32
      %dma_wait3A_108 = tpu.memref_slice %arg4[%add3A, %run_scoped3A_64, %dma_wait3A, %dma_wait3A_107] : memref<32x81x1x128xi32, #tpu.memory_space<hbm>> -> memref<1x1x1x128xi32, #tpu.memory_space<hbm>>
      %dma_wait3A_109 = tpu.memref_squeeze %dma_wait3A_108 : memref<1x1x1x128xi32, #tpu.memory_space<hbm>> -> memref<1x128xi32, #tpu.memory_space<hbm>>
      %dma_wait3A_110 = arith.constant 0 : i32
      %dma_wait3A_111 = arith.constant 0 : i32
      %dma_wait3A_112 = tpu.memref_slice %arg4[%add3A, %run_scoped3A_64, %dma_wait3A_110, %dma_wait3A_111] : memref<32x81x1x128xi32, #tpu.memory_space<hbm>> -> memref<1x1x1x128xi32, #tpu.memory_space<hbm>>
      %dma_wait3A_113 = tpu.memref_squeeze %dma_wait3A_112 : memref<1x1x1x128xi32, #tpu.memory_space<hbm>> -> memref<1x128xi32, #tpu.memory_space<hbm>>
      tpu.wait_dma2 semaphore(%run_scoped3A_98 : memref<!tpu.dma_semaphore, #tpu.memory_space<semaphore_mem>>) src(%dma_wait3A_113 : memref<1x128xi32, #tpu.memory_space<hbm>>) dst(%arg13 : memref<1x128xi32, #tpu.memory_space<vmem>>)
      tpu.yield
    }) : () -> ()
    %add3A_65 = arith.constant 256 : i32
    %add3A_66 = arith.addi %mul3A_4, %add3A_65 : i32
    %dma_start3A_67 = arith.constant 0 : i32
    %dma_start3A_68 = tpu.memref_slice %arg6[%add3A_66, %dma_start3A_67] : memref<331776x128xf32, #tpu.memory_space<hbm>> -> memref<128x128xf32, #tpu.memory_space<hbm>>
    %dma_start3A_69 = arith.constant 0 : i32
    %dma_start3A_70 = tpu.memref_slice %arg6[%add3A_66, %dma_start3A_69] : memref<331776x128xf32, #tpu.memory_space<hbm>> -> memref<128x128xf32, #tpu.memory_space<hbm>>
    tpu.enqueue_dma source(%dma_start3A_70 : memref<128x128xf32, #tpu.memory_space<hbm>>) target(%arg10 : memref<128x128xf32, #tpu.memory_space<vmem>>) target_semaphore(%arg16 : memref<!tpu.dma_semaphore, #tpu.memory_space<semaphore_mem>>)
    %scan3A_71 = arith.constant 0 : i32
    %scan3A_72 = arith.constant 0 : i32
    %scan3A_73 = arith.constant 27 : i32
    %scan3A_74 = arith.addi %scan3A_72, %scan3A_73 : i32
    %scan3A_75 = arith.constant 1 : i32
    scf.for %scan3A_98 = %scan3A_72 to %scan3A_74 step %scan3A_75  : i32 {
      %mul3A_99 = arith.constant 3 : i32
      %mul3A_100 = arith.muli %scan3A_98, %mul3A_99 : i32
      %add3A_101 = arith.constant 0 : i32
      %add3A_102 = arith.addi %mul3A_100, %add3A_101 : i32
      %mul3A_103 = arith.constant 128 : i32
      %mul3A_104 = arith.muli %add3A_102, %mul3A_103 : i32
      %add3A_105 = arith.addi %mul3A_4, %mul3A_104 : i32
      %dma_wait3A = arith.constant 0 : i32
      %dma_wait3A_106 = tpu.memref_slice %arg6[%add3A_105, %dma_wait3A] : memref<331776x128xf32, #tpu.memory_space<hbm>> -> memref<128x128xf32, #tpu.memory_space<hbm>>
      %dma_wait3A_107 = arith.constant 0 : i32
      %dma_wait3A_108 = tpu.memref_slice %arg6[%add3A_105, %dma_wait3A_107] : memref<331776x128xf32, #tpu.memory_space<hbm>> -> memref<128x128xf32, #tpu.memory_space<hbm>>
      tpu.wait_dma2 semaphore(%arg14 : memref<!tpu.dma_semaphore, #tpu.memory_space<semaphore_mem>>) src(%dma_wait3A_108 : memref<128x128xf32, #tpu.memory_space<hbm>>) dst(%arg8 : memref<128x128xf32, #tpu.memory_space<vmem>>)
      %dma_start3A_109 = arith.constant 0 : i32
      %dma_start3A_110 = arith.constant 0 : i32
      %dma_start3A_111 = tpu.memref_slice %arg11[%dma_start3A_109, %dma_start3A_110] : memref<1x128xi32, #tpu.memory_space<vmem>> -> memref<1x128xi32, #tpu.memory_space<vmem>>
      %dma_start3A_112 = tpu.memref_squeeze %dma_start3A_111 : memref<1x128xi32, #tpu.memory_space<vmem>> -> memref<128xi32, #tpu.memory_space<vmem>>
      %dma_start3A_113 = arith.constant 0 : i32
      %dma_start3A_114 = arith.constant 0 : i32
      %dma_start3A_115 = tpu.memref_slice %arg7[%dma_start3A_113, %dma_start3A_114] : memref<10112x128xf32, #tpu.memory_space<vmem_shared>> -> memref<10112x128xf32, #tpu.memory_space<vmem_shared>>
      tpu.enqueue_indirect_dma source(%arg8 : memref<128x128xf32, #tpu.memory_space<vmem>>) target(%dma_start3A_115 : memref<10112x128xf32, #tpu.memory_space<vmem_shared>>) offsets(%dma_start3A_112 : memref<128xi32, #tpu.memory_space<vmem>>) semaphore(%arg17 : memref<!tpu.dma_semaphore, #tpu.memory_space<semaphore_mem>>) {add = true}
      %mul3A_116 = arith.constant 3 : i32
      %mul3A_117 = arith.muli %scan3A_98, %mul3A_116 : i32
      %add3A_118 = arith.constant 1 : i32
      %add3A_119 = arith.addi %mul3A_117, %add3A_118 : i32
      %mul3A_120 = arith.constant 128 : i32
      %mul3A_121 = arith.muli %add3A_119, %mul3A_120 : i32
      %add3A_122 = arith.addi %mul3A_4, %mul3A_121 : i32
      %dma_wait3A_123 = arith.constant 0 : i32
      %dma_wait3A_124 = tpu.memref_slice %arg6[%add3A_122, %dma_wait3A_123] : memref<331776x128xf32, #tpu.memory_space<hbm>> -> memref<128x128xf32, #tpu.memory_space<hbm>>
      %dma_wait3A_125 = arith.constant 0 : i32
      %dma_wait3A_126 = tpu.memref_slice %arg6[%add3A_122, %dma_wait3A_125] : memref<331776x128xf32, #tpu.memory_space<hbm>> -> memref<128x128xf32, #tpu.memory_space<hbm>>
      tpu.wait_dma2 semaphore(%arg15 : memref<!tpu.dma_semaphore, #tpu.memory_space<semaphore_mem>>) src(%dma_wait3A_126 : memref<128x128xf32, #tpu.memory_space<hbm>>) dst(%arg9 : memref<128x128xf32, #tpu.memory_space<vmem>>)
      %dma_start3A_127 = arith.constant 0 : i32
      %dma_start3A_128 = arith.constant 0 : i32
      %dma_start3A_129 = tpu.memref_slice %arg12[%dma_start3A_127, %dma_start3A_128] : memref<1x128xi32, #tpu.memory_space<vmem>> -> memref<1x128xi32, #tpu.memory_space<vmem>>
      %dma_start3A_130 = tpu.memref_squeeze %dma_start3A_129 : memref<1x128xi32, #tpu.memory_space<vmem>> -> memref<128xi32, #tpu.memory_space<vmem>>
      %dma_start3A_131 = arith.constant 0 : i32
      %dma_start3A_132 = arith.constant 0 : i32
      %dma_start3A_133 = tpu.memref_slice %arg7[%dma_start3A_131, %dma_start3A_132] : memref<10112x128xf32, #tpu.memory_space<vmem_shared>> -> memref<10112x128xf32, #tpu.memory_space<vmem_shared>>
      tpu.enqueue_indirect_dma source(%arg9 : memref<128x128xf32, #tpu.memory_space<vmem>>) target(%dma_start3A_133 : memref<10112x128xf32, #tpu.memory_space<vmem_shared>>) offsets(%dma_start3A_130 : memref<128xi32, #tpu.memory_space<vmem>>) semaphore(%arg18 : memref<!tpu.dma_semaphore, #tpu.memory_space<semaphore_mem>>) {add = true}
      %mul3A_134 = arith.constant 3 : i32
      %mul3A_135 = arith.muli %scan3A_98, %mul3A_134 : i32
      %add3A_136 = arith.constant 2 : i32
      %add3A_137 = arith.addi %mul3A_135, %add3A_136 : i32
      %mul3A_138 = arith.constant 128 : i32
      %mul3A_139 = arith.muli %add3A_137, %mul3A_138 : i32
      %add3A_140 = arith.addi %mul3A_4, %mul3A_139 : i32
      %dma_wait3A_141 = arith.constant 0 : i32
      %dma_wait3A_142 = tpu.memref_slice %arg6[%add3A_140, %dma_wait3A_141] : memref<331776x128xf32, #tpu.memory_space<hbm>> -> memref<128x128xf32, #tpu.memory_space<hbm>>
      %dma_wait3A_143 = arith.constant 0 : i32
      %dma_wait3A_144 = tpu.memref_slice %arg6[%add3A_140, %dma_wait3A_143] : memref<331776x128xf32, #tpu.memory_space<hbm>> -> memref<128x128xf32, #tpu.memory_space<hbm>>
      tpu.wait_dma2 semaphore(%arg16 : memref<!tpu.dma_semaphore, #tpu.memory_space<semaphore_mem>>) src(%dma_wait3A_144 : memref<128x128xf32, #tpu.memory_space<hbm>>) dst(%arg10 : memref<128x128xf32, #tpu.memory_space<vmem>>)
      %dma_start3A_145 = arith.constant 0 : i32
      %dma_start3A_146 = arith.constant 0 : i32
      %dma_start3A_147 = tpu.memref_slice %arg13[%dma_start3A_145, %dma_start3A_146] : memref<1x128xi32, #tpu.memory_space<vmem>> -> memref<1x128xi32, #tpu.memory_space<vmem>>
      %dma_start3A_148 = tpu.memref_squeeze %dma_start3A_147 : memref<1x128xi32, #tpu.memory_space<vmem>> -> memref<128xi32, #tpu.memory_space<vmem>>
      %dma_start3A_149 = arith.constant 0 : i32
      %dma_start3A_150 = arith.constant 0 : i32
      %dma_start3A_151 = tpu.memref_slice %arg7[%dma_start3A_149, %dma_start3A_150] : memref<10112x128xf32, #tpu.memory_space<vmem_shared>> -> memref<10112x128xf32, #tpu.memory_space<vmem_shared>>
      tpu.enqueue_indirect_dma source(%arg10 : memref<128x128xf32, #tpu.memory_space<vmem>>) target(%dma_start3A_151 : memref<10112x128xf32, #tpu.memory_space<vmem_shared>>) offsets(%dma_start3A_148 : memref<128xi32, #tpu.memory_space<vmem>>) semaphore(%arg19 : memref<!tpu.dma_semaphore, #tpu.memory_space<semaphore_mem>>) {add = true}
      %mul3A_152 = arith.constant 3 : i32
      %mul3A_153 = arith.muli %scan3A_98, %mul3A_152 : i32
      %add3A_154 = arith.constant 0 : i32
      %add3A_155 = arith.addi %mul3A_153, %add3A_154 : i32
      %dma_wait3A_156 = arith.constant 0 : i32
      %dma_wait3A_157 = arith.constant 0 : i32
      %dma_wait3A_158 = tpu.memref_slice %arg11[%dma_wait3A_156, %dma_wait3A_157] : memref<1x128xi32, #tpu.memory_space<vmem>> -> memref<1x128xi32, #tpu.memory_space<vmem>>
      %dma_wait3A_159 = tpu.memref_squeeze %dma_wait3A_158 : memref<1x128xi32, #tpu.memory_space<vmem>> -> memref<128xi32, #tpu.memory_space<vmem>>
      %dma_wait3A_160 = arith.constant 0 : i32
      %dma_wait3A_161 = arith.constant 0 : i32
      %dma_wait3A_162 = tpu.memref_slice %arg7[%dma_wait3A_160, %dma_wait3A_161] : memref<10112x128xf32, #tpu.memory_space<vmem_shared>> -> memref<10112x128xf32, #tpu.memory_space<vmem_shared>>
      tpu.wait_indirect_dma semaphore(%arg17 : memref<!tpu.dma_semaphore, #tpu.memory_space<semaphore_mem>>) src(%arg8 : memref<128x128xf32, #tpu.memory_space<vmem>>) dst(%dma_wait3A_162 : memref<10112x128xf32, #tpu.memory_space<vmem_shared>>)
      %add3A_163 = arith.constant 3 : i32
      %add3A_164 = arith.addi %add3A_155, %add3A_163 : i32
      %lt3A = arith.constant 81 : i32
      %lt3A_165 = arith.cmpi slt, %add3A_164, %lt3A : i32
      %convert_element_type3A = arith.extui %lt3A_165 : i1 to i32
      %cond3A = arith.constant 0 : i32
      %cond3A_166 = arith.cmpi ne, %convert_element_type3A, %cond3A : i32
      scf.if %cond3A_166 {
        %add3A_203 = arith.constant 3 : i32
        %add3A_204 = arith.addi %add3A_155, %add3A_203 : i32
        "tpu.region"() ({
          %run_scoped3A_214 = tpu.sem_alloc : memref<!tpu.dma_semaphore, #tpu.memory_space<semaphore_mem>>
          %dma_start3A_215 = arith.constant 0 : i32
          %dma_start3A_216 = arith.constant 0 : i32
          %dma_start3A_217 = tpu.memref_slice %arg4[%add3A, %add3A_204, %dma_start3A_215, %dma_start3A_216] : memref<32x81x1x128xi32, #tpu.memory_space<hbm>> -> memref<1x1x1x128xi32, #tpu.memory_space<hbm>>
          %dma_start3A_218 = tpu.memref_squeeze %dma_start3A_217 : memref<1x1x1x128xi32, #tpu.memory_space<hbm>> -> memref<1x128xi32, #tpu.memory_space<hbm>>
          %dma_start3A_219 = arith.constant 0 : i32
          %dma_start3A_220 = arith.constant 0 : i32
          %dma_start3A_221 = tpu.memref_slice %arg4[%add3A, %add3A_204, %dma_start3A_219, %dma_start3A_220] : memref<32x81x1x128xi32, #tpu.memory_space<hbm>> -> memref<1x1x1x128xi32, #tpu.memory_space<hbm>>
          %dma_start3A_222 = tpu.memref_squeeze %dma_start3A_221 : memref<1x1x1x128xi32, #tpu.memory_space<hbm>> -> memref<1x128xi32, #tpu.memory_space<hbm>>
          tpu.enqueue_dma source(%dma_start3A_222 : memref<1x128xi32, #tpu.memory_space<hbm>>) target(%arg11 : memref<1x128xi32, #tpu.memory_space<vmem>>) target_semaphore(%run_scoped3A_214 : memref<!tpu.dma_semaphore, #tpu.memory_space<semaphore_mem>>)
          %dma_wait3A_223 = arith.constant 0 : i32
          %dma_wait3A_224 = arith.constant 0 : i32
          %dma_wait3A_225 = tpu.memref_slice %arg4[%add3A, %add3A_204, %dma_wait3A_223, %dma_wait3A_224] : memref<32x81x1x128xi32, #tpu.memory_space<hbm>> -> memref<1x1x1x128xi32, #tpu.memory_space<hbm>>
          %dma_wait3A_226 = tpu.memref_squeeze %dma_wait3A_225 : memref<1x1x1x128xi32, #tpu.memory_space<hbm>> -> memref<1x128xi32, #tpu.memory_space<hbm>>
          %dma_wait3A_227 = arith.constant 0 : i32
          %dma_wait3A_228 = arith.constant 0 : i32
          %dma_wait3A_229 = tpu.memref_slice %arg4[%add3A, %add3A_204, %dma_wait3A_227, %dma_wait3A_228] : memref<32x81x1x128xi32, #tpu.memory_space<hbm>> -> memref<1x1x1x128xi32, #tpu.memory_space<hbm>>
          %dma_wait3A_230 = tpu.memref_squeeze %dma_wait3A_229 : memref<1x1x1x128xi32, #tpu.memory_space<hbm>> -> memref<1x128xi32, #tpu.memory_space<hbm>>
          tpu.wait_dma2 semaphore(%run_scoped3A_214 : memref<!tpu.dma_semaphore, #tpu.memory_space<semaphore_mem>>) src(%dma_wait3A_230 : memref<1x128xi32, #tpu.memory_space<hbm>>) dst(%arg11 : memref<1x128xi32, #tpu.memory_space<vmem>>)
          tpu.yield
        }) : () -> ()
        %add3A_205 = arith.constant 3 : i32
        %add3A_206 = arith.addi %add3A_155, %add3A_205 : i32
        %mul3A_207 = arith.constant 128 : i32
        %mul3A_208 = arith.muli %add3A_206, %mul3A_207 : i32
        %add3A_209 = arith.addi %mul3A_4, %mul3A_208 : i32
        %dma_start3A_210 = arith.constant 0 : i32
        %dma_start3A_211 = tpu.memref_slice %arg6[%add3A_209, %dma_start3A_210] : memref<331776x128xf32, #tpu.memory_space<hbm>> -> memref<128x128xf32, #tpu.memory_space<hbm>>
        %dma_start3A_212 = arith.constant 0 : i32
        %dma_start3A_213 = tpu.memref_slice %arg6[%add3A_209, %dma_start3A_212] : memref<331776x128xf32, #tpu.memory_space<hbm>> -> memref<128x128xf32, #tpu.memory_space<hbm>>
        tpu.enqueue_dma source(%dma_start3A_213 : memref<128x128xf32, #tpu.memory_space<hbm>>) target(%arg8 : memref<128x128xf32, #tpu.memory_space<vmem>>) target_semaphore(%arg14 : memref<!tpu.dma_semaphore, #tpu.memory_space<semaphore_mem>>)
      } else {
      }
      %mul3A_167 = arith.constant 3 : i32
      %mul3A_168 = arith.muli %scan3A_98, %mul3A_167 : i32
      %add3A_169 = arith.constant 1 : i32
      %add3A_170 = arith.addi %mul3A_168, %add3A_169 : i32
      %dma_wait3A_171 = arith.constant 0 : i32
      %dma_wait3A_172 = arith.constant 0 : i32
      %dma_wait3A_173 = tpu.memref_slice %arg12[%dma_wait3A_171, %dma_wait3A_172] : memref<1x128xi32, #tpu.memory_space<vmem>> -> memref<1x128xi32, #tpu.memory_space<vmem>>
      %dma_wait3A_174 = tpu.memref_squeeze %dma_wait3A_173 : memref<1x128xi32, #tpu.memory_space<vmem>> -> memref<128xi32, #tpu.memory_space<vmem>>
      %dma_wait3A_175 = arith.constant 0 : i32
      %dma_wait3A_176 = arith.constant 0 : i32
      %dma_wait3A_177 = tpu.memref_slice %arg7[%dma_wait3A_175, %dma_wait3A_176] : memref<10112x128xf32, #tpu.memory_space<vmem_shared>> -> memref<10112x128xf32, #tpu.memory_space<vmem_shared>>
      tpu.wait_indirect_dma semaphore(%arg18 : memref<!tpu.dma_semaphore, #tpu.memory_space<semaphore_mem>>) src(%arg9 : memref<128x128xf32, #tpu.memory_space<vmem>>) dst(%dma_wait3A_177 : memref<10112x128xf32, #tpu.memory_space<vmem_shared>>)
      %add3A_178 = arith.constant 3 : i32
      %add3A_179 = arith.addi %add3A_170, %add3A_178 : i32
      %lt3A_180 = arith.constant 81 : i32
      %lt3A_181 = arith.cmpi slt, %add3A_179, %lt3A_180 : i32
      %convert_element_type3A_182 = arith.extui %lt3A_181 : i1 to i32
      %cond3A_183 = arith.constant 0 : i32
      %cond3A_184 = arith.cmpi ne, %convert_element_type3A_182, %cond3A_183 : i32
      scf.if %cond3A_184 {
        %add3A_203 = arith.constant 3 : i32
        %add3A_204 = arith.addi %add3A_170, %add3A_203 : i32
        "tpu.region"() ({
          %run_scoped3A_214 = tpu.sem_alloc : memref<!tpu.dma_semaphore, #tpu.memory_space<semaphore_mem>>
          %dma_start3A_215 = arith.constant 0 : i32
          %dma_start3A_216 = arith.constant 0 : i32
          %dma_start3A_217 = tpu.memref_slice %arg4[%add3A, %add3A_204, %dma_start3A_215, %dma_start3A_216] : memref<32x81x1x128xi32, #tpu.memory_space<hbm>> -> memref<1x1x1x128xi32, #tpu.memory_space<hbm>>
          %dma_start3A_218 = tpu.memref_squeeze %dma_start3A_217 : memref<1x1x1x128xi32, #tpu.memory_space<hbm>> -> memref<1x128xi32, #tpu.memory_space<hbm>>
          %dma_start3A_219 = arith.constant 0 : i32
          %dma_start3A_220 = arith.constant 0 : i32
          %dma_start3A_221 = tpu.memref_slice %arg4[%add3A, %add3A_204, %dma_start3A_219, %dma_start3A_220] : memref<32x81x1x128xi32, #tpu.memory_space<hbm>> -> memref<1x1x1x128xi32, #tpu.memory_space<hbm>>
          %dma_start3A_222 = tpu.memref_squeeze %dma_start3A_221 : memref<1x1x1x128xi32, #tpu.memory_space<hbm>> -> memref<1x128xi32, #tpu.memory_space<hbm>>
          tpu.enqueue_dma source(%dma_start3A_222 : memref<1x128xi32, #tpu.memory_space<hbm>>) target(%arg12 : memref<1x128xi32, #tpu.memory_space<vmem>>) target_semaphore(%run_scoped3A_214 : memref<!tpu.dma_semaphore, #tpu.memory_space<semaphore_mem>>)
          %dma_wait3A_223 = arith.constant 0 : i32
          %dma_wait3A_224 = arith.constant 0 : i32
          %dma_wait3A_225 = tpu.memref_slice %arg4[%add3A, %add3A_204, %dma_wait3A_223, %dma_wait3A_224] : memref<32x81x1x128xi32, #tpu.memory_space<hbm>> -> memref<1x1x1x128xi32, #tpu.memory_space<hbm>>
          %dma_wait3A_226 = tpu.memref_squeeze %dma_wait3A_225 : memref<1x1x1x128xi32, #tpu.memory_space<hbm>> -> memref<1x128xi32, #tpu.memory_space<hbm>>
          %dma_wait3A_227 = arith.constant 0 : i32
          %dma_wait3A_228 = arith.constant 0 : i32
          %dma_wait3A_229 = tpu.memref_slice %arg4[%add3A, %add3A_204, %dma_wait3A_227, %dma_wait3A_228] : memref<32x81x1x128xi32, #tpu.memory_space<hbm>> -> memref<1x1x1x128xi32, #tpu.memory_space<hbm>>
          %dma_wait3A_230 = tpu.memref_squeeze %dma_wait3A_229 : memref<1x1x1x128xi32, #tpu.memory_space<hbm>> -> memref<1x128xi32, #tpu.memory_space<hbm>>
          tpu.wait_dma2 semaphore(%run_scoped3A_214 : memref<!tpu.dma_semaphore, #tpu.memory_space<semaphore_mem>>) src(%dma_wait3A_230 : memref<1x128xi32, #tpu.memory_space<hbm>>) dst(%arg12 : memref<1x128xi32, #tpu.memory_space<vmem>>)
          tpu.yield
        }) : () -> ()
        %add3A_205 = arith.constant 3 : i32
        %add3A_206 = arith.addi %add3A_170, %add3A_205 : i32
        %mul3A_207 = arith.constant 128 : i32
        %mul3A_208 = arith.muli %add3A_206, %mul3A_207 : i32
        %add3A_209 = arith.addi %mul3A_4, %mul3A_208 : i32
        %dma_start3A_210 = arith.constant 0 : i32
        %dma_start3A_211 = tpu.memref_slice %arg6[%add3A_209, %dma_start3A_210] : memref<331776x128xf32, #tpu.memory_space<hbm>> -> memref<128x128xf32, #tpu.memory_space<hbm>>
        %dma_start3A_212 = arith.constant 0 : i32
        %dma_start3A_213 = tpu.memref_slice %arg6[%add3A_209, %dma_start3A_212] : memref<331776x128xf32, #tpu.memory_space<hbm>> -> memref<128x128xf32, #tpu.memory_space<hbm>>
        tpu.enqueue_dma source(%dma_start3A_213 : memref<128x128xf32, #tpu.memory_space<hbm>>) target(%arg9 : memref<128x128xf32, #tpu.memory_space<vmem>>) target_semaphore(%arg15 : memref<!tpu.dma_semaphore, #tpu.memory_space<semaphore_mem>>)
      } else {
      }
      %mul3A_185 = arith.constant 3 : i32
      %mul3A_186 = arith.muli %scan3A_98, %mul3A_185 : i32
      %add3A_187 = arith.constant 2 : i32
      %add3A_188 = arith.addi %mul3A_186, %add3A_187 : i32
      %dma_wait3A_189 = arith.constant 0 : i32
      %dma_wait3A_190 = arith.constant 0 : i32
      %dma_wait3A_191 = tpu.memref_slice %arg13[%dma_wait3A_189, %dma_wait3A_190] : memref<1x128xi32, #tpu.memory_space<vmem>> -> memref<1x128xi32, #tpu.memory_space<vmem>>
      %dma_wait3A_192 = tpu.memref_squeeze %dma_wait3A_191 : memref<1x128xi32, #tpu.memory_space<vmem>> -> memref<128xi32, #tpu.memory_space<vmem>>
      %dma_wait3A_193 = arith.constant 0 : i32
      %dma_wait3A_194 = arith.constant 0 : i32
      %dma_wait3A_195 = tpu.memref_slice %arg7[%dma_wait3A_193, %dma_wait3A_194] : memref<10112x128xf32, #tpu.memory_space<vmem_shared>> -> memref<10112x128xf32, #tpu.memory_space<vmem_shared>>
      tpu.wait_indirect_dma semaphore(%arg19 : memref<!tpu.dma_semaphore, #tpu.memory_space<semaphore_mem>>) src(%arg10 : memref<128x128xf32, #tpu.memory_space<vmem>>) dst(%dma_wait3A_195 : memref<10112x128xf32, #tpu.memory_space<vmem_shared>>)
      %add3A_196 = arith.constant 3 : i32
      %add3A_197 = arith.addi %add3A_188, %add3A_196 : i32
      %lt3A_198 = arith.constant 81 : i32
      %lt3A_199 = arith.cmpi slt, %add3A_197, %lt3A_198 : i32
      %convert_element_type3A_200 = arith.extui %lt3A_199 : i1 to i32
      %cond3A_201 = arith.constant 0 : i32
      %cond3A_202 = arith.cmpi ne, %convert_element_type3A_200, %cond3A_201 : i32
      scf.if %cond3A_202 {
        %add3A_203 = arith.constant 3 : i32
        %add3A_204 = arith.addi %add3A_188, %add3A_203 : i32
        "tpu.region"() ({
          %run_scoped3A_214 = tpu.sem_alloc : memref<!tpu.dma_semaphore, #tpu.memory_space<semaphore_mem>>
          %dma_start3A_215 = arith.constant 0 : i32
          %dma_start3A_216 = arith.constant 0 : i32
          %dma_start3A_217 = tpu.memref_slice %arg4[%add3A, %add3A_204, %dma_start3A_215, %dma_start3A_216] : memref<32x81x1x128xi32, #tpu.memory_space<hbm>> -> memref<1x1x1x128xi32, #tpu.memory_space<hbm>>
          %dma_start3A_218 = tpu.memref_squeeze %dma_start3A_217 : memref<1x1x1x128xi32, #tpu.memory_space<hbm>> -> memref<1x128xi32, #tpu.memory_space<hbm>>
          %dma_start3A_219 = arith.constant 0 : i32
          %dma_start3A_220 = arith.constant 0 : i32
          %dma_start3A_221 = tpu.memref_slice %arg4[%add3A, %add3A_204, %dma_start3A_219, %dma_start3A_220] : memref<32x81x1x128xi32, #tpu.memory_space<hbm>> -> memref<1x1x1x128xi32, #tpu.memory_space<hbm>>
          %dma_start3A_222 = tpu.memref_squeeze %dma_start3A_221 : memref<1x1x1x128xi32, #tpu.memory_space<hbm>> -> memref<1x128xi32, #tpu.memory_space<hbm>>
          tpu.enqueue_dma source(%dma_start3A_222 : memref<1x128xi32, #tpu.memory_space<hbm>>) target(%arg13 : memref<1x128xi32, #tpu.memory_space<vmem>>) target_semaphore(%run_scoped3A_214 : memref<!tpu.dma_semaphore, #tpu.memory_space<semaphore_mem>>)
          %dma_wait3A_223 = arith.constant 0 : i32
          %dma_wait3A_224 = arith.constant 0 : i32
          %dma_wait3A_225 = tpu.memref_slice %arg4[%add3A, %add3A_204, %dma_wait3A_223, %dma_wait3A_224] : memref<32x81x1x128xi32, #tpu.memory_space<hbm>> -> memref<1x1x1x128xi32, #tpu.memory_space<hbm>>
          %dma_wait3A_226 = tpu.memref_squeeze %dma_wait3A_225 : memref<1x1x1x128xi32, #tpu.memory_space<hbm>> -> memref<1x128xi32, #tpu.memory_space<hbm>>
          %dma_wait3A_227 = arith.constant 0 : i32
          %dma_wait3A_228 = arith.constant 0 : i32
          %dma_wait3A_229 = tpu.memref_slice %arg4[%add3A, %add3A_204, %dma_wait3A_227, %dma_wait3A_228] : memref<32x81x1x128xi32, #tpu.memory_space<hbm>> -> memref<1x1x1x128xi32, #tpu.memory_space<hbm>>
          %dma_wait3A_230 = tpu.memref_squeeze %dma_wait3A_229 : memref<1x1x1x128xi32, #tpu.memory_space<hbm>> -> memref<1x128xi32, #tpu.memory_space<hbm>>
          tpu.wait_dma2 semaphore(%run_scoped3A_214 : memref<!tpu.dma_semaphore, #tpu.memory_space<semaphore_mem>>) src(%dma_wait3A_230 : memref<1x128xi32, #tpu.memory_space<hbm>>) dst(%arg13 : memref<1x128xi32, #tpu.memory_space<vmem>>)
          tpu.yield
        }) : () -> ()
        %add3A_205 = arith.constant 3 : i32
        %add3A_206 = arith.addi %add3A_188, %add3A_205 : i32
        %mul3A_207 = arith.constant 128 : i32
        %mul3A_208 = arith.muli %add3A_206, %mul3A_207 : i32
        %add3A_209 = arith.addi %mul3A_4, %mul3A_208 : i32
        %dma_start3A_210 = arith.constant 0 : i32
        %dma_start3A_211 = tpu.memref_slice %arg6[%add3A_209, %dma_start3A_210] : memref<331776x128xf32, #tpu.memory_space<hbm>> -> memref<128x128xf32, #tpu.memory_space<hbm>>
        %dma_start3A_212 = arith.constant 0 : i32
        %dma_start3A_213 = tpu.memref_slice %arg6[%add3A_209, %dma_start3A_212] : memref<331776x128xf32, #tpu.memory_space<hbm>> -> memref<128x128xf32, #tpu.memory_space<hbm>>
        tpu.enqueue_dma source(%dma_start3A_213 : memref<128x128xf32, #tpu.memory_space<hbm>>) target(%arg10 : memref<128x128xf32, #tpu.memory_space<vmem>>) target_semaphore(%arg16 : memref<!tpu.dma_semaphore, #tpu.memory_space<semaphore_mem>>)
      } else {
      }
    }
    %scan3A_76 = arith.constant 27 : i32
    %barrier3A_77 = arith.constant 0 : index
    tpu.barrier barrier_id(%barrier3A_77)
    %add3A_78 = arith.constant 0 : i32
    %add3A_79 = arith.addi %mul3A_2, %add3A_78 : i32
    "tpu.region"() ({
      %run_scoped3A_98 = tpu.sem_alloc : memref<!tpu.dma_semaphore, #tpu.memory_space<semaphore_mem>>
      %dma_start3A_99 = arith.constant 0 : i32
      %dma_start3A_100 = tpu.memref_slice %arg7[%add3A_79, %dma_start3A_99] : memref<10112x128xf32, #tpu.memory_space<vmem_shared>> -> memref<128x128xf32, #tpu.memory_space<vmem_shared>>
      %dma_start3A_101 = arith.constant 0 : i32
      %dma_start3A_102 = tpu.memref_slice %arg7[%add3A_79, %dma_start3A_101] : memref<10112x128xf32, #tpu.memory_space<vmem_shared>> -> memref<128x128xf32, #tpu.memory_space<vmem_shared>>
      tpu.enqueue_dma source(%dma_start3A_102 : memref<128x128xf32, #tpu.memory_space<vmem_shared>>) target(%arg8 : memref<128x128xf32, #tpu.memory_space<vmem>>) target_semaphore(%run_scoped3A_98 : memref<!tpu.dma_semaphore, #tpu.memory_space<semaphore_mem>>)
      %dma_wait3A = arith.constant 0 : i32
      %dma_wait3A_103 = tpu.memref_slice %arg7[%add3A_79, %dma_wait3A] : memref<10112x128xf32, #tpu.memory_space<vmem_shared>> -> memref<128x128xf32, #tpu.memory_space<vmem_shared>>
      %dma_wait3A_104 = arith.constant 0 : i32
      %dma_wait3A_105 = tpu.memref_slice %arg7[%add3A_79, %dma_wait3A_104] : memref<10112x128xf32, #tpu.memory_space<vmem_shared>> -> memref<128x128xf32, #tpu.memory_space<vmem_shared>>
      tpu.wait_dma2 semaphore(%run_scoped3A_98 : memref<!tpu.dma_semaphore, #tpu.memory_space<semaphore_mem>>) src(%dma_wait3A_105 : memref<128x128xf32, #tpu.memory_space<vmem_shared>>) dst(%arg8 : memref<128x128xf32, #tpu.memory_space<vmem>>)
      tpu.yield
    }) : () -> ()
    %add3A_80 = arith.constant 0 : i32
    %add3A_81 = arith.addi %mul3A_2, %add3A_80 : i32
    "tpu.region"() ({
      %run_scoped3A_98 = tpu.sem_alloc : memref<!tpu.dma_semaphore, #tpu.memory_space<semaphore_mem>>
      %dma_start3A_99 = arith.constant 0 : i32
      %dma_start3A_100 = tpu.memref_slice %arg5[%arg0, %add3A_81, %dma_start3A_99] : memref<2x10112x128xf32, #tpu.memory_space<hbm>> -> memref<1x128x128xf32, #tpu.memory_space<hbm>>
      %dma_start3A_101 = tpu.memref_squeeze %dma_start3A_100 : memref<1x128x128xf32, #tpu.memory_space<hbm>> -> memref<128x128xf32, #tpu.memory_space<hbm>>
      %dma_start3A_102 = arith.constant 0 : i32
      %dma_start3A_103 = tpu.memref_slice %arg5[%arg0, %add3A_81, %dma_start3A_102] : memref<2x10112x128xf32, #tpu.memory_space<hbm>> -> memref<1x128x128xf32, #tpu.memory_space<hbm>>
      %dma_start3A_104 = tpu.memref_squeeze %dma_start3A_103 : memref<1x128x128xf32, #tpu.memory_space<hbm>> -> memref<128x128xf32, #tpu.memory_space<hbm>>
      tpu.enqueue_dma source(%arg8 : memref<128x128xf32, #tpu.memory_space<vmem>>) target(%dma_start3A_104 : memref<128x128xf32, #tpu.memory_space<hbm>>) target_semaphore(%run_scoped3A_98 : memref<!tpu.dma_semaphore, #tpu.memory_space<semaphore_mem>>)
      %dma_wait3A = arith.constant 0 : i32
      %dma_wait3A_105 = tpu.memref_slice %arg5[%arg0, %add3A_81, %dma_wait3A] : memref<2x10112x128xf32, #tpu.memory_space<hbm>> -> memref<1x128x128xf32, #tpu.memory_space<hbm>>
      %dma_wait3A_106 = tpu.memref_squeeze %dma_wait3A_105 : memref<1x128x128xf32, #tpu.memory_space<hbm>> -> memref<128x128xf32, #tpu.memory_space<hbm>>
      %dma_wait3A_107 = arith.constant 0 : i32
      %dma_wait3A_108 = tpu.memref_slice %arg5[%arg0, %add3A_81, %dma_wait3A_107] : memref<2x10112x128xf32, #tpu.memory_space<hbm>> -> memref<1x128x128xf32, #tpu.memory_space<hbm>>
      %dma_wait3A_109 = tpu.memref_squeeze %dma_wait3A_108 : memref<1x128x128xf32, #tpu.memory_space<hbm>> -> memref<128x128xf32, #tpu.memory_space<hbm>>
      tpu.wait_dma2 semaphore(%run_scoped3A_98 : memref<!tpu.dma_semaphore, #tpu.memory_space<semaphore_mem>>) src(%arg8 : memref<128x128xf32, #tpu.memory_space<vmem>>) dst(%dma_wait3A_109 : memref<128x128xf32, #tpu.memory_space<hbm>>)
      tpu.yield
    }) : () -> ()
    %add3A_82 = arith.constant 128 : i32
    %add3A_83 = arith.addi %mul3A_2, %add3A_82 : i32
    "tpu.region"() ({
      %run_scoped3A_98 = tpu.sem_alloc : memref<!tpu.dma_semaphore, #tpu.memory_space<semaphore_mem>>
      %dma_start3A_99 = arith.constant 0 : i32
      %dma_start3A_100 = tpu.memref_slice %arg7[%add3A_83, %dma_start3A_99] : memref<10112x128xf32, #tpu.memory_space<vmem_shared>> -> memref<128x128xf32, #tpu.memory_space<vmem_shared>>
      %dma_start3A_101 = arith.constant 0 : i32
      %dma_start3A_102 = tpu.memref_slice %arg7[%add3A_83, %dma_start3A_101] : memref<10112x128xf32, #tpu.memory_space<vmem_shared>> -> memref<128x128xf32, #tpu.memory_space<vmem_shared>>
      tpu.enqueue_dma source(%dma_start3A_102 : memref<128x128xf32, #tpu.memory_space<vmem_shared>>) target(%arg8 : memref<128x128xf32, #tpu.memory_space<vmem>>) target_semaphore(%run_scoped3A_98 : memref<!tpu.dma_semaphore, #tpu.memory_space<semaphore_mem>>)
      %dma_wait3A = arith.constant 0 : i32
      %dma_wait3A_103 = tpu.memref_slice %arg7[%add3A_83, %dma_wait3A] : memref<10112x128xf32, #tpu.memory_space<vmem_shared>> -> memref<128x128xf32, #tpu.memory_space<vmem_shared>>
      %dma_wait3A_104 = arith.constant 0 : i32
      %dma_wait3A_105 = tpu.memref_slice %arg7[%add3A_83, %dma_wait3A_104] : memref<10112x128xf32, #tpu.memory_space<vmem_shared>> -> memref<128x128xf32, #tpu.memory_space<vmem_shared>>
      tpu.wait_dma2 semaphore(%run_scoped3A_98 : memref<!tpu.dma_semaphore, #tpu.memory_space<semaphore_mem>>) src(%dma_wait3A_105 : memref<128x128xf32, #tpu.memory_space<vmem_shared>>) dst(%arg8 : memref<128x128xf32, #tpu.memory_space<vmem>>)
      tpu.yield
    }) : () -> ()
    %add3A_84 = arith.constant 128 : i32
    %add3A_85 = arith.addi %mul3A_2, %add3A_84 : i32
    "tpu.region"() ({
      %run_scoped3A_98 = tpu.sem_alloc : memref<!tpu.dma_semaphore, #tpu.memory_space<semaphore_mem>>
      %dma_start3A_99 = arith.constant 0 : i32
      %dma_start3A_100 = tpu.memref_slice %arg5[%arg0, %add3A_85, %dma_start3A_99] : memref<2x10112x128xf32, #tpu.memory_space<hbm>> -> memref<1x128x128xf32, #tpu.memory_space<hbm>>
      %dma_start3A_101 = tpu.memref_squeeze %dma_start3A_100 : memref<1x128x128xf32, #tpu.memory_space<hbm>> -> memref<128x128xf32, #tpu.memory_space<hbm>>
      %dma_start3A_102 = arith.constant 0 : i32
      %dma_start3A_103 = tpu.memref_slice %arg5[%arg0, %add3A_85, %dma_start3A_102] : memref<2x10112x128xf32, #tpu.memory_space<hbm>> -> memref<1x128x128xf32, #tpu.memory_space<hbm>>
      %dma_start3A_104 = tpu.memref_squeeze %dma_start3A_103 : memref<1x128x128xf32, #tpu.memory_space<hbm>> -> memref<128x128xf32, #tpu.memory_space<hbm>>
      tpu.enqueue_dma source(%arg8 : memref<128x128xf32, #tpu.memory_space<vmem>>) target(%dma_start3A_104 : memref<128x128xf32, #tpu.memory_space<hbm>>) target_semaphore(%run_scoped3A_98 : memref<!tpu.dma_semaphore, #tpu.memory_space<semaphore_mem>>)
      %dma_wait3A = arith.constant 0 : i32
      %dma_wait3A_105 = tpu.memref_slice %arg5[%arg0, %add3A_85, %dma_wait3A] : memref<2x10112x128xf32, #tpu.memory_space<hbm>> -> memref<1x128x128xf32, #tpu.memory_space<hbm>>
      %dma_wait3A_106 = tpu.memref_squeeze %dma_wait3A_105 : memref<1x128x128xf32, #tpu.memory_space<hbm>> -> memref<128x128xf32, #tpu.memory_space<hbm>>
      %dma_wait3A_107 = arith.constant 0 : i32
      %dma_wait3A_108 = tpu.memref_slice %arg5[%arg0, %add3A_85, %dma_wait3A_107] : memref<2x10112x128xf32, #tpu.memory_space<hbm>> -> memref<1x128x128xf32, #tpu.memory_space<hbm>>
      %dma_wait3A_109 = tpu.memref_squeeze %dma_wait3A_108 : memref<1x128x128xf32, #tpu.memory_space<hbm>> -> memref<128x128xf32, #tpu.memory_space<hbm>>
      tpu.wait_dma2 semaphore(%run_scoped3A_98 : memref<!tpu.dma_semaphore, #tpu.memory_space<semaphore_mem>>) src(%arg8 : memref<128x128xf32, #tpu.memory_space<vmem>>) dst(%dma_wait3A_109 : memref<128x128xf32, #tpu.memory_space<hbm>>)
      tpu.yield
    }) : () -> ()
    %add3A_86 = arith.constant 256 : i32
    %add3A_87 = arith.addi %mul3A_2, %add3A_86 : i32
    "tpu.region"() ({
      %run_scoped3A_98 = tpu.sem_alloc : memref<!tpu.dma_semaphore, #tpu.memory_space<semaphore_mem>>
      %dma_start3A_99 = arith.constant 0 : i32
      %dma_start3A_100 = tpu.memref_slice %arg7[%add3A_87, %dma_start3A_99] : memref<10112x128xf32, #tpu.memory_space<vmem_shared>> -> memref<128x128xf32, #tpu.memory_space<vmem_shared>>
      %dma_start3A_101 = arith.constant 0 : i32
      %dma_start3A_102 = tpu.memref_slice %arg7[%add3A_87, %dma_start3A_101] : memref<10112x128xf32, #tpu.memory_space<vmem_shared>> -> memref<128x128xf32, #tpu.memory_space<vmem_shared>>
      tpu.enqueue_dma source(%dma_start3A_102 : memref<128x128xf32, #tpu.memory_space<vmem_shared>>) target(%arg8 : memref<128x128xf32, #tpu.memory_space<vmem>>) target_semaphore(%run_scoped3A_98 : memref<!tpu.dma_semaphore, #tpu.memory_space<semaphore_mem>>)
      %dma_wait3A = arith.constant 0 : i32
      %dma_wait3A_103 = tpu.memref_slice %arg7[%add3A_87, %dma_wait3A] : memref<10112x128xf32, #tpu.memory_space<vmem_shared>> -> memref<128x128xf32, #tpu.memory_space<vmem_shared>>
      %dma_wait3A_104 = arith.constant 0 : i32
      %dma_wait3A_105 = tpu.memref_slice %arg7[%add3A_87, %dma_wait3A_104] : memref<10112x128xf32, #tpu.memory_space<vmem_shared>> -> memref<128x128xf32, #tpu.memory_space<vmem_shared>>
      tpu.wait_dma2 semaphore(%run_scoped3A_98 : memref<!tpu.dma_semaphore, #tpu.memory_space<semaphore_mem>>) src(%dma_wait3A_105 : memref<128x128xf32, #tpu.memory_space<vmem_shared>>) dst(%arg8 : memref<128x128xf32, #tpu.memory_space<vmem>>)
      tpu.yield
    }) : () -> ()
    %add3A_88 = arith.constant 256 : i32
    %add3A_89 = arith.addi %mul3A_2, %add3A_88 : i32
    "tpu.region"() ({
      %run_scoped3A_98 = tpu.sem_alloc : memref<!tpu.dma_semaphore, #tpu.memory_space<semaphore_mem>>
      %dma_start3A_99 = arith.constant 0 : i32
      %dma_start3A_100 = tpu.memref_slice %arg5[%arg0, %add3A_89, %dma_start3A_99] : memref<2x10112x128xf32, #tpu.memory_space<hbm>> -> memref<1x128x128xf32, #tpu.memory_space<hbm>>
      %dma_start3A_101 = tpu.memref_squeeze %dma_start3A_100 : memref<1x128x128xf32, #tpu.memory_space<hbm>> -> memref<128x128xf32, #tpu.memory_space<hbm>>
      %dma_start3A_102 = arith.constant 0 : i32
      %dma_start3A_103 = tpu.memref_slice %arg5[%arg0, %add3A_89, %dma_start3A_102] : memref<2x10112x128xf32, #tpu.memory_space<hbm>> -> memref<1x128x128xf32, #tpu.memory_space<hbm>>
      %dma_start3A_104 = tpu.memref_squeeze %dma_start3A_103 : memref<1x128x128xf32, #tpu.memory_space<hbm>> -> memref<128x128xf32, #tpu.memory_space<hbm>>
      tpu.enqueue_dma source(%arg8 : memref<128x128xf32, #tpu.memory_space<vmem>>) target(%dma_start3A_104 : memref<128x128xf32, #tpu.memory_space<hbm>>) target_semaphore(%run_scoped3A_98 : memref<!tpu.dma_semaphore, #tpu.memory_space<semaphore_mem>>)
      %dma_wait3A = arith.constant 0 : i32
      %dma_wait3A_105 = tpu.memref_slice %arg5[%arg0, %add3A_89, %dma_wait3A] : memref<2x10112x128xf32, #tpu.memory_space<hbm>> -> memref<1x128x128xf32, #tpu.memory_space<hbm>>
      %dma_wait3A_106 = tpu.memref_squeeze %dma_wait3A_105 : memref<1x128x128xf32, #tpu.memory_space<hbm>> -> memref<128x128xf32, #tpu.memory_space<hbm>>
      %dma_wait3A_107 = arith.constant 0 : i32
      %dma_wait3A_108 = tpu.memref_slice %arg5[%arg0, %add3A_89, %dma_wait3A_107] : memref<2x10112x128xf32, #tpu.memory_space<hbm>> -> memref<1x128x128xf32, #tpu.memory_space<hbm>>
      %dma_wait3A_109 = tpu.memref_squeeze %dma_wait3A_108 : memref<1x128x128xf32, #tpu.memory_space<hbm>> -> memref<128x128xf32, #tpu.memory_space<hbm>>
      tpu.wait_dma2 semaphore(%run_scoped3A_98 : memref<!tpu.dma_semaphore, #tpu.memory_space<semaphore_mem>>) src(%arg8 : memref<128x128xf32, #tpu.memory_space<vmem>>) dst(%dma_wait3A_109 : memref<128x128xf32, #tpu.memory_space<hbm>>)
      tpu.yield
    }) : () -> ()
    %add3A_90 = arith.constant 384 : i32
    %add3A_91 = arith.addi %mul3A_2, %add3A_90 : i32
    "tpu.region"() ({
      %run_scoped3A_98 = tpu.sem_alloc : memref<!tpu.dma_semaphore, #tpu.memory_space<semaphore_mem>>
      %dma_start3A_99 = arith.constant 0 : i32
      %dma_start3A_100 = tpu.memref_slice %arg7[%add3A_91, %dma_start3A_99] : memref<10112x128xf32, #tpu.memory_space<vmem_shared>> -> memref<128x128xf32, #tpu.memory_space<vmem_shared>>
      %dma_start3A_101 = arith.constant 0 : i32
      %dma_start3A_102 = tpu.memref_slice %arg7[%add3A_91, %dma_start3A_101] : memref<10112x128xf32, #tpu.memory_space<vmem_shared>> -> memref<128x128xf32, #tpu.memory_space<vmem_shared>>
      tpu.enqueue_dma source(%dma_start3A_102 : memref<128x128xf32, #tpu.memory_space<vmem_shared>>) target(%arg8 : memref<128x128xf32, #tpu.memory_space<vmem>>) target_semaphore(%run_scoped3A_98 : memref<!tpu.dma_semaphore, #tpu.memory_space<semaphore_mem>>)
      %dma_wait3A = arith.constant 0 : i32
      %dma_wait3A_103 = tpu.memref_slice %arg7[%add3A_91, %dma_wait3A] : memref<10112x128xf32, #tpu.memory_space<vmem_shared>> -> memref<128x128xf32, #tpu.memory_space<vmem_shared>>
      %dma_wait3A_104 = arith.constant 0 : i32
      %dma_wait3A_105 = tpu.memref_slice %arg7[%add3A_91, %dma_wait3A_104] : memref<10112x128xf32, #tpu.memory_space<vmem_shared>> -> memref<128x128xf32, #tpu.memory_space<vmem_shared>>
      tpu.wait_dma2 semaphore(%run_scoped3A_98 : memref<!tpu.dma_semaphore, #tpu.memory_space<semaphore_mem>>) src(%dma_wait3A_105 : memref<128x128xf32, #tpu.memory_space<vmem_shared>>) dst(%arg8 : memref<128x128xf32, #tpu.memory_space<vmem>>)
      tpu.yield
    }) : () -> ()
    %add3A_92 = arith.constant 384 : i32
    %add3A_93 = arith.addi %mul3A_2, %add3A_92 : i32
    "tpu.region"() ({
      %run_scoped3A_98 = tpu.sem_alloc : memref<!tpu.dma_semaphore, #tpu.memory_space<semaphore_mem>>
      %dma_start3A_99 = arith.constant 0 : i32
      %dma_start3A_100 = tpu.memref_slice %arg5[%arg0, %add3A_93, %dma_start3A_99] : memref<2x10112x128xf32, #tpu.memory_space<hbm>> -> memref<1x128x128xf32, #tpu.memory_space<hbm>>
      %dma_start3A_101 = tpu.memref_squeeze %dma_start3A_100 : memref<1x128x128xf32, #tpu.memory_space<hbm>> -> memref<128x128xf32, #tpu.memory_space<hbm>>
      %dma_start3A_102 = arith.constant 0 : i32
      %dma_start3A_103 = tpu.memref_slice %arg5[%arg0, %add3A_93, %dma_start3A_102] : memref<2x10112x128xf32, #tpu.memory_space<hbm>> -> memref<1x128x128xf32, #tpu.memory_space<hbm>>
      %dma_start3A_104 = tpu.memref_squeeze %dma_start3A_103 : memref<1x128x128xf32, #tpu.memory_space<hbm>> -> memref<128x128xf32, #tpu.memory_space<hbm>>
      tpu.enqueue_dma source(%arg8 : memref<128x128xf32, #tpu.memory_space<vmem>>) target(%dma_start3A_104 : memref<128x128xf32, #tpu.memory_space<hbm>>) target_semaphore(%run_scoped3A_98 : memref<!tpu.dma_semaphore, #tpu.memory_space<semaphore_mem>>)
      %dma_wait3A = arith.constant 0 : i32
      %dma_wait3A_105 = tpu.memref_slice %arg5[%arg0, %add3A_93, %dma_wait3A] : memref<2x10112x128xf32, #tpu.memory_space<hbm>> -> memref<1x128x128xf32, #tpu.memory_space<hbm>>
      %dma_wait3A_106 = tpu.memref_squeeze %dma_wait3A_105 : memref<1x128x128xf32, #tpu.memory_space<hbm>> -> memref<128x128xf32, #tpu.memory_space<hbm>>
      %dma_wait3A_107 = arith.constant 0 : i32
      %dma_wait3A_108 = tpu.memref_slice %arg5[%arg0, %add3A_93, %dma_wait3A_107] : memref<2x10112x128xf32, #tpu.memory_space<hbm>> -> memref<1x128x128xf32, #tpu.memory_space<hbm>>
      %dma_wait3A_109 = tpu.memref_squeeze %dma_wait3A_108 : memref<1x128x128xf32, #tpu.memory_space<hbm>> -> memref<128x128xf32, #tpu.memory_space<hbm>>
      tpu.wait_dma2 semaphore(%run_scoped3A_98 : memref<!tpu.dma_semaphore, #tpu.memory_space<semaphore_mem>>) src(%arg8 : memref<128x128xf32, #tpu.memory_space<vmem>>) dst(%dma_wait3A_109 : memref<128x128xf32, #tpu.memory_space<hbm>>)
      tpu.yield
    }) : () -> ()
    %add3A_94 = arith.constant 512 : i32
    %add3A_95 = arith.addi %mul3A_2, %add3A_94 : i32
    "tpu.region"() ({
      %run_scoped3A_98 = tpu.sem_alloc : memref<!tpu.dma_semaphore, #tpu.memory_space<semaphore_mem>>
      %dma_start3A_99 = arith.constant 0 : i32
      %dma_start3A_100 = arith.constant 0 : i32
      %dma_start3A_101 = tpu.memref_slice %arg8[%dma_start3A_99, %dma_start3A_100] : memref<128x128xf32, #tpu.memory_space<vmem>> -> memref<120x128xf32, #tpu.memory_space<vmem>>
      %dma_start3A_102 = arith.constant 0 : i32
      %dma_start3A_103 = tpu.memref_slice %arg7[%add3A_95, %dma_start3A_102] : memref<10112x128xf32, #tpu.memory_space<vmem_shared>> -> memref<120x128xf32, #tpu.memory_space<vmem_shared>>
      %dma_start3A_104 = arith.constant 0 : i32
      %dma_start3A_105 = arith.constant 0 : i32
      %dma_start3A_106 = tpu.memref_slice %arg8[%dma_start3A_104, %dma_start3A_105] : memref<128x128xf32, #tpu.memory_space<vmem>> -> memref<120x128xf32, #tpu.memory_space<vmem>>
      %dma_start3A_107 = arith.constant 0 : i32
      %dma_start3A_108 = tpu.memref_slice %arg7[%add3A_95, %dma_start3A_107] : memref<10112x128xf32, #tpu.memory_space<vmem_shared>> -> memref<120x128xf32, #tpu.memory_space<vmem_shared>>
      tpu.enqueue_dma source(%dma_start3A_108 : memref<120x128xf32, #tpu.memory_space<vmem_shared>>) target(%dma_start3A_106 : memref<120x128xf32, #tpu.memory_space<vmem>>) target_semaphore(%run_scoped3A_98 : memref<!tpu.dma_semaphore, #tpu.memory_space<semaphore_mem>>)
      %dma_wait3A = arith.constant 0 : i32
      %dma_wait3A_109 = arith.constant 0 : i32
      %dma_wait3A_110 = tpu.memref_slice %arg8[%dma_wait3A, %dma_wait3A_109] : memref<128x128xf32, #tpu.memory_space<vmem>> -> memref<120x128xf32, #tpu.memory_space<vmem>>
      %dma_wait3A_111 = arith.constant 0 : i32
      %dma_wait3A_112 = tpu.memref_slice %arg7[%add3A_95, %dma_wait3A_111] : memref<10112x128xf32, #tpu.memory_space<vmem_shared>> -> memref<120x128xf32, #tpu.memory_space<vmem_shared>>
      %dma_wait3A_113 = arith.constant 0 : i32
      %dma_wait3A_114 = arith.constant 0 : i32
      %dma_wait3A_115 = tpu.memref_slice %arg8[%dma_wait3A_113, %dma_wait3A_114] : memref<128x128xf32, #tpu.memory_space<vmem>> -> memref<120x128xf32, #tpu.memory_space<vmem>>
      %dma_wait3A_116 = arith.constant 0 : i32
      %dma_wait3A_117 = tpu.memref_slice %arg7[%add3A_95, %dma_wait3A_116] : memref<10112x128xf32, #tpu.memory_space<vmem_shared>> -> memref<120x128xf32, #tpu.memory_space<vmem_shared>>
      tpu.wait_dma2 semaphore(%run_scoped3A_98 : memref<!tpu.dma_semaphore, #tpu.memory_space<semaphore_mem>>) src(%dma_wait3A_117 : memref<120x128xf32, #tpu.memory_space<vmem_shared>>) dst(%dma_wait3A_115 : memref<120x128xf32, #tpu.memory_space<vmem>>)
      tpu.yield
    }) : () -> ()
    %add3A_96 = arith.constant 512 : i32
    %add3A_97 = arith.addi %mul3A_2, %add3A_96 : i32
    "tpu.region"() ({
      %run_scoped3A_98 = tpu.sem_alloc : memref<!tpu.dma_semaphore, #tpu.memory_space<semaphore_mem>>
      %dma_start3A_99 = arith.constant 0 : i32
      %dma_start3A_100 = arith.constant 0 : i32
      %dma_start3A_101 = tpu.memref_slice %arg8[%dma_start3A_99, %dma_start3A_100] : memref<128x128xf32, #tpu.memory_space<vmem>> -> memref<120x128xf32, #tpu.memory_space<vmem>>
      %dma_start3A_102 = arith.constant 0 : i32
      %dma_start3A_103 = tpu.memref_slice %arg5[%arg0, %add3A_97, %dma_start3A_102] : memref<2x10112x128xf32, #tpu.memory_space<hbm>> -> memref<1x120x128xf32, #tpu.memory_space<hbm>>
      %dma_start3A_104 = tpu.memref_squeeze %dma_start3A_103 : memref<1x120x128xf32, #tpu.memory_space<hbm>> -> memref<120x128xf32, #tpu.memory_space<hbm>>
      %dma_start3A_105 = arith.constant 0 : i32
      %dma_start3A_106 = tpu.memref_slice %arg5[%arg0, %add3A_97, %dma_start3A_105] : memref<2x10112x128xf32, #tpu.memory_space<hbm>> -> memref<1x120x128xf32, #tpu.memory_space<hbm>>
      %dma_start3A_107 = tpu.memref_squeeze %dma_start3A_106 : memref<1x120x128xf32, #tpu.memory_space<hbm>> -> memref<120x128xf32, #tpu.memory_space<hbm>>
      %dma_start3A_108 = arith.constant 0 : i32
      %dma_start3A_109 = arith.constant 0 : i32
      %dma_start3A_110 = tpu.memref_slice %arg8[%dma_start3A_108, %dma_start3A_109] : memref<128x128xf32, #tpu.memory_space<vmem>> -> memref<120x128xf32, #tpu.memory_space<vmem>>
      tpu.enqueue_dma source(%dma_start3A_110 : memref<120x128xf32, #tpu.memory_space<vmem>>) target(%dma_start3A_107 : memref<120x128xf32, #tpu.memory_space<hbm>>) target_semaphore(%run_scoped3A_98 : memref<!tpu.dma_semaphore, #tpu.memory_space<semaphore_mem>>)
      %dma_wait3A = arith.constant 0 : i32
      %dma_wait3A_111 = arith.constant 0 : i32
      %dma_wait3A_112 = tpu.memref_slice %arg8[%dma_wait3A, %dma_wait3A_111] : memref<128x128xf32, #tpu.memory_space<vmem>> -> memref<120x128xf32, #tpu.memory_space<vmem>>
      %dma_wait3A_113 = arith.constant 0 : i32
      %dma_wait3A_114 = tpu.memref_slice %arg5[%arg0, %add3A_97, %dma_wait3A_113] : memref<2x10112x128xf32, #tpu.memory_space<hbm>> -> memref<1x120x128xf32, #tpu.memory_space<hbm>>
      %dma_wait3A_115 = tpu.memref_squeeze %dma_wait3A_114 : memref<1x120x128xf32, #tpu.memory_space<hbm>> -> memref<120x128xf32, #tpu.memory_space<hbm>>
      %dma_wait3A_116 = arith.constant 0 : i32
      %dma_wait3A_117 = tpu.memref_slice %arg5[%arg0, %add3A_97, %dma_wait3A_116] : memref<2x10112x128xf32, #tpu.memory_space<hbm>> -> memref<1x120x128xf32, #tpu.memory_space<hbm>>
      %dma_wait3A_118 = tpu.memref_squeeze %dma_wait3A_117 : memref<1x120x128xf32, #tpu.memory_space<hbm>> -> memref<120x128xf32, #tpu.memory_space<hbm>>
      %dma_wait3A_119 = arith.constant 0 : i32
      %dma_wait3A_120 = arith.constant 0 : i32
      %dma_wait3A_121 = tpu.memref_slice %arg8[%dma_wait3A_119, %dma_wait3A_120] : memref<128x128xf32, #tpu.memory_space<vmem>> -> memref<120x128xf32, #tpu.memory_space<vmem>>
      tpu.wait_dma2 semaphore(%run_scoped3A_98 : memref<!tpu.dma_semaphore, #tpu.memory_space<semaphore_mem>>) src(%dma_wait3A_121 : memref<120x128xf32, #tpu.memory_space<vmem>>) dst(%dma_wait3A_118 : memref<120x128xf32, #tpu.memory_space<hbm>>)
      tpu.yield
    }) : () -> ()
    return
  }
}

module attributes {stable_mosaic.version = 14 : i64} {
  func.func @_pre_body(%arg0: i32, %arg1: memref<2x1000x16xf32, #tpu.memory_space<vmem>>, %arg2: memref<1000x128xf32, #tpu.memory_space<vmem>>, %arg3: memref<128x128xf32, #tpu.memory_space<vmem>>, %arg4: memref<1000x128xf32, #tpu.memory_space<vmem>>, %arg5: memref<1000x128xf32, #tpu.memory_space<vmem>>) attributes {dimension_semantics = [#tpu.dimension_semantics<arbitrary>], iteration_bounds = array<i64: 10>, scalar_prefetch = 0 : i64, scratch_operands = 0 : i64, tpu.core_type = #tpu.core_type<tc>, window_params = [{transform_indices = @transform_0, window_bounds = array<i64: 2, 1000, 16>}, {transform_indices = @transform_1, window_bounds = array<i64: 1000, 128>}, {pipeline_mode = #tpu.pipeline_mode<synchronous>, transform_indices = @transform_2, window_bounds = array<i64: 128, 128>}, {transform_indices = @transform_3, window_bounds = array<i64: 1000, 128>}, {transform_indices = @transform_4, window_bounds = array<i64: 1000, 128>}]} {
    %get3A = arith.constant 0 : index
    %get3A_0 = arith.constant 0 : index
    %get3A_1 = arith.constant 0 : index
    %get3A_2 = vector.load %arg1[%get3A, %get3A_0, %get3A_1] : memref<2x1000x16xf32, #tpu.memory_space<vmem>>, vector<1x1000x1xf32>
    %get3A_3 = vector.shape_cast %get3A_2 : vector<1x1000x1xf32> to vector<1000x1xf32>
    %get3A_4 = arith.constant 1 : index
    %get3A_5 = arith.constant 0 : index
    %get3A_6 = arith.constant 0 : index
    %get3A_7 = vector.load %arg1[%get3A_4, %get3A_5, %get3A_6] : memref<2x1000x16xf32, #tpu.memory_space<vmem>>, vector<1x1000x1xf32>
    %get3A_8 = vector.shape_cast %get3A_7 : vector<1x1000x1xf32> to vector<1000x1xf32>
    %add3A = arith.addf %get3A_3, %get3A_8 : vector<1000x1xf32>
    %add3A_9 = arith.constant 1.000000e+00 : f32
    %add3A_10 = vector.broadcast %add3A_9 : f32 to vector<1000x1xf32>
    %add3A_11 = arith.addf %add3A, %add3A_10 : vector<1000x1xf32>
    %rsqrt3A = math.rsqrt %add3A_11 : vector<1000x1xf32>
    %broadcast_in_dim3A = vector.shape_cast %rsqrt3A : vector<1000x1xf32> to vector<1000x1xf32>
    %broadcast_in_dim3A_12 = vector.broadcast %broadcast_in_dim3A : vector<1000x1xf32> to vector<1000x128xf32>
    %swap3A = arith.constant 0 : index
    %swap3A_13 = arith.constant 0 : index
    %swap3A_14 = vector.load %arg4[%swap3A, %swap3A_13] : memref<1000x128xf32, #tpu.memory_space<vmem>>, vector<1000x128xf32>
    tpu.vector_store %arg4[%swap3A, %swap3A_13], %broadcast_in_dim3A_12 {strides = array<i32>} : memref<1000x128xf32, #tpu.memory_space<vmem>>, vector<1000x128xf32>,
    %get3A_15 = arith.constant 0 : index
    %get3A_16 = arith.constant 0 : index
    %get3A_17 = vector.load %arg2[%get3A_15, %get3A_16] : memref<1000x128xf32, #tpu.memory_space<vmem>>, vector<1000x128xf32>
    %mul3A = vector.broadcast %rsqrt3A : vector<1000x1xf32> to vector<1000x128xf32>
    %mul3A_18 = arith.mulf %get3A_17, %mul3A : vector<1000x128xf32>
    %get3A_19 = arith.constant 0 : index
    %get3A_20 = arith.constant 0 : index
    %get3A_21 = vector.load %arg3[%get3A_19, %get3A_20] : memref<128x128xf32, #tpu.memory_space<vmem>>, vector<128x128xf32>
    %dot_general3A = arith.constant dense<0.000000e+00> : vector<1000x128xf32>
    %dot_general3A_22 = tpu.matmul %mul3A_18, %get3A_21, %dot_general3A {dimension_numbers = #tpu.dot_dimension_numbers<[1], [0], [0], [1], [0, 0, 1, 1], [], []>, transpose_lhs_hint = false} : vector<1000x128xf32>, vector<128x128xf32>, vector<1000x128xf32> -> vector<1000x128xf32>
    %swap3A_23 = arith.constant 0 : index
    %swap3A_24 = arith.constant 0 : index
    %swap3A_25 = vector.load %arg5[%swap3A_23, %swap3A_24] : memref<1000x128xf32, #tpu.memory_space<vmem>>, vector<1000x128xf32>
    tpu.vector_store %arg5[%swap3A_23, %swap3A_24], %dot_general3A_22 {strides = array<i32>} : memref<1000x128xf32, #tpu.memory_space<vmem>>, vector<1000x128xf32>,
    return
  }
  func.func @transform_0(%arg0: i32) -> (i32, i32, i32) {
    %c0_i32 = arith.constant 0 : i32
    %c0_i32_0 = arith.constant 0 : i32
    %c0_i32_1 = arith.constant 0 : i32
    return %c0_i32, %arg0, %c0_i32_0 : i32, i32, i32
  }
  func.func @transform_1(%arg0: i32) -> (i32, i32) {
    %c0_i32 = arith.constant 0 : i32
    %c0_i32_0 = arith.constant 0 : i32
    return %arg0, %c0_i32 : i32, i32
  }
  func.func @transform_2(%arg0: i32) -> (i32, i32) {
    %c0_i32 = arith.constant 0 : i32
    %c0_i32_0 = arith.constant 0 : i32
    %c0_i32_1 = arith.constant 0 : i32
    return %c0_i32, %c0_i32_0 : i32, i32
  }
  func.func @transform_3(%arg0: i32) -> (i32, i32) {
    %c0_i32 = arith.constant 0 : i32
    %c0_i32_0 = arith.constant 0 : i32
    return %arg0, %c0_i32 : i32, i32
  }
  func.func @transform_4(%arg0: i32) -> (i32, i32) {
    %c0_i32 = arith.constant 0 : i32
    %c0_i32_0 = arith.constant 0 : i32
    return %arg0, %c0_i32 : i32, i32
  }
}

module attributes {stable_mosaic.version = 14 : i64} {
  func.func @_mid_body(%arg0: i32, %arg1: memref<2x1000x128xf32, #tpu.memory_space<vmem>>, %arg2: memref<1000x128xf32, #tpu.memory_space<vmem>>, %arg3: memref<1000x128xf32, #tpu.memory_space<vmem>>, %arg4: memref<1x128xf32, #tpu.memory_space<vmem>>, %arg5: memref<128x128xf32, #tpu.memory_space<vmem>>, %arg6: memref<1000x128xf32, #tpu.memory_space<vmem>>) attributes {dimension_semantics = [#tpu.dimension_semantics<arbitrary>], iteration_bounds = array<i64: 10>, scalar_prefetch = 0 : i64, scratch_operands = 0 : i64, tpu.core_type = #tpu.core_type<tc>, window_params = [{transform_indices = @transform_0, window_bounds = array<i64: 2, 1000, 128>}, {transform_indices = @transform_1, window_bounds = array<i64: 1000, 128>}, {transform_indices = @transform_2, window_bounds = array<i64: 1000, 128>}, {pipeline_mode = #tpu.pipeline_mode<synchronous>, transform_indices = @transform_3, window_bounds = array<i64: 1, 128>}, {pipeline_mode = #tpu.pipeline_mode<synchronous>, transform_indices = @transform_4, window_bounds = array<i64: 128, 128>}, {transform_indices = @transform_5, window_bounds = array<i64: 1000, 128>}]} {
    %get3A = arith.constant 0 : index
    %get3A_0 = arith.constant 0 : index
    %get3A_1 = arith.constant 0 : index
    %get3A_2 = vector.load %arg1[%get3A, %get3A_0, %get3A_1] : memref<2x1000x128xf32, #tpu.memory_space<vmem>>, vector<1x1000x128xf32>
    %get3A_3 = vector.shape_cast %get3A_2 : vector<1x1000x128xf32> to vector<1000x128xf32>
    %get3A_4 = arith.constant 1 : index
    %get3A_5 = arith.constant 0 : index
    %get3A_6 = arith.constant 0 : index
    %get3A_7 = vector.load %arg1[%get3A_4, %get3A_5, %get3A_6] : memref<2x1000x128xf32, #tpu.memory_space<vmem>>, vector<1x1000x128xf32>
    %get3A_8 = vector.shape_cast %get3A_7 : vector<1x1000x128xf32> to vector<1000x128xf32>
    %add3A = arith.addf %get3A_3, %get3A_8 : vector<1000x128xf32>
    %get3A_9 = arith.constant 0 : index
    %get3A_10 = arith.constant 0 : index
    %get3A_11 = vector.load %arg2[%get3A_9, %get3A_10] : memref<1000x128xf32, #tpu.memory_space<vmem>>, vector<1000x128xf32>
    %add3A_12 = arith.addf %add3A, %get3A_11 : vector<1000x128xf32>
    %get3A_13 = arith.constant 0 : index
    %get3A_14 = arith.constant 0 : index
    %get3A_15 = vector.load %arg3[%get3A_13, %get3A_14] : memref<1000x128xf32, #tpu.memory_space<vmem>>, vector<1000x128xf32>
    %mul3A = arith.mulf %add3A_12, %get3A_15 : vector<1000x128xf32>
    %get3A_16 = arith.constant 0 : index
    %get3A_17 = arith.constant 0 : index
    %get3A_18 = vector.load %arg4[%get3A_16, %get3A_17] : memref<1x128xf32, #tpu.memory_space<vmem>>, vector<1x128xf32>
    %add3A_19 = vector.broadcast %get3A_18 : vector<1x128xf32> to vector<1000x128xf32>
    %add3A_20 = arith.addf %mul3A, %add3A_19 : vector<1000x128xf32>
    %max3A = arith.constant 0.000000e+00 : f32
    %max3A_21 = vector.broadcast %max3A : f32 to vector<1000x128xf32>
    %max3A_22 = arith.maximumf %add3A_20, %max3A_21 : vector<1000x128xf32>
    %get3A_23 = arith.constant 0 : index
    %get3A_24 = arith.constant 0 : index
    %get3A_25 = vector.load %arg3[%get3A_23, %get3A_24] : memref<1000x128xf32, #tpu.memory_space<vmem>>, vector<1000x128xf32>
    %mul3A_26 = arith.mulf %max3A_22, %get3A_25 : vector<1000x128xf32>
    %get3A_27 = arith.constant 0 : index
    %get3A_28 = arith.constant 0 : index
    %get3A_29 = vector.load %arg5[%get3A_27, %get3A_28] : memref<128x128xf32, #tpu.memory_space<vmem>>, vector<128x128xf32>
    %dot_general3A = arith.constant dense<0.000000e+00> : vector<1000x128xf32>
    %dot_general3A_30 = tpu.matmul %mul3A_26, %get3A_29, %dot_general3A {dimension_numbers = #tpu.dot_dimension_numbers<[1], [0], [0], [1], [0, 0, 1, 1], [], []>, transpose_lhs_hint = false} : vector<1000x128xf32>, vector<128x128xf32>, vector<1000x128xf32> -> vector<1000x128xf32>
    %swap3A = arith.constant 0 : index
    %swap3A_31 = arith.constant 0 : index
    %swap3A_32 = vector.load %arg6[%swap3A, %swap3A_31] : memref<1000x128xf32, #tpu.memory_space<vmem>>, vector<1000x128xf32>
    tpu.vector_store %arg6[%swap3A, %swap3A_31], %dot_general3A_30 {strides = array<i32>} : memref<1000x128xf32, #tpu.memory_space<vmem>>, vector<1000x128xf32>,
    return
  }
  func.func @transform_0(%arg0: i32) -> (i32, i32, i32) {
    %c0_i32 = arith.constant 0 : i32
    %c0_i32_0 = arith.constant 0 : i32
    %c0_i32_1 = arith.constant 0 : i32
    return %c0_i32, %arg0, %c0_i32_0 : i32, i32, i32
  }
  func.func @transform_1(%arg0: i32) -> (i32, i32) {
    %c0_i32 = arith.constant 0 : i32
    %c0_i32_0 = arith.constant 0 : i32
    return %arg0, %c0_i32 : i32, i32
  }
  func.func @transform_2(%arg0: i32) -> (i32, i32) {
    %c0_i32 = arith.constant 0 : i32
    %c0_i32_0 = arith.constant 0 : i32
    return %arg0, %c0_i32 : i32, i32
  }
  func.func @transform_3(%arg0: i32) -> (i32, i32) {
    %c0_i32 = arith.constant 0 : i32
    %c0_i32_0 = arith.constant 0 : i32
    %c0_i32_1 = arith.constant 0 : i32
    return %c0_i32, %c0_i32_0 : i32, i32
  }
  func.func @transform_4(%arg0: i32) -> (i32, i32) {
    %c0_i32 = arith.constant 0 : i32
    %c0_i32_0 = arith.constant 0 : i32
    %c0_i32_1 = arith.constant 0 : i32
    return %c0_i32, %c0_i32_0 : i32, i32
  }
  func.func @transform_5(%arg0: i32) -> (i32, i32) {
    %c0_i32 = arith.constant 0 : i32
    %c0_i32_0 = arith.constant 0 : i32
    return %arg0, %c0_i32 : i32, i32
  }
}

module attributes {stable_mosaic.version = 14 : i64} {
  func.func @_fin_body(%arg0: i32, %arg1: memref<2x1000x128xf32, #tpu.memory_space<vmem>>, %arg2: memref<1000x128xf32, #tpu.memory_space<vmem>>, %arg3: memref<1000x128xf32, #tpu.memory_space<vmem>>, %arg4: memref<1x128xf32, #tpu.memory_space<vmem>>, %arg5: memref<1000x128xf32, #tpu.memory_space<vmem>>) attributes {dimension_semantics = [#tpu.dimension_semantics<arbitrary>], iteration_bounds = array<i64: 10>, scalar_prefetch = 0 : i64, scratch_operands = 0 : i64, tpu.core_type = #tpu.core_type<tc>, window_params = [{transform_indices = @transform_0, window_bounds = array<i64: 2, 1000, 128>}, {transform_indices = @transform_1, window_bounds = array<i64: 1000, 128>}, {transform_indices = @transform_2, window_bounds = array<i64: 1000, 128>}, {pipeline_mode = #tpu.pipeline_mode<synchronous>, transform_indices = @transform_3, window_bounds = array<i64: 1, 128>}, {transform_indices = @transform_4, window_bounds = array<i64: 1000, 128>}]} {
    %get3A = arith.constant 0 : index
    %get3A_0 = arith.constant 0 : index
    %get3A_1 = arith.constant 0 : index
    %get3A_2 = vector.load %arg1[%get3A, %get3A_0, %get3A_1] : memref<2x1000x128xf32, #tpu.memory_space<vmem>>, vector<1x1000x128xf32>
    %get3A_3 = vector.shape_cast %get3A_2 : vector<1x1000x128xf32> to vector<1000x128xf32>
    %get3A_4 = arith.constant 1 : index
    %get3A_5 = arith.constant 0 : index
    %get3A_6 = arith.constant 0 : index
    %get3A_7 = vector.load %arg1[%get3A_4, %get3A_5, %get3A_6] : memref<2x1000x128xf32, #tpu.memory_space<vmem>>, vector<1x1000x128xf32>
    %get3A_8 = vector.shape_cast %get3A_7 : vector<1x1000x128xf32> to vector<1000x128xf32>
    %add3A = arith.addf %get3A_3, %get3A_8 : vector<1000x128xf32>
    %get3A_9 = arith.constant 0 : index
    %get3A_10 = arith.constant 0 : index
    %get3A_11 = vector.load %arg2[%get3A_9, %get3A_10] : memref<1000x128xf32, #tpu.memory_space<vmem>>, vector<1000x128xf32>
    %add3A_12 = arith.addf %add3A, %get3A_11 : vector<1000x128xf32>
    %get3A_13 = arith.constant 0 : index
    %get3A_14 = arith.constant 0 : index
    %get3A_15 = vector.load %arg3[%get3A_13, %get3A_14] : memref<1000x128xf32, #tpu.memory_space<vmem>>, vector<1000x128xf32>
    %mul3A = arith.mulf %add3A_12, %get3A_15 : vector<1000x128xf32>
    %get3A_16 = arith.constant 0 : index
    %get3A_17 = arith.constant 0 : index
    %get3A_18 = vector.load %arg4[%get3A_16, %get3A_17] : memref<1x128xf32, #tpu.memory_space<vmem>>, vector<1x128xf32>
    %add3A_19 = vector.broadcast %get3A_18 : vector<1x128xf32> to vector<1000x128xf32>
    %add3A_20 = arith.addf %mul3A, %add3A_19 : vector<1000x128xf32>
    %swap3A = arith.constant 0 : index
    %swap3A_21 = arith.constant 0 : index
    %swap3A_22 = vector.load %arg5[%swap3A, %swap3A_21] : memref<1000x128xf32, #tpu.memory_space<vmem>>, vector<1000x128xf32>
    tpu.vector_store %arg5[%swap3A, %swap3A_21], %add3A_20 {strides = array<i32>} : memref<1000x128xf32, #tpu.memory_space<vmem>>, vector<1000x128xf32>,
    return
  }
  func.func @transform_0(%arg0: i32) -> (i32, i32, i32) {
    %c0_i32 = arith.constant 0 : i32
    %c0_i32_0 = arith.constant 0 : i32
    %c0_i32_1 = arith.constant 0 : i32
    return %c0_i32, %arg0, %c0_i32_0 : i32, i32, i32
  }
  func.func @transform_1(%arg0: i32) -> (i32, i32) {
    %c0_i32 = arith.constant 0 : i32
    %c0_i32_0 = arith.constant 0 : i32
    return %arg0, %c0_i32 : i32, i32
  }
  func.func @transform_2(%arg0: i32) -> (i32, i32) {
    %c0_i32 = arith.constant 0 : i32
    %c0_i32_0 = arith.constant 0 : i32
    return %arg0, %c0_i32 : i32, i32
  }
  func.func @transform_3(%arg0: i32) -> (i32, i32) {
    %c0_i32 = arith.constant 0 : i32
    %c0_i32_0 = arith.constant 0 : i32
    %c0_i32_1 = arith.constant 0 : i32
    return %c0_i32, %c0_i32_0 : i32, i32
  }
  func.func @transform_4(%arg0: i32) -> (i32, i32) {
    %c0_i32 = arith.constant 0 : i32
    %c0_i32_0 = arith.constant 0 : i32
    return %arg0, %c0_i32 : i32, i32
  }
}

</mosaic_0001>

<sc_bundles>
// kernel: kernel.10.cloned.1.call-start
scs
__scs_entry_jumppad:
0x0: {  	(pc) =	sbr.rel $0x88, $3  }
0x1: {  	(tag) =	ssettag $0x0;
	lr =	simm.s32 $0x1  }
0x2: {  	[smem:$0x3F99] =	sst lr;
	_ =	strace $0xD0000000  }
0x3: {  	_ = 	snop  }
0x4: {  	_ = 	snop  }
0x5: {  	_ = 	snop  }
0x6: {  	_ = 	snop  }
0x7: {  	_ = 	snop  }
__scs_overlays_trampoline_lowered:
0x8: {  	[smem:$0x3FA8] =	sst s0  }
0x9: {  	[smem:$0x3FA9] =	sst s1  }
0xa: {  	[smem:$0x3FAA] =	sst s2  }
0xb: {  	[smem:$0x3FAB] =	sst s3  }
0xc: {  	[smem:$0x3FAC] =	sst s4  }
0xd: {  	[smem:$0x3FAD] =	sst s5  }
0xe: {  	[smem:$0x3FAE] =	sst s6  }
0xf: {  	[smem:$0x3FAF] =	sst s7  }
0x10: {  	[smem:$0x3FB0] =	sst s8  }
0x11: {  	[smem:$0x3FB1] =	sst s9;
	s0 =	simm.s32 @!p0 $0x0  }
0x12: {  	s1 =	sld [smem:$0x3F97];
	s0 =	simm.s32 @p0 $0x1  }
0x13: {  	[smem:$0x3FB2] =	sst s0;
	s0 =	simm.s32 @!p1 $0x0  }
0x14: {  	s2 =	sld [smem:$0x3F96];
	s0 =	simm.s32 @p1 $0x1  }
0x15: {  	[smem:$0x3FB3] =	sst s0;
	s0 =	simm.s32 @!p2 $0x0  }
0x16: {  	s3 =	sld [smem:$0x3FDB];
	s0 =	simm.s32 @p2 $0x1  }
0x17: {  	s4 =	simm.s32 $0x1BF5;
	[smem:$0x3FB5] =	sst s0  }
0x18: {  	s0 =	sld [smem:$0x3F98];
	_ =	swait.ge [sflag:s4], $0x0  }
0x19: {  	s7 =	sld [smem:$0x3F99]  }
0x1a: {  	s8 =	sadd.s32 $0xFFFFE003, lr  }
0x1b: {  	s9 =	sadd.s32 $0xFFFFFEF7, lr;
	s5 =	simm.s32 $0xFFFFFFFF;
	p2 =	slt.u32 s8, $0xFFFFF086  }
0x1c: {  	p1 =	slt.u32 s9, $0xF7A;
	s5 =	simm.s32 @!p2 $0x0  }
0x1d: {  	s5 =	simm.s32 @p1 $0x1;
	p0 =	seq.s32 s7, s2  }
0x1e: {  	s7 =	smul.u32 @!p0 $0xF7A, s2;
	p2 =	seq.s32 @!p0 s5, $0x0  }
0x1f: {  	s9 =	smul.u32 $0xF7A, s1;
	s8 =	simm.s32 @!p0 $0x1BF5;
	p2 =	por !p2, p0  }
0x20: {  	[sflag:s8] =	ssyncset.s32 @!p0 $0xFFFFF086;
	s6 =	sadd.s32 @!p0 s3, s7;
	s7 =	simm.s32 @!p0 $0x108  }
0x21: {  	s3 =	sadd.s32 s3, s9;
	s6 =	sadd.s32 @!p0 $0x88, s6;
	s7 =	simm.s32 @p2 $0x1082  }
0x22: {  	[simem:s7], [sflag:s8] =	dma.local @!p0 [hbm:s6], $0xF7A  }
0x23: {  	s9 =	sor.u32 $0xD0000000, s2;
	s6 =	simm.s32 $0x108;
	_ =	swait.ge @!p0 [sflag:s8], $0x0  }
0x24: {  	s3 =	sadd.s32 $0x88, s3;
	s6 =	simm.s32 @!p1 $0x1082;
	[sflag:s4] =	ssyncset.s32 $0xFFFFF086  }
0x25: {  	[simem:s6], [sflag:s4] =	dma.local [hbm:s3], $0xF7A  }
0x26: {  	[smem:$0x3F99] =	sst s1;
	(tag) =	ssettag s2;
	_ =	strace s9  }
0x27: {  	s1 =	sld [smem:$0x3FA9]  }
0x28: {  	s2 =	sld [smem:$0x3FAA]  }
0x29: {  	s4 =	sld [smem:$0x3FAC]  }
0x2a: {  	p0 =	seq.s32 s5, $0x0;
	s5 =	sld [smem:$0x3FAD]  }
0x2b: {  	s6 =	sld [smem:$0x3FAE]  }
0x2c: {  	s7 =	sld [smem:$0x3FAF]  }
0x2d: {  	s3 =	simm.s32 $0x108;
	s8 =	sld [smem:$0x3FB0]  }
0x2e: {  	s3 =	simm.s32 @!p0 $0x1082;
	s9 =	sld [smem:$0x3FB1]  }
0x2f: {  	lr =	sadd.s32 s0, s3;
	s0 =	sld [smem:$0x3FA8]  }
0x30: {  	s3 =	sld [smem:$0x3FAB]  }
0x31: {  	[smem:$0x3FB4] =	sst s10  }
0x32: {  	s10 =	sld [smem:$0x3FB2];
	_ =	sdelay $0x3  }
0x33: {  	p0 =	seq.s32 s10, $0x1;
	s10 =	sld [smem:$0x3FB4];
	_ =	sdelay $0x3  }
0x34: {  	[smem:$0x3FB4] =	sst s10  }
0x35: {  	s10 =	sld [smem:$0x3FB3];
	_ =	sdelay $0x3  }
0x36: {  	p1 =	seq.s32 s10, $0x1;
	s10 =	sld [smem:$0x3FB4];
	_ =	sdelay $0x3  }
0x37: {  	[smem:$0x3FB4] =	sst s10  }
0x38: {  	s10 =	sld [smem:$0x3FB5]  }
0x39: {  	_ = 	snop;
	(pc) =	sbr.ind lr, $3  }
0x3a: {  	_ = 	snop  }
0x3b: {  	_ = 	snop  }
0x3c: {  	p2 =	seq.s32 s10, $0x1;
	s10 =	sld [smem:$0x3FB4]  }
0x3d: {  	_ =	shalt  }
0x3e: {  	_ =	shalt  }
0x3f: {  	_ =	shalt  }
0x40: {  	_ =	shalt  }
0x41: {  	_ =	shalt  }
0x42: {  	_ =	shalt  }
0x43: {  	_ =	shalt  }
0x44: {  	_ =	shalt  }
0x45: {  	_ =	shalt  }
0x46: {  	_ =	shalt  }
0x47: {  	_ =	shalt  }
0x48: {  	_ =	shalt  }
0x49: {  	_ =	shalt  }
0x4a: {  	_ =	shalt  }
0x4b: {  	_ =	shalt  }
0x4c: {  	_ =	shalt  }
0x4d: {  	_ =	shalt  }
0x4e: {  	_ =	shalt  }
0x4f: {  	_ =	shalt  }
0x50: {  	_ =	shalt  }
0x51: {  	_ =	shalt  }
0x52: {  	_ =	shalt  }
0x53: {  	_ =	shalt  }
0x54: {  	_ =	shalt  }
0x55: {  	_ =	shalt  }
0x56: {  	_ =	shalt  }
0x57: {  	_ =	shalt  }
0x58: {  	_ =	shalt  }
0x59: {  	_ =	shalt  }
0x5a: {  	_ =	shalt  }
0x5b: {  	_ =	shalt  }
0x5c: {  	_ =	shalt  }
0x5d: {  	_ =	shalt  }
0x5e: {  	_ =	shalt  }
0x5f: {  	_ =	shalt  }
0x60: {  	_ =	shalt  }
0x61: {  	_ =	shalt  }
0x62: {  	_ =	shalt  }
0x63: {  	_ =	shalt  }
0x64: {  	_ =	shalt  }
0x65: {  	_ =	shalt  }
0x66: {  	_ =	shalt  }
0x67: {  	_ =	shalt  }
0x68: {  	_ =	shalt  }
0x69: {  	_ =	shalt  }
0x6a: {  	_ =	shalt  }
0x6b: {  	_ =	shalt  }
0x6c: {  	_ =	shalt  }
0x6d: {  	_ =	shalt  }
0x6e: {  	_ =	shalt  }
0x6f: {  	_ =	shalt  }
0x70: {  	_ =	shalt  }
0x71: {  	_ =	shalt  }
0x72: {  	_ =	shalt  }
0x73: {  	_ =	shalt  }
0x74: {  	_ =	shalt  }
0x75: {  	_ =	shalt  }
0x76: {  	_ =	shalt  }
0x77: {  	_ =	shalt  }
0x78: {  	_ =	shalt  }
0x79: {  	_ =	shalt  }
0x7a: {  	_ =	shalt  }
0x7b: {  	_ =	shalt  }
0x7c: {  	_ =	shalt  }
0x7d: {  	_ =	shalt  }
0x7e: {  	_ =	shalt  }
0x7f: {  	_ =	shalt  }
0x80: {  	_ =	shalt  }
0x81: {  	_ =	shalt  }
0x82: {  	_ =	shalt  }
0x83: {  	_ =	shalt  }
0x84: {  	_ =	shalt  }
0x85: {  	_ =	shalt  }
0x86: {  	_ =	shalt  }
0x87: {  	_ =	shalt  }
.Lfunc_end0:
.L_simem_size_0:
called_computation_lowered:
.L_overlay_start_0:
0x88: {  	s2 =	sld [smem:$0x3FD9]  }
0x89: {  	s3 =	sld [smem:$0x3FFE];
	_ =	sdelay $0x1  }
0x8a: {  	s1 =	srdreg.scid  }
0x8b: {  	s0 =	sand.u32 $0x1, s1  }
0x8c: {  	s16 =	sshll.u32 s0, $0xA;
	s2 =	sadd.s32 s3, s2  }
0x8d: {  	s2 =	sadd.s32 s2, s16  }
0x8e: {  	[smem:$0x3FC0] =	sst s2  }
0x8f: {  	_ = 	snop  }
0x90: {  	(tm) =	ssettm $0x1  }
0x91: {  	s17 =	sld [smem:$0x3FFB];
	_ =	sdelay $0x3  }
0x92: {  	_ =	strace s17  }
0x93: {  	s2 =	sld [smem:$0x3FFC];
	_ =	sdelay $0x3  }
0x94: {  	_ =	strace s2  }
0x95: {  	s2 =	sld [smem:$0x3FFD];
	_ =	sdelay $0x3  }
0x96: {  	_ =	strace s2  }
0x97: {  	_ =	strace $0x8FFFFFFF  }
0x98: {  	s18 =	sld [smem:$0x3FDB];
	_ =	sdelay $0x1  }
0x99: {  	s19 =	simm.s32 $_scs_section_size  }
0x9a: {  	s4 =	simm.s32 $_size__tile_overlayer_lowered;
	s5 =	simm.s32 $_tile_overlayer_lowered  }
0x9b: {  	s22 =	simm.s32 $0x1BFF;
	s21 =	sshll.u32 s5, $0x1;
	s2 =	sadd.s32 s19, s18  }
0x9c: {  	s6 =	simm.s32 $0x0;
	s20 =	sshll.u32 s4, $0x1;
	s4 =	sadd.s32 s21, s2  }
0x9d: {  	[timem:s6], [sflag:s22] =	dma.local [hbm:s4], s20  }
0x9e: {  	_ =	swait.ge [sflag:s22], s20  }
0x9f: {  	s3 =	ssub.s32 $0x0, s20;
	[sflag:s22] =	ssyncset.done $0x0  }
0xa0: {  	[sflag:s22] =	ssyncadd.s32 s3;
	_ =	sdelay $0x1  }
0xa1: {  	s23 =	simm.s32 $0x1B8B  }
0xa2: {  	_ =	swait.ge [sflag:s23], $0x1  }
0xa3: {  	[sflag:s23] =	ssyncset.done $0x0  }
0xa4: {  	s25 =	simm.s32 $0x1B8E;
	s24 =	sld [smem:$0x3FFE];
	[sflag:s23] =	ssyncadd.s32 $0xFFFFFFFF  }
0xa5: {  	s26 =	simm.s32 $execute0_lowered;
	[smem:$0x3FD2] =	sst s25  }
0xa6: {  	s4 =	sshll.u32 s26, $0x1;
	_ =	strace $0x80000046;
	[dreg:$0x1] =	wrdreg $0xFFFFFFFF  }
0xa7: {  	s28 =	simm.s32 $_size_execute0_lowered;
	s2 =	sadd.s32 s2, s4;
	[dreg:$0x0] =	wrdreg $0x0  }
0xa8: {  	s4 =	sshll.u32 s28, $0x1;
	[dreg:$0x2] =	wrdreg s2  }
0xa9: {  	[dreg:$0x3] =	wrdreg s4  }
0xaa: {  	[dreg:$0x4] =	wrdreg $0xC0  }
0xab: {  	_ =	task [dreg:s6], $0x5FFFF  }
0xac: {  	[dreg:$0x1] =	wrdreg $0xFFFFFFFF  }
0xad: {  	[dreg:$0x0] =	wrdreg $0x60  }
0xae: {  	[dreg:$0x2] =	wrdreg s24  }
0xaf: {  	[dreg:$0x3] =	wrdreg $0x0  }
0xb0: {  	[dreg:$0x4] =	wrdreg $0x9  }
0xb1: {  	_ =	task.clear_ibuf [dreg:s6], $0x5FFFF;
	_ =	strace $0x90000046  }
0xb2: {  	s29 =	simm.s32 $0x9;
	_ =	strace $0x80000048  }
0xb3: {  	_ =	swait.ge [sflag:s29], $0x1  }
0xb4: {  	[sflag:s29] =	ssyncadd.s32 $0xFFFFFFFF  }
0xb5: {  	_ =	strace $0x90000048  }
0xb6: {  	_ =	sfence  }
0xb7: {  	s30 =	sld [smem:$0x0];
	_ =	sdelay $0x2  }
0xb8: {  	s31 =	sshll.u32 s1, $0xD;
	s1 =	sshrl.u32 s1, $0x2  }
0xb9: {  	s3 =	sand.u32 $0x4000, s31;
	s1 =	sadd.s32 s1, s30  }
0xba: {  	s0 =	sor.u32 s3, s0;
	s1 =	sshll.u32 s1, $0x11  }
0xbb: {  	s0 =	sor.u32 s1, s0  }
0xbc: {  	s0 =	sadd.s32 $0x8F2B, s0  }
0xbd: {  	[sflag:s0] =	ssyncadd.remote.s32 $0x1  }
0xbe: {  	_ =	sfence.sel $0xFFFF  }
0xbf: {  	[dreg:$0x0] =	wrdreg $0xFFFFFFFF;
	(pc) =	sbr.abs _section_cstart, $3  }
0xc0: {  	[dreg:$0x1] =	wrdreg $0xFFFFFFFF  }
0xc1: {  	_ =	task.clear_ibuf [dreg:s6], $0x2FFFF;
	_ =	strace $0x9FFFFFFF  }
0xc2: {  	(tm) =	ssettm $0x7FFFFFFF  }
0xc3: {  	_ =	shalt  }
tec
execute0_lowered:
.L_overlay_start_1:
0x0: {  	(tag) =	ssettag $0x1  }
0x1: {  	s0 =	srdreg.scid;
	s4 =	rddreg [dreg:$0x0]  }
0x2: {  	s2 =	rddreg [dreg:$0x1];
	s1 =	stileid.u32  }
0x3: {  	s3 =	simm.s32 $0x0;
	s19 =	simm.s32 $0x80;
	s20 =	simm.s32 $0x0  }
0x4: {  	s5 =	sand.u32 $0x1, s0;
	s0 =	rddreg [dreg:$0x2];
	s7 =	smul.u32 $0x50000, s1  }
0x5: {  	[smem:$0x7FF] =	sst s3;
	s8 =	smul.u32 $0x14000, s1;
	s14 =	sadd.s32 $0xD600, s4  }
0x6: {  	s6 =	sshll.u32 s5, $0x4;
	_ =	strace $0x80000047;
	s30 =	ssub.s32 $0x2, s5  }
0x7: {  	s16 =	smul.u32 $0x140000, s5;
	s6 =	sor.u32 s1, s6;
	s31 =	sshrl.u32 s30, $0x1  }
0x8: {  	s7 =	sshrl.u32 s7, $0x2;
	s10 =	sadd.s32 $0x4000, s8;
	s12 =	sadd.s32 $0x8000, s8  }
0x9: {  	s13 =	sadd.s32 $0xC000, s8;
	s17 =	sadd.s32 $0x10000, s8;
	s6 =	smul.u32 $0x500, s6  }
0xa: {  	s15 =	ssub.s32 s30, s31;
	s5 =	sadd.s32 s10, s2;
	s11 =	sadd.s32 s8, s16  }
0xb: {  	s10 =	sadd.s32 s16, s10;
	s8 =	sadd.s32 s17, s2;
	s11 =	sshrl.u32 s11, $0x3  }
0xc: {  	s18 =	sshrl.u32 s10, $0x3;
	s15 =	smax.u32 s15, $0x1;
	s9 =	sadd.s32 s6, s4  }
0xd: {  	s4 =	sadd.s32 s7, s2;
	s6 =	sadd.s32 s12, s2;
	s7 =	sadd.s32 s13, s2  }
0xe: {  	s10 =	sadd.s32 s14, s11;
	s11 =	sadd.s32 s14, s18;
	s12 =	sadd.s32 s16, s12  }
0xf: {  	s13 =	sadd.s32 s16, s13;
	s16 =	sadd.s32 s16, s17;
	s17 =	simm.s32 $0x1  }
0x10: {  	s18 =	simm.s32 $0x2800;
	s9 =	sadd.s32 $0x3600, s9;
	s12 =	sshrl.u32 s12, $0x3  }
0x11: {  	s13 =	sshrl.u32 s13, $0x3;
	s16 =	sshrl.u32 s16, $0x3;
	s12 =	sadd.s32 s14, s12  }
0x12: {  	v0 =	vimm.f32 $0.0e+00;
	v1 =	vimm.f32 $1.000000000e+00;
	s13 =	sadd.s32 s14, s13;
	s14 =	sadd.s32 s14, s16;
	s16 =	simm.s32 $0x5000  }
.LBB2_1:
0x13: {  	s21 =	simm.s32 $0x200;
	s22 =	simm.s32 $0x0  }
.LBB2_2:
0x14: {  	p0 =	sne.s32 s21, $0xFE00;
	[tilespmem:s22+$0x5000] =	vst v0;
	s22 =	smov.u32 s21;
	s21 =	sadd.s32 $0x200, s21  }
.Ltmp0:
0x15: {  	(pc) =	sbr.rel @p0 .LBB2_2-.Ltmp0, $2  }
0x16: {  	_ =	sdelay $0x2  }
0x17: {  	s22 =	sshra.s32 s22, $0x2  }
0x18: {  	[tilespmem:s22+$0x5000] =	vst v0  }
0x19: {  	[spmem:s4] =	stream.linear.scatter [tilespmem:s16], [sflag:$0x1], $0x4000, $0x38;
	[tilespmem:$0x9000] =	vst v63  }
0x1a: {  	_ =	swait.ge [sflag:s17], $0x4000  }
0x1b: {  	[sflag:s17] =	ssyncset.done $0x0  }
0x1c: {  	[sflag:s17] =	ssyncadd.s32 $0xFFFFC000  }
0x1d: {  	[spmem:s5] =	stream.linear.scatter [tilespmem:s16], [sflag:$0x1], $0x4000, $0x38;
	[tilespmem:$0x9000] =	vst v63  }
0x1e: {  	_ =	swait.ge [sflag:s17], $0x4000  }
0x1f: {  	[sflag:s17] =	ssyncset.done $0x0  }
0x20: {  	[sflag:s17] =	ssyncadd.s32 $0xFFFFC000  }
0x21: {  	[spmem:s6] =	stream.linear.scatter [tilespmem:s16], [sflag:$0x1], $0x4000, $0x38;
	[tilespmem:$0x9000] =	vst v63  }
0x22: {  	_ =	swait.ge [sflag:s17], $0x4000  }
0x23: {  	[sflag:s17] =	ssyncset.done $0x0  }
0x24: {  	[sflag:s17] =	ssyncadd.s32 $0xFFFFC000  }
0x25: {  	[spmem:s7] =	stream.linear.scatter [tilespmem:s16], [sflag:$0x1], $0x4000, $0x38;
	[tilespmem:$0x9000] =	vst v63  }
0x26: {  	_ =	swait.ge [sflag:s17], $0x4000  }
0x27: {  	[sflag:s17] =	ssyncset.done $0x0  }
0x28: {  	[sflag:s17] =	ssyncadd.s32 $0xFFFFC000  }
0x29: {  	[spmem:s8] =	stream.linear.scatter [tilespmem:s16], [sflag:$0x1], $0x4000, $0x38;
	[tilespmem:$0x9000] =	vst v63  }
0x2a: {  	_ =	swait.ge [sflag:s17], $0x4000  }
0x2b: {  	[sflag:s17] =	ssyncset.done $0x0  }
0x2c: {  	s21 =	simm.s32 $0x200;
	s22 =	simm.s32 $0x0;
	[sflag:s17] =	ssyncadd.s32 $0xFFFFC000  }
.LBB2_4:
0x2d: {  	p0 =	sne.s32 s21, $0xFE00;
	[tilespmem:s22+$0x5000] =	vst v1;
	s22 =	smov.u32 s21;
	s21 =	sadd.s32 $0x200, s21  }
.Ltmp1:
0x2e: {  	(pc) =	sbr.rel @p0 .LBB2_4-.Ltmp1, $2  }
0x2f: {  	_ =	sdelay $0x2  }
0x30: {  	s22 =	sshra.s32 s22, $0x2  }
0x31: {  	[tilespmem:s22+$0x5000] =	vst v1;
	s21 =	simm.s32 $0x0  }
0x32: {  	[tilespmem:s18], [sflag:$0x1] =	stream.linear.gather [hbm4b:s9+s21], $0x2800, $0x38;
	[tilespmem:$0x9000] =	vst v63  }
0x33: {  	_ =	swait.ge [sflag:s17], $0x2800  }
0x34: {  	[sflag:s17] =	ssyncset.done $0x0  }
0x35: {  	[sflag:s17] =	ssyncadd.s32 $0xFFFFD800  }
0x36: {  	s31 =	simm.s32 $0x2800;
	[bflag:$0x0] =	sbarrier.arrive $0xFFFF  }
0x37: {  	[spmem:s2] =	stream.indirect.scatter.add.f32 [tilespmem:s16], [sflag:$0x1], $0x10, s31, s19, $0xb8;
	[tilespmem:$0x9000] =	vst v63  }
0x38: {  	s21 =	simm.s32 $0x200;
	_ =	swait.ge [sflag:s17], $0x800  }
.LBB2_6:
0x39: {  	s22 =	sshra.s32 s21, $0x2;
	[sflag:s17] =	ssyncset.done $0x0;
	p0 =	sne.s32 s21, $0x9E00  }
.Ltmp2:
0x3a: {  	s22 =	sadd.s32 $0x2800, s22;
	[sflag:s17] =	ssyncadd.s32 $0xFFFFF800;
	(pc) =	sbr.rel @p0 .LBB2_6-.Ltmp2, $3  }
0x3b: {  	[spmem:s2] =	stream.indirect.scatter.add.f32 [tilespmem:s16], [sflag:$0x1], $0x10, s22, s19, $0xb8;
	[tilespmem:$0x9000] =	vst v63  }
0x3c: {  	s21 =	sadd.s32 $0x200, s21;
	_ =	sdelay $0x1  }
0x3d: {  	_ =	swait.ge [sflag:s17], $0x800  }
0x3e: {  	[sflag:s17] =	ssyncset.done $0x0  }
0x3f: {  	[sflag:s17] =	ssyncadd.s32 $0xFFFFF800  }
0x40: {  	[bflag:$0x0] =	sbarrier.arrive $0xFFFF  }
0x41: {  	[tilespmem:s16], [sflag:$0x1] =	stream.linear.gather [spmem:s4], $0x4000, $0x38;
	[tilespmem:$0x9000] =	vst v63  }
0x42: {  	_ =	swait.ge [sflag:s17], $0x4000  }
0x43: {  	[sflag:s17] =	ssyncset.done $0x0  }
0x44: {  	[sflag:s17] =	ssyncadd.s32 $0xFFFFC000  }
0x45: {  	[hbm4b:s10+s3] =	stream.linear.scatter [tilespmem:s16], [sflag:$0x1], $0x4000, $0x38;
	[tilespmem:$0x9000] =	vst v63  }
0x46: {  	_ =	swait.ge [sflag:s17], $0x4000  }
0x47: {  	[sflag:s17] =	ssyncset.done $0x0  }
0x48: {  	[sflag:s17] =	ssyncadd.s32 $0xFFFFC000  }
0x49: {  	[tilespmem:s16], [sflag:$0x1] =	stream.linear.gather [spmem:s5], $0x4000, $0x38;
	[tilespmem:$0x9000] =	vst v63  }
0x4a: {  	_ =	swait.ge [sflag:s17], $0x4000  }
0x4b: {  	[sflag:s17] =	ssyncset.done $0x0  }
0x4c: {  	[sflag:s17] =	ssyncadd.s32 $0xFFFFC000  }
0x4d: {  	[hbm4b:s11+s3] =	stream.linear.scatter [tilespmem:s16], [sflag:$0x1], $0x4000, $0x38;
	[tilespmem:$0x9000] =	vst v63  }
0x4e: {  	_ =	swait.ge [sflag:s17], $0x4000  }
0x4f: {  	[sflag:s17] =	ssyncset.done $0x0  }
0x50: {  	[sflag:s17] =	ssyncadd.s32 $0xFFFFC000  }
0x51: {  	[tilespmem:s16], [sflag:$0x1] =	stream.linear.gather [spmem:s6], $0x4000, $0x38;
	[tilespmem:$0x9000] =	vst v63  }
0x52: {  	_ =	swait.ge [sflag:s17], $0x4000  }
0x53: {  	[sflag:s17] =	ssyncset.done $0x0  }
0x54: {  	[sflag:s17] =	ssyncadd.s32 $0xFFFFC000  }
0x55: {  	[hbm4b:s12+s3] =	stream.linear.scatter [tilespmem:s16], [sflag:$0x1], $0x4000, $0x38;
	[tilespmem:$0x9000] =	vst v63  }
0x56: {  	_ =	swait.ge [sflag:s17], $0x4000  }
0x57: {  	[sflag:s17] =	ssyncset.done $0x0  }
0x58: {  	[sflag:s17] =	ssyncadd.s32 $0xFFFFC000  }
0x59: {  	[tilespmem:s16], [sflag:$0x1] =	stream.linear.gather [spmem:s7], $0x4000, $0x38;
	[tilespmem:$0x9000] =	vst v63  }
0x5a: {  	_ =	swait.ge [sflag:s17], $0x4000  }
0x5b: {  	[sflag:s17] =	ssyncset.done $0x0  }
0x5c: {  	[sflag:s17] =	ssyncadd.s32 $0xFFFFC000  }
0x5d: {  	[hbm4b:s13+s3] =	stream.linear.scatter [tilespmem:s16], [sflag:$0x1], $0x4000, $0x38;
	[tilespmem:$0x9000] =	vst v63  }
0x5e: {  	_ =	swait.ge [sflag:s17], $0x4000  }
0x5f: {  	[sflag:s17] =	ssyncset.done $0x0  }
0x60: {  	[sflag:s17] =	ssyncadd.s32 $0xFFFFC000  }
0x61: {  	[tilespmem:s16], [sflag:$0x1] =	stream.linear.gather [spmem:s8], $0x4000, $0x38;
	[tilespmem:$0x9000] =	vst v63  }
0x62: {  	s20 =	sadd.s32 $0x1, s20;
	_ =	swait.ge [sflag:s17], $0x4000  }
0x63: {  	p0 =	sne.s32 s20, s15;
	[sflag:s17] =	ssyncset.done $0x0  }
.Ltmp3:
0x64: {  	[sflag:s17] =	ssyncadd.s32 $0xFFFFC000;
	(pc) =	sbr.rel @p0 .LBB2_1-.Ltmp3, $4  }
0x65: {  	[hbm4b:s14+s3] =	stream.linear.scatter [tilespmem:s16], [sflag:$0x1], $0x4000, $0x38;
	[tilespmem:$0x9000] =	vst v63  }
0x66: {  	_ =	swait.ge [sflag:s17], $0x4000  }
0x67: {  	[sflag:s17] =	ssyncset.done $0x0  }
0x68: {  	[sflag:s17] =	ssyncadd.s32 $0xFFFFC000  }
0x69: {  	_ =	sfence.sel $0x180000  }
0x6a: {  	[bflag:$0x0] =	sbarrier.arrive $0xFFFF  }
0x6b: {  	p0 =	sne.s32 s1, $0x0;
	_ =	strace $0x90000047  }
0x6c: {  	s0 =	sadd.s32 @!p0 $0x100000, s0;
	[bflag:$0x2] =	sbarrier.arrive $0xFFFF  }
0x6d: {  	[sflag:s0] =	ssyncadd.tile.s32 @!p0 $0x1;
	_ =	shalt  }
.Lfunc_end2:
_tile_overlayer_lowered:
.L_overlay_start_2:
0x6e: {  	(tag) =	ssettag $0x2  }
0x6f: {  	s0 =	rddreg [dreg:$0x0];
	s2 =	stileid.u32  }
0x70: {  	s1 =	rddreg [dreg:$0x1];
	p0 =	sne.s32 s2, $0x0  }
0x71: {  	s3 =	rddreg [dreg:$0x2];
	[bflag:$0x3] =	sbarrier.arrive $0xFFFF;
	s2 =	simm.s32 @!p0 $0x1C01  }
0x72: {  	[timem:s3], [sflag:s2] =	dma.local @!p0 [hbm:s0], s1  }
0x73: {  	s0 =	simm.s32 @!p0 $0x1  }
0x74: {  	_ =	swait.ge @!p0 [sflag:s0], s1  }
0x75: {  	s1 =	ssub.s32 @!p0 $0x0, s1;
	[sflag:s0] =	ssyncset.done @!p0 $0x0  }
0x76: {  	[sflag:s0] =	ssyncadd.s32 @!p0 s1  }
0x77: {  	[bflag:$0x3] =	sbarrier.arrive $0xFFFF  }
0x78: {  	_ =	shalt  }

// kernel: kernel.13.cloned.1.call-start
scs
__scs_entry_jumppad:
0x0: {  	(pc) =	sbr.rel $0x88, $3  }
0x1: {  	(tag) =	ssettag $0x0;
	lr =	simm.s32 $0x1  }
0x2: {  	[smem:$0x3F99] =	sst lr;
	_ =	strace $0xD0000000  }
0x3: {  	_ = 	snop  }
0x4: {  	_ = 	snop  }
0x5: {  	_ = 	snop  }
0x6: {  	_ = 	snop  }
0x7: {  	_ = 	snop  }
__scs_overlays_trampoline_lowered:
0x8: {  	[smem:$0x3FA8] =	sst s0  }
0x9: {  	[smem:$0x3FA9] =	sst s1  }
0xa: {  	[smem:$0x3FAA] =	sst s2  }
0xb: {  	[smem:$0x3FAB] =	sst s3  }
0xc: {  	[smem:$0x3FAC] =	sst s4  }
0xd: {  	[smem:$0x3FAD] =	sst s5  }
0xe: {  	[smem:$0x3FAE] =	sst s6  }
0xf: {  	[smem:$0x3FAF] =	sst s7  }
0x10: {  	[smem:$0x3FB0] =	sst s8  }
0x11: {  	[smem:$0x3FB1] =	sst s9;
	s0 =	simm.s32 @!p0 $0x0  }
0x12: {  	s1 =	sld [smem:$0x3F97];
	s0 =	simm.s32 @p0 $0x1  }
0x13: {  	[smem:$0x3FB2] =	sst s0;
	s0 =	simm.s32 @!p1 $0x0  }
0x14: {  	s2 =	sld [smem:$0x3F96];
	s0 =	simm.s32 @p1 $0x1  }
0x15: {  	[smem:$0x3FB3] =	sst s0;
	s0 =	simm.s32 @!p2 $0x0  }
0x16: {  	s3 =	sld [smem:$0x3FDB];
	s0 =	simm.s32 @p2 $0x1  }
0x17: {  	s4 =	simm.s32 $0x1BF5;
	[smem:$0x3FB5] =	sst s0  }
0x18: {  	s0 =	sld [smem:$0x3F98];
	_ =	swait.ge [sflag:s4], $0x0  }
0x19: {  	s7 =	sld [smem:$0x3F99]  }
0x1a: {  	s8 =	sadd.s32 $0xFFFFE003, lr  }
0x1b: {  	s9 =	sadd.s32 $0xFFFFFEF7, lr;
	s5 =	simm.s32 $0xFFFFFFFF;
	p2 =	slt.u32 s8, $0xFFFFF086  }
0x1c: {  	p1 =	slt.u32 s9, $0xF7A;
	s5 =	simm.s32 @!p2 $0x0  }
0x1d: {  	s5 =	simm.s32 @p1 $0x1;
	p0 =	seq.s32 s7, s2  }
0x1e: {  	s7 =	smul.u32 @!p0 $0xF7A, s2;
	p2 =	seq.s32 @!p0 s5, $0x0  }
0x1f: {  	s9 =	smul.u32 $0xF7A, s1;
	s8 =	simm.s32 @!p0 $0x1BF5;
	p2 =	por !p2, p0  }
0x20: {  	[sflag:s8] =	ssyncset.s32 @!p0 $0xFFFFF086;
	s6 =	sadd.s32 @!p0 s3, s7;
	s7 =	simm.s32 @!p0 $0x108  }
0x21: {  	s3 =	sadd.s32 s3, s9;
	s6 =	sadd.s32 @!p0 $0x88, s6;
	s7 =	simm.s32 @p2 $0x1082  }
0x22: {  	[simem:s7], [sflag:s8] =	dma.local @!p0 [hbm:s6], $0xF7A  }
0x23: {  	s9 =	sor.u32 $0xD0000000, s2;
	s6 =	simm.s32 $0x108;
	_ =	swait.ge @!p0 [sflag:s8], $0x0  }
0x24: {  	s3 =	sadd.s32 $0x88, s3;
	s6 =	simm.s32 @!p1 $0x1082;
	[sflag:s4] =	ssyncset.s32 $0xFFFFF086  }
0x25: {  	[simem:s6], [sflag:s4] =	dma.local [hbm:s3], $0xF7A  }
0x26: {  	[smem:$0x3F99] =	sst s1;
	(tag) =	ssettag s2;
	_ =	strace s9  }
0x27: {  	s1 =	sld [smem:$0x3FA9]  }
0x28: {  	s2 =	sld [smem:$0x3FAA]  }
0x29: {  	s4 =	sld [smem:$0x3FAC]  }
0x2a: {  	p0 =	seq.s32 s5, $0x0;
	s5 =	sld [smem:$0x3FAD]  }
0x2b: {  	s6 =	sld [smem:$0x3FAE]  }
0x2c: {  	s7 =	sld [smem:$0x3FAF]  }
0x2d: {  	s3 =	simm.s32 $0x108;
	s8 =	sld [smem:$0x3FB0]  }
0x2e: {  	s3 =	simm.s32 @!p0 $0x1082;
	s9 =	sld [smem:$0x3FB1]  }
0x2f: {  	lr =	sadd.s32 s0, s3;
	s0 =	sld [smem:$0x3FA8]  }
0x30: {  	s3 =	sld [smem:$0x3FAB]  }
0x31: {  	[smem:$0x3FB4] =	sst s10  }
0x32: {  	s10 =	sld [smem:$0x3FB2];
	_ =	sdelay $0x3  }
0x33: {  	p0 =	seq.s32 s10, $0x1;
	s10 =	sld [smem:$0x3FB4];
	_ =	sdelay $0x3  }
0x34: {  	[smem:$0x3FB4] =	sst s10  }
0x35: {  	s10 =	sld [smem:$0x3FB3];
	_ =	sdelay $0x3  }
0x36: {  	p1 =	seq.s32 s10, $0x1;
	s10 =	sld [smem:$0x3FB4];
	_ =	sdelay $0x3  }
0x37: {  	[smem:$0x3FB4] =	sst s10  }
0x38: {  	s10 =	sld [smem:$0x3FB5]  }
0x39: {  	_ = 	snop;
	(pc) =	sbr.ind lr, $3  }
0x3a: {  	_ = 	snop  }
0x3b: {  	_ = 	snop  }
0x3c: {  	p2 =	seq.s32 s10, $0x1;
	s10 =	sld [smem:$0x3FB4]  }
0x3d: {  	_ =	shalt  }
0x3e: {  	_ =	shalt  }
0x3f: {  	_ =	shalt  }
0x40: {  	_ =	shalt  }
0x41: {  	_ =	shalt  }
0x42: {  	_ =	shalt  }
0x43: {  	_ =	shalt  }
0x44: {  	_ =	shalt  }
0x45: {  	_ =	shalt  }
0x46: {  	_ =	shalt  }
0x47: {  	_ =	shalt  }
0x48: {  	_ =	shalt  }
0x49: {  	_ =	shalt  }
0x4a: {  	_ =	shalt  }
0x4b: {  	_ =	shalt  }
0x4c: {  	_ =	shalt  }
0x4d: {  	_ =	shalt  }
0x4e: {  	_ =	shalt  }
0x4f: {  	_ =	shalt  }
0x50: {  	_ =	shalt  }
0x51: {  	_ =	shalt  }
0x52: {  	_ =	shalt  }
0x53: {  	_ =	shalt  }
0x54: {  	_ =	shalt  }
0x55: {  	_ =	shalt  }
0x56: {  	_ =	shalt  }
0x57: {  	_ =	shalt  }
0x58: {  	_ =	shalt  }
0x59: {  	_ =	shalt  }
0x5a: {  	_ =	shalt  }
0x5b: {  	_ =	shalt  }
0x5c: {  	_ =	shalt  }
0x5d: {  	_ =	shalt  }
0x5e: {  	_ =	shalt  }
0x5f: {  	_ =	shalt  }
0x60: {  	_ =	shalt  }
0x61: {  	_ =	shalt  }
0x62: {  	_ =	shalt  }
0x63: {  	_ =	shalt  }
0x64: {  	_ =	shalt  }
0x65: {  	_ =	shalt  }
0x66: {  	_ =	shalt  }
0x67: {  	_ =	shalt  }
0x68: {  	_ =	shalt  }
0x69: {  	_ =	shalt  }
0x6a: {  	_ =	shalt  }
0x6b: {  	_ =	shalt  }
0x6c: {  	_ =	shalt  }
0x6d: {  	_ =	shalt  }
0x6e: {  	_ =	shalt  }
0x6f: {  	_ =	shalt  }
0x70: {  	_ =	shalt  }
0x71: {  	_ =	shalt  }
0x72: {  	_ =	shalt  }
0x73: {  	_ =	shalt  }
0x74: {  	_ =	shalt  }
0x75: {  	_ =	shalt  }
0x76: {  	_ =	shalt  }
0x77: {  	_ =	shalt  }
0x78: {  	_ =	shalt  }
0x79: {  	_ =	shalt  }
0x7a: {  	_ =	shalt  }
0x7b: {  	_ =	shalt  }
0x7c: {  	_ =	shalt  }
0x7d: {  	_ =	shalt  }
0x7e: {  	_ =	shalt  }
0x7f: {  	_ =	shalt  }
0x80: {  	_ =	shalt  }
0x81: {  	_ =	shalt  }
0x82: {  	_ =	shalt  }
0x83: {  	_ =	shalt  }
0x84: {  	_ =	shalt  }
0x85: {  	_ =	shalt  }
0x86: {  	_ =	shalt  }
0x87: {  	_ =	shalt  }
.Lfunc_end0:
.L_simem_size_0:
called_computation.1_lowered:
.L_overlay_start_0:
0x88: {  	s2 =	sld [smem:$0x3FD9]  }
0x89: {  	s3 =	sld [smem:$0x3FFE];
	_ =	sdelay $0x1  }
0x8a: {  	s1 =	srdreg.scid  }
0x8b: {  	s0 =	sand.u32 $0x1, s1  }
0x8c: {  	s17 =	sshll.u32 s0, $0xA;
	s2 =	sadd.s32 s3, s2  }
0x8d: {  	s2 =	sadd.s32 s2, s17  }
0x8e: {  	[smem:$0x3FC0] =	sst s2  }
0x8f: {  	_ = 	snop  }
0x90: {  	s2 =	sld [smem:$0x3FD0];
	(tm) =	ssettm $0x1  }
0x91: {  	s18 =	sld [smem:$0x3FFB];
	_ =	sdelay $0x3  }
0x92: {  	_ =	strace s18  }
0x93: {  	s3 =	sld [smem:$0x3FFC];
	_ =	sdelay $0x3  }
0x94: {  	_ =	strace s3  }
0x95: {  	s3 =	sld [smem:$0x3FFD];
	_ =	sdelay $0x3  }
0x96: {  	_ =	strace s3  }
0x97: {  	_ =	strace $0x8FFFFFFF  }
0x98: {  	s19 =	sld [smem:$0x3FDB];
	_ =	sdelay $0x1  }
0x99: {  	s4 =	simm.s32 $_scs_section_size  }
0x9a: {  	s5 =	simm.s32 $_size__tile_overlayer_lowered;
	s6 =	simm.s32 $_tile_overlayer_lowered  }
0x9b: {  	s22 =	simm.s32 $0x1BFF;
	s21 =	sshll.u32 s6, $0x1;
	s3 =	sadd.s32 s4, s19  }
0x9c: {  	s7 =	simm.s32 $0x0;
	s20 =	sshll.u32 s5, $0x1;
	s5 =	sadd.s32 s21, s3  }
0x9d: {  	[timem:s7], [sflag:s22] =	dma.local [hbm:s5], s20  }
0x9e: {  	_ =	swait.ge [sflag:s22], s20  }
0x9f: {  	s4 =	ssub.s32 $0x0, s20;
	[sflag:s22] =	ssyncset.done $0x0  }
0xa0: {  	[sflag:s22] =	ssyncadd.s32 s4;
	_ =	sdelay $0x1  }
0xa1: {  	s23 =	simm.s32 $0x1B8B  }
0xa2: {  	_ =	swait.ge [sflag:s23], $0x1  }
0xa3: {  	[sflag:s23] =	ssyncset.done $0x0  }
0xa4: {  	s25 =	simm.s32 $0x1B8E;
	s24 =	sld [smem:$0x3FFE];
	[sflag:s23] =	ssyncadd.s32 $0xFFFFFFFF  }
0xa5: {  	s26 =	simm.s32 $execute0_lowered;
	[smem:$0x3FD2] =	sst s25  }
0xa6: {  	s5 =	sshll.u32 s26, $0x1;
	_ =	strace $0x80000049;
	[dreg:$0x1] =	wrdreg $0xFFFFFFFF  }
0xa7: {  	s28 =	simm.s32 $_size_execute0_lowered;
	s3 =	sadd.s32 s3, s5;
	[dreg:$0x0] =	wrdreg $0x0  }
0xa8: {  	s5 =	sshll.u32 s28, $0x1;
	[dreg:$0x2] =	wrdreg s3  }
0xa9: {  	[dreg:$0x3] =	wrdreg s5  }
0xaa: {  	[dreg:$0x4] =	wrdreg $0xC0  }
0xab: {  	_ =	task [dreg:s7], $0x5FFFF  }
0xac: {  	[dreg:$0x1] =	wrdreg $0xFFFFFFFF  }
0xad: {  	[dreg:$0x0] =	wrdreg $0x60  }
0xae: {  	[dreg:$0x2] =	wrdreg s24  }
0xaf: {  	[dreg:$0x3] =	wrdreg s2  }
0xb0: {  	[dreg:$0x4] =	wrdreg $0x0  }
0xb1: {  	[dreg:$0x5] =	wrdreg $0x9  }
0xb2: {  	_ =	task.clear_ibuf [dreg:s7], $0x6FFFF;
	_ =	strace $0x90000049  }
0xb3: {  	s29 =	simm.s32 $0x9;
	_ =	strace $0x8000004B  }
0xb4: {  	_ =	swait.ge [sflag:s29], $0x1  }
0xb5: {  	[sflag:s29] =	ssyncadd.s32 $0xFFFFFFFF  }
0xb6: {  	_ =	strace $0x9000004B  }
0xb7: {  	_ =	sfence  }
0xb8: {  	s30 =	sld [smem:$0x0];
	_ =	sdelay $0x2  }
0xb9: {  	s31 =	sshll.u32 s1, $0xD;
	s1 =	sshrl.u32 s1, $0x2  }
0xba: {  	s3 =	sand.u32 $0x4000, s31;
	s1 =	sadd.s32 s1, s30  }
0xbb: {  	s0 =	sor.u32 s3, s0;
	s1 =	sshll.u32 s1, $0x11  }
0xbc: {  	s0 =	sor.u32 s1, s0  }
0xbd: {  	s0 =	sadd.s32 $0x8F2B, s0  }
0xbe: {  	[sflag:s0] =	ssyncadd.remote.s32 $0x1  }
0xbf: {  	_ =	sfence.sel $0xFFFF  }
0xc0: {  	[dreg:$0x0] =	wrdreg $0xFFFFFFFF;
	(pc) =	sbr.abs _section_cstart, $3  }
0xc1: {  	[dreg:$0x1] =	wrdreg $0xFFFFFFFF  }
0xc2: {  	_ =	task.clear_ibuf [dreg:s7], $0x2FFFF;
	_ =	strace $0x9FFFFFFF  }
0xc3: {  	(tm) =	ssettm $0x7FFFFFFF  }
tec
execute0_lowered:
.L_overlay_start_1:
0x0: {  	(tag) =	ssettag $0x1  }
0x1: {  	s0 =	rddreg [dreg:$0x0]  }
0x2: {  	s1 =	rddreg [dreg:$0x1]  }
0x3: {  	s2 =	srdreg.scid;
	s18 =	stileid.u32  }
0x4: {  	s3 =	rddreg [dreg:$0x2];
	s5 =	smul.u32 $0x13C00, s18  }
0x5: {  	s28 =	simm.s32 $0x0;
	s2 =	sand.u32 $0x1, s2;
	s30 =	smul.u32 $0x2880, s18  }
0x6: {  	s10 =	sadd.s32 $0x577800, s0;
	s11 =	sadd.s32 $0x67800, s0;
	s13 =	smul.u32 $0x13C000, s2  }
0x7: {  	s4 =	sshll.u32 s2, $0x4;
	s6 =	ssub.s32 $0x2, s2;
	s29 =	smul.u32 $0x28800, s2  }
0x8: {  	s2 =	smul.u32 $0x288000, s2;
	s7 =	sor.u32 s18, s4;
	s4 =	simm.s32 $0x0  }
0x9: {  	s8 =	sshrl.u32 s6, $0x1;
	s16 =	sadd.s32 $0x4000, s5;
	s17 =	sadd.s32 $0x8000, s5  }
0xa: {  	s20 =	sadd.s32 $0xC000, s5;
	s21 =	sadd.s32 $0x10000, s5;
	s9 =	smul.u32 $0x2880, s7  }
0xb: {  	s6 =	ssub.s32 s6, s8;
	s7 =	smul.u32 $0x28800, s7;
	s23 =	sadd.s32 s5, s13  }
0xc: {  	s14 =	sadd.s32 s13, s16;
	s15 =	sadd.s32 s13, s17;
	s26 =	sadd.s32 s13, s20  }
0xd: {  	s13 =	sadd.s32 s13, s21;
	s2 =	sadd.s32 s2, s11;
	[smem:$0x7FF] =	sst s4  }
0xe: {  	s20 =	sadd.s32 s20, s3;
	s21 =	sadd.s32 s21, s3;
	s14 =	sshrl.u32 s14, $0x3  }
0xf: {  	s15 =	sshrl.u32 s15, $0x3;
	s13 =	sshrl.u32 s13, $0x3;
	s7 =	sadd.s32 s11, s7  }
0x10: {  	s8 =	sadd.s32 $0x80, s9;
	s24 =	sadd.s32 s10, s14;
	[dreg:$0x4] =	wrdreg s7  }
0x11: {  	s12 =	sadd.s32 $0x100, s9;
	s25 =	sadd.s32 s10, s15;
	[dreg:$0x6] =	wrdreg s24  }
0x12: {  	s13 =	sadd.s32 s10, s13;
	s14 =	sadd.s32 $0x5D600, s0;
	[dreg:$0x7] =	wrdreg s25  }
0x13: {  	s7 =	sshrl.u32 s23, $0x3;
	[dreg:$0x9] =	wrdreg s13;
	s19 =	sshll.u32 s8, $0x4  }
0x14: {  	s22 =	sshll.u32 s12, $0x4;
	s24 =	smul.u32 $0x28800, s18;
	s7 =	sadd.s32 s10, s7  }
0x15: {  	s25 =	smul.u32 $0x4F000, s18;
	s23 =	sadd.s32 s11, s22;
	[dreg:$0x5] =	wrdreg s7  }
0x16: {  	s8 =	sshrl.u32 s8, $0x3;
	s7 =	sshrl.u32 s26, $0x3;
	[dreg:$0xb] =	wrdreg s23  }
0x17: {  	s13 =	sadd.s32 s24, s2;
	s26 =	sshrl.u32 s5, $0x3;
	s5 =	sshrl.u32 s9, $0x3  }
0x18: {  	s9 =	sshrl.u32 s12, $0x3;
	s24 =	smax.u32 s6, $0x1;
	s6 =	simm.s32 $0x7  }
0x19: {  	s7 =	sadd.s32 s10, s7;
	s10 =	sadd.s32 s30, s29;
	s2 =	sadd.s32 s26, s0  }
0x1a: {  	s29 =	sshrl.u32 s25, $0x2;
	s12 =	sadd.s32 s1, s5;
	s22 =	sadd.s32 s14, s9  }
0x1b: {  	[dreg:$0x8] =	wrdreg s7;
	s7 =	sadd.s32 s11, s19;
	s15 =	sadd.s32 s29, s3  }
0x1c: {  	s30 =	sadd.s32 $0x3600, s2;
	s2 =	sshll.u32 s18, $0x6;
	[dreg:$0xa] =	wrdreg s7  }
0x1d: {  	s0 =	sor.u32 $0x1C07, s2;
	_ =	strace $0x8000004A;
	[dreg:$0xc] =	wrdreg s30  }
0x1e: {  	s11 =	sadd.s32 s16, s3;
	s19 =	sadd.s32 s17, s3;
	[dreg:$0xd] =	wrdreg s0  }
0x1f: {  	s16 =	sadd.s32 s1, s8;
	s17 =	sadd.s32 s14, s8;
	[dreg:$0xe] =	wrdreg s11  }
0x20: {  	s18 =	sadd.s32 s1, s9;
	s23 =	sadd.s32 $0x280, s10;
	[dreg:$0xf] =	wrdreg s12  }
0x21: {  	s25 =	sadd.s32 $0x200, s10;
	s31 =	sadd.s32 $0x180, s10;
	[dreg:$0x11] =	wrdreg s16  }
0x22: {  	s8 =	simm.s32 $0x80;
	s9 =	simm.s32 $0x13C00;
	[dreg:$0x12] =	wrdreg s17  }
0x23: {  	s10 =	simm.s32 $0x1FC80;
	s2 =	sshrl.u32 s25, $0x3;
	[dreg:$0x13] =	wrdreg s18  }
0x24: {  	s7 =	simm.s32 $0x1FC00;
	s25 =	simm.s32 $0x5;
	[dreg:$0x14] =	wrdreg s22  }
0x25: {  	s0 =	sadd.s32 s14, s5;
	[dreg:$0x15] =	wrdreg s24;
	s29 =	sadd.s32 s2, s1  }
0x26: {  	s30 =	sadd.s32 s2, s14;
	s11 =	simm.s32 $0x17C00;
	s12 =	simm.s32 $0x1FD00  }
.Ltmp0:
0x27: {  	s16 =	simm.s32 $0x1BC00;
	[dreg:$0x10] =	wrdreg s0;
	(pc) =	sbr.rel .LBB2_1-.Ltmp0, $4  }
0x28: {  	s17 =	simm.s32 $0x1;
	s0 =	sshrl.u32 s23, $0x3;
	[dreg:$0x18] =	wrdreg s29  }
0x29: {  	s22 =	simm.s32 $0x2;
	[dreg:$0x19] =	wrdreg s30;
	s26 =	sadd.s32 s0, s1  }
0x2a: {  	s24 =	simm.s32 $0x4;
	s0 =	sadd.s32 s0, s14;
	[dreg:$0x16] =	wrdreg s26  }
0x2b: {  	v0 =	vimm.f32 $0.0e+00;
	s23 =	simm.s32 $0x3;
	[dreg:$0x17] =	wrdreg s0;
	s26 =	simm.s32 $0x6  }
.LBB2_9:
0x2c: {  	_ =	swait.ge [sflag:s25], $0x4000  }
0x2d: {  	[sflag:s25] =	ssyncset.done $0x0  }
0x2e: {  	[sflag:s25] =	ssyncadd.s32 $0xFFFFC000  }
0x2f: {  	_ =	swait.ge [sflag:s26], $0x4000  }
0x30: {  	[sflag:s26] =	ssyncset.done $0x0  }
0x31: {  	[sflag:s26] =	ssyncadd.s32 $0xFFFFC000  }
0x32: {  	[bflag:$0x0] =	sbarrier.arrive $0xFFFF  }
0x33: {  	[tilespmem:s9], [sflag:$0x7] =	stream.linear.gather [spmem:s15], $0x4000, $0x38;
	[tilespmem:$0x1FD80] =	vst v63  }
0x34: {  	_ =	swait.ge [sflag:s6], $0x4000  }
0x35: {  	[sflag:s6] =	ssyncset.done $0x0  }
0x36: {  	s0 =	rddreg [dreg:$0x5];
	[sflag:s6] =	ssyncadd.s32 $0xFFFFC000  }
0x37: {  	[hbm4b:s0+s4] =	stream.linear.scatter [tilespmem:s9], [sflag:$0x7], $0x4000, $0x38;
	[tilespmem:$0x1FD80] =	vst v63  }
0x38: {  	_ =	swait.ge [sflag:s6], $0x4000  }
0x39: {  	[sflag:s6] =	ssyncset.done $0x0  }
0x3a: {  	s30 =	rddreg [dreg:$0xe];
	[sflag:s6] =	ssyncadd.s32 $0xFFFFC000  }
0x3b: {  	[tilespmem:s9], [sflag:$0x7] =	stream.linear.gather [spmem:s30], $0x4000, $0x38;
	[tilespmem:$0x1FD80] =	vst v63  }
0x3c: {  	_ =	swait.ge [sflag:s6], $0x4000  }
0x3d: {  	[sflag:s6] =	ssyncset.done $0x0  }
0x3e: {  	s2 =	rddreg [dreg:$0x6];
	[sflag:s6] =	ssyncadd.s32 $0xFFFFC000  }
0x3f: {  	[hbm4b:s2+s4] =	stream.linear.scatter [tilespmem:s9], [sflag:$0x7], $0x4000, $0x38;
	[tilespmem:$0x1FD80] =	vst v63  }
0x40: {  	_ =	swait.ge [sflag:s6], $0x4000  }
0x41: {  	[sflag:s6] =	ssyncset.done $0x0  }
0x42: {  	[sflag:s6] =	ssyncadd.s32 $0xFFFFC000  }
0x43: {  	[tilespmem:s9], [sflag:$0x7] =	stream.linear.gather [spmem:s19], $0x4000, $0x38;
	[tilespmem:$0x1FD80] =	vst v63  }
0x44: {  	_ =	swait.ge [sflag:s6], $0x4000  }
0x45: {  	[sflag:s6] =	ssyncset.done $0x0  }
0x46: {  	s5 =	rddreg [dreg:$0x7];
	[sflag:s6] =	ssyncadd.s32 $0xFFFFC000  }
0x47: {  	[hbm4b:s5+s4] =	stream.linear.scatter [tilespmem:s9], [sflag:$0x7], $0x4000, $0x38;
	[tilespmem:$0x1FD80] =	vst v63  }
0x48: {  	_ =	swait.ge [sflag:s6], $0x4000  }
0x49: {  	[sflag:s6] =	ssyncset.done $0x0  }
0x4a: {  	[sflag:s6] =	ssyncadd.s32 $0xFFFFC000  }
0x4b: {  	[tilespmem:s9], [sflag:$0x7] =	stream.linear.gather [spmem:s20], $0x4000, $0x38;
	[tilespmem:$0x1FD80] =	vst v63  }
0x4c: {  	_ =	swait.ge [sflag:s6], $0x4000  }
0x4d: {  	[sflag:s6] =	ssyncset.done $0x0  }
0x4e: {  	s18 =	rddreg [dreg:$0x8];
	[sflag:s6] =	ssyncadd.s32 $0xFFFFC000  }
0x4f: {  	[hbm4b:s18+s4] =	stream.linear.scatter [tilespmem:s9], [sflag:$0x7], $0x4000, $0x38;
	[tilespmem:$0x1FD80] =	vst v63  }
0x50: {  	_ =	swait.ge [sflag:s6], $0x4000  }
0x51: {  	[sflag:s6] =	ssyncset.done $0x0  }
0x52: {  	[sflag:s6] =	ssyncadd.s32 $0xFFFFC000  }
0x53: {  	[tilespmem:s9], [sflag:$0x7] =	stream.linear.gather [spmem:s21], $0x3C00, $0x38;
	[tilespmem:$0x1FD80] =	vst v63  }
0x54: {  	_ =	swait.ge [sflag:s6], $0x3C00  }
0x55: {  	[sflag:s6] =	ssyncset.done $0x0  }
0x56: {  	s29 =	rddreg [dreg:$0x9];
	[sflag:s6] =	ssyncadd.s32 $0xFFFFC400  }
0x57: {  	[hbm4b:s29+s4] =	stream.linear.scatter [tilespmem:s9], [sflag:$0x7], $0x3C00, $0x38;
	[tilespmem:$0x1FD80] =	vst v63  }
0x58: {  	_ =	swait.ge [sflag:s6], $0x3C00  }
0x59: {  	s28 =	sadd.s32 $0x1, s28;
	s30 =	rddreg [dreg:$0x15]  }
0x5a: {  	p0 =	sne.s32 s28, s30  }
.Ltmp1:
0x5b: {  	_ = 	snop;
	(pc) =	sbr.rel @!p0 .LBB2_10-.Ltmp1, $3  }
0x5c: {  	_ =	sdelay $0x1  }
0x5d: {  	[sflag:s6] =	ssyncset.done $0x0  }
0x5e: {  	[sflag:s6] =	ssyncadd.s32 $0xFFFFC400  }
.LBB2_1:
0x5f: {  	s0 =	rddreg [dreg:$0xc]  }
0x60: {  	s2 =	sshrl.u32 s15, $0x3;
	s5 =	rddreg [dreg:$0xd]  }
0x61: {  	[spmem:s2], [sflag:s5] =	dma.local [hbm:s0], $0x2780  }
0x62: {  	_ =	swait.ge [sflag:s6], $0x2780  }
0x63: {  	[sflag:s6] =	ssyncset.done $0x0  }
0x64: {  	[sflag:s6] =	ssyncadd.s32 $0xFFFFD880  }
0x65: {  	[bflag:$0x0] =	sbarrier.arrive $0xFFFF  }
0x66: {  	s2 =	rddreg [dreg:$0xf]  }
0x67: {  	[tilespmem:s7], [sflag:$0x7] =	stream.linear.gather [hbm4b:s2+s4], $0x80, $0x38;
	[tilespmem:$0x1FD80] =	vst v63  }
0x68: {  	_ =	swait.ge [sflag:s6], $0x80  }
0x69: {  	[sflag:s6] =	ssyncset.done $0x0  }
0x6a: {  	[sflag:s6] =	ssyncadd.s32 $0xFFFFFF80  }
0x6b: {  	[tilespmem:s9], [sflag:$0x1] =	stream.indirect.gather [spmem:s3], $0x80, s7, s8, $0xb8;
	[tilespmem:$0x1FD80] =	vst v63  }
0x6c: {  	s5 =	rddreg [dreg:$0x11]  }
0x6d: {  	[tilespmem:s10], [sflag:$0x7] =	stream.linear.gather [hbm4b:s5+s4], $0x80, $0x38;
	[tilespmem:$0x1FD80] =	vst v63  }
0x6e: {  	_ =	swait.ge [sflag:s6], $0x80  }
0x6f: {  	[sflag:s6] =	ssyncset.done $0x0  }
0x70: {  	[sflag:s6] =	ssyncadd.s32 $0xFFFFFF80  }
0x71: {  	[tilespmem:s11], [sflag:$0x2] =	stream.indirect.gather [spmem:s3], $0x80, s10, s8, $0xb8;
	[tilespmem:$0x1FD80] =	vst v63  }
0x72: {  	s18 =	rddreg [dreg:$0x13]  }
0x73: {  	[tilespmem:s12], [sflag:$0x7] =	stream.linear.gather [hbm4b:s18+s4], $0x80, $0x38;
	[tilespmem:$0x1FD80] =	vst v63  }
0x74: {  	_ =	swait.ge [sflag:s6], $0x80  }
0x75: {  	s29 =	simm.s32 $0x0;
	[sflag:s6] =	ssyncset.done $0x0;
	s5 =	rddreg [dreg:$0x18]  }
0x76: {  	s30 =	smov.u32 s31;
	s2 =	rddreg [dreg:$0x16];
	[sflag:s6] =	ssyncadd.s32 $0xFFFFFF80  }
0x77: {  	[tilespmem:s16], [sflag:$0x3] =	stream.indirect.gather [spmem:s3], $0x80, s12, s8, $0xb8;
	[tilespmem:$0x1FD80] =	vst v63  }
.LBB2_2:
0x78: {  	_ =	swait.ge [sflag:s17], $0x4000  }
0x79: {  	[sflag:s17] =	ssyncset.done $0x0  }
0x7a: {  	s0 =	sadd.s32 s29, s13;
	[sflag:s17] =	ssyncadd.s32 $0xFFFFC000  }
0x7b: {  	[hbm4b:s0+s4] =	stream.linear.scatter [tilespmem:s9], [sflag:$0x4], $0x4000, $0x38;
	[tilespmem:$0x1FD80] =	vst v63  }
0x7c: {  	_ =	swait.ge [sflag:s22], $0x4000  }
0x7d: {  	[sflag:s22] =	ssyncset.done $0x0  }
0x7e: {  	s18 =	sadd.s32 $0x800, s0;
	[sflag:s22] =	ssyncadd.s32 $0xFFFFC000  }
0x7f: {  	[hbm4b:s18+s4] =	stream.linear.scatter [tilespmem:s11], [sflag:$0x5], $0x4000, $0x38;
	[tilespmem:$0x1FD80] =	vst v63  }
0x80: {  	_ =	swait.ge [sflag:s23], $0x4000  }
0x81: {  	p0 =	seq.s32 s29, $0x27000;
	[sflag:s23] =	ssyncset.done $0x0  }
.Ltmp2:
0x82: {  	s0 =	sadd.s32 $0x1000, s0;
	[sflag:s23] =	ssyncadd.s32 $0xFFFFC000;
	(pc) =	sbr.rel @p0 .LBB2_4-.Ltmp2, $4  }
0x83: {  	[hbm4b:s0+s4] =	stream.linear.scatter [tilespmem:s16], [sflag:$0x6], $0x4000, $0x38;
	[tilespmem:$0x1FD80] =	vst v63  }
0x84: {  	_ =	swait.ge [sflag:s24], $0x4000  }
0x85: {  	[sflag:s24] =	ssyncset.done $0x0  }
0x86: {  	[sflag:s24] =	ssyncadd.s32 $0xFFFFC000  }
0x87: {  	s0 =	sshrl.u32 s30, $0x3  }
0x88: {  	s0 =	sadd.s32 s1, s0  }
0x89: {  	[tilespmem:s7], [sflag:$0x7] =	stream.linear.gather [hbm4b:s0+s4], $0x80, $0x38;
	[tilespmem:$0x1FD80] =	vst v63  }
0x8a: {  	_ =	swait.ge [sflag:s6], $0x80  }
0x8b: {  	[sflag:s6] =	ssyncset.done $0x0  }
0x8c: {  	[sflag:s6] =	ssyncadd.s32 $0xFFFFFF80  }
0x8d: {  	[tilespmem:s9], [sflag:$0x1] =	stream.indirect.gather [spmem:s3], $0x80, s7, s8, $0xb8;
	[tilespmem:$0x1FD80] =	vst v63  }
0x8e: {  	_ =	swait.ge [sflag:s25], $0x4000  }
0x8f: {  	[sflag:s25] =	ssyncset.done $0x0  }
0x90: {  	[sflag:s25] =	ssyncadd.s32 $0xFFFFC000  }
0x91: {  	[tilespmem:s10], [sflag:$0x7] =	stream.linear.gather [hbm4b:s5+s4], $0x80, $0x38;
	[tilespmem:$0x1FD80] =	vst v63  }
0x92: {  	_ =	swait.ge [sflag:s6], $0x80  }
0x93: {  	[sflag:s6] =	ssyncset.done $0x0  }
0x94: {  	[sflag:s6] =	ssyncadd.s32 $0xFFFFFF80  }
0x95: {  	[tilespmem:s11], [sflag:$0x2] =	stream.indirect.gather [spmem:s3], $0x80, s10, s8, $0xb8;
	[tilespmem:$0x1FD80] =	vst v63  }
0x96: {  	_ =	swait.ge [sflag:s26], $0x4000  }
0x97: {  	[sflag:s26] =	ssyncset.done $0x0  }
0x98: {  	[sflag:s26] =	ssyncadd.s32 $0xFFFFC000  }
0x99: {  	[tilespmem:s12], [sflag:$0x7] =	stream.linear.gather [hbm4b:s2+s4], $0x80, $0x38;
	[tilespmem:$0x1FD80] =	vst v63  }
.Ltmp3:
0x9a: {  	_ = 	snop;
	(pc) =	sbr.rel .LBB2_2-.Ltmp3, $4  }
0x9b: {  	_ =	swait.ge [sflag:s6], $0x80  }
0x9c: {  	s30 =	sadd.s32 $0x180, s30;
	s29 =	sadd.s32 $0x1800, s29;
	[sflag:s6] =	ssyncset.done $0x0  }
0x9d: {  	s5 =	sadd.s32 $0x30, s5;
	s2 =	sadd.s32 $0x30, s2;
	[sflag:s6] =	ssyncadd.s32 $0xFFFFFF80  }
0x9e: {  	[tilespmem:s16], [sflag:$0x3] =	stream.indirect.gather [spmem:s3], $0x80, s12, s8, $0xb8;
	[tilespmem:$0x1FD80] =	vst v63  }
.LBB2_4:
0x9f: {  	_ =	swait.ge [sflag:s25], $0x4000  }
0xa0: {  	[sflag:s25] =	ssyncset.done $0x0  }
0xa1: {  	[sflag:s25] =	ssyncadd.s32 $0xFFFFC000  }
0xa2: {  	s2 =	simm.s32 $0x0;
	_ =	swait.ge [sflag:s26], $0x4000  }
0xa3: {  	s0 =	sand.u32 $0xFE00, s2;
	[sflag:s26] =	ssyncset.done $0x0  }
0xa4: {  	s18 =	sand.u32 $0x70, s2;
	s0 =	sshrl.u32 s0, $0x2;
	[sflag:s26] =	ssyncadd.s32 $0xFFFFC000  }
0xa5: {  	s5 =	simm.s32 $0x40;
	s29 =	sor.u32 s18, s0;
	[bflag:$0x0] =	sbarrier.arrive $0xFFFF  }
.LBB2_5:
0xa6: {  	p0 =	sne.s32 s5, $0xFFC0  }
0xa7: {  	[tilespmem:s29+$0x13C00] =	vst v0;
	s2 =	sadd.s32 $0x10, s2;
	s0 =	smov.u32 s5;
	s5 =	sadd.s32 $0x40, s5  }
.Ltmp4:
0xa8: {  	(pc) =	sbr.rel @p0 .LBB2_5-.Ltmp4, $4  }
0xa9: {  	_ = 	snop  }
0xaa: {  	s0 =	sand.u32 $0xFE00, s0  }
0xab: {  	s18 =	sand.u32 $0x70, s2;
	s0 =	sshrl.u32 s0, $0x2  }
0xac: {  	s29 =	sor.u32 s18, s0  }
0xad: {  	[tilespmem:s29+$0x13C00] =	vst v0  }
0xae: {  	[spmem:s15] =	stream.linear.scatter [tilespmem:s9], [sflag:$0x7], $0x4000, $0x38;
	[tilespmem:$0x1FD80] =	vst v63  }
0xaf: {  	_ =	swait.ge [sflag:s6], $0x4000  }
0xb0: {  	[sflag:s6] =	ssyncset.done $0x0  }
0xb1: {  	s0 =	rddreg [dreg:$0xe];
	[sflag:s6] =	ssyncadd.s32 $0xFFFFC000  }
0xb2: {  	[spmem:s0] =	stream.linear.scatter [tilespmem:s9], [sflag:$0x7], $0x4000, $0x38;
	[tilespmem:$0x1FD80] =	vst v63  }
0xb3: {  	_ =	swait.ge [sflag:s6], $0x4000  }
0xb4: {  	[sflag:s6] =	ssyncset.done $0x0  }
0xb5: {  	[sflag:s6] =	ssyncadd.s32 $0xFFFFC000  }
0xb6: {  	[spmem:s19] =	stream.linear.scatter [tilespmem:s9], [sflag:$0x7], $0x4000, $0x38;
	[tilespmem:$0x1FD80] =	vst v63  }
0xb7: {  	_ =	swait.ge [sflag:s6], $0x4000  }
0xb8: {  	[sflag:s6] =	ssyncset.done $0x0  }
0xb9: {  	[sflag:s6] =	ssyncadd.s32 $0xFFFFC000  }
0xba: {  	[spmem:s20] =	stream.linear.scatter [tilespmem:s9], [sflag:$0x7], $0x4000, $0x38;
	[tilespmem:$0x1FD80] =	vst v63  }
0xbb: {  	_ =	swait.ge [sflag:s6], $0x4000  }
0xbc: {  	[sflag:s6] =	ssyncset.done $0x0  }
0xbd: {  	[sflag:s6] =	ssyncadd.s32 $0xFFFFC000  }
0xbe: {  	[spmem:s21] =	stream.linear.scatter [tilespmem:s9], [sflag:$0x7], $0x3C00, $0x38;
	[tilespmem:$0x1FD80] =	vst v63  }
0xbf: {  	_ =	swait.ge [sflag:s6], $0x3C00  }
0xc0: {  	[sflag:s6] =	ssyncset.done $0x0  }
0xc1: {  	[sflag:s6] =	ssyncadd.s32 $0xFFFFC400  }
0xc2: {  	[bflag:$0x0] =	sbarrier.arrive $0xFFFF  }
0xc3: {  	s29 =	simm.s32 $0x0;
	s2 =	rddreg [dreg:$0x10]  }
0xc4: {  	[tilespmem:s7], [sflag:$0x7] =	stream.linear.gather [hbm4b:s2+s29], $0x80, $0x38;
	[tilespmem:$0x1FD80] =	vst v63  }
0xc5: {  	_ =	swait.ge [sflag:s6], $0x80  }
0xc6: {  	[sflag:s6] =	ssyncset.done $0x0  }
0xc7: {  	s5 =	rddreg [dreg:$0x4];
	[sflag:s6] =	ssyncadd.s32 $0xFFFFFF80  }
0xc8: {  	[tilespmem:s9], [sflag:$0x1] =	stream.linear.gather [hbm4b:s5+s29], $0x4000, $0x38;
	[tilespmem:$0x1FD80] =	vst v63  }
0xc9: {  	s18 =	rddreg [dreg:$0x12]  }
0xca: {  	[tilespmem:s10], [sflag:$0x7] =	stream.linear.gather [hbm4b:s18+s29], $0x80, $0x38;
	[tilespmem:$0x1FD80] =	vst v63  }
0xcb: {  	_ =	swait.ge [sflag:s6], $0x80  }
0xcc: {  	[sflag:s6] =	ssyncset.done $0x0  }
0xcd: {  	s2 =	rddreg [dreg:$0xa];
	[sflag:s6] =	ssyncadd.s32 $0xFFFFFF80  }
0xce: {  	[tilespmem:s11], [sflag:$0x2] =	stream.linear.gather [hbm4b:s2+s29], $0x4000, $0x38;
	[tilespmem:$0x1FD80] =	vst v63  }
0xcf: {  	s5 =	rddreg [dreg:$0x14]  }
0xd0: {  	[tilespmem:s12], [sflag:$0x7] =	stream.linear.gather [hbm4b:s5+s29], $0x80, $0x38;
	[tilespmem:$0x1FD80] =	vst v63  }
0xd1: {  	_ =	swait.ge [sflag:s6], $0x80  }
0xd2: {  	s18 =	rddreg [dreg:$0xb]  }
0xd3: {  	[sflag:s6] =	ssyncset.done $0x0;
	s5 =	rddreg [dreg:$0x19]  }
0xd4: {  	s30 =	smov.u32 s31;
	s2 =	rddreg [dreg:$0x17];
	[sflag:s6] =	ssyncadd.s32 $0xFFFFFF80  }
0xd5: {  	[tilespmem:s16], [sflag:$0x3] =	stream.linear.gather [hbm4b:s18+s29], $0x4000, $0x38;
	[tilespmem:$0x1FD80] =	vst v63  }
.LBB2_7:
0xd6: {  	_ =	swait.ge [sflag:s17], $0x4000  }
0xd7: {  	[sflag:s17] =	ssyncset.done $0x0  }
0xd8: {  	[sflag:s17] =	ssyncadd.s32 $0xFFFFC000  }
0xd9: {  	[spmem:s3] =	stream.indirect.scatter.add.f32 [tilespmem:s9], [sflag:$0x4], $0x80, s7, s8, $0xb8;
	[tilespmem:$0x1FD80] =	vst v63  }
0xda: {  	_ =	swait.ge [sflag:s22], $0x4000  }
0xdb: {  	[sflag:s22] =	ssyncset.done $0x0  }
0xdc: {  	[sflag:s22] =	ssyncadd.s32 $0xFFFFC000  }
0xdd: {  	[spmem:s3] =	stream.indirect.scatter.add.f32 [tilespmem:s11], [sflag:$0x5], $0x80, s10, s8, $0xb8;
	[tilespmem:$0x1FD80] =	vst v63  }
0xde: {  	_ =	swait.ge [sflag:s23], $0x4000  }
0xdf: {  	p0 =	seq.s32 s29, $0x27000;
	[sflag:s23] =	ssyncset.done $0x0  }
.Ltmp5:
0xe0: {  	[sflag:s23] =	ssyncadd.s32 $0xFFFFC000;
	(pc) =	sbr.rel @p0 .LBB2_9-.Ltmp5, $4  }
0xe1: {  	[spmem:s3] =	stream.indirect.scatter.add.f32 [tilespmem:s16], [sflag:$0x6], $0x80, s12, s8, $0xb8;
	[tilespmem:$0x1FD80] =	vst v63  }
0xe2: {  	_ =	swait.ge [sflag:s24], $0x4000  }
0xe3: {  	[sflag:s24] =	ssyncset.done $0x0  }
0xe4: {  	[sflag:s24] =	ssyncadd.s32 $0xFFFFC000  }
0xe5: {  	s0 =	sshrl.u32 s30, $0x3  }
0xe6: {  	s0 =	sadd.s32 s14, s0  }
0xe7: {  	[tilespmem:s7], [sflag:$0x7] =	stream.linear.gather [hbm4b:s0+s4], $0x80, $0x38;
	[tilespmem:$0x1FD80] =	vst v63  }
0xe8: {  	_ =	swait.ge [sflag:s6], $0x80  }
0xe9: {  	s0 =	sadd.s32 s29, s13;
	[sflag:s6] =	ssyncset.done $0x0  }
0xea: {  	s18 =	sadd.s32 $0x1800, s0;
	[sflag:s6] =	ssyncadd.s32 $0xFFFFFF80  }
0xeb: {  	[tilespmem:s9], [sflag:$0x1] =	stream.linear.gather [hbm4b:s18+s4], $0x4000, $0x38;
	[tilespmem:$0x1FD80] =	vst v63  }
0xec: {  	_ =	swait.ge [sflag:s25], $0x4000  }
0xed: {  	[sflag:s25] =	ssyncset.done $0x0  }
0xee: {  	[sflag:s25] =	ssyncadd.s32 $0xFFFFC000  }
0xef: {  	[tilespmem:s10], [sflag:$0x7] =	stream.linear.gather [hbm4b:s5+s4], $0x80, $0x38;
	[tilespmem:$0x1FD80] =	vst v63  }
0xf0: {  	_ =	swait.ge [sflag:s6], $0x80  }
0xf1: {  	[sflag:s6] =	ssyncset.done $0x0  }
0xf2: {  	s18 =	sadd.s32 $0x2000, s0;
	[sflag:s6] =	ssyncadd.s32 $0xFFFFFF80  }
0xf3: {  	[tilespmem:s11], [sflag:$0x2] =	stream.linear.gather [hbm4b:s18+s4], $0x4000, $0x38;
	[tilespmem:$0x1FD80] =	vst v63  }
0xf4: {  	_ =	swait.ge [sflag:s26], $0x4000  }
0xf5: {  	[sflag:s26] =	ssyncset.done $0x0  }
0xf6: {  	[sflag:s26] =	ssyncadd.s32 $0xFFFFC000  }
0xf7: {  	[tilespmem:s12], [sflag:$0x7] =	stream.linear.gather [hbm4b:s2+s4], $0x80, $0x38;
	[tilespmem:$0x1FD80] =	vst v63  }
.Ltmp6:
0xf8: {  	_ = 	snop;
	(pc) =	sbr.rel .LBB2_7-.Ltmp6, $4  }
0xf9: {  	s30 =	sadd.s32 $0x180, s30;
	_ =	swait.ge [sflag:s6], $0x80  }
0xfa: {  	s29 =	sadd.s32 $0x1800, s29;
	s0 =	sadd.s32 $0x2800, s0;
	[sflag:s6] =	ssyncset.done $0x0  }
0xfb: {  	s5 =	sadd.s32 $0x30, s5;
	s2 =	sadd.s32 $0x30, s2;
	[sflag:s6] =	ssyncadd.s32 $0xFFFFFF80  }
0xfc: {  	[tilespmem:s16], [sflag:$0x3] =	stream.linear.gather [hbm4b:s0+s4], $0x4000, $0x38;
	[tilespmem:$0x1FD80] =	vst v63  }
.LBB2_10:
0xfd: {  	_ =	sfence.sel $0x180000  }
0xfe: {  	[bflag:$0x0] =	sbarrier.arrive $0xFFFF  }
0xff: {  	_ =	strace $0x9000004A  }
0x100: {  	s0 =	stileid.u32;
	[bflag:$0x2] =	sbarrier.arrive $0xFFFF  }
0x101: {  	p0 =	sne.s32 s0, $0x0;
	s0 =	rddreg [dreg:$0x3]  }
0x102: {  	s0 =	sadd.s32 @!p0 $0x100000, s0  }
0x103: {  	[sflag:s0] =	ssyncadd.tile.s32 @!p0 $0x1;
	_ =	shalt  }
.Lfunc_end2:
_tile_overlayer_lowered:
.L_overlay_start_2:
0x104: {  	(tag) =	ssettag $0x2  }
0x105: {  	s0 =	rddreg [dreg:$0x0];
	s2 =	stileid.u32  }
0x106: {  	s1 =	rddreg [dreg:$0x1];
	p0 =	sne.s32 s2, $0x0  }
0x107: {  	s3 =	rddreg [dreg:$0x2];
	[bflag:$0x3] =	sbarrier.arrive $0xFFFF;
	s2 =	simm.s32 @!p0 $0x1C07  }
0x108: {  	[timem:s3], [sflag:s2] =	dma.local @!p0 [hbm:s0], s1  }
0x109: {  	s0 =	simm.s32 @!p0 $0x7  }
0x10a: {  	_ =	swait.ge @!p0 [sflag:s0], s1  }
0x10b: {  	s1 =	ssub.s32 @!p0 $0x0, s1;
	[sflag:s0] =	ssyncset.done @!p0 $0x0  }
0x10c: {  	[sflag:s0] =	ssyncadd.s32 @!p0 s1  }
0x10d: {  	[bflag:$0x3] =	sbarrier.arrive $0xFFFF  }
0x10e: {  	_ =	shalt  }

// kernel: kernel.16.cloned.1.call-start
scs
__scs_entry_jumppad:
0x0: {  	(pc) =	sbr.rel $0x88, $3  }
0x1: {  	(tag) =	ssettag $0x0;
	lr =	simm.s32 $0x1  }
0x2: {  	[smem:$0x3F99] =	sst lr;
	_ =	strace $0xD0000000  }
0x3: {  	_ = 	snop  }
0x4: {  	_ = 	snop  }
0x5: {  	_ = 	snop  }
0x6: {  	_ = 	snop  }
0x7: {  	_ = 	snop  }
__scs_overlays_trampoline_lowered:
0x8: {  	[smem:$0x3FA8] =	sst s0  }
0x9: {  	[smem:$0x3FA9] =	sst s1  }
0xa: {  	[smem:$0x3FAA] =	sst s2  }
0xb: {  	[smem:$0x3FAB] =	sst s3  }
0xc: {  	[smem:$0x3FAC] =	sst s4  }
0xd: {  	[smem:$0x3FAD] =	sst s5  }
0xe: {  	[smem:$0x3FAE] =	sst s6  }
0xf: {  	[smem:$0x3FAF] =	sst s7  }
0x10: {  	[smem:$0x3FB0] =	sst s8  }
0x11: {  	[smem:$0x3FB1] =	sst s9;
	s0 =	simm.s32 @!p0 $0x0  }
0x12: {  	s1 =	sld [smem:$0x3F97];
	s0 =	simm.s32 @p0 $0x1  }
0x13: {  	[smem:$0x3FB2] =	sst s0;
	s0 =	simm.s32 @!p1 $0x0  }
0x14: {  	s2 =	sld [smem:$0x3F96];
	s0 =	simm.s32 @p1 $0x1  }
0x15: {  	[smem:$0x3FB3] =	sst s0;
	s0 =	simm.s32 @!p2 $0x0  }
0x16: {  	s3 =	sld [smem:$0x3FDB];
	s0 =	simm.s32 @p2 $0x1  }
0x17: {  	s4 =	simm.s32 $0x1BF5;
	[smem:$0x3FB5] =	sst s0  }
0x18: {  	s0 =	sld [smem:$0x3F98];
	_ =	swait.ge [sflag:s4], $0x0  }
0x19: {  	s7 =	sld [smem:$0x3F99]  }
0x1a: {  	s8 =	sadd.s32 $0xFFFFE003, lr  }
0x1b: {  	s9 =	sadd.s32 $0xFFFFFEF7, lr;
	s5 =	simm.s32 $0xFFFFFFFF;
	p2 =	slt.u32 s8, $0xFFFFF086  }
0x1c: {  	p1 =	slt.u32 s9, $0xF7A;
	s5 =	simm.s32 @!p2 $0x0  }
0x1d: {  	s5 =	simm.s32 @p1 $0x1;
	p0 =	seq.s32 s7, s2  }
0x1e: {  	s7 =	smul.u32 @!p0 $0xF7A, s2;
	p2 =	seq.s32 @!p0 s5, $0x0  }
0x1f: {  	s9 =	smul.u32 $0xF7A, s1;
	s8 =	simm.s32 @!p0 $0x1BF5;
	p2 =	por !p2, p0  }
0x20: {  	[sflag:s8] =	ssyncset.s32 @!p0 $0xFFFFF086;
	s6 =	sadd.s32 @!p0 s3, s7;
	s7 =	simm.s32 @!p0 $0x108  }
0x21: {  	s3 =	sadd.s32 s3, s9;
	s6 =	sadd.s32 @!p0 $0x88, s6;
	s7 =	simm.s32 @p2 $0x1082  }
0x22: {  	[simem:s7], [sflag:s8] =	dma.local @!p0 [hbm:s6], $0xF7A  }
0x23: {  	s9 =	sor.u32 $0xD0000000, s2;
	s6 =	simm.s32 $0x108;
	_ =	swait.ge @!p0 [sflag:s8], $0x0  }
0x24: {  	s3 =	sadd.s32 $0x88, s3;
	s6 =	simm.s32 @!p1 $0x1082;
	[sflag:s4] =	ssyncset.s32 $0xFFFFF086  }
0x25: {  	[simem:s6], [sflag:s4] =	dma.local [hbm:s3], $0xF7A  }
0x26: {  	[smem:$0x3F99] =	sst s1;
	(tag) =	ssettag s2;
	_ =	strace s9  }
0x27: {  	s1 =	sld [smem:$0x3FA9]  }
0x28: {  	s2 =	sld [smem:$0x3FAA]  }
0x29: {  	s4 =	sld [smem:$0x3FAC]  }
0x2a: {  	p0 =	seq.s32 s5, $0x0;
	s5 =	sld [smem:$0x3FAD]  }
0x2b: {  	s6 =	sld [smem:$0x3FAE]  }
0x2c: {  	s7 =	sld [smem:$0x3FAF]  }
0x2d: {  	s3 =	simm.s32 $0x108;
	s8 =	sld [smem:$0x3FB0]  }
0x2e: {  	s3 =	simm.s32 @!p0 $0x1082;
	s9 =	sld [smem:$0x3FB1]  }
0x2f: {  	lr =	sadd.s32 s0, s3;
	s0 =	sld [smem:$0x3FA8]  }
0x30: {  	s3 =	sld [smem:$0x3FAB]  }
0x31: {  	[smem:$0x3FB4] =	sst s10  }
0x32: {  	s10 =	sld [smem:$0x3FB2];
	_ =	sdelay $0x3  }
0x33: {  	p0 =	seq.s32 s10, $0x1;
	s10 =	sld [smem:$0x3FB4];
	_ =	sdelay $0x3  }
0x34: {  	[smem:$0x3FB4] =	sst s10  }
0x35: {  	s10 =	sld [smem:$0x3FB3];
	_ =	sdelay $0x3  }
0x36: {  	p1 =	seq.s32 s10, $0x1;
	s10 =	sld [smem:$0x3FB4];
	_ =	sdelay $0x3  }
0x37: {  	[smem:$0x3FB4] =	sst s10  }
0x38: {  	s10 =	sld [smem:$0x3FB5]  }
0x39: {  	_ = 	snop;
	(pc) =	sbr.ind lr, $3  }
0x3a: {  	_ = 	snop  }
0x3b: {  	_ = 	snop  }
0x3c: {  	p2 =	seq.s32 s10, $0x1;
	s10 =	sld [smem:$0x3FB4]  }
0x3d: {  	_ =	shalt  }
0x3e: {  	_ =	shalt  }
0x3f: {  	_ =	shalt  }
0x40: {  	_ =	shalt  }
0x41: {  	_ =	shalt  }
0x42: {  	_ =	shalt  }
0x43: {  	_ =	shalt  }
0x44: {  	_ =	shalt  }
0x45: {  	_ =	shalt  }
0x46: {  	_ =	shalt  }
0x47: {  	_ =	shalt  }
0x48: {  	_ =	shalt  }
0x49: {  	_ =	shalt  }
0x4a: {  	_ =	shalt  }
0x4b: {  	_ =	shalt  }
0x4c: {  	_ =	shalt  }
0x4d: {  	_ =	shalt  }
0x4e: {  	_ =	shalt  }
0x4f: {  	_ =	shalt  }
0x50: {  	_ =	shalt  }
0x51: {  	_ =	shalt  }
0x52: {  	_ =	shalt  }
0x53: {  	_ =	shalt  }
0x54: {  	_ =	shalt  }
0x55: {  	_ =	shalt  }
0x56: {  	_ =	shalt  }
0x57: {  	_ =	shalt  }
0x58: {  	_ =	shalt  }
0x59: {  	_ =	shalt  }
0x5a: {  	_ =	shalt  }
0x5b: {  	_ =	shalt  }
0x5c: {  	_ =	shalt  }
0x5d: {  	_ =	shalt  }
0x5e: {  	_ =	shalt  }
0x5f: {  	_ =	shalt  }
0x60: {  	_ =	shalt  }
0x61: {  	_ =	shalt  }
0x62: {  	_ =	shalt  }
0x63: {  	_ =	shalt  }
0x64: {  	_ =	shalt  }
0x65: {  	_ =	shalt  }
0x66: {  	_ =	shalt  }
0x67: {  	_ =	shalt  }
0x68: {  	_ =	shalt  }
0x69: {  	_ =	shalt  }
0x6a: {  	_ =	shalt  }
0x6b: {  	_ =	shalt  }
0x6c: {  	_ =	shalt  }
0x6d: {  	_ =	shalt  }
0x6e: {  	_ =	shalt  }
0x6f: {  	_ =	shalt  }
0x70: {  	_ =	shalt  }
0x71: {  	_ =	shalt  }
0x72: {  	_ =	shalt  }
0x73: {  	_ =	shalt  }
0x74: {  	_ =	shalt  }
0x75: {  	_ =	shalt  }
0x76: {  	_ =	shalt  }
0x77: {  	_ =	shalt  }
0x78: {  	_ =	shalt  }
0x79: {  	_ =	shalt  }
0x7a: {  	_ =	shalt  }
0x7b: {  	_ =	shalt  }
0x7c: {  	_ =	shalt  }
0x7d: {  	_ =	shalt  }
0x7e: {  	_ =	shalt  }
0x7f: {  	_ =	shalt  }
0x80: {  	_ =	shalt  }
0x81: {  	_ =	shalt  }
0x82: {  	_ =	shalt  }
0x83: {  	_ =	shalt  }
0x84: {  	_ =	shalt  }
0x85: {  	_ =	shalt  }
0x86: {  	_ =	shalt  }
0x87: {  	_ =	shalt  }
.Lfunc_end0:
.L_simem_size_0:
called_computation.2_lowered:
.L_overlay_start_0:
0x88: {  	s2 =	sld [smem:$0x3FD9]  }
0x89: {  	s3 =	sld [smem:$0x3FFE];
	_ =	sdelay $0x1  }
0x8a: {  	s1 =	srdreg.scid  }
0x8b: {  	s0 =	sand.u32 $0x1, s1  }
0x8c: {  	s17 =	sshll.u32 s0, $0xA;
	s2 =	sadd.s32 s3, s2  }
0x8d: {  	s2 =	sadd.s32 s2, s17  }
0x8e: {  	[smem:$0x3FC0] =	sst s2  }
0x8f: {  	_ = 	snop  }
0x90: {  	s2 =	sld [smem:$0x3FD0];
	(tm) =	ssettm $0x1  }
0x91: {  	s18 =	sld [smem:$0x3FFB];
	_ =	sdelay $0x3  }
0x92: {  	_ =	strace s18  }
0x93: {  	s3 =	sld [smem:$0x3FFC];
	_ =	sdelay $0x3  }
0x94: {  	_ =	strace s3  }
0x95: {  	s3 =	sld [smem:$0x3FFD];
	_ =	sdelay $0x3  }
0x96: {  	_ =	strace s3  }
0x97: {  	_ =	strace $0x8FFFFFFF  }
0x98: {  	s19 =	sld [smem:$0x3FDB];
	_ =	sdelay $0x1  }
0x99: {  	s4 =	simm.s32 $_scs_section_size  }
0x9a: {  	s5 =	simm.s32 $_size__tile_overlayer_lowered;
	s6 =	simm.s32 $_tile_overlayer_lowered  }
0x9b: {  	s22 =	simm.s32 $0x1BFF;
	s21 =	sshll.u32 s6, $0x1;
	s3 =	sadd.s32 s4, s19  }
0x9c: {  	s7 =	simm.s32 $0x0;
	s20 =	sshll.u32 s5, $0x1;
	s5 =	sadd.s32 s21, s3  }
0x9d: {  	[timem:s7], [sflag:s22] =	dma.local [hbm:s5], s20  }
0x9e: {  	_ =	swait.ge [sflag:s22], s20  }
0x9f: {  	s4 =	ssub.s32 $0x0, s20;
	[sflag:s22] =	ssyncset.done $0x0  }
0xa0: {  	[sflag:s22] =	ssyncadd.s32 s4;
	_ =	sdelay $0x1  }
0xa1: {  	s23 =	simm.s32 $0x1B8B  }
0xa2: {  	_ =	swait.ge [sflag:s23], $0x1  }
0xa3: {  	[sflag:s23] =	ssyncset.done $0x0  }
0xa4: {  	s25 =	simm.s32 $0x1B8E;
	s24 =	sld [smem:$0x3FFE];
	[sflag:s23] =	ssyncadd.s32 $0xFFFFFFFF  }
0xa5: {  	s26 =	simm.s32 $execute0_lowered;
	[smem:$0x3FD2] =	sst s25  }
0xa6: {  	s5 =	sshll.u32 s26, $0x1;
	_ =	strace $0x8000004C;
	[dreg:$0x1] =	wrdreg $0xFFFFFFFF  }
0xa7: {  	s28 =	simm.s32 $_size_execute0_lowered;
	s3 =	sadd.s32 s3, s5;
	[dreg:$0x0] =	wrdreg $0x0  }
0xa8: {  	s5 =	sshll.u32 s28, $0x1;
	[dreg:$0x2] =	wrdreg s3  }
0xa9: {  	[dreg:$0x3] =	wrdreg s5  }
0xaa: {  	[dreg:$0x4] =	wrdreg $0xC0  }
0xab: {  	_ =	task [dreg:s7], $0x5FFFF  }
0xac: {  	[dreg:$0x1] =	wrdreg $0xFFFFFFFF  }
0xad: {  	[dreg:$0x0] =	wrdreg $0x60  }
0xae: {  	[dreg:$0x2] =	wrdreg s24  }
0xaf: {  	[dreg:$0x3] =	wrdreg s2  }
0xb0: {  	[dreg:$0x4] =	wrdreg $0x0  }
0xb1: {  	[dreg:$0x5] =	wrdreg $0x9  }
0xb2: {  	_ =	task.clear_ibuf [dreg:s7], $0x6FFFF;
	_ =	strace $0x9000004C  }
0xb3: {  	s29 =	simm.s32 $0x9;
	_ =	strace $0x8000004E  }
0xb4: {  	_ =	swait.ge [sflag:s29], $0x1  }
0xb5: {  	[sflag:s29] =	ssyncadd.s32 $0xFFFFFFFF  }
0xb6: {  	_ =	strace $0x9000004E  }
0xb7: {  	_ =	sfence  }
0xb8: {  	s30 =	sld [smem:$0x0];
	_ =	sdelay $0x2  }
0xb9: {  	s31 =	sshll.u32 s1, $0xD;
	s1 =	sshrl.u32 s1, $0x2  }
0xba: {  	s3 =	sand.u32 $0x4000, s31;
	s1 =	sadd.s32 s1, s30  }
0xbb: {  	s0 =	sor.u32 s3, s0;
	s1 =	sshll.u32 s1, $0x11  }
0xbc: {  	s0 =	sor.u32 s1, s0  }
0xbd: {  	s0 =	sadd.s32 $0x8F2B, s0  }
0xbe: {  	[sflag:s0] =	ssyncadd.remote.s32 $0x1  }
0xbf: {  	_ =	sfence.sel $0xFFFF  }
0xc0: {  	[dreg:$0x0] =	wrdreg $0xFFFFFFFF;
	(pc) =	sbr.abs _section_cstart, $3  }
0xc1: {  	[dreg:$0x1] =	wrdreg $0xFFFFFFFF  }
0xc2: {  	_ =	task.clear_ibuf [dreg:s7], $0x2FFFF;
	_ =	strace $0x9FFFFFFF  }
0xc3: {  	(tm) =	ssettm $0x7FFFFFFF  }
tec
execute0_lowered:
.L_overlay_start_1:
0x0: {  	(tag) =	ssettag $0x1  }
0x1: {  	s0 =	rddreg [dreg:$0x0]  }
0x2: {  	s1 =	rddreg [dreg:$0x1]  }
0x3: {  	s2 =	srdreg.scid;
	s18 =	stileid.u32  }
0x4: {  	s3 =	rddreg [dreg:$0x2];
	s5 =	smul.u32 $0x13C00, s18  }
0x5: {  	s28 =	simm.s32 $0x0;
	s2 =	sand.u32 $0x1, s2;
	s30 =	smul.u32 $0x2880, s18  }
0x6: {  	s10 =	sadd.s32 $0x577800, s0;
	s11 =	sadd.s32 $0x67800, s0;
	s13 =	smul.u32 $0x13C000, s2  }
0x7: {  	s4 =	sshll.u32 s2, $0x4;
	s6 =	ssub.s32 $0x2, s2;
	s29 =	smul.u32 $0x28800, s2  }
0x8: {  	s2 =	smul.u32 $0x288000, s2;
	s7 =	sor.u32 s18, s4;
	s4 =	simm.s32 $0x0  }
0x9: {  	s8 =	sshrl.u32 s6, $0x1;
	s16 =	sadd.s32 $0x4000, s5;
	s17 =	sadd.s32 $0x8000, s5  }
0xa: {  	s20 =	sadd.s32 $0xC000, s5;
	s21 =	sadd.s32 $0x10000, s5;
	s9 =	smul.u32 $0x2880, s7  }
0xb: {  	s6 =	ssub.s32 s6, s8;
	s7 =	smul.u32 $0x28800, s7;
	s23 =	sadd.s32 s5, s13  }
0xc: {  	s14 =	sadd.s32 s13, s16;
	s15 =	sadd.s32 s13, s17;
	s26 =	sadd.s32 s13, s20  }
0xd: {  	s13 =	sadd.s32 s13, s21;
	s2 =	sadd.s32 s2, s11;
	[smem:$0x7FF] =	sst s4  }
0xe: {  	s20 =	sadd.s32 s20, s3;
	s21 =	sadd.s32 s21, s3;
	s14 =	sshrl.u32 s14, $0x3  }
0xf: {  	s15 =	sshrl.u32 s15, $0x3;
	s13 =	sshrl.u32 s13, $0x3;
	s7 =	sadd.s32 s11, s7  }
0x10: {  	s8 =	sadd.s32 $0x80, s9;
	s24 =	sadd.s32 s10, s14;
	[dreg:$0x4] =	wrdreg s7  }
0x11: {  	s12 =	sadd.s32 $0x100, s9;
	s25 =	sadd.s32 s10, s15;
	[dreg:$0x6] =	wrdreg s24  }
0x12: {  	s13 =	sadd.s32 s10, s13;
	s14 =	sadd.s32 $0x5D600, s0;
	[dreg:$0x7] =	wrdreg s25  }
0x13: {  	s7 =	sshrl.u32 s23, $0x3;
	[dreg:$0x9] =	wrdreg s13;
	s19 =	sshll.u32 s8, $0x4  }
0x14: {  	s22 =	sshll.u32 s12, $0x4;
	s24 =	smul.u32 $0x28800, s18;
	s7 =	sadd.s32 s10, s7  }
0x15: {  	s25 =	smul.u32 $0x4F000, s18;
	s23 =	sadd.s32 s11, s22;
	[dreg:$0x5] =	wrdreg s7  }
0x16: {  	s8 =	sshrl.u32 s8, $0x3;
	s7 =	sshrl.u32 s26, $0x3;
	[dreg:$0xb] =	wrdreg s23  }
0x17: {  	s13 =	sadd.s32 s24, s2;
	s26 =	sshrl.u32 s5, $0x3;
	s5 =	sshrl.u32 s9, $0x3  }
0x18: {  	s9 =	sshrl.u32 s12, $0x3;
	s24 =	smax.u32 s6, $0x1;
	s6 =	simm.s32 $0x7  }
0x19: {  	s7 =	sadd.s32 s10, s7;
	s10 =	sadd.s32 s30, s29;
	s2 =	sadd.s32 s26, s0  }
0x1a: {  	s29 =	sshrl.u32 s25, $0x2;
	s12 =	sadd.s32 s1, s5;
	s22 =	sadd.s32 s14, s9  }
0x1b: {  	[dreg:$0x8] =	wrdreg s7;
	s7 =	sadd.s32 s11, s19;
	s15 =	sadd.s32 s29, s3  }
0x1c: {  	s30 =	sadd.s32 $0x3600, s2;
	s2 =	sshll.u32 s18, $0x6;
	[dreg:$0xa] =	wrdreg s7  }
0x1d: {  	s0 =	sor.u32 $0x1C07, s2;
	_ =	strace $0x8000004D;
	[dreg:$0xc] =	wrdreg s30  }
0x1e: {  	s11 =	sadd.s32 s16, s3;
	s19 =	sadd.s32 s17, s3;
	[dreg:$0xd] =	wrdreg s0  }
0x1f: {  	s16 =	sadd.s32 s1, s8;
	s17 =	sadd.s32 s14, s8;
	[dreg:$0xe] =	wrdreg s11  }
0x20: {  	s18 =	sadd.s32 s1, s9;
	s23 =	sadd.s32 $0x280, s10;
	[dreg:$0xf] =	wrdreg s12  }
0x21: {  	s25 =	sadd.s32 $0x200, s10;
	s31 =	sadd.s32 $0x180, s10;
	[dreg:$0x11] =	wrdreg s16  }
0x22: {  	s8 =	simm.s32 $0x80;
	s9 =	simm.s32 $0x13C00;
	[dreg:$0x12] =	wrdreg s17  }
0x23: {  	s10 =	simm.s32 $0x1FC80;
	s2 =	sshrl.u32 s25, $0x3;
	[dreg:$0x13] =	wrdreg s18  }
0x24: {  	s7 =	simm.s32 $0x1FC00;
	s25 =	simm.s32 $0x5;
	[dreg:$0x14] =	wrdreg s22  }
0x25: {  	s0 =	sadd.s32 s14, s5;
	[dreg:$0x15] =	wrdreg s24;
	s29 =	sadd.s32 s2, s1  }
0x26: {  	s30 =	sadd.s32 s2, s14;
	s11 =	simm.s32 $0x17C00;
	s12 =	simm.s32 $0x1FD00  }
.Ltmp0:
0x27: {  	s16 =	simm.s32 $0x1BC00;
	[dreg:$0x10] =	wrdreg s0;
	(pc) =	sbr.rel .LBB2_1-.Ltmp0, $4  }
0x28: {  	s17 =	simm.s32 $0x1;
	s0 =	sshrl.u32 s23, $0x3;
	[dreg:$0x18] =	wrdreg s29  }
0x29: {  	s22 =	simm.s32 $0x2;
	[dreg:$0x19] =	wrdreg s30;
	s26 =	sadd.s32 s0, s1  }
0x2a: {  	s24 =	simm.s32 $0x4;
	s0 =	sadd.s32 s0, s14;
	[dreg:$0x16] =	wrdreg s26  }
0x2b: {  	v0 =	vimm.f32 $0.0e+00;
	s23 =	simm.s32 $0x3;
	[dreg:$0x17] =	wrdreg s0;
	s26 =	simm.s32 $0x6  }
.LBB2_9:
0x2c: {  	_ =	swait.ge [sflag:s25], $0x4000  }
0x2d: {  	[sflag:s25] =	ssyncset.done $0x0  }
0x2e: {  	[sflag:s25] =	ssyncadd.s32 $0xFFFFC000  }
0x2f: {  	_ =	swait.ge [sflag:s26], $0x4000  }
0x30: {  	[sflag:s26] =	ssyncset.done $0x0  }
0x31: {  	[sflag:s26] =	ssyncadd.s32 $0xFFFFC000  }
0x32: {  	[bflag:$0x0] =	sbarrier.arrive $0xFFFF  }
0x33: {  	[tilespmem:s9], [sflag:$0x7] =	stream.linear.gather [spmem:s15], $0x4000, $0x38;
	[tilespmem:$0x1FD80] =	vst v63  }
0x34: {  	_ =	swait.ge [sflag:s6], $0x4000  }
0x35: {  	[sflag:s6] =	ssyncset.done $0x0  }
0x36: {  	s0 =	rddreg [dreg:$0x5];
	[sflag:s6] =	ssyncadd.s32 $0xFFFFC000  }
0x37: {  	[hbm4b:s0+s4] =	stream.linear.scatter [tilespmem:s9], [sflag:$0x7], $0x4000, $0x38;
	[tilespmem:$0x1FD80] =	vst v63  }
0x38: {  	_ =	swait.ge [sflag:s6], $0x4000  }
0x39: {  	[sflag:s6] =	ssyncset.done $0x0  }
0x3a: {  	s30 =	rddreg [dreg:$0xe];
	[sflag:s6] =	ssyncadd.s32 $0xFFFFC000  }
0x3b: {  	[tilespmem:s9], [sflag:$0x7] =	stream.linear.gather [spmem:s30], $0x4000, $0x38;
	[tilespmem:$0x1FD80] =	vst v63  }
0x3c: {  	_ =	swait.ge [sflag:s6], $0x4000  }
0x3d: {  	[sflag:s6] =	ssyncset.done $0x0  }
0x3e: {  	s2 =	rddreg [dreg:$0x6];
	[sflag:s6] =	ssyncadd.s32 $0xFFFFC000  }
0x3f: {  	[hbm4b:s2+s4] =	stream.linear.scatter [tilespmem:s9], [sflag:$0x7], $0x4000, $0x38;
	[tilespmem:$0x1FD80] =	vst v63  }
0x40: {  	_ =	swait.ge [sflag:s6], $0x4000  }
0x41: {  	[sflag:s6] =	ssyncset.done $0x0  }
0x42: {  	[sflag:s6] =	ssyncadd.s32 $0xFFFFC000  }
0x43: {  	[tilespmem:s9], [sflag:$0x7] =	stream.linear.gather [spmem:s19], $0x4000, $0x38;
	[tilespmem:$0x1FD80] =	vst v63  }
0x44: {  	_ =	swait.ge [sflag:s6], $0x4000  }
0x45: {  	[sflag:s6] =	ssyncset.done $0x0  }
0x46: {  	s5 =	rddreg [dreg:$0x7];
	[sflag:s6] =	ssyncadd.s32 $0xFFFFC000  }
0x47: {  	[hbm4b:s5+s4] =	stream.linear.scatter [tilespmem:s9], [sflag:$0x7], $0x4000, $0x38;
	[tilespmem:$0x1FD80] =	vst v63  }
0x48: {  	_ =	swait.ge [sflag:s6], $0x4000  }
0x49: {  	[sflag:s6] =	ssyncset.done $0x0  }
0x4a: {  	[sflag:s6] =	ssyncadd.s32 $0xFFFFC000  }
0x4b: {  	[tilespmem:s9], [sflag:$0x7] =	stream.linear.gather [spmem:s20], $0x4000, $0x38;
	[tilespmem:$0x1FD80] =	vst v63  }
0x4c: {  	_ =	swait.ge [sflag:s6], $0x4000  }
0x4d: {  	[sflag:s6] =	ssyncset.done $0x0  }
0x4e: {  	s18 =	rddreg [dreg:$0x8];
	[sflag:s6] =	ssyncadd.s32 $0xFFFFC000  }
0x4f: {  	[hbm4b:s18+s4] =	stream.linear.scatter [tilespmem:s9], [sflag:$0x7], $0x4000, $0x38;
	[tilespmem:$0x1FD80] =	vst v63  }
0x50: {  	_ =	swait.ge [sflag:s6], $0x4000  }
0x51: {  	[sflag:s6] =	ssyncset.done $0x0  }
0x52: {  	[sflag:s6] =	ssyncadd.s32 $0xFFFFC000  }
0x53: {  	[tilespmem:s9], [sflag:$0x7] =	stream.linear.gather [spmem:s21], $0x3C00, $0x38;
	[tilespmem:$0x1FD80] =	vst v63  }
0x54: {  	_ =	swait.ge [sflag:s6], $0x3C00  }
0x55: {  	[sflag:s6] =	ssyncset.done $0x0  }
0x56: {  	s29 =	rddreg [dreg:$0x9];
	[sflag:s6] =	ssyncadd.s32 $0xFFFFC400  }
0x57: {  	[hbm4b:s29+s4] =	stream.linear.scatter [tilespmem:s9], [sflag:$0x7], $0x3C00, $0x38;
	[tilespmem:$0x1FD80] =	vst v63  }
0x58: {  	_ =	swait.ge [sflag:s6], $0x3C00  }
0x59: {  	s28 =	sadd.s32 $0x1, s28;
	s30 =	rddreg [dreg:$0x15]  }
0x5a: {  	p0 =	sne.s32 s28, s30  }
.Ltmp1:
0x5b: {  	_ = 	snop;
	(pc) =	sbr.rel @!p0 .LBB2_10-.Ltmp1, $3  }
0x5c: {  	_ =	sdelay $0x1  }
0x5d: {  	[sflag:s6] =	ssyncset.done $0x0  }
0x5e: {  	[sflag:s6] =	ssyncadd.s32 $0xFFFFC400  }
.LBB2_1:
0x5f: {  	s0 =	rddreg [dreg:$0xc]  }
0x60: {  	s2 =	sshrl.u32 s15, $0x3;
	s5 =	rddreg [dreg:$0xd]  }
0x61: {  	[spmem:s2], [sflag:s5] =	dma.local [hbm:s0], $0x2780  }
0x62: {  	_ =	swait.ge [sflag:s6], $0x2780  }
0x63: {  	[sflag:s6] =	ssyncset.done $0x0  }
0x64: {  	[sflag:s6] =	ssyncadd.s32 $0xFFFFD880  }
0x65: {  	[bflag:$0x0] =	sbarrier.arrive $0xFFFF  }
0x66: {  	s2 =	rddreg [dreg:$0xf]  }
0x67: {  	[tilespmem:s7], [sflag:$0x7] =	stream.linear.gather [hbm4b:s2+s4], $0x80, $0x38;
	[tilespmem:$0x1FD80] =	vst v63  }
0x68: {  	_ =	swait.ge [sflag:s6], $0x80  }
0x69: {  	[sflag:s6] =	ssyncset.done $0x0  }
0x6a: {  	[sflag:s6] =	ssyncadd.s32 $0xFFFFFF80  }
0x6b: {  	[tilespmem:s9], [sflag:$0x1] =	stream.indirect.gather [spmem:s3], $0x80, s7, s8, $0xb8;
	[tilespmem:$0x1FD80] =	vst v63  }
0x6c: {  	s5 =	rddreg [dreg:$0x11]  }
0x6d: {  	[tilespmem:s10], [sflag:$0x7] =	stream.linear.gather [hbm4b:s5+s4], $0x80, $0x38;
	[tilespmem:$0x1FD80] =	vst v63  }
0x6e: {  	_ =	swait.ge [sflag:s6], $0x80  }
0x6f: {  	[sflag:s6] =	ssyncset.done $0x0  }
0x70: {  	[sflag:s6] =	ssyncadd.s32 $0xFFFFFF80  }
0x71: {  	[tilespmem:s11], [sflag:$0x2] =	stream.indirect.gather [spmem:s3], $0x80, s10, s8, $0xb8;
	[tilespmem:$0x1FD80] =	vst v63  }
0x72: {  	s18 =	rddreg [dreg:$0x13]  }
0x73: {  	[tilespmem:s12], [sflag:$0x7] =	stream.linear.gather [hbm4b:s18+s4], $0x80, $0x38;
	[tilespmem:$0x1FD80] =	vst v63  }
0x74: {  	_ =	swait.ge [sflag:s6], $0x80  }
0x75: {  	s29 =	simm.s32 $0x0;
	[sflag:s6] =	ssyncset.done $0x0;
	s5 =	rddreg [dreg:$0x18]  }
0x76: {  	s30 =	smov.u32 s31;
	s2 =	rddreg [dreg:$0x16];
	[sflag:s6] =	ssyncadd.s32 $0xFFFFFF80  }
0x77: {  	[tilespmem:s16], [sflag:$0x3] =	stream.indirect.gather [spmem:s3], $0x80, s12, s8, $0xb8;
	[tilespmem:$0x1FD80] =	vst v63  }
.LBB2_2:
0x78: {  	_ =	swait.ge [sflag:s17], $0x4000  }
0x79: {  	[sflag:s17] =	ssyncset.done $0x0  }
0x7a: {  	s0 =	sadd.s32 s29, s13;
	[sflag:s17] =	ssyncadd.s32 $0xFFFFC000  }
0x7b: {  	[hbm4b:s0+s4] =	stream.linear.scatter [tilespmem:s9], [sflag:$0x4], $0x4000, $0x38;
	[tilespmem:$0x1FD80] =	vst v63  }
0x7c: {  	_ =	swait.ge [sflag:s22], $0x4000  }
0x7d: {  	[sflag:s22] =	ssyncset.done $0x0  }
0x7e: {  	s18 =	sadd.s32 $0x800, s0;
	[sflag:s22] =	ssyncadd.s32 $0xFFFFC000  }
0x7f: {  	[hbm4b:s18+s4] =	stream.linear.scatter [tilespmem:s11], [sflag:$0x5], $0x4000, $0x38;
	[tilespmem:$0x1FD80] =	vst v63  }
0x80: {  	_ =	swait.ge [sflag:s23], $0x4000  }
0x81: {  	p0 =	seq.s32 s29, $0x27000;
	[sflag:s23] =	ssyncset.done $0x0  }
.Ltmp2:
0x82: {  	s0 =	sadd.s32 $0x1000, s0;
	[sflag:s23] =	ssyncadd.s32 $0xFFFFC000;
	(pc) =	sbr.rel @p0 .LBB2_4-.Ltmp2, $4  }
0x83: {  	[hbm4b:s0+s4] =	stream.linear.scatter [tilespmem:s16], [sflag:$0x6], $0x4000, $0x38;
	[tilespmem:$0x1FD80] =	vst v63  }
0x84: {  	_ =	swait.ge [sflag:s24], $0x4000  }
0x85: {  	[sflag:s24] =	ssyncset.done $0x0  }
0x86: {  	[sflag:s24] =	ssyncadd.s32 $0xFFFFC000  }
0x87: {  	s0 =	sshrl.u32 s30, $0x3  }
0x88: {  	s0 =	sadd.s32 s1, s0  }
0x89: {  	[tilespmem:s7], [sflag:$0x7] =	stream.linear.gather [hbm4b:s0+s4], $0x80, $0x38;
	[tilespmem:$0x1FD80] =	vst v63  }
0x8a: {  	_ =	swait.ge [sflag:s6], $0x80  }
0x8b: {  	[sflag:s6] =	ssyncset.done $0x0  }
0x8c: {  	[sflag:s6] =	ssyncadd.s32 $0xFFFFFF80  }
0x8d: {  	[tilespmem:s9], [sflag:$0x1] =	stream.indirect.gather [spmem:s3], $0x80, s7, s8, $0xb8;
	[tilespmem:$0x1FD80] =	vst v63  }
0x8e: {  	_ =	swait.ge [sflag:s25], $0x4000  }
0x8f: {  	[sflag:s25] =	ssyncset.done $0x0  }
0x90: {  	[sflag:s25] =	ssyncadd.s32 $0xFFFFC000  }
0x91: {  	[tilespmem:s10], [sflag:$0x7] =	stream.linear.gather [hbm4b:s5+s4], $0x80, $0x38;
	[tilespmem:$0x1FD80] =	vst v63  }
0x92: {  	_ =	swait.ge [sflag:s6], $0x80  }
0x93: {  	[sflag:s6] =	ssyncset.done $0x0  }
0x94: {  	[sflag:s6] =	ssyncadd.s32 $0xFFFFFF80  }
0x95: {  	[tilespmem:s11], [sflag:$0x2] =	stream.indirect.gather [spmem:s3], $0x80, s10, s8, $0xb8;
	[tilespmem:$0x1FD80] =	vst v63  }
0x96: {  	_ =	swait.ge [sflag:s26], $0x4000  }
0x97: {  	[sflag:s26] =	ssyncset.done $0x0  }
0x98: {  	[sflag:s26] =	ssyncadd.s32 $0xFFFFC000  }
0x99: {  	[tilespmem:s12], [sflag:$0x7] =	stream.linear.gather [hbm4b:s2+s4], $0x80, $0x38;
	[tilespmem:$0x1FD80] =	vst v63  }
.Ltmp3:
0x9a: {  	_ = 	snop;
	(pc) =	sbr.rel .LBB2_2-.Ltmp3, $4  }
0x9b: {  	_ =	swait.ge [sflag:s6], $0x80  }
0x9c: {  	s30 =	sadd.s32 $0x180, s30;
	s29 =	sadd.s32 $0x1800, s29;
	[sflag:s6] =	ssyncset.done $0x0  }
0x9d: {  	s5 =	sadd.s32 $0x30, s5;
	s2 =	sadd.s32 $0x30, s2;
	[sflag:s6] =	ssyncadd.s32 $0xFFFFFF80  }
0x9e: {  	[tilespmem:s16], [sflag:$0x3] =	stream.indirect.gather [spmem:s3], $0x80, s12, s8, $0xb8;
	[tilespmem:$0x1FD80] =	vst v63  }
.LBB2_4:
0x9f: {  	_ =	swait.ge [sflag:s25], $0x4000  }
0xa0: {  	[sflag:s25] =	ssyncset.done $0x0  }
0xa1: {  	[sflag:s25] =	ssyncadd.s32 $0xFFFFC000  }
0xa2: {  	s2 =	simm.s32 $0x0;
	_ =	swait.ge [sflag:s26], $0x4000  }
0xa3: {  	s0 =	sand.u32 $0xFE00, s2;
	[sflag:s26] =	ssyncset.done $0x0  }
0xa4: {  	s18 =	sand.u32 $0x70, s2;
	s0 =	sshrl.u32 s0, $0x2;
	[sflag:s26] =	ssyncadd.s32 $0xFFFFC000  }
0xa5: {  	s5 =	simm.s32 $0x40;
	s29 =	sor.u32 s18, s0;
	[bflag:$0x0] =	sbarrier.arrive $0xFFFF  }
.LBB2_5:
0xa6: {  	p0 =	sne.s32 s5, $0xFFC0  }
0xa7: {  	[tilespmem:s29+$0x13C00] =	vst v0;
	s2 =	sadd.s32 $0x10, s2;
	s0 =	smov.u32 s5;
	s5 =	sadd.s32 $0x40, s5  }
.Ltmp4:
0xa8: {  	(pc) =	sbr.rel @p0 .LBB2_5-.Ltmp4, $4  }
0xa9: {  	_ = 	snop  }
0xaa: {  	s0 =	sand.u32 $0xFE00, s0  }
0xab: {  	s18 =	sand.u32 $0x70, s2;
	s0 =	sshrl.u32 s0, $0x2  }
0xac: {  	s29 =	sor.u32 s18, s0  }
0xad: {  	[tilespmem:s29+$0x13C00] =	vst v0  }
0xae: {  	[spmem:s15] =	stream.linear.scatter [tilespmem:s9], [sflag:$0x7], $0x4000, $0x38;
	[tilespmem:$0x1FD80] =	vst v63  }
0xaf: {  	_ =	swait.ge [sflag:s6], $0x4000  }
0xb0: {  	[sflag:s6] =	ssyncset.done $0x0  }
0xb1: {  	s0 =	rddreg [dreg:$0xe];
	[sflag:s6] =	ssyncadd.s32 $0xFFFFC000  }
0xb2: {  	[spmem:s0] =	stream.linear.scatter [tilespmem:s9], [sflag:$0x7], $0x4000, $0x38;
	[tilespmem:$0x1FD80] =	vst v63  }
0xb3: {  	_ =	swait.ge [sflag:s6], $0x4000  }
0xb4: {  	[sflag:s6] =	ssyncset.done $0x0  }
0xb5: {  	[sflag:s6] =	ssyncadd.s32 $0xFFFFC000  }
0xb6: {  	[spmem:s19] =	stream.linear.scatter [tilespmem:s9], [sflag:$0x7], $0x4000, $0x38;
	[tilespmem:$0x1FD80] =	vst v63  }
0xb7: {  	_ =	swait.ge [sflag:s6], $0x4000  }
0xb8: {  	[sflag:s6] =	ssyncset.done $0x0  }
0xb9: {  	[sflag:s6] =	ssyncadd.s32 $0xFFFFC000  }
0xba: {  	[spmem:s20] =	stream.linear.scatter [tilespmem:s9], [sflag:$0x7], $0x4000, $0x38;
	[tilespmem:$0x1FD80] =	vst v63  }
0xbb: {  	_ =	swait.ge [sflag:s6], $0x4000  }
0xbc: {  	[sflag:s6] =	ssyncset.done $0x0  }
0xbd: {  	[sflag:s6] =	ssyncadd.s32 $0xFFFFC000  }
0xbe: {  	[spmem:s21] =	stream.linear.scatter [tilespmem:s9], [sflag:$0x7], $0x3C00, $0x38;
	[tilespmem:$0x1FD80] =	vst v63  }
0xbf: {  	_ =	swait.ge [sflag:s6], $0x3C00  }
0xc0: {  	[sflag:s6] =	ssyncset.done $0x0  }
0xc1: {  	[sflag:s6] =	ssyncadd.s32 $0xFFFFC400  }
0xc2: {  	[bflag:$0x0] =	sbarrier.arrive $0xFFFF  }
0xc3: {  	s29 =	simm.s32 $0x0;
	s2 =	rddreg [dreg:$0x10]  }
0xc4: {  	[tilespmem:s7], [sflag:$0x7] =	stream.linear.gather [hbm4b:s2+s29], $0x80, $0x38;
	[tilespmem:$0x1FD80] =	vst v63  }
0xc5: {  	_ =	swait.ge [sflag:s6], $0x80  }
0xc6: {  	[sflag:s6] =	ssyncset.done $0x0  }
0xc7: {  	s5 =	rddreg [dreg:$0x4];
	[sflag:s6] =	ssyncadd.s32 $0xFFFFFF80  }
0xc8: {  	[tilespmem:s9], [sflag:$0x1] =	stream.linear.gather [hbm4b:s5+s29], $0x4000, $0x38;
	[tilespmem:$0x1FD80] =	vst v63  }
0xc9: {  	s18 =	rddreg [dreg:$0x12]  }
0xca: {  	[tilespmem:s10], [sflag:$0x7] =	stream.linear.gather [hbm4b:s18+s29], $0x80, $0x38;
	[tilespmem:$0x1FD80] =	vst v63  }
0xcb: {  	_ =	swait.ge [sflag:s6], $0x80  }
0xcc: {  	[sflag:s6] =	ssyncset.done $0x0  }
0xcd: {  	s2 =	rddreg [dreg:$0xa];
	[sflag:s6] =	ssyncadd.s32 $0xFFFFFF80  }
0xce: {  	[tilespmem:s11], [sflag:$0x2] =	stream.linear.gather [hbm4b:s2+s29], $0x4000, $0x38;
	[tilespmem:$0x1FD80] =	vst v63  }
0xcf: {  	s5 =	rddreg [dreg:$0x14]  }
0xd0: {  	[tilespmem:s12], [sflag:$0x7] =	stream.linear.gather [hbm4b:s5+s29], $0x80, $0x38;
	[tilespmem:$0x1FD80] =	vst v63  }
0xd1: {  	_ =	swait.ge [sflag:s6], $0x80  }
0xd2: {  	s18 =	rddreg [dreg:$0xb]  }
0xd3: {  	[sflag:s6] =	ssyncset.done $0x0;
	s5 =	rddreg [dreg:$0x19]  }
0xd4: {  	s30 =	smov.u32 s31;
	s2 =	rddreg [dreg:$0x17];
	[sflag:s6] =	ssyncadd.s32 $0xFFFFFF80  }
0xd5: {  	[tilespmem:s16], [sflag:$0x3] =	stream.linear.gather [hbm4b:s18+s29], $0x4000, $0x38;
	[tilespmem:$0x1FD80] =	vst v63  }
.LBB2_7:
0xd6: {  	_ =	swait.ge [sflag:s17], $0x4000  }
0xd7: {  	[sflag:s17] =	ssyncset.done $0x0  }
0xd8: {  	[sflag:s17] =	ssyncadd.s32 $0xFFFFC000  }
0xd9: {  	[spmem:s3] =	stream.indirect.scatter.add.f32 [tilespmem:s9], [sflag:$0x4], $0x80, s7, s8, $0xb8;
	[tilespmem:$0x1FD80] =	vst v63  }
0xda: {  	_ =	swait.ge [sflag:s22], $0x4000  }
0xdb: {  	[sflag:s22] =	ssyncset.done $0x0  }
0xdc: {  	[sflag:s22] =	ssyncadd.s32 $0xFFFFC000  }
0xdd: {  	[spmem:s3] =	stream.indirect.scatter.add.f32 [tilespmem:s11], [sflag:$0x5], $0x80, s10, s8, $0xb8;
	[tilespmem:$0x1FD80] =	vst v63  }
0xde: {  	_ =	swait.ge [sflag:s23], $0x4000  }
0xdf: {  	p0 =	seq.s32 s29, $0x27000;
	[sflag:s23] =	ssyncset.done $0x0  }
.Ltmp5:
0xe0: {  	[sflag:s23] =	ssyncadd.s32 $0xFFFFC000;
	(pc) =	sbr.rel @p0 .LBB2_9-.Ltmp5, $4  }
0xe1: {  	[spmem:s3] =	stream.indirect.scatter.add.f32 [tilespmem:s16], [sflag:$0x6], $0x80, s12, s8, $0xb8;
	[tilespmem:$0x1FD80] =	vst v63  }
0xe2: {  	_ =	swait.ge [sflag:s24], $0x4000  }
0xe3: {  	[sflag:s24] =	ssyncset.done $0x0  }
0xe4: {  	[sflag:s24] =	ssyncadd.s32 $0xFFFFC000  }
0xe5: {  	s0 =	sshrl.u32 s30, $0x3  }
0xe6: {  	s0 =	sadd.s32 s14, s0  }
0xe7: {  	[tilespmem:s7], [sflag:$0x7] =	stream.linear.gather [hbm4b:s0+s4], $0x80, $0x38;
	[tilespmem:$0x1FD80] =	vst v63  }
0xe8: {  	_ =	swait.ge [sflag:s6], $0x80  }
0xe9: {  	s0 =	sadd.s32 s29, s13;
	[sflag:s6] =	ssyncset.done $0x0  }
0xea: {  	s18 =	sadd.s32 $0x1800, s0;
	[sflag:s6] =	ssyncadd.s32 $0xFFFFFF80  }
0xeb: {  	[tilespmem:s9], [sflag:$0x1] =	stream.linear.gather [hbm4b:s18+s4], $0x4000, $0x38;
	[tilespmem:$0x1FD80] =	vst v63  }
0xec: {  	_ =	swait.ge [sflag:s25], $0x4000  }
0xed: {  	[sflag:s25] =	ssyncset.done $0x0  }
0xee: {  	[sflag:s25] =	ssyncadd.s32 $0xFFFFC000  }
0xef: {  	[tilespmem:s10], [sflag:$0x7] =	stream.linear.gather [hbm4b:s5+s4], $0x80, $0x38;
	[tilespmem:$0x1FD80] =	vst v63  }
0xf0: {  	_ =	swait.ge [sflag:s6], $0x80  }
0xf1: {  	[sflag:s6] =	ssyncset.done $0x0  }
0xf2: {  	s18 =	sadd.s32 $0x2000, s0;
	[sflag:s6] =	ssyncadd.s32 $0xFFFFFF80  }
0xf3: {  	[tilespmem:s11], [sflag:$0x2] =	stream.linear.gather [hbm4b:s18+s4], $0x4000, $0x38;
	[tilespmem:$0x1FD80] =	vst v63  }
0xf4: {  	_ =	swait.ge [sflag:s26], $0x4000  }
0xf5: {  	[sflag:s26] =	ssyncset.done $0x0  }
0xf6: {  	[sflag:s26] =	ssyncadd.s32 $0xFFFFC000  }
0xf7: {  	[tilespmem:s12], [sflag:$0x7] =	stream.linear.gather [hbm4b:s2+s4], $0x80, $0x38;
	[tilespmem:$0x1FD80] =	vst v63  }
.Ltmp6:
0xf8: {  	_ = 	snop;
	(pc) =	sbr.rel .LBB2_7-.Ltmp6, $4  }
0xf9: {  	s30 =	sadd.s32 $0x180, s30;
	_ =	swait.ge [sflag:s6], $0x80  }
0xfa: {  	s29 =	sadd.s32 $0x1800, s29;
	s0 =	sadd.s32 $0x2800, s0;
	[sflag:s6] =	ssyncset.done $0x0  }
0xfb: {  	s5 =	sadd.s32 $0x30, s5;
	s2 =	sadd.s32 $0x30, s2;
	[sflag:s6] =	ssyncadd.s32 $0xFFFFFF80  }
0xfc: {  	[tilespmem:s16], [sflag:$0x3] =	stream.linear.gather [hbm4b:s0+s4], $0x4000, $0x38;
	[tilespmem:$0x1FD80] =	vst v63  }
.LBB2_10:
0xfd: {  	_ =	sfence.sel $0x180000  }
0xfe: {  	[bflag:$0x0] =	sbarrier.arrive $0xFFFF  }
0xff: {  	_ =	strace $0x9000004D  }
0x100: {  	s0 =	stileid.u32;
	[bflag:$0x2] =	sbarrier.arrive $0xFFFF  }
0x101: {  	p0 =	sne.s32 s0, $0x0;
	s0 =	rddreg [dreg:$0x3]  }
0x102: {  	s0 =	sadd.s32 @!p0 $0x100000, s0  }
0x103: {  	[sflag:s0] =	ssyncadd.tile.s32 @!p0 $0x1;
	_ =	shalt  }
.Lfunc_end2:
_tile_overlayer_lowered:
.L_overlay_start_2:
0x104: {  	(tag) =	ssettag $0x2  }
0x105: {  	s0 =	rddreg [dreg:$0x0];
	s2 =	stileid.u32  }
0x106: {  	s1 =	rddreg [dreg:$0x1];
	p0 =	sne.s32 s2, $0x0  }
0x107: {  	s3 =	rddreg [dreg:$0x2];
	[bflag:$0x3] =	sbarrier.arrive $0xFFFF;
	s2 =	simm.s32 @!p0 $0x1C07  }
0x108: {  	[timem:s3], [sflag:s2] =	dma.local @!p0 [hbm:s0], s1  }
0x109: {  	s0 =	simm.s32 @!p0 $0x7  }
0x10a: {  	_ =	swait.ge @!p0 [sflag:s0], s1  }
0x10b: {  	s1 =	ssub.s32 @!p0 $0x0, s1;
	[sflag:s0] =	ssyncset.done @!p0 $0x0  }
0x10c: {  	[sflag:s0] =	ssyncadd.s32 @!p0 s1  }
0x10d: {  	[bflag:$0x3] =	sbarrier.arrive $0xFFFF  }
0x10e: {  	_ =	shalt  }

// kernel: kernel.19.cloned.1.call-start
scs
__scs_entry_jumppad:
0x0: {  	(pc) =	sbr.rel $0x88, $3  }
0x1: {  	(tag) =	ssettag $0x0;
	lr =	simm.s32 $0x1  }
0x2: {  	[smem:$0x3F99] =	sst lr;
	_ =	strace $0xD0000000  }
0x3: {  	_ = 	snop  }
0x4: {  	_ = 	snop  }
0x5: {  	_ = 	snop  }
0x6: {  	_ = 	snop  }
0x7: {  	_ = 	snop  }
__scs_overlays_trampoline_lowered:
0x8: {  	[smem:$0x3FA8] =	sst s0  }
0x9: {  	[smem:$0x3FA9] =	sst s1  }
0xa: {  	[smem:$0x3FAA] =	sst s2  }
0xb: {  	[smem:$0x3FAB] =	sst s3  }
0xc: {  	[smem:$0x3FAC] =	sst s4  }
0xd: {  	[smem:$0x3FAD] =	sst s5  }
0xe: {  	[smem:$0x3FAE] =	sst s6  }
0xf: {  	[smem:$0x3FAF] =	sst s7  }
0x10: {  	[smem:$0x3FB0] =	sst s8  }
0x11: {  	[smem:$0x3FB1] =	sst s9;
	s0 =	simm.s32 @!p0 $0x0  }
0x12: {  	s1 =	sld [smem:$0x3F97];
	s0 =	simm.s32 @p0 $0x1  }
0x13: {  	[smem:$0x3FB2] =	sst s0;
	s0 =	simm.s32 @!p1 $0x0  }
0x14: {  	s2 =	sld [smem:$0x3F96];
	s0 =	simm.s32 @p1 $0x1  }
0x15: {  	[smem:$0x3FB3] =	sst s0;
	s0 =	simm.s32 @!p2 $0x0  }
0x16: {  	s3 =	sld [smem:$0x3FDB];
	s0 =	simm.s32 @p2 $0x1  }
0x17: {  	s4 =	simm.s32 $0x1BF5;
	[smem:$0x3FB5] =	sst s0  }
0x18: {  	s0 =	sld [smem:$0x3F98];
	_ =	swait.ge [sflag:s4], $0x0  }
0x19: {  	s7 =	sld [smem:$0x3F99]  }
0x1a: {  	s8 =	sadd.s32 $0xFFFFE003, lr  }
0x1b: {  	s9 =	sadd.s32 $0xFFFFFEF7, lr;
	s5 =	simm.s32 $0xFFFFFFFF;
	p2 =	slt.u32 s8, $0xFFFFF086  }
0x1c: {  	p1 =	slt.u32 s9, $0xF7A;
	s5 =	simm.s32 @!p2 $0x0  }
0x1d: {  	s5 =	simm.s32 @p1 $0x1;
	p0 =	seq.s32 s7, s2  }
0x1e: {  	s7 =	smul.u32 @!p0 $0xF7A, s2;
	p2 =	seq.s32 @!p0 s5, $0x0  }
0x1f: {  	s9 =	smul.u32 $0xF7A, s1;
	s8 =	simm.s32 @!p0 $0x1BF5;
	p2 =	por !p2, p0  }
0x20: {  	[sflag:s8] =	ssyncset.s32 @!p0 $0xFFFFF086;
	s6 =	sadd.s32 @!p0 s3, s7;
	s7 =	simm.s32 @!p0 $0x108  }
0x21: {  	s3 =	sadd.s32 s3, s9;
	s6 =	sadd.s32 @!p0 $0x88, s6;
	s7 =	simm.s32 @p2 $0x1082  }
0x22: {  	[simem:s7], [sflag:s8] =	dma.local @!p0 [hbm:s6], $0xF7A  }
0x23: {  	s9 =	sor.u32 $0xD0000000, s2;
	s6 =	simm.s32 $0x108;
	_ =	swait.ge @!p0 [sflag:s8], $0x0  }
0x24: {  	s3 =	sadd.s32 $0x88, s3;
	s6 =	simm.s32 @!p1 $0x1082;
	[sflag:s4] =	ssyncset.s32 $0xFFFFF086  }
0x25: {  	[simem:s6], [sflag:s4] =	dma.local [hbm:s3], $0xF7A  }
0x26: {  	[smem:$0x3F99] =	sst s1;
	(tag) =	ssettag s2;
	_ =	strace s9  }
0x27: {  	s1 =	sld [smem:$0x3FA9]  }
0x28: {  	s2 =	sld [smem:$0x3FAA]  }
0x29: {  	s4 =	sld [smem:$0x3FAC]  }
0x2a: {  	p0 =	seq.s32 s5, $0x0;
	s5 =	sld [smem:$0x3FAD]  }
0x2b: {  	s6 =	sld [smem:$0x3FAE]  }
0x2c: {  	s7 =	sld [smem:$0x3FAF]  }
0x2d: {  	s3 =	simm.s32 $0x108;
	s8 =	sld [smem:$0x3FB0]  }
0x2e: {  	s3 =	simm.s32 @!p0 $0x1082;
	s9 =	sld [smem:$0x3FB1]  }
0x2f: {  	lr =	sadd.s32 s0, s3;
	s0 =	sld [smem:$0x3FA8]  }
0x30: {  	s3 =	sld [smem:$0x3FAB]  }
0x31: {  	[smem:$0x3FB4] =	sst s10  }
0x32: {  	s10 =	sld [smem:$0x3FB2];
	_ =	sdelay $0x3  }
0x33: {  	p0 =	seq.s32 s10, $0x1;
	s10 =	sld [smem:$0x3FB4];
	_ =	sdelay $0x3  }
0x34: {  	[smem:$0x3FB4] =	sst s10  }
0x35: {  	s10 =	sld [smem:$0x3FB3];
	_ =	sdelay $0x3  }
0x36: {  	p1 =	seq.s32 s10, $0x1;
	s10 =	sld [smem:$0x3FB4];
	_ =	sdelay $0x3  }
0x37: {  	[smem:$0x3FB4] =	sst s10  }
0x38: {  	s10 =	sld [smem:$0x3FB5]  }
0x39: {  	_ = 	snop;
	(pc) =	sbr.ind lr, $3  }
0x3a: {  	_ = 	snop  }
0x3b: {  	_ = 	snop  }
0x3c: {  	p2 =	seq.s32 s10, $0x1;
	s10 =	sld [smem:$0x3FB4]  }
0x3d: {  	_ =	shalt  }
0x3e: {  	_ =	shalt  }
0x3f: {  	_ =	shalt  }
0x40: {  	_ =	shalt  }
0x41: {  	_ =	shalt  }
0x42: {  	_ =	shalt  }
0x43: {  	_ =	shalt  }
0x44: {  	_ =	shalt  }
0x45: {  	_ =	shalt  }
0x46: {  	_ =	shalt  }
0x47: {  	_ =	shalt  }
0x48: {  	_ =	shalt  }
0x49: {  	_ =	shalt  }
0x4a: {  	_ =	shalt  }
0x4b: {  	_ =	shalt  }
0x4c: {  	_ =	shalt  }
0x4d: {  	_ =	shalt  }
0x4e: {  	_ =	shalt  }
0x4f: {  	_ =	shalt  }
0x50: {  	_ =	shalt  }
0x51: {  	_ =	shalt  }
0x52: {  	_ =	shalt  }
0x53: {  	_ =	shalt  }
0x54: {  	_ =	shalt  }
0x55: {  	_ =	shalt  }
0x56: {  	_ =	shalt  }
0x57: {  	_ =	shalt  }
0x58: {  	_ =	shalt  }
0x59: {  	_ =	shalt  }
0x5a: {  	_ =	shalt  }
0x5b: {  	_ =	shalt  }
0x5c: {  	_ =	shalt  }
0x5d: {  	_ =	shalt  }
0x5e: {  	_ =	shalt  }
0x5f: {  	_ =	shalt  }
0x60: {  	_ =	shalt  }
0x61: {  	_ =	shalt  }
0x62: {  	_ =	shalt  }
0x63: {  	_ =	shalt  }
0x64: {  	_ =	shalt  }
0x65: {  	_ =	shalt  }
0x66: {  	_ =	shalt  }
0x67: {  	_ =	shalt  }
0x68: {  	_ =	shalt  }
0x69: {  	_ =	shalt  }
0x6a: {  	_ =	shalt  }
0x6b: {  	_ =	shalt  }
0x6c: {  	_ =	shalt  }
0x6d: {  	_ =	shalt  }
0x6e: {  	_ =	shalt  }
0x6f: {  	_ =	shalt  }
0x70: {  	_ =	shalt  }
0x71: {  	_ =	shalt  }
0x72: {  	_ =	shalt  }
0x73: {  	_ =	shalt  }
0x74: {  	_ =	shalt  }
0x75: {  	_ =	shalt  }
0x76: {  	_ =	shalt  }
0x77: {  	_ =	shalt  }
0x78: {  	_ =	shalt  }
0x79: {  	_ =	shalt  }
0x7a: {  	_ =	shalt  }
0x7b: {  	_ =	shalt  }
0x7c: {  	_ =	shalt  }
0x7d: {  	_ =	shalt  }
0x7e: {  	_ =	shalt  }
0x7f: {  	_ =	shalt  }
0x80: {  	_ =	shalt  }
0x81: {  	_ =	shalt  }
0x82: {  	_ =	shalt  }
0x83: {  	_ =	shalt  }
0x84: {  	_ =	shalt  }
0x85: {  	_ =	shalt  }
0x86: {  	_ =	shalt  }
0x87: {  	_ =	shalt  }
.Lfunc_end0:
.L_simem_size_0:
called_computation.3_lowered:
.L_overlay_start_0:
0x88: {  	s2 =	sld [smem:$0x3FD9]  }
0x89: {  	s3 =	sld [smem:$0x3FFE];
	_ =	sdelay $0x1  }
0x8a: {  	s1 =	srdreg.scid  }
0x8b: {  	s0 =	sand.u32 $0x1, s1  }
0x8c: {  	s17 =	sshll.u32 s0, $0xA;
	s2 =	sadd.s32 s3, s2  }
0x8d: {  	s2 =	sadd.s32 s2, s17  }
0x8e: {  	[smem:$0x3FC0] =	sst s2  }
0x8f: {  	_ = 	snop  }
0x90: {  	s2 =	sld [smem:$0x3FD0];
	(tm) =	ssettm $0x1  }
0x91: {  	s18 =	sld [smem:$0x3FFB];
	_ =	sdelay $0x3  }
0x92: {  	_ =	strace s18  }
0x93: {  	s3 =	sld [smem:$0x3FFC];
	_ =	sdelay $0x3  }
0x94: {  	_ =	strace s3  }
0x95: {  	s3 =	sld [smem:$0x3FFD];
	_ =	sdelay $0x3  }
0x96: {  	_ =	strace s3  }
0x97: {  	_ =	strace $0x8FFFFFFF  }
0x98: {  	s19 =	sld [smem:$0x3FDB];
	_ =	sdelay $0x1  }
0x99: {  	s4 =	simm.s32 $_scs_section_size  }
0x9a: {  	s5 =	simm.s32 $_size__tile_overlayer_lowered;
	s6 =	simm.s32 $_tile_overlayer_lowered  }
0x9b: {  	s22 =	simm.s32 $0x1BFF;
	s21 =	sshll.u32 s6, $0x1;
	s3 =	sadd.s32 s4, s19  }
0x9c: {  	s7 =	simm.s32 $0x0;
	s20 =	sshll.u32 s5, $0x1;
	s5 =	sadd.s32 s21, s3  }
0x9d: {  	[timem:s7], [sflag:s22] =	dma.local [hbm:s5], s20  }
0x9e: {  	_ =	swait.ge [sflag:s22], s20  }
0x9f: {  	s4 =	ssub.s32 $0x0, s20;
	[sflag:s22] =	ssyncset.done $0x0  }
0xa0: {  	[sflag:s22] =	ssyncadd.s32 s4;
	_ =	sdelay $0x1  }
0xa1: {  	s23 =	simm.s32 $0x1B8B  }
0xa2: {  	_ =	swait.ge [sflag:s23], $0x1  }
0xa3: {  	[sflag:s23] =	ssyncset.done $0x0  }
0xa4: {  	s25 =	simm.s32 $0x1B8E;
	s24 =	sld [smem:$0x3FFE];
	[sflag:s23] =	ssyncadd.s32 $0xFFFFFFFF  }
0xa5: {  	s26 =	simm.s32 $execute0_lowered;
	[smem:$0x3FD2] =	sst s25  }
0xa6: {  	s5 =	sshll.u32 s26, $0x1;
	_ =	strace $0x8000004F;
	[dreg:$0x1] =	wrdreg $0xFFFFFFFF  }
0xa7: {  	s28 =	simm.s32 $_size_execute0_lowered;
	s3 =	sadd.s32 s3, s5;
	[dreg:$0x0] =	wrdreg $0x0  }
0xa8: {  	s5 =	sshll.u32 s28, $0x1;
	[dreg:$0x2] =	wrdreg s3  }
0xa9: {  	[dreg:$0x3] =	wrdreg s5  }
0xaa: {  	[dreg:$0x4] =	wrdreg $0xC0  }
0xab: {  	_ =	task [dreg:s7], $0x5FFFF  }
0xac: {  	[dreg:$0x1] =	wrdreg $0xFFFFFFFF  }
0xad: {  	[dreg:$0x0] =	wrdreg $0x60  }
0xae: {  	[dreg:$0x2] =	wrdreg s24  }
0xaf: {  	[dreg:$0x3] =	wrdreg s2  }
0xb0: {  	[dreg:$0x4] =	wrdreg $0x0  }
0xb1: {  	[dreg:$0x5] =	wrdreg $0x9  }
0xb2: {  	_ =	task.clear_ibuf [dreg:s7], $0x6FFFF;
	_ =	strace $0x9000004F  }
0xb3: {  	s29 =	simm.s32 $0x9;
	_ =	strace $0x80000051  }
0xb4: {  	_ =	swait.ge [sflag:s29], $0x1  }
0xb5: {  	[sflag:s29] =	ssyncadd.s32 $0xFFFFFFFF  }
0xb6: {  	_ =	strace $0x90000051  }
0xb7: {  	_ =	sfence  }
0xb8: {  	s30 =	sld [smem:$0x0];
	_ =	sdelay $0x2  }
0xb9: {  	s31 =	sshll.u32 s1, $0xD;
	s1 =	sshrl.u32 s1, $0x2  }
0xba: {  	s3 =	sand.u32 $0x4000, s31;
	s1 =	sadd.s32 s1, s30  }
0xbb: {  	s0 =	sor.u32 s3, s0;
	s1 =	sshll.u32 s1, $0x11  }
0xbc: {  	s0 =	sor.u32 s1, s0  }
0xbd: {  	s0 =	sadd.s32 $0x8F2B, s0  }
0xbe: {  	[sflag:s0] =	ssyncadd.remote.s32 $0x1  }
0xbf: {  	_ =	sfence.sel $0xFFFF  }
0xc0: {  	[dreg:$0x0] =	wrdreg $0xFFFFFFFF;
	(pc) =	sbr.abs _section_cstart, $3  }
0xc1: {  	[dreg:$0x1] =	wrdreg $0xFFFFFFFF  }
0xc2: {  	_ =	task.clear_ibuf [dreg:s7], $0x2FFFF;
	_ =	strace $0x9FFFFFFF  }
0xc3: {  	(tm) =	ssettm $0x7FFFFFFF  }
tec
execute0_lowered:
.L_overlay_start_1:
0x0: {  	(tag) =	ssettag $0x1  }
0x1: {  	s0 =	rddreg [dreg:$0x0]  }
0x2: {  	s1 =	rddreg [dreg:$0x1]  }
0x3: {  	s2 =	srdreg.scid;
	s18 =	stileid.u32  }
0x4: {  	s3 =	rddreg [dreg:$0x2];
	s5 =	smul.u32 $0x13C00, s18  }
0x5: {  	s28 =	simm.s32 $0x0;
	s2 =	sand.u32 $0x1, s2;
	s30 =	smul.u32 $0x2880, s18  }
0x6: {  	s10 =	sadd.s32 $0x577800, s0;
	s11 =	sadd.s32 $0x67800, s0;
	s13 =	smul.u32 $0x13C000, s2  }
0x7: {  	s4 =	sshll.u32 s2, $0x4;
	s6 =	ssub.s32 $0x2, s2;
	s29 =	smul.u32 $0x28800, s2  }
0x8: {  	s2 =	smul.u32 $0x288000, s2;
	s7 =	sor.u32 s18, s4;
	s4 =	simm.s32 $0x0  }
0x9: {  	s8 =	sshrl.u32 s6, $0x1;
	s16 =	sadd.s32 $0x4000, s5;
	s17 =	sadd.s32 $0x8000, s5  }
0xa: {  	s20 =	sadd.s32 $0xC000, s5;
	s21 =	sadd.s32 $0x10000, s5;
	s9 =	smul.u32 $0x2880, s7  }
0xb: {  	s6 =	ssub.s32 s6, s8;
	s7 =	smul.u32 $0x28800, s7;
	s23 =	sadd.s32 s5, s13  }
0xc: {  	s14 =	sadd.s32 s13, s16;
	s15 =	sadd.s32 s13, s17;
	s26 =	sadd.s32 s13, s20  }
0xd: {  	s13 =	sadd.s32 s13, s21;
	s2 =	sadd.s32 s2, s11;
	[smem:$0x7FF] =	sst s4  }
0xe: {  	s20 =	sadd.s32 s20, s3;
	s21 =	sadd.s32 s21, s3;
	s14 =	sshrl.u32 s14, $0x3  }
0xf: {  	s15 =	sshrl.u32 s15, $0x3;
	s13 =	sshrl.u32 s13, $0x3;
	s7 =	sadd.s32 s11, s7  }
0x10: {  	s8 =	sadd.s32 $0x80, s9;
	s24 =	sadd.s32 s10, s14;
	[dreg:$0x4] =	wrdreg s7  }
0x11: {  	s12 =	sadd.s32 $0x100, s9;
	s25 =	sadd.s32 s10, s15;
	[dreg:$0x6] =	wrdreg s24  }
0x12: {  	s13 =	sadd.s32 s10, s13;
	s14 =	sadd.s32 $0x5D600, s0;
	[dreg:$0x7] =	wrdreg s25  }
0x13: {  	s7 =	sshrl.u32 s23, $0x3;
	[dreg:$0x9] =	wrdreg s13;
	s19 =	sshll.u32 s8, $0x4  }
0x14: {  	s22 =	sshll.u32 s12, $0x4;
	s24 =	smul.u32 $0x28800, s18;
	s7 =	sadd.s32 s10, s7  }
0x15: {  	s25 =	smul.u32 $0x4F000, s18;
	s23 =	sadd.s32 s11, s22;
	[dreg:$0x5] =	wrdreg s7  }
0x16: {  	s8 =	sshrl.u32 s8, $0x3;
	s7 =	sshrl.u32 s26, $0x3;
	[dreg:$0xb] =	wrdreg s23  }
0x17: {  	s13 =	sadd.s32 s24, s2;
	s26 =	sshrl.u32 s5, $0x3;
	s5 =	sshrl.u32 s9, $0x3  }
0x18: {  	s9 =	sshrl.u32 s12, $0x3;
	s24 =	smax.u32 s6, $0x1;
	s6 =	simm.s32 $0x7  }
0x19: {  	s7 =	sadd.s32 s10, s7;
	s10 =	sadd.s32 s30, s29;
	s2 =	sadd.s32 s26, s0  }
0x1a: {  	s29 =	sshrl.u32 s25, $0x2;
	s12 =	sadd.s32 s1, s5;
	s22 =	sadd.s32 s14, s9  }
0x1b: {  	[dreg:$0x8] =	wrdreg s7;
	s7 =	sadd.s32 s11, s19;
	s15 =	sadd.s32 s29, s3  }
0x1c: {  	s30 =	sadd.s32 $0x3600, s2;
	s2 =	sshll.u32 s18, $0x6;
	[dreg:$0xa] =	wrdreg s7  }
0x1d: {  	s0 =	sor.u32 $0x1C07, s2;
	_ =	strace $0x80000050;
	[dreg:$0xc] =	wrdreg s30  }
0x1e: {  	s11 =	sadd.s32 s16, s3;
	s19 =	sadd.s32 s17, s3;
	[dreg:$0xd] =	wrdreg s0  }
0x1f: {  	s16 =	sadd.s32 s1, s8;
	s17 =	sadd.s32 s14, s8;
	[dreg:$0xe] =	wrdreg s11  }
0x20: {  	s18 =	sadd.s32 s1, s9;
	s23 =	sadd.s32 $0x280, s10;
	[dreg:$0xf] =	wrdreg s12  }
0x21: {  	s25 =	sadd.s32 $0x200, s10;
	s31 =	sadd.s32 $0x180, s10;
	[dreg:$0x11] =	wrdreg s16  }
0x22: {  	s8 =	simm.s32 $0x80;
	s9 =	simm.s32 $0x13C00;
	[dreg:$0x12] =	wrdreg s17  }
0x23: {  	s10 =	simm.s32 $0x1FC80;
	s2 =	sshrl.u32 s25, $0x3;
	[dreg:$0x13] =	wrdreg s18  }
0x24: {  	s7 =	simm.s32 $0x1FC00;
	s25 =	simm.s32 $0x5;
	[dreg:$0x14] =	wrdreg s22  }
0x25: {  	s0 =	sadd.s32 s14, s5;
	[dreg:$0x15] =	wrdreg s24;
	s29 =	sadd.s32 s2, s1  }
0x26: {  	s30 =	sadd.s32 s2, s14;
	s11 =	simm.s32 $0x17C00;
	s12 =	simm.s32 $0x1FD00  }
.Ltmp0:
0x27: {  	s16 =	simm.s32 $0x1BC00;
	[dreg:$0x10] =	wrdreg s0;
	(pc) =	sbr.rel .LBB2_1-.Ltmp0, $4  }
0x28: {  	s17 =	simm.s32 $0x1;
	s0 =	sshrl.u32 s23, $0x3;
	[dreg:$0x18] =	wrdreg s29  }
0x29: {  	s22 =	simm.s32 $0x2;
	[dreg:$0x19] =	wrdreg s30;
	s26 =	sadd.s32 s0, s1  }
0x2a: {  	s24 =	simm.s32 $0x4;
	s0 =	sadd.s32 s0, s14;
	[dreg:$0x16] =	wrdreg s26  }
0x2b: {  	v0 =	vimm.f32 $0.0e+00;
	s23 =	simm.s32 $0x3;
	[dreg:$0x17] =	wrdreg s0;
	s26 =	simm.s32 $0x6  }
.LBB2_9:
0x2c: {  	_ =	swait.ge [sflag:s25], $0x4000  }
0x2d: {  	[sflag:s25] =	ssyncset.done $0x0  }
0x2e: {  	[sflag:s25] =	ssyncadd.s32 $0xFFFFC000  }
0x2f: {  	_ =	swait.ge [sflag:s26], $0x4000  }
0x30: {  	[sflag:s26] =	ssyncset.done $0x0  }
0x31: {  	[sflag:s26] =	ssyncadd.s32 $0xFFFFC000  }
0x32: {  	[bflag:$0x0] =	sbarrier.arrive $0xFFFF  }
0x33: {  	[tilespmem:s9], [sflag:$0x7] =	stream.linear.gather [spmem:s15], $0x4000, $0x38;
	[tilespmem:$0x1FD80] =	vst v63  }
0x34: {  	_ =	swait.ge [sflag:s6], $0x4000  }
0x35: {  	[sflag:s6] =	ssyncset.done $0x0  }
0x36: {  	s0 =	rddreg [dreg:$0x5];
	[sflag:s6] =	ssyncadd.s32 $0xFFFFC000  }
0x37: {  	[hbm4b:s0+s4] =	stream.linear.scatter [tilespmem:s9], [sflag:$0x7], $0x4000, $0x38;
	[tilespmem:$0x1FD80] =	vst v63  }
0x38: {  	_ =	swait.ge [sflag:s6], $0x4000  }
0x39: {  	[sflag:s6] =	ssyncset.done $0x0  }
0x3a: {  	s30 =	rddreg [dreg:$0xe];
	[sflag:s6] =	ssyncadd.s32 $0xFFFFC000  }
0x3b: {  	[tilespmem:s9], [sflag:$0x7] =	stream.linear.gather [spmem:s30], $0x4000, $0x38;
	[tilespmem:$0x1FD80] =	vst v63  }
0x3c: {  	_ =	swait.ge [sflag:s6], $0x4000  }
0x3d: {  	[sflag:s6] =	ssyncset.done $0x0  }
0x3e: {  	s2 =	rddreg [dreg:$0x6];
	[sflag:s6] =	ssyncadd.s32 $0xFFFFC000  }
0x3f: {  	[hbm4b:s2+s4] =	stream.linear.scatter [tilespmem:s9], [sflag:$0x7], $0x4000, $0x38;
	[tilespmem:$0x1FD80] =	vst v63  }
0x40: {  	_ =	swait.ge [sflag:s6], $0x4000  }
0x41: {  	[sflag:s6] =	ssyncset.done $0x0  }
0x42: {  	[sflag:s6] =	ssyncadd.s32 $0xFFFFC000  }
0x43: {  	[tilespmem:s9], [sflag:$0x7] =	stream.linear.gather [spmem:s19], $0x4000, $0x38;
	[tilespmem:$0x1FD80] =	vst v63  }
0x44: {  	_ =	swait.ge [sflag:s6], $0x4000  }
0x45: {  	[sflag:s6] =	ssyncset.done $0x0  }
0x46: {  	s5 =	rddreg [dreg:$0x7];
	[sflag:s6] =	ssyncadd.s32 $0xFFFFC000  }
0x47: {  	[hbm4b:s5+s4] =	stream.linear.scatter [tilespmem:s9], [sflag:$0x7], $0x4000, $0x38;
	[tilespmem:$0x1FD80] =	vst v63  }
0x48: {  	_ =	swait.ge [sflag:s6], $0x4000  }
0x49: {  	[sflag:s6] =	ssyncset.done $0x0  }
0x4a: {  	[sflag:s6] =	ssyncadd.s32 $0xFFFFC000  }
0x4b: {  	[tilespmem:s9], [sflag:$0x7] =	stream.linear.gather [spmem:s20], $0x4000, $0x38;
	[tilespmem:$0x1FD80] =	vst v63  }
0x4c: {  	_ =	swait.ge [sflag:s6], $0x4000  }
0x4d: {  	[sflag:s6] =	ssyncset.done $0x0  }
0x4e: {  	s18 =	rddreg [dreg:$0x8];
	[sflag:s6] =	ssyncadd.s32 $0xFFFFC000  }
0x4f: {  	[hbm4b:s18+s4] =	stream.linear.scatter [tilespmem:s9], [sflag:$0x7], $0x4000, $0x38;
	[tilespmem:$0x1FD80] =	vst v63  }
0x50: {  	_ =	swait.ge [sflag:s6], $0x4000  }
0x51: {  	[sflag:s6] =	ssyncset.done $0x0  }
0x52: {  	[sflag:s6] =	ssyncadd.s32 $0xFFFFC000  }
0x53: {  	[tilespmem:s9], [sflag:$0x7] =	stream.linear.gather [spmem:s21], $0x3C00, $0x38;
	[tilespmem:$0x1FD80] =	vst v63  }
0x54: {  	_ =	swait.ge [sflag:s6], $0x3C00  }
0x55: {  	[sflag:s6] =	ssyncset.done $0x0  }
0x56: {  	s29 =	rddreg [dreg:$0x9];
	[sflag:s6] =	ssyncadd.s32 $0xFFFFC400  }
0x57: {  	[hbm4b:s29+s4] =	stream.linear.scatter [tilespmem:s9], [sflag:$0x7], $0x3C00, $0x38;
	[tilespmem:$0x1FD80] =	vst v63  }
0x58: {  	_ =	swait.ge [sflag:s6], $0x3C00  }
0x59: {  	s28 =	sadd.s32 $0x1, s28;
	s30 =	rddreg [dreg:$0x15]  }
0x5a: {  	p0 =	sne.s32 s28, s30  }
.Ltmp1:
0x5b: {  	_ = 	snop;
	(pc) =	sbr.rel @!p0 .LBB2_10-.Ltmp1, $3  }
0x5c: {  	_ =	sdelay $0x1  }
0x5d: {  	[sflag:s6] =	ssyncset.done $0x0  }
0x5e: {  	[sflag:s6] =	ssyncadd.s32 $0xFFFFC400  }
.LBB2_1:
0x5f: {  	s0 =	rddreg [dreg:$0xc]  }
0x60: {  	s2 =	sshrl.u32 s15, $0x3;
	s5 =	rddreg [dreg:$0xd]  }
0x61: {  	[spmem:s2], [sflag:s5] =	dma.local [hbm:s0], $0x2780  }
0x62: {  	_ =	swait.ge [sflag:s6], $0x2780  }
0x63: {  	[sflag:s6] =	ssyncset.done $0x0  }
0x64: {  	[sflag:s6] =	ssyncadd.s32 $0xFFFFD880  }
0x65: {  	[bflag:$0x0] =	sbarrier.arrive $0xFFFF  }
0x66: {  	s2 =	rddreg [dreg:$0xf]  }
0x67: {  	[tilespmem:s7], [sflag:$0x7] =	stream.linear.gather [hbm4b:s2+s4], $0x80, $0x38;
	[tilespmem:$0x1FD80] =	vst v63  }
0x68: {  	_ =	swait.ge [sflag:s6], $0x80  }
0x69: {  	[sflag:s6] =	ssyncset.done $0x0  }
0x6a: {  	[sflag:s6] =	ssyncadd.s32 $0xFFFFFF80  }
0x6b: {  	[tilespmem:s9], [sflag:$0x1] =	stream.indirect.gather [spmem:s3], $0x80, s7, s8, $0xb8;
	[tilespmem:$0x1FD80] =	vst v63  }
0x6c: {  	s5 =	rddreg [dreg:$0x11]  }
0x6d: {  	[tilespmem:s10], [sflag:$0x7] =	stream.linear.gather [hbm4b:s5+s4], $0x80, $0x38;
	[tilespmem:$0x1FD80] =	vst v63  }
0x6e: {  	_ =	swait.ge [sflag:s6], $0x80  }
0x6f: {  	[sflag:s6] =	ssyncset.done $0x0  }
0x70: {  	[sflag:s6] =	ssyncadd.s32 $0xFFFFFF80  }
0x71: {  	[tilespmem:s11], [sflag:$0x2] =	stream.indirect.gather [spmem:s3], $0x80, s10, s8, $0xb8;
	[tilespmem:$0x1FD80] =	vst v63  }
0x72: {  	s18 =	rddreg [dreg:$0x13]  }
0x73: {  	[tilespmem:s12], [sflag:$0x7] =	stream.linear.gather [hbm4b:s18+s4], $0x80, $0x38;
	[tilespmem:$0x1FD80] =	vst v63  }
0x74: {  	_ =	swait.ge [sflag:s6], $0x80  }
0x75: {  	s29 =	simm.s32 $0x0;
	[sflag:s6] =	ssyncset.done $0x0;
	s5 =	rddreg [dreg:$0x18]  }
0x76: {  	s30 =	smov.u32 s31;
	s2 =	rddreg [dreg:$0x16];
	[sflag:s6] =	ssyncadd.s32 $0xFFFFFF80  }
0x77: {  	[tilespmem:s16], [sflag:$0x3] =	stream.indirect.gather [spmem:s3], $0x80, s12, s8, $0xb8;
	[tilespmem:$0x1FD80] =	vst v63  }
.LBB2_2:
0x78: {  	_ =	swait.ge [sflag:s17], $0x4000  }
0x79: {  	[sflag:s17] =	ssyncset.done $0x0  }
0x7a: {  	s0 =	sadd.s32 s29, s13;
	[sflag:s17] =	ssyncadd.s32 $0xFFFFC000  }
0x7b: {  	[hbm4b:s0+s4] =	stream.linear.scatter [tilespmem:s9], [sflag:$0x4], $0x4000, $0x38;
	[tilespmem:$0x1FD80] =	vst v63  }
0x7c: {  	_ =	swait.ge [sflag:s22], $0x4000  }
0x7d: {  	[sflag:s22] =	ssyncset.done $0x0  }
0x7e: {  	s18 =	sadd.s32 $0x800, s0;
	[sflag:s22] =	ssyncadd.s32 $0xFFFFC000  }
0x7f: {  	[hbm4b:s18+s4] =	stream.linear.scatter [tilespmem:s11], [sflag:$0x5], $0x4000, $0x38;
	[tilespmem:$0x1FD80] =	vst v63  }
0x80: {  	_ =	swait.ge [sflag:s23], $0x4000  }
0x81: {  	p0 =	seq.s32 s29, $0x27000;
	[sflag:s23] =	ssyncset.done $0x0  }
.Ltmp2:
0x82: {  	s0 =	sadd.s32 $0x1000, s0;
	[sflag:s23] =	ssyncadd.s32 $0xFFFFC000;
	(pc) =	sbr.rel @p0 .LBB2_4-.Ltmp2, $4  }
0x83: {  	[hbm4b:s0+s4] =	stream.linear.scatter [tilespmem:s16], [sflag:$0x6], $0x4000, $0x38;
	[tilespmem:$0x1FD80] =	vst v63  }
0x84: {  	_ =	swait.ge [sflag:s24], $0x4000  }
0x85: {  	[sflag:s24] =	ssyncset.done $0x0  }
0x86: {  	[sflag:s24] =	ssyncadd.s32 $0xFFFFC000  }
0x87: {  	s0 =	sshrl.u32 s30, $0x3  }
0x88: {  	s0 =	sadd.s32 s1, s0  }
0x89: {  	[tilespmem:s7], [sflag:$0x7] =	stream.linear.gather [hbm4b:s0+s4], $0x80, $0x38;
	[tilespmem:$0x1FD80] =	vst v63  }
0x8a: {  	_ =	swait.ge [sflag:s6], $0x80  }
0x8b: {  	[sflag:s6] =	ssyncset.done $0x0  }
0x8c: {  	[sflag:s6] =	ssyncadd.s32 $0xFFFFFF80  }
0x8d: {  	[tilespmem:s9], [sflag:$0x1] =	stream.indirect.gather [spmem:s3], $0x80, s7, s8, $0xb8;
	[tilespmem:$0x1FD80] =	vst v63  }
0x8e: {  	_ =	swait.ge [sflag:s25], $0x4000  }
0x8f: {  	[sflag:s25] =	ssyncset.done $0x0  }
0x90: {  	[sflag:s25] =	ssyncadd.s32 $0xFFFFC000  }
0x91: {  	[tilespmem:s10], [sflag:$0x7] =	stream.linear.gather [hbm4b:s5+s4], $0x80, $0x38;
	[tilespmem:$0x1FD80] =	vst v63  }
0x92: {  	_ =	swait.ge [sflag:s6], $0x80  }
0x93: {  	[sflag:s6] =	ssyncset.done $0x0  }
0x94: {  	[sflag:s6] =	ssyncadd.s32 $0xFFFFFF80  }
0x95: {  	[tilespmem:s11], [sflag:$0x2] =	stream.indirect.gather [spmem:s3], $0x80, s10, s8, $0xb8;
	[tilespmem:$0x1FD80] =	vst v63  }
0x96: {  	_ =	swait.ge [sflag:s26], $0x4000  }
0x97: {  	[sflag:s26] =	ssyncset.done $0x0  }
0x98: {  	[sflag:s26] =	ssyncadd.s32 $0xFFFFC000  }
0x99: {  	[tilespmem:s12], [sflag:$0x7] =	stream.linear.gather [hbm4b:s2+s4], $0x80, $0x38;
	[tilespmem:$0x1FD80] =	vst v63  }
.Ltmp3:
0x9a: {  	_ = 	snop;
	(pc) =	sbr.rel .LBB2_2-.Ltmp3, $4  }
0x9b: {  	_ =	swait.ge [sflag:s6], $0x80  }
0x9c: {  	s30 =	sadd.s32 $0x180, s30;
	s29 =	sadd.s32 $0x1800, s29;
	[sflag:s6] =	ssyncset.done $0x0  }
0x9d: {  	s5 =	sadd.s32 $0x30, s5;
	s2 =	sadd.s32 $0x30, s2;
	[sflag:s6] =	ssyncadd.s32 $0xFFFFFF80  }
0x9e: {  	[tilespmem:s16], [sflag:$0x3] =	stream.indirect.gather [spmem:s3], $0x80, s12, s8, $0xb8;
	[tilespmem:$0x1FD80] =	vst v63  }
.LBB2_4:
0x9f: {  	_ =	swait.ge [sflag:s25], $0x4000  }
0xa0: {  	[sflag:s25] =	ssyncset.done $0x0  }
0xa1: {  	[sflag:s25] =	ssyncadd.s32 $0xFFFFC000  }
0xa2: {  	s2 =	simm.s32 $0x0;
	_ =	swait.ge [sflag:s26], $0x4000  }
0xa3: {  	s0 =	sand.u32 $0xFE00, s2;
	[sflag:s26] =	ssyncset.done $0x0  }
0xa4: {  	s18 =	sand.u32 $0x70, s2;
	s0 =	sshrl.u32 s0, $0x2;
	[sflag:s26] =	ssyncadd.s32 $0xFFFFC000  }
0xa5: {  	s5 =	simm.s32 $0x40;
	s29 =	sor.u32 s18, s0;
	[bflag:$0x0] =	sbarrier.arrive $0xFFFF  }
.LBB2_5:
0xa6: {  	p0 =	sne.s32 s5, $0xFFC0  }
0xa7: {  	[tilespmem:s29+$0x13C00] =	vst v0;
	s2 =	sadd.s32 $0x10, s2;
	s0 =	smov.u32 s5;
	s5 =	sadd.s32 $0x40, s5  }
.Ltmp4:
0xa8: {  	(pc) =	sbr.rel @p0 .LBB2_5-.Ltmp4, $4  }
0xa9: {  	_ = 	snop  }
0xaa: {  	s0 =	sand.u32 $0xFE00, s0  }
0xab: {  	s18 =	sand.u32 $0x70, s2;
	s0 =	sshrl.u32 s0, $0x2  }
0xac: {  	s29 =	sor.u32 s18, s0  }
0xad: {  	[tilespmem:s29+$0x13C00] =	vst v0  }
0xae: {  	[spmem:s15] =	stream.linear.scatter [tilespmem:s9], [sflag:$0x7], $0x4000, $0x38;
	[tilespmem:$0x1FD80] =	vst v63  }
0xaf: {  	_ =	swait.ge [sflag:s6], $0x4000  }
0xb0: {  	[sflag:s6] =	ssyncset.done $0x0  }
0xb1: {  	s0 =	rddreg [dreg:$0xe];
	[sflag:s6] =	ssyncadd.s32 $0xFFFFC000  }
0xb2: {  	[spmem:s0] =	stream.linear.scatter [tilespmem:s9], [sflag:$0x7], $0x4000, $0x38;
	[tilespmem:$0x1FD80] =	vst v63  }
0xb3: {  	_ =	swait.ge [sflag:s6], $0x4000  }
0xb4: {  	[sflag:s6] =	ssyncset.done $0x0  }
0xb5: {  	[sflag:s6] =	ssyncadd.s32 $0xFFFFC000  }
0xb6: {  	[spmem:s19] =	stream.linear.scatter [tilespmem:s9], [sflag:$0x7], $0x4000, $0x38;
	[tilespmem:$0x1FD80] =	vst v63  }
0xb7: {  	_ =	swait.ge [sflag:s6], $0x4000  }
0xb8: {  	[sflag:s6] =	ssyncset.done $0x0  }
0xb9: {  	[sflag:s6] =	ssyncadd.s32 $0xFFFFC000  }
0xba: {  	[spmem:s20] =	stream.linear.scatter [tilespmem:s9], [sflag:$0x7], $0x4000, $0x38;
	[tilespmem:$0x1FD80] =	vst v63  }
0xbb: {  	_ =	swait.ge [sflag:s6], $0x4000  }
0xbc: {  	[sflag:s6] =	ssyncset.done $0x0  }
0xbd: {  	[sflag:s6] =	ssyncadd.s32 $0xFFFFC000  }
0xbe: {  	[spmem:s21] =	stream.linear.scatter [tilespmem:s9], [sflag:$0x7], $0x3C00, $0x38;
	[tilespmem:$0x1FD80] =	vst v63  }
0xbf: {  	_ =	swait.ge [sflag:s6], $0x3C00  }
0xc0: {  	[sflag:s6] =	ssyncset.done $0x0  }
0xc1: {  	[sflag:s6] =	ssyncadd.s32 $0xFFFFC400  }
0xc2: {  	[bflag:$0x0] =	sbarrier.arrive $0xFFFF  }
0xc3: {  	s29 =	simm.s32 $0x0;
	s2 =	rddreg [dreg:$0x10]  }
0xc4: {  	[tilespmem:s7], [sflag:$0x7] =	stream.linear.gather [hbm4b:s2+s29], $0x80, $0x38;
	[tilespmem:$0x1FD80] =	vst v63  }
0xc5: {  	_ =	swait.ge [sflag:s6], $0x80  }
0xc6: {  	[sflag:s6] =	ssyncset.done $0x0  }
0xc7: {  	s5 =	rddreg [dreg:$0x4];
	[sflag:s6] =	ssyncadd.s32 $0xFFFFFF80  }
0xc8: {  	[tilespmem:s9], [sflag:$0x1] =	stream.linear.gather [hbm4b:s5+s29], $0x4000, $0x38;
	[tilespmem:$0x1FD80] =	vst v63  }
0xc9: {  	s18 =	rddreg [dreg:$0x12]  }
0xca: {  	[tilespmem:s10], [sflag:$0x7] =	stream.linear.gather [hbm4b:s18+s29], $0x80, $0x38;
	[tilespmem:$0x1FD80] =	vst v63  }
0xcb: {  	_ =	swait.ge [sflag:s6], $0x80  }
0xcc: {  	[sflag:s6] =	ssyncset.done $0x0  }
0xcd: {  	s2 =	rddreg [dreg:$0xa];
	[sflag:s6] =	ssyncadd.s32 $0xFFFFFF80  }
0xce: {  	[tilespmem:s11], [sflag:$0x2] =	stream.linear.gather [hbm4b:s2+s29], $0x4000, $0x38;
	[tilespmem:$0x1FD80] =	vst v63  }
0xcf: {  	s5 =	rddreg [dreg:$0x14]  }
0xd0: {  	[tilespmem:s12], [sflag:$0x7] =	stream.linear.gather [hbm4b:s5+s29], $0x80, $0x38;
	[tilespmem:$0x1FD80] =	vst v63  }
0xd1: {  	_ =	swait.ge [sflag:s6], $0x80  }
0xd2: {  	s18 =	rddreg [dreg:$0xb]  }
0xd3: {  	[sflag:s6] =	ssyncset.done $0x0;
	s5 =	rddreg [dreg:$0x19]  }
0xd4: {  	s30 =	smov.u32 s31;
	s2 =	rddreg [dreg:$0x17];
	[sflag:s6] =	ssyncadd.s32 $0xFFFFFF80  }
0xd5: {  	[tilespmem:s16], [sflag:$0x3] =	stream.linear.gather [hbm4b:s18+s29], $0x4000, $0x38;
	[tilespmem:$0x1FD80] =	vst v63  }
.LBB2_7:
0xd6: {  	_ =	swait.ge [sflag:s17], $0x4000  }
0xd7: {  	[sflag:s17] =	ssyncset.done $0x0  }
0xd8: {  	[sflag:s17] =	ssyncadd.s32 $0xFFFFC000  }
0xd9: {  	[spmem:s3] =	stream.indirect.scatter.add.f32 [tilespmem:s9], [sflag:$0x4], $0x80, s7, s8, $0xb8;
	[tilespmem:$0x1FD80] =	vst v63  }
0xda: {  	_ =	swait.ge [sflag:s22], $0x4000  }
0xdb: {  	[sflag:s22] =	ssyncset.done $0x0  }
0xdc: {  	[sflag:s22] =	ssyncadd.s32 $0xFFFFC000  }
0xdd: {  	[spmem:s3] =	stream.indirect.scatter.add.f32 [tilespmem:s11], [sflag:$0x5], $0x80, s10, s8, $0xb8;
	[tilespmem:$0x1FD80] =	vst v63  }
0xde: {  	_ =	swait.ge [sflag:s23], $0x4000  }
0xdf: {  	p0 =	seq.s32 s29, $0x27000;
	[sflag:s23] =	ssyncset.done $0x0  }
.Ltmp5:
0xe0: {  	[sflag:s23] =	ssyncadd.s32 $0xFFFFC000;
	(pc) =	sbr.rel @p0 .LBB2_9-.Ltmp5, $4  }
0xe1: {  	[spmem:s3] =	stream.indirect.scatter.add.f32 [tilespmem:s16], [sflag:$0x6], $0x80, s12, s8, $0xb8;
	[tilespmem:$0x1FD80] =	vst v63  }
0xe2: {  	_ =	swait.ge [sflag:s24], $0x4000  }
0xe3: {  	[sflag:s24] =	ssyncset.done $0x0  }
0xe4: {  	[sflag:s24] =	ssyncadd.s32 $0xFFFFC000  }
0xe5: {  	s0 =	sshrl.u32 s30, $0x3  }
0xe6: {  	s0 =	sadd.s32 s14, s0  }
0xe7: {  	[tilespmem:s7], [sflag:$0x7] =	stream.linear.gather [hbm4b:s0+s4], $0x80, $0x38;
	[tilespmem:$0x1FD80] =	vst v63  }
0xe8: {  	_ =	swait.ge [sflag:s6], $0x80  }
0xe9: {  	s0 =	sadd.s32 s29, s13;
	[sflag:s6] =	ssyncset.done $0x0  }
0xea: {  	s18 =	sadd.s32 $0x1800, s0;
	[sflag:s6] =	ssyncadd.s32 $0xFFFFFF80  }
0xeb: {  	[tilespmem:s9], [sflag:$0x1] =	stream.linear.gather [hbm4b:s18+s4], $0x4000, $0x38;
	[tilespmem:$0x1FD80] =	vst v63  }
0xec: {  	_ =	swait.ge [sflag:s25], $0x4000  }
0xed: {  	[sflag:s25] =	ssyncset.done $0x0  }
0xee: {  	[sflag:s25] =	ssyncadd.s32 $0xFFFFC000  }
0xef: {  	[tilespmem:s10], [sflag:$0x7] =	stream.linear.gather [hbm4b:s5+s4], $0x80, $0x38;
	[tilespmem:$0x1FD80] =	vst v63  }
0xf0: {  	_ =	swait.ge [sflag:s6], $0x80  }
0xf1: {  	[sflag:s6] =	ssyncset.done $0x0  }
0xf2: {  	s18 =	sadd.s32 $0x2000, s0;
	[sflag:s6] =	ssyncadd.s32 $0xFFFFFF80  }
0xf3: {  	[tilespmem:s11], [sflag:$0x2] =	stream.linear.gather [hbm4b:s18+s4], $0x4000, $0x38;
	[tilespmem:$0x1FD80] =	vst v63  }
0xf4: {  	_ =	swait.ge [sflag:s26], $0x4000  }
0xf5: {  	[sflag:s26] =	ssyncset.done $0x0  }
0xf6: {  	[sflag:s26] =	ssyncadd.s32 $0xFFFFC000  }
0xf7: {  	[tilespmem:s12], [sflag:$0x7] =	stream.linear.gather [hbm4b:s2+s4], $0x80, $0x38;
	[tilespmem:$0x1FD80] =	vst v63  }
.Ltmp6:
0xf8: {  	_ = 	snop;
	(pc) =	sbr.rel .LBB2_7-.Ltmp6, $4  }
0xf9: {  	s30 =	sadd.s32 $0x180, s30;
	_ =	swait.ge [sflag:s6], $0x80  }
0xfa: {  	s29 =	sadd.s32 $0x1800, s29;
	s0 =	sadd.s32 $0x2800, s0;
	[sflag:s6] =	ssyncset.done $0x0  }
0xfb: {  	s5 =	sadd.s32 $0x30, s5;
	s2 =	sadd.s32 $0x30, s2;
	[sflag:s6] =	ssyncadd.s32 $0xFFFFFF80  }
0xfc: {  	[tilespmem:s16], [sflag:$0x3] =	stream.linear.gather [hbm4b:s0+s4], $0x4000, $0x38;
	[tilespmem:$0x1FD80] =	vst v63  }
.LBB2_10:
0xfd: {  	_ =	sfence.sel $0x180000  }
0xfe: {  	[bflag:$0x0] =	sbarrier.arrive $0xFFFF  }
0xff: {  	_ =	strace $0x90000050  }
0x100: {  	s0 =	stileid.u32;
	[bflag:$0x2] =	sbarrier.arrive $0xFFFF  }
0x101: {  	p0 =	sne.s32 s0, $0x0;
	s0 =	rddreg [dreg:$0x3]  }
0x102: {  	s0 =	sadd.s32 @!p0 $0x100000, s0  }
0x103: {  	[sflag:s0] =	ssyncadd.tile.s32 @!p0 $0x1;
	_ =	shalt  }
.Lfunc_end2:
_tile_overlayer_lowered:
.L_overlay_start_2:
0x104: {  	(tag) =	ssettag $0x2  }
0x105: {  	s0 =	rddreg [dreg:$0x0];
	s2 =	stileid.u32  }
0x106: {  	s1 =	rddreg [dreg:$0x1];
	p0 =	sne.s32 s2, $0x0  }
0x107: {  	s3 =	rddreg [dreg:$0x2];
	[bflag:$0x3] =	sbarrier.arrive $0xFFFF;
	s2 =	simm.s32 @!p0 $0x1C07  }
0x108: {  	[timem:s3], [sflag:s2] =	dma.local @!p0 [hbm:s0], s1  }
0x109: {  	s0 =	simm.s32 @!p0 $0x7  }
0x10a: {  	_ =	swait.ge @!p0 [sflag:s0], s1  }
0x10b: {  	s1 =	ssub.s32 @!p0 $0x0, s1;
	[sflag:s0] =	ssyncset.done @!p0 $0x0  }
0x10c: {  	[sflag:s0] =	ssyncadd.s32 @!p0 s1  }
0x10d: {  	[bflag:$0x3] =	sbarrier.arrive $0xFFFF  }
0x10e: {  	_ =	shalt  }

</sc_bundles>
